<compile_context>
chip_gen: v7x
topology: tpu7x:2x2x1
jax: 0.10.2.dev20260603
libtpu: 0.0.44.dev20260713+nightly
codegen_flags: <defaults>
</compile_context>

<pallas_src>
import functools

import jax
import jax.numpy as jnp
from jax import lax
from jax.experimental import pallas as pl
from jax.experimental.pallas import tpu as pltpu
from jax.experimental.pallas import tpu_sc as plsc

NG = 256
HI = jax.lax.Precision.HIGHEST
BM = 512
EB = 128


def _pad_rows(a, n):
    return jnp.pad(a, ((0, n - a.shape[0]),) + ((0, 0),) * (a.ndim - 1))



@functools.partial(jax.jit, static_argnames=("np_", "ch", "nchunk", "d", "nb"))
def _sc_edge_agg(x, src, dst, *, np_, ch, nchunk, d, nb):
    ept = EB * nb
    cpt = ch // 16
    zr = 16
    mesh = plsc.VectorSubcoreMesh(core_axis_name="c", subcore_axis_name="s")

    @functools.partial(
        pl.kernel, mesh=mesh,
        out_type=jax.ShapeDtypeStruct((np_, d), jnp.float32),
        scratch_types=[
            pltpu.VMEM((EB,), jnp.int32),
            pltpu.VMEM((EB,), jnp.int32),
            pltpu.VMEM((EB,), jnp.int32),
            pltpu.VMEM((EB, d), jnp.float32),
            pltpu.VMEM((zr, d), jnp.float32),
            pltpu.VMEM_SHARED((ch + 16, d), jnp.float32),
            pltpu.SemaphoreType.DMA,
        ],
    )
    def k(x_h, src_h, dst_h, agg_h, sbuf, dbuf, lbuf, rows, zbuf, acc, sem):
        c = lax.axis_index("c")
        s = lax.axis_index("s")
        for r in range(zr):
            for q in range(d // 16):
                zbuf[r, pl.ds(q * 16, 16)] = jnp.zeros((16,), jnp.float32)
        for p in range(nchunk // 2):
            chunk = c + 2 * p
            base = chunk * ch
            for r in range(cpt // zr):
                pltpu.sync_copy(zbuf, acc.at[pl.ds(s * cpt + r * zr, zr)])
            plsc.subcore_barrier()

            def body(b, _):
                off = s * ept + b * EB
                pltpu.sync_copy(src_h.at[pl.ds(off, EB)], sbuf)
                pltpu.sync_copy(dst_h.at[pl.ds(off, EB)], dbuf)
                cp = pltpu.async_copy(x_h.at[sbuf], rows, sem)
                for j in range(EB // 16):
                    dv = dbuf[pl.ds(j * 16, 16)] - base
                    oob = (dv < 0) | (dv >= ch)
                    lbuf[pl.ds(j * 16, 16)] = jnp.where(oob, ch, dv)
                cp.wait()
                pltpu.sync_copy(rows, acc.at[lbuf], add=True)
                return 0

            lax.fori_loop(0, nb, body, 0)
            plsc.subcore_barrier()
            pltpu.sync_copy(acc.at[pl.ds(s * cpt, cpt)],
                            agg_h.at[pl.ds(base + s * cpt, cpt)])
            plsc.subcore_barrier()

    return k(x, src, dst)


@functools.partial(jax.jit, static_argnames=("np_",))
def _sc_embed_gather(table, idx, *, np_):
    rpt = np_ // 32
    nb = rpt // 16
    mesh = plsc.VectorSubcoreMesh(core_axis_name="c", subcore_axis_name="s")

    @functools.partial(
        pl.kernel, mesh=mesh,
        out_type=jax.ShapeDtypeStruct((np_, 128), jnp.float32),
        scratch_types=[
            pltpu.VMEM((16,), jnp.int32),
            pltpu.VMEM((16, 128), jnp.float32),
            pltpu.SemaphoreType.DMA,
        ],
    )
    def k(tab_h, idx_h, out_h, ibuf, rows, sem):
        c = lax.axis_index("c")
        s = lax.axis_index("s")
        w = s * 2 + c

        def body(b, _):
            off = w * rpt + b * 16
            pltpu.sync_copy(idx_h.at[pl.ds(off, 16)], ibuf)
            pltpu.async_copy(tab_h.at[ibuf], rows, sem).wait()
            pltpu.sync_copy(rows, out_h.at[pl.ds(off, 16)])
            return 0

        lax.fori_loop(0, nb, body, 0)

    return k(table, idx)



def _gin_mlp(x, agg, eps, W1, b1, W2, b2, *, nreal):
    np_, din = x.shape
    dh = W2.shape[1]
    grid = (np_ // BM,)

    def body(eps_ref, x_ref, a_ref, w1_ref, b1_ref, w2_ref, b2_ref,
             u_ref, t_ref):
        i = pl.program_id(0)
        h = x_ref[...] * (1.0 + eps_ref[0, 0]) + a_ref[...]
        t = jnp.maximum(jnp.dot(h, w1_ref[...],
                                preferred_element_type=jnp.float32)
                        + b1_ref[...], 0.0)
        u = jnp.dot(t, w2_ref[...],
                    preferred_element_type=jnp.float32) + b2_ref[...]
        rows = i * BM + lax.broadcasted_iota(jnp.int32, (BM, 1), 0)
        u_ref[...] = jnp.where(rows < nreal, u, 0.0)
        t_ref[...] = t

    return pl.pallas_call(
        body,
        grid=grid,
        in_specs=[
            pl.BlockSpec(memory_space=pltpu.SMEM),
            pl.BlockSpec((BM, din), lambda i: (i, 0)),
            pl.BlockSpec((BM, din), lambda i: (i, 0)),
            pl.BlockSpec((din, dh), lambda i: (0, 0)),
            pl.BlockSpec((1, dh), lambda i: (0, 0)),
            pl.BlockSpec((dh, dh), lambda i: (0, 0)),
            pl.BlockSpec((1, dh), lambda i: (0, 0)),
        ],
        out_specs=[pl.BlockSpec((BM, dh), lambda i: (i, 0)),
                   pl.BlockSpec((BM, dh), lambda i: (i, 0))],
        out_shape=[jax.ShapeDtypeStruct((np_, dh), jnp.float32),
                   jax.ShapeDtypeStruct((nreal, dh), jnp.float32)],
    )(jnp.reshape(eps, (1, 1)), x, agg, W1, jnp.reshape(b1, (1, -1)),
      W2, jnp.reshape(b2, (1, -1)))


def _bn_relu(u, m, v, g, be, *, nreal, pool_ids=None):
    np_, dh = u.shape
    grid = (np_ // BM,)
    with_pool = pool_ids is not None

    def body(*refs):
        if with_pool:
            u_ref, m_ref, v_ref, g_ref, be_ref, b_ref, xp_ref, p_ref = refs
        else:
            u_ref, m_ref, v_ref, g_ref, be_ref, xp_ref = refs
        i = pl.program_id(0)
        sq = jnp.sqrt(v_ref[...] + 1e-5)
        xp = jnp.maximum((u_ref[...] - m_ref[...]) / sq * g_ref[...]
                         + be_ref[...], 0.0)
        rows = i * BM + lax.broadcasted_iota(jnp.int32, (BM, 1), 0)
        xp = jnp.where(rows < nreal, xp, 0.0)
        xp_ref[...] = xp
        if with_pool:
            oh = (b_ref[...] ==
                  lax.broadcasted_iota(jnp.int32, (BM, NG), 1)
                  ).astype(jnp.float32)
            @pl.when(i == 0)
            def _():
                p_ref[...] = jnp.zeros_like(p_ref)
            p_ref[...] += lax.dot_general(
                oh, xp, (((0,), (0,)), ((), ())), precision=HI,
                preferred_element_type=jnp.float32)

    in_specs = [
        pl.BlockSpec((BM, dh), lambda i: (i, 0)),
        pl.BlockSpec((1, dh), lambda i: (0, 0)),
        pl.BlockSpec((1, dh), lambda i: (0, 0)),
        pl.BlockSpec((1, dh), lambda i: (0, 0)),
        pl.BlockSpec((1, dh), lambda i: (0, 0)),
    ]
    out_specs = [pl.BlockSpec((BM, dh), lambda i: (i, 0))]
    out_shape = [jax.ShapeDtypeStruct((np_, dh), jnp.float32)]
    args = [u, jnp.reshape(m, (1, -1)), jnp.reshape(v, (1, -1)),
            jnp.reshape(g, (1, -1)), jnp.reshape(be, (1, -1))]
    if with_pool:
        in_specs.append(pl.BlockSpec((BM, 1), lambda i: (i, 0)))
        out_specs.append(pl.BlockSpec((NG, dh), lambda i: (0, 0)))
        out_shape.append(jax.ShapeDtypeStruct((NG, dh), jnp.float32))
        args.append(jnp.reshape(pool_ids, (-1, 1)))
    res = pl.pallas_call(body, grid=grid, in_specs=in_specs,
                         out_specs=out_specs, out_shape=out_shape)(*args)
    return res if with_pool else res[0]


def _bn_inline(x, g, be):
    m = jnp.mean(x, axis=0, keepdims=True)
    d = x - m
    v = jnp.mean(d * d, axis=0, keepdims=True)
    return d / jnp.sqrt(v + 1e-5) * g + be


def _head(pool_a, pool_f, tgt, p):
    def body(pa_ref, pf_ref, t_ref, aw_ref, ab_ref, fw_ref, fb_ref,
             cw1_ref, cb1_ref, cg1_ref, ce1_ref, cw2_ref, cb2_ref,
             cg2_ref, ce2_ref, cfw_ref, cfb_ref,
             pw1_ref, pb1_ref, pg1_ref, pe1_ref, pw2_ref, pb2_ref,
             pw3_ref, pb3_ref,
             out_ref, a_ref, f_ref, c_ref):
        dot = functools.partial(jnp.dot, preferred_element_type=jnp.float32)
        a = jnp.maximum(dot(pa_ref[...], aw_ref[...]) + ab_ref[...], 0.0)
        f = jnp.maximum(dot(pf_ref[...], fw_ref[...]) + fb_ref[...], 0.0)
        c = jnp.maximum(dot(t_ref[...], cw1_ref[...]) + cb1_ref[...], 0.0)
        c = _bn_inline(c, cg1_ref[...], ce1_ref[...])
        c = jnp.maximum(dot(c, cw2_ref[...]) + cb2_ref[...], 0.0)
        c = _bn_inline(c, cg2_ref[...], ce2_ref[...])
        c = jnp.maximum(dot(c, cfw_ref[...]) + cfb_ref[...], 0.0)
        comb = jnp.concatenate([a, f, c], axis=1)
        o = jnp.maximum(dot(comb, pw1_ref[...]) + pb1_ref[...], 0.0)
        o = _bn_inline(o, pg1_ref[...], pe1_ref[...])
        o = jnp.maximum(dot(o, pw2_ref[...]) + pb2_ref[...], 0.0)
        o = dot(o, pw3_ref[...]) + pb3_ref[...]
        out_ref[...] = o
        a_ref[...] = a
        f_ref[...] = f
        c_ref[...] = c

    r = lambda a: jnp.reshape(a, (1, -1))
    w3 = jnp.pad(p['pred_W3'], ((0, 0), (0, 127)))
    b3 = jnp.pad(jnp.reshape(p['pred_b3'], (1, 1)), ((0, 0), (0, 127)))
    tgt_p = jnp.pad(tgt, ((0, 0), (0, 2)))
    cw1_p = jnp.pad(p['cell_W1'], ((0, 2), (0, 0)))
    out, a, f, c = pl.pallas_call(
        body,
        out_shape=[jax.ShapeDtypeStruct((NG, 128), jnp.float32),
                   jax.ShapeDtypeStruct((NG, 128), jnp.float32),
                   jax.ShapeDtypeStruct((NG, 128), jnp.float32),
                   jax.ShapeDtypeStruct((NG, 128), jnp.float32)],
    )(pool_a, pool_f, tgt_p,
      p['atom_fc_W'], r(p['atom_fc_b']), p['frag_fc_W'], r(p['frag_fc_b']),
      cw1_p, r(p['cell_b1']), r(p['cell_g1']), r(p['cell_be1']),
      p['cell_W2'], r(p['cell_b2']), r(p['cell_g2']), r(p['cell_be2']),
      p['cell_fc_W'], r(p['cell_fc_b']),
      p['pred_W1'], r(p['pred_b1']), r(p['pred_g1']), r(p['pred_be1']),
      p['pred_W2'], r(p['pred_b2']), w3, b3)
    return out[:, 0:1], a, f, c



def _gin_branch(x0, src, dst, pool_ids, layers, *, nreal, np_, ch, nchunk,
                nb):
    srcp = jnp.pad(src, (0, 16 * EB * nb - src.shape[0]))
    dstp = jnp.pad(dst, (0, 16 * EB * nb - dst.shape[0]),
                   constant_values=-1)
    poolp = _pad_rows(jnp.reshape(pool_ids, (-1, 1)), np_)
    h = x0
    pool = None
    for li, lp in enumerate(layers):
        d = h.shape[1]
        agg = _sc_edge_agg(h, srcp, dstp, np_=np_, ch=ch, nchunk=nchunk,
                           d=d, nb=nb)
        if lp['W1'].shape[0] != d:
            w1 = jnp.pad(lp['W1'], ((0, d - lp['W1'].shape[0]), (0, 0)))
        else:
            w1 = lp['W1']
        u, t = _gin_mlp(h, agg, lp['eps'], w1, lp['b1'], lp['W2'],
                        lp['b2'], nreal=nreal)
        us = jnp.dot(t, lp['W2']) + lp['b2']
        m = jnp.mean(us, axis=0)
        v = jnp.var(us, axis=0)
        last = li == len(layers) - 1
        if last:
            h, pool = _bn_relu(u, m, v, lp['g'], lp['be'], nreal=nreal,
                               pool_ids=poolp)
        else:
            h = _bn_relu(u, m, v, lp['g'], lp['be'], nreal=nreal)
    return pool


def kernel(x, edge_index, batch, frag, frag_edge_index, frag_batch, target,
           params):
    N, NF = x.shape[0], frag.shape[0]
    CH = 12544
    NP, NFP = 4 * CH, 2 * CH
    NBA = -(-edge_index.shape[1] // (16 * EB))
    NBF = -(-frag_edge_index.shape[1] // (16 * EB))
    p = params

    x_p = _pad_rows(jnp.pad(x, ((0, 0), (0, 50))), NP)
    pool_a = _gin_branch(x_p, edge_index[0], edge_index[1], batch,
                         p['atom'], nreal=N, np_=NP, ch=CH, nchunk=4,
                         nb=NBA)

    frag_p = _pad_rows(jnp.reshape(frag, (-1, 1)), NFP)[:, 0]
    xf0 = _sc_embed_gather(p['frag_emb'], frag_p, np_=NFP)
    pool_f = _gin_branch(xf0, frag_edge_index[0], frag_edge_index[1],
                         frag_batch, p['frag'], nreal=NF, np_=NFP, ch=CH,
                         nchunk=2, nb=NBF)

    return _head(pool_a, pool_f, target, p)

# --- scband reference (transcript-rebuilt; emitter-appended) ---
"""Pipeline reference for scband-fra-ginconv-net-17927193493729 (READ-ONLY COPY).

The authoritative reference and input builder live on the scoring server;
editing this copy changes nothing except your own understanding.
"""

import jax, jax.numpy as jnp
import numpy as np

NG = 256

def _linear(x, W, b):
    return x @ W + b

def _bn(x, g, b, eps=1e-5):
    m = jnp.mean(x, axis=0)
    v = jnp.var(x, axis=0)
    return (x - m) / jnp.sqrt(v + eps) * g + b

def _gin(x, src, dst, p):
    agg = jax.ops.segment_sum(jnp.take(x, src, axis=0), dst, num_segments=x.shape[0])
    h = (1.0 + p['eps']) * x + agg
    h = jax.nn.relu(_linear(h, p['W1'], p['b1']))
    h = _linear(h, p['W2'], p['b2'])
    h = _bn(h, p['g'], p['be'])
    return jax.nn.relu(h)

def _gin_params(key, din, dh):
    k1, k2 = jax.random.split(key)
    return {'W1': jax.random.normal(k1, (din, dh), jnp.float32) * 0.05,
            'b1': jnp.zeros((dh,), jnp.float32),
            'W2': jax.random.normal(k2, (dh, dh), jnp.float32) * 0.05,
            'b2': jnp.zeros((dh,), jnp.float32),
            'eps': jnp.zeros((), jnp.float32),
            'g': jnp.ones((dh,), jnp.float32),
            'be': jnp.zeros((dh,), jnp.float32)}

def _make_params(key):
    ks = iter(jax.random.split(key, 32))
    p = {}
    p['atom'] = [_gin_params(next(ks), 78, 128), _gin_params(next(ks), 128, 128), _gin_params(next(ks), 128, 128)]
    p['atom_fc_W'] = jax.random.normal(next(ks), (128, 128), jnp.float32) * 0.05
    p['atom_fc_b'] = jnp.zeros((128,), jnp.float32)
    p['frag_emb'] = jax.random.normal(next(ks), (798, 128), jnp.float32)
    p['frag'] = [_gin_params(next(ks), 128, 128), _gin_params(next(ks), 128, 128), _gin_params(next(ks), 128, 128)]
    p['frag_fc_W'] = jax.random.normal(next(ks), (128, 128), jnp.float32) * 0.05
    p['frag_fc_b'] = jnp.zeros((128,), jnp.float32)
    p['cell_W1'] = jax.random.normal(next(ks), (958, 128), jnp.float32) * 0.03
    p['cell_b1'] = jnp.zeros((128,), jnp.float32)
    p['cell_g1'] = jnp.ones((128,), jnp.float32)
    p['cell_be1'] = jnp.zeros((128,), jnp.float32)
    p['cell_W2'] = jax.random.normal(next(ks), (128, 128), jnp.float32) * 0.05
    p['cell_b2'] = jnp.zeros((128,), jnp.float32)
    p['cell_g2'] = jnp.ones((128,), jnp.float32)
    p['cell_be2'] = jnp.zeros((128,), jnp.float32)
    p['cell_fc_W'] = jax.random.normal(next(ks), (128, 128), jnp.float32) * 0.05
    p['cell_fc_b'] = jnp.zeros((128,), jnp.float32)
    p['pred_W1'] = jax.random.normal(next(ks), (384, 128), jnp.float32) * 0.05
    p['pred_b1'] = jnp.zeros((128,), jnp.float32)
    p['pred_g1'] = jnp.ones((128,), jnp.float32)
    p['pred_be1'] = jnp.zeros((128,), jnp.float32)
    p['pred_W2'] = jax.random.normal(next(ks), (128, 64), jnp.float32) * 0.05
    p['pred_b2'] = jnp.zeros((64,), jnp.float32)
    p['pred_W3'] = jax.random.normal(next(ks), (64, 1), jnp.float32) * 0.05
    p['pred_b3'] = jnp.zeros((1,), jnp.float32)
    return p

def setup_inputs(seed: int = 0):
    key = jax.random.key(seed)
    kx, ke, kb, kf, kfe, kfb, kt, kp = jax.random.split(key, 8)
    N, E, NF, EF = 50000, 800000, 25000, 400000
    x = jax.random.normal(kx, (N, 78), jnp.float32)
    edge_index = jax.random.randint(ke, (2, E), 0, N, dtype=jnp.int32)
    batch = jnp.sort(jax.random.randint(kb, (N,), 0, NG, dtype=jnp.int32))
    frag = jax.random.randint(kf, (NF,), 0, 798, dtype=jnp.int32)
    frag_edge_index = jax.random.randint(kfe, (2, EF), 0, NF, dtype=jnp.int32)
    frag_batch = jnp.sort(jax.random.randint(kfb, (NF,), 0, NG, dtype=jnp.int32))
    target = jax.random.normal(kt, (NG, 958), jnp.float32)
    return {'x': x, 'edge_index': edge_index, 'batch': batch, 'frag': frag,
            'frag_edge_index': frag_edge_index, 'frag_batch': frag_batch,
            'target': target, 'params': _make_params(kp)}

def reference(x, edge_index, batch, frag, frag_edge_index, frag_batch, target, params):
    src, dst = edge_index[0], edge_index[1]
    h = x
    for p in params['atom']:
        h = _gin(h, src, dst, p)
    atom_emb = jax.ops.segment_sum(h, batch, num_segments=NG)
    atom_emb = jax.nn.relu(_linear(atom_emb, params['atom_fc_W'], params['atom_fc_b']))
    xf = jnp.take(params['frag_emb'], frag, axis=0)
    fsrc, fdst = frag_edge_index[0], frag_edge_index[1]
    for p in params['frag']:
        xf = _gin(xf, fsrc, fdst, p)
    frag_emb = jax.ops.segment_sum(xf, frag_batch, num_segments=NG)
    frag_emb = jax.nn.relu(_linear(frag_emb, params['frag_fc_W'], params['frag_fc_b']))
    c = _linear(target, params['cell_W1'], params['cell_b1'])
    c = jax.nn.relu(c)
    c = _bn(c, params['cell_g1'], params['cell_be1'])
    c = _linear(c, params['cell_W2'], params['cell_b2'])
    c = jax.nn.relu(c)
    c = _bn(c, params['cell_g2'], params['cell_be2'])
    cell_emb = jax.nn.relu(_linear(c, params['cell_fc_W'], params['cell_fc_b']))
    combined = jnp.concatenate([atom_emb, frag_emb, cell_emb], axis=1)
    o = _linear(combined, params['pred_W1'], params['pred_b1'])
    o = jax.nn.relu(o)
    o = _bn(o, params['pred_g1'], params['pred_be1'])
    o = _linear(o, params['pred_W2'], params['pred_b2'])
    o = jax.nn.relu(o)
    out = _linear(o, params['pred_W3'], params['pred_b3'])
    return (out, atom_emb, frag_emb, cell_emb)

if __name__ == "__main__":
    import jax
    _d = setup_inputs()
    print(jax.jit(kernel)(*tuple(_d.values())))

</pallas_src>

<mosaic_0001>
#map = affine_map<(d0, d1) -> (0, 0)>
#map1 = affine_map<(d0, d1) -> (0)>
module attributes {stable_mosaic.version = 14 : i64} {
  func.func @k(%arg0: i32, %arg1: i32, %arg2: memref<50176x128xf32, #tpu.memory_space<hbm>>, %arg3: memref<800768xi32, #tpu.memory_space<hbm>>, %arg4: memref<800768xi32, #tpu.memory_space<hbm>>, %arg5: memref<50176x128xf32, #tpu.memory_space<hbm>>, %arg6: memref<128xi32, #tpu.memory_space<vmem>>, %arg7: memref<128xi32, #tpu.memory_space<vmem>>, %arg8: memref<128xi32, #tpu.memory_space<vmem>>, %arg9: memref<128x128xf32, #tpu.memory_space<vmem>>, %arg10: memref<16x128xf32, #tpu.memory_space<vmem>>, %arg11: memref<12560x128xf32, #tpu.memory_space<vmem_shared>>, %arg12: memref<!tpu.dma_semaphore, #tpu.memory_space<semaphore_mem>>) attributes {dimension_semantics = [#tpu.dimension_semantics<core_parallel>, #tpu.dimension_semantics<subcore_parallel>], iteration_bounds = array<i64: 2, 16>, scalar_prefetch = 0 : i64, scratch_operands = 7 : i64, tpu.core_type = #tpu.core_type<sc_vector_subcore>, window_params = [{transform_indices = #map}, {transform_indices = #map1}, {transform_indices = #map1}, {transform_indices = #map}]} {
    %broadcast_in_dim3A = arith.constant 0.000000e+00 : f32
    %broadcast_in_dim3A_0 = vector.broadcast %broadcast_in_dim3A : f32 to vector<16xf32>
    %swap3A = arith.constant 0 : i32
    %swap3A_1 = arith.index_cast %swap3A : i32 to index
    %swap3A_2 = arith.constant 0 : index
    %swap3A_3 = tpu.vector_load %arg10[%swap3A_1, %swap3A_2] {strides = array<i32>} : memref<16x128xf32, #tpu.memory_space<vmem>>, vector<1x16xf32>,
    %swap3A_4 = vector.shape_cast %swap3A_3 : vector<1x16xf32> to vector<16xf32>
    %swap3A_5 = vector.shape_cast %broadcast_in_dim3A_0 : vector<16xf32> to vector<1x16xf32>
    tpu.vector_store %arg10[%swap3A_1, %swap3A_2], %swap3A_5 {strides = array<i32>} : memref<16x128xf32, #tpu.memory_space<vmem>>, vector<1x16xf32>,
    %broadcast_in_dim3A_6 = arith.constant 0.000000e+00 : f32
    %broadcast_in_dim3A_7 = vector.broadcast %broadcast_in_dim3A_6 : f32 to vector<16xf32>
    %swap3A_8 = arith.constant 0 : i32
    %swap3A_9 = arith.index_cast %swap3A_8 : i32 to index
    %swap3A_10 = arith.constant 16 : index
    %swap3A_11 = tpu.vector_load %arg10[%swap3A_9, %swap3A_10] {strides = array<i32>} : memref<16x128xf32, #tpu.memory_space<vmem>>, vector<1x16xf32>,
    %swap3A_12 = vector.shape_cast %swap3A_11 : vector<1x16xf32> to vector<16xf32>
    %swap3A_13 = vector.shape_cast %broadcast_in_dim3A_7 : vector<16xf32> to vector<1x16xf32>
    tpu.vector_store %arg10[%swap3A_9, %swap3A_10], %swap3A_13 {strides = array<i32>} : memref<16x128xf32, #tpu.memory_space<vmem>>, vector<1x16xf32>,
    %broadcast_in_dim3A_14 = arith.constant 0.000000e+00 : f32
    %broadcast_in_dim3A_15 = vector.broadcast %broadcast_in_dim3A_14 : f32 to vector<16xf32>
    %swap3A_16 = arith.constant 0 : i32
    %swap3A_17 = arith.index_cast %swap3A_16 : i32 to index
    %swap3A_18 = arith.constant 32 : index
    %swap3A_19 = tpu.vector_load %arg10[%swap3A_17, %swap3A_18] {strides = array<i32>} : memref<16x128xf32, #tpu.memory_space<vmem>>, vector<1x16xf32>,
    %swap3A_20 = vector.shape_cast %swap3A_19 : vector<1x16xf32> to vector<16xf32>
    %swap3A_21 = vector.shape_cast %broadcast_in_dim3A_15 : vector<16xf32> to vector<1x16xf32>
    tpu.vector_store %arg10[%swap3A_17, %swap3A_18], %swap3A_21 {strides = array<i32>} : memref<16x128xf32, #tpu.memory_space<vmem>>, vector<1x16xf32>,
    %broadcast_in_dim3A_22 = arith.constant 0.000000e+00 : f32
    %broadcast_in_dim3A_23 = vector.broadcast %broadcast_in_dim3A_22 : f32 to vector<16xf32>
    %swap3A_24 = arith.constant 0 : i32
    %swap3A_25 = arith.index_cast %swap3A_24 : i32 to index
    %swap3A_26 = arith.constant 48 : index
    %swap3A_27 = tpu.vector_load %arg10[%swap3A_25, %swap3A_26] {strides = array<i32>} : memref<16x128xf32, #tpu.memory_space<vmem>>, vector<1x16xf32>,
    %swap3A_28 = vector.shape_cast %swap3A_27 : vector<1x16xf32> to vector<16xf32>
    %swap3A_29 = vector.shape_cast %broadcast_in_dim3A_23 : vector<16xf32> to vector<1x16xf32>
    tpu.vector_store %arg10[%swap3A_25, %swap3A_26], %swap3A_29 {strides = array<i32>} : memref<16x128xf32, #tpu.memory_space<vmem>>, vector<1x16xf32>,
    %broadcast_in_dim3A_30 = arith.constant 0.000000e+00 : f32
    %broadcast_in_dim3A_31 = vector.broadcast %broadcast_in_dim3A_30 : f32 to vector<16xf32>
    %swap3A_32 = arith.constant 0 : i32
    %swap3A_33 = arith.index_cast %swap3A_32 : i32 to index
    %swap3A_34 = arith.constant 64 : index
    %swap3A_35 = tpu.vector_load %arg10[%swap3A_33, %swap3A_34] {strides = array<i32>} : memref<16x128xf32, #tpu.memory_space<vmem>>, vector<1x16xf32>,
    %swap3A_36 = vector.shape_cast %swap3A_35 : vector<1x16xf32> to vector<16xf32>
    %swap3A_37 = vector.shape_cast %broadcast_in_dim3A_31 : vector<16xf32> to vector<1x16xf32>
    tpu.vector_store %arg10[%swap3A_33, %swap3A_34], %swap3A_37 {strides = array<i32>} : memref<16x128xf32, #tpu.memory_space<vmem>>, vector<1x16xf32>,
    %broadcast_in_dim3A_38 = arith.constant 0.000000e+00 : f32
    %broadcast_in_dim3A_39 = vector.broadcast %broadcast_in_dim3A_38 : f32 to vector<16xf32>
    %swap3A_40 = arith.constant 0 : i32
    %swap3A_41 = arith.index_cast %swap3A_40 : i32 to index
    %swap3A_42 = arith.constant 80 : index
    %swap3A_43 = tpu.vector_load %arg10[%swap3A_41, %swap3A_42] {strides = array<i32>} : memref<16x128xf32, #tpu.memory_space<vmem>>, vector<1x16xf32>,
    %swap3A_44 = vector.shape_cast %swap3A_43 : vector<1x16xf32> to vector<16xf32>
    %swap3A_45 = vector.shape_cast %broadcast_in_dim3A_39 : vector<16xf32> to vector<1x16xf32>
    tpu.vector_store %arg10[%swap3A_41, %swap3A_42], %swap3A_45 {strides = array<i32>} : memref<16x128xf32, #tpu.memory_space<vmem>>, vector<1x16xf32>,
    %broadcast_in_dim3A_46 = arith.constant 0.000000e+00 : f32
    %broadcast_in_dim3A_47 = vector.broadcast %broadcast_in_dim3A_46 : f32 to vector<16xf32>
    %swap3A_48 = arith.constant 0 : i32
    %swap3A_49 = arith.index_cast %swap3A_48 : i32 to index
    %swap3A_50 = arith.constant 96 : index
    %swap3A_51 = tpu.vector_load %arg10[%swap3A_49, %swap3A_50] {strides = array<i32>} : memref<16x128xf32, #tpu.memory_space<vmem>>, vector<1x16xf32>,
    %swap3A_52 = vector.shape_cast %swap3A_51 : vector<1x16xf32> to vector<16xf32>
    %swap3A_53 = vector.shape_cast %broadcast_in_dim3A_47 : vector<16xf32> to vector<1x16xf32>
    tpu.vector_store %arg10[%swap3A_49, %swap3A_50], %swap3A_53 {strides = array<i32>} : memref<16x128xf32, #tpu.memory_space<vmem>>, vector<1x16xf32>,
    %broadcast_in_dim3A_54 = arith.constant 0.000000e+00 : f32
    %broadcast_in_dim3A_55 = vector.broadcast %broadcast_in_dim3A_54 : f32 to vector<16xf32>
    %swap3A_56 = arith.constant 0 : i32
    %swap3A_57 = arith.index_cast %swap3A_56 : i32 to index
    %swap3A_58 = arith.constant 112 : index
    %swap3A_59 = tpu.vector_load %arg10[%swap3A_57, %swap3A_58] {strides = array<i32>} : memref<16x128xf32, #tpu.memory_space<vmem>>, vector<1x16xf32>,
    %swap3A_60 = vector.shape_cast %swap3A_59 : vector<1x16xf32> to vector<16xf32>
    %swap3A_61 = vector.shape_cast %broadcast_in_dim3A_55 : vector<16xf32> to vector<1x16xf32>
    tpu.vector_store %arg10[%swap3A_57, %swap3A_58], %swap3A_61 {strides = array<i32>} : memref<16x128xf32, #tpu.memory_space<vmem>>, vector<1x16xf32>,
    %broadcast_in_dim3A_62 = arith.constant 0.000000e+00 : f32
    %broadcast_in_dim3A_63 = vector.broadcast %broadcast_in_dim3A_62 : f32 to vector<16xf32>
    %swap3A_64 = arith.constant 1 : i32
    %swap3A_65 = arith.index_cast %swap3A_64 : i32 to index
    %swap3A_66 = arith.constant 0 : index
    %swap3A_67 = tpu.vector_load %arg10[%swap3A_65, %swap3A_66] {strides = array<i32>} : memref<16x128xf32, #tpu.memory_space<vmem>>, vector<1x16xf32>,
    %swap3A_68 = vector.shape_cast %swap3A_67 : vector<1x16xf32> to vector<16xf32>
    %swap3A_69 = vector.shape_cast %broadcast_in_dim3A_63 : vector<16xf32> to vector<1x16xf32>
    tpu.vector_store %arg10[%swap3A_65, %swap3A_66], %swap3A_69 {strides = array<i32>} : memref<16x128xf32, #tpu.memory_space<vmem>>, vector<1x16xf32>,
    %broadcast_in_dim3A_70 = arith.constant 0.000000e+00 : f32
    %broadcast_in_dim3A_71 = vector.broadcast %broadcast_in_dim3A_70 : f32 to vector<16xf32>
    %swap3A_72 = arith.constant 1 : i32
    %swap3A_73 = arith.index_cast %swap3A_72 : i32 to index
    %swap3A_74 = arith.constant 16 : index
    %swap3A_75 = tpu.vector_load %arg10[%swap3A_73, %swap3A_74] {strides = array<i32>} : memref<16x128xf32, #tpu.memory_space<vmem>>, vector<1x16xf32>,
    %swap3A_76 = vector.shape_cast %swap3A_75 : vector<1x16xf32> to vector<16xf32>
    %swap3A_77 = vector.shape_cast %broadcast_in_dim3A_71 : vector<16xf32> to vector<1x16xf32>
    tpu.vector_store %arg10[%swap3A_73, %swap3A_74], %swap3A_77 {strides = array<i32>} : memref<16x128xf32, #tpu.memory_space<vmem>>, vector<1x16xf32>,
    %broadcast_in_dim3A_78 = arith.constant 0.000000e+00 : f32
    %broadcast_in_dim3A_79 = vector.broadcast %broadcast_in_dim3A_78 : f32 to vector<16xf32>
    %swap3A_80 = arith.constant 1 : i32
    %swap3A_81 = arith.index_cast %swap3A_80 : i32 to index
    %swap3A_82 = arith.constant 32 : index
    %swap3A_83 = tpu.vector_load %arg10[%swap3A_81, %swap3A_82] {strides = array<i32>} : memref<16x128xf32, #tpu.memory_space<vmem>>, vector<1x16xf32>,
    %swap3A_84 = vector.shape_cast %swap3A_83 : vector<1x16xf32> to vector<16xf32>
    %swap3A_85 = vector.shape_cast %broadcast_in_dim3A_79 : vector<16xf32> to vector<1x16xf32>
    tpu.vector_store %arg10[%swap3A_81, %swap3A_82], %swap3A_85 {strides = array<i32>} : memref<16x128xf32, #tpu.memory_space<vmem>>, vector<1x16xf32>,
    %broadcast_in_dim3A_86 = arith.constant 0.000000e+00 : f32
    %broadcast_in_dim3A_87 = vector.broadcast %broadcast_in_dim3A_86 : f32 to vector<16xf32>
    %swap3A_88 = arith.constant 1 : i32
    %swap3A_89 = arith.index_cast %swap3A_88 : i32 to index
    %swap3A_90 = arith.constant 48 : index
    %swap3A_91 = tpu.vector_load %arg10[%swap3A_89, %swap3A_90] {strides = array<i32>} : memref<16x128xf32, #tpu.memory_space<vmem>>, vector<1x16xf32>,
    %swap3A_92 = vector.shape_cast %swap3A_91 : vector<1x16xf32> to vector<16xf32>
    %swap3A_93 = vector.shape_cast %broadcast_in_dim3A_87 : vector<16xf32> to vector<1x16xf32>
    tpu.vector_store %arg10[%swap3A_89, %swap3A_90], %swap3A_93 {strides = array<i32>} : memref<16x128xf32, #tpu.memory_space<vmem>>, vector<1x16xf32>,
    %broadcast_in_dim3A_94 = arith.constant 0.000000e+00 : f32
    %broadcast_in_dim3A_95 = vector.broadcast %broadcast_in_dim3A_94 : f32 to vector<16xf32>
    %swap3A_96 = arith.constant 1 : i32
    %swap3A_97 = arith.index_cast %swap3A_96 : i32 to index
    %swap3A_98 = arith.constant 64 : index
    %swap3A_99 = tpu.vector_load %arg10[%swap3A_97, %swap3A_98] {strides = array<i32>} : memref<16x128xf32, #tpu.memory_space<vmem>>, vector<1x16xf32>,
    %swap3A_100 = vector.shape_cast %swap3A_99 : vector<1x16xf32> to vector<16xf32>
    %swap3A_101 = vector.shape_cast %broadcast_in_dim3A_95 : vector<16xf32> to vector<1x16xf32>
    tpu.vector_store %arg10[%swap3A_97, %swap3A_98], %swap3A_101 {strides = array<i32>} : memref<16x128xf32, #tpu.memory_space<vmem>>, vector<1x16xf32>,
    %broadcast_in_dim3A_102 = arith.constant 0.000000e+00 : f32
    %broadcast_in_dim3A_103 = vector.broadcast %broadcast_in_dim3A_102 : f32 to vector<16xf32>
    %swap3A_104 = arith.constant 1 : i32
    %swap3A_105 = arith.index_cast %swap3A_104 : i32 to index
    %swap3A_106 = arith.constant 80 : index
    %swap3A_107 = tpu.vector_load %arg10[%swap3A_105, %swap3A_106] {strides = array<i32>} : memref<16x128xf32, #tpu.memory_space<vmem>>, vector<1x16xf32>,
    %swap3A_108 = vector.shape_cast %swap3A_107 : vector<1x16xf32> to vector<16xf32>
    %swap3A_109 = vector.shape_cast %broadcast_in_dim3A_103 : vector<16xf32> to vector<1x16xf32>
    tpu.vector_store %arg10[%swap3A_105, %swap3A_106], %swap3A_109 {strides = array<i32>} : memref<16x128xf32, #tpu.memory_space<vmem>>, vector<1x16xf32>,
    %broadcast_in_dim3A_110 = arith.constant 0.000000e+00 : f32
    %broadcast_in_dim3A_111 = vector.broadcast %broadcast_in_dim3A_110 : f32 to vector<16xf32>
    %swap3A_112 = arith.constant 1 : i32
    %swap3A_113 = arith.index_cast %swap3A_112 : i32 to index
    %swap3A_114 = arith.constant 96 : index
    %swap3A_115 = tpu.vector_load %arg10[%swap3A_113, %swap3A_114] {strides = array<i32>} : memref<16x128xf32, #tpu.memory_space<vmem>>, vector<1x16xf32>,
    %swap3A_116 = vector.shape_cast %swap3A_115 : vector<1x16xf32> to vector<16xf32>
    %swap3A_117 = vector.shape_cast %broadcast_in_dim3A_111 : vector<16xf32> to vector<1x16xf32>
    tpu.vector_store %arg10[%swap3A_113, %swap3A_114], %swap3A_117 {strides = array<i32>} : memref<16x128xf32, #tpu.memory_space<vmem>>, vector<1x16xf32>,
    %broadcast_in_dim3A_118 = arith.constant 0.000000e+00 : f32
    %broadcast_in_dim3A_119 = vector.broadcast %broadcast_in_dim3A_118 : f32 to vector<16xf32>
    %swap3A_120 = arith.constant 1 : i32
    %swap3A_121 = arith.index_cast %swap3A_120 : i32 to index
    %swap3A_122 = arith.constant 112 : index
    %swap3A_123 = tpu.vector_load %arg10[%swap3A_121, %swap3A_122] {strides = array<i32>} : memref<16x128xf32, #tpu.memory_space<vmem>>, vector<1x16xf32>,
    %swap3A_124 = vector.shape_cast %swap3A_123 : vector<1x16xf32> to vector<16xf32>
    %swap3A_125 = vector.shape_cast %broadcast_in_dim3A_119 : vector<16xf32> to vector<1x16xf32>
    tpu.vector_store %arg10[%swap3A_121, %swap3A_122], %swap3A_125 {strides = array<i32>} : memref<16x128xf32, #tpu.memory_space<vmem>>, vector<1x16xf32>,
    %broadcast_in_dim3A_126 = arith.constant 0.000000e+00 : f32
    %broadcast_in_dim3A_127 = vector.broadcast %broadcast_in_dim3A_126 : f32 to vector<16xf32>
    %swap3A_128 = arith.constant 2 : i32
    %swap3A_129 = arith.index_cast %swap3A_128 : i32 to index
    %swap3A_130 = arith.constant 0 : index
    %swap3A_131 = tpu.vector_load %arg10[%swap3A_129, %swap3A_130] {strides = array<i32>} : memref<16x128xf32, #tpu.memory_space<vmem>>, vector<1x16xf32>,
    %swap3A_132 = vector.shape_cast %swap3A_131 : vector<1x16xf32> to vector<16xf32>
    %swap3A_133 = vector.shape_cast %broadcast_in_dim3A_127 : vector<16xf32> to vector<1x16xf32>
    tpu.vector_store %arg10[%swap3A_129, %swap3A_130], %swap3A_133 {strides = array<i32>} : memref<16x128xf32, #tpu.memory_space<vmem>>, vector<1x16xf32>,
    %broadcast_in_dim3A_134 = arith.constant 0.000000e+00 : f32
    %broadcast_in_dim3A_135 = vector.broadcast %broadcast_in_dim3A_134 : f32 to vector<16xf32>
    %swap3A_136 = arith.constant 2 : i32
    %swap3A_137 = arith.index_cast %swap3A_136 : i32 to index
    %swap3A_138 = arith.constant 16 : index
    %swap3A_139 = tpu.vector_load %arg10[%swap3A_137, %swap3A_138] {strides = array<i32>} : memref<16x128xf32, #tpu.memory_space<vmem>>, vector<1x16xf32>,
    %swap3A_140 = vector.shape_cast %swap3A_139 : vector<1x16xf32> to vector<16xf32>
    %swap3A_141 = vector.shape_cast %broadcast_in_dim3A_135 : vector<16xf32> to vector<1x16xf32>
    tpu.vector_store %arg10[%swap3A_137, %swap3A_138], %swap3A_141 {strides = array<i32>} : memref<16x128xf32, #tpu.memory_space<vmem>>, vector<1x16xf32>,
    %broadcast_in_dim3A_142 = arith.constant 0.000000e+00 : f32
    %broadcast_in_dim3A_143 = vector.broadcast %broadcast_in_dim3A_142 : f32 to vector<16xf32>
    %swap3A_144 = arith.constant 2 : i32
    %swap3A_145 = arith.index_cast %swap3A_144 : i32 to index
    %swap3A_146 = arith.constant 32 : index
    %swap3A_147 = tpu.vector_load %arg10[%swap3A_145, %swap3A_146] {strides = array<i32>} : memref<16x128xf32, #tpu.memory_space<vmem>>, vector<1x16xf32>,
    %swap3A_148 = vector.shape_cast %swap3A_147 : vector<1x16xf32> to vector<16xf32>
    %swap3A_149 = vector.shape_cast %broadcast_in_dim3A_143 : vector<16xf32> to vector<1x16xf32>
    tpu.vector_store %arg10[%swap3A_145, %swap3A_146], %swap3A_149 {strides = array<i32>} : memref<16x128xf32, #tpu.memory_space<vmem>>, vector<1x16xf32>,
    %broadcast_in_dim3A_150 = arith.constant 0.000000e+00 : f32
    %broadcast_in_dim3A_151 = vector.broadcast %broadcast_in_dim3A_150 : f32 to vector<16xf32>
    %swap3A_152 = arith.constant 2 : i32
    %swap3A_153 = arith.index_cast %swap3A_152 : i32 to index
    %swap3A_154 = arith.constant 48 : index
    %swap3A_155 = tpu.vector_load %arg10[%swap3A_153, %swap3A_154] {strides = array<i32>} : memref<16x128xf32, #tpu.memory_space<vmem>>, vector<1x16xf32>,
    %swap3A_156 = vector.shape_cast %swap3A_155 : vector<1x16xf32> to vector<16xf32>
    %swap3A_157 = vector.shape_cast %broadcast_in_dim3A_151 : vector<16xf32> to vector<1x16xf32>
    tpu.vector_store %arg10[%swap3A_153, %swap3A_154], %swap3A_157 {strides = array<i32>} : memref<16x128xf32, #tpu.memory_space<vmem>>, vector<1x16xf32>,
    %broadcast_in_dim3A_158 = arith.constant 0.000000e+00 : f32
    %broadcast_in_dim3A_159 = vector.broadcast %broadcast_in_dim3A_158 : f32 to vector<16xf32>
    %swap3A_160 = arith.constant 2 : i32
    %swap3A_161 = arith.index_cast %swap3A_160 : i32 to index
    %swap3A_162 = arith.constant 64 : index
    %swap3A_163 = tpu.vector_load %arg10[%swap3A_161, %swap3A_162] {strides = array<i32>} : memref<16x128xf32, #tpu.memory_space<vmem>>, vector<1x16xf32>,
    %swap3A_164 = vector.shape_cast %swap3A_163 : vector<1x16xf32> to vector<16xf32>
    %swap3A_165 = vector.shape_cast %broadcast_in_dim3A_159 : vector<16xf32> to vector<1x16xf32>
    tpu.vector_store %arg10[%swap3A_161, %swap3A_162], %swap3A_165 {strides = array<i32>} : memref<16x128xf32, #tpu.memory_space<vmem>>, vector<1x16xf32>,
    %broadcast_in_dim3A_166 = arith.constant 0.000000e+00 : f32
    %broadcast_in_dim3A_167 = vector.broadcast %broadcast_in_dim3A_166 : f32 to vector<16xf32>
    %swap3A_168 = arith.constant 2 : i32
    %swap3A_169 = arith.index_cast %swap3A_168 : i32 to index
    %swap3A_170 = arith.constant 80 : index
    %swap3A_171 = tpu.vector_load %arg10[%swap3A_169, %swap3A_170] {strides = array<i32>} : memref<16x128xf32, #tpu.memory_space<vmem>>, vector<1x16xf32>,
    %swap3A_172 = vector.shape_cast %swap3A_171 : vector<1x16xf32> to vector<16xf32>
    %swap3A_173 = vector.shape_cast %broadcast_in_dim3A_167 : vector<16xf32> to vector<1x16xf32>
    tpu.vector_store %arg10[%swap3A_169, %swap3A_170], %swap3A_173 {strides = array<i32>} : memref<16x128xf32, #tpu.memory_space<vmem>>, vector<1x16xf32>,
    %broadcast_in_dim3A_174 = arith.constant 0.000000e+00 : f32
    %broadcast_in_dim3A_175 = vector.broadcast %broadcast_in_dim3A_174 : f32 to vector<16xf32>
    %swap3A_176 = arith.constant 2 : i32
    %swap3A_177 = arith.index_cast %swap3A_176 : i32 to index
    %swap3A_178 = arith.constant 96 : index
    %swap3A_179 = tpu.vector_load %arg10[%swap3A_177, %swap3A_178] {strides = array<i32>} : memref<16x128xf32, #tpu.memory_space<vmem>>, vector<1x16xf32>,
    %swap3A_180 = vector.shape_cast %swap3A_179 : vector<1x16xf32> to vector<16xf32>
    %swap3A_181 = vector.shape_cast %broadcast_in_dim3A_175 : vector<16xf32> to vector<1x16xf32>
    tpu.vector_store %arg10[%swap3A_177, %swap3A_178], %swap3A_181 {strides = array<i32>} : memref<16x128xf32, #tpu.memory_space<vmem>>, vector<1x16xf32>,
    %broadcast_in_dim3A_182 = arith.constant 0.000000e+00 : f32
    %broadcast_in_dim3A_183 = vector.broadcast %broadcast_in_dim3A_182 : f32 to vector<16xf32>
    %swap3A_184 = arith.constant 2 : i32
    %swap3A_185 = arith.index_cast %swap3A_184 : i32 to index
    %swap3A_186 = arith.constant 112 : index
    %swap3A_187 = tpu.vector_load %arg10[%swap3A_185, %swap3A_186] {strides = array<i32>} : memref<16x128xf32, #tpu.memory_space<vmem>>, vector<1x16xf32>,
    %swap3A_188 = vector.shape_cast %swap3A_187 : vector<1x16xf32> to vector<16xf32>
    %swap3A_189 = vector.shape_cast %broadcast_in_dim3A_183 : vector<16xf32> to vector<1x16xf32>
    tpu.vector_store %arg10[%swap3A_185, %swap3A_186], %swap3A_189 {strides = array<i32>} : memref<16x128xf32, #tpu.memory_space<vmem>>, vector<1x16xf32>,
    %broadcast_in_dim3A_190 = arith.constant 0.000000e+00 : f32
    %broadcast_in_dim3A_191 = vector.broadcast %broadcast_in_dim3A_190 : f32 to vector<16xf32>
    %swap3A_192 = arith.constant 3 : i32
    %swap3A_193 = arith.index_cast %swap3A_192 : i32 to index
    %swap3A_194 = arith.constant 0 : index
    %swap3A_195 = tpu.vector_load %arg10[%swap3A_193, %swap3A_194] {strides = array<i32>} : memref<16x128xf32, #tpu.memory_space<vmem>>, vector<1x16xf32>,
    %swap3A_196 = vector.shape_cast %swap3A_195 : vector<1x16xf32> to vector<16xf32>
    %swap3A_197 = vector.shape_cast %broadcast_in_dim3A_191 : vector<16xf32> to vector<1x16xf32>
    tpu.vector_store %arg10[%swap3A_193, %swap3A_194], %swap3A_197 {strides = array<i32>} : memref<16x128xf32, #tpu.memory_space<vmem>>, vector<1x16xf32>,
    %broadcast_in_dim3A_198 = arith.constant 0.000000e+00 : f32
    %broadcast_in_dim3A_199 = vector.broadcast %broadcast_in_dim3A_198 : f32 to vector<16xf32>
    %swap3A_200 = arith.constant 3 : i32
    %swap3A_201 = arith.index_cast %swap3A_200 : i32 to index
    %swap3A_202 = arith.constant 16 : index
    %swap3A_203 = tpu.vector_load %arg10[%swap3A_201, %swap3A_202] {strides = array<i32>} : memref<16x128xf32, #tpu.memory_space<vmem>>, vector<1x16xf32>,
    %swap3A_204 = vector.shape_cast %swap3A_203 : vector<1x16xf32> to vector<16xf32>
    %swap3A_205 = vector.shape_cast %broadcast_in_dim3A_199 : vector<16xf32> to vector<1x16xf32>
    tpu.vector_store %arg10[%swap3A_201, %swap3A_202], %swap3A_205 {strides = array<i32>} : memref<16x128xf32, #tpu.memory_space<vmem>>, vector<1x16xf32>,
    %broadcast_in_dim3A_206 = arith.constant 0.000000e+00 : f32
    %broadcast_in_dim3A_207 = vector.broadcast %broadcast_in_dim3A_206 : f32 to vector<16xf32>
    %swap3A_208 = arith.constant 3 : i32
    %swap3A_209 = arith.index_cast %swap3A_208 : i32 to index
    %swap3A_210 = arith.constant 32 : index
    %swap3A_211 = tpu.vector_load %arg10[%swap3A_209, %swap3A_210] {strides = array<i32>} : memref<16x128xf32, #tpu.memory_space<vmem>>, vector<1x16xf32>,
    %swap3A_212 = vector.shape_cast %swap3A_211 : vector<1x16xf32> to vector<16xf32>
    %swap3A_213 = vector.shape_cast %broadcast_in_dim3A_207 : vector<16xf32> to vector<1x16xf32>
    tpu.vector_store %arg10[%swap3A_209, %swap3A_210], %swap3A_213 {strides = array<i32>} : memref<16x128xf32, #tpu.memory_space<vmem>>, vector<1x16xf32>,
    %broadcast_in_dim3A_214 = arith.constant 0.000000e+00 : f32
    %broadcast_in_dim3A_215 = vector.broadcast %broadcast_in_dim3A_214 : f32 to vector<16xf32>
    %swap3A_216 = arith.constant 3 : i32
    %swap3A_217 = arith.index_cast %swap3A_216 : i32 to index
    %swap3A_218 = arith.constant 48 : index
    %swap3A_219 = tpu.vector_load %arg10[%swap3A_217, %swap3A_218] {strides = array<i32>} : memref<16x128xf32, #tpu.memory_space<vmem>>, vector<1x16xf32>,
    %swap3A_220 = vector.shape_cast %swap3A_219 : vector<1x16xf32> to vector<16xf32>
    %swap3A_221 = vector.shape_cast %broadcast_in_dim3A_215 : vector<16xf32> to vector<1x16xf32>
    tpu.vector_store %arg10[%swap3A_217, %swap3A_218], %swap3A_221 {strides = array<i32>} : memref<16x128xf32, #tpu.memory_space<vmem>>, vector<1x16xf32>,
    %broadcast_in_dim3A_222 = arith.constant 0.000000e+00 : f32
    %broadcast_in_dim3A_223 = vector.broadcast %broadcast_in_dim3A_222 : f32 to vector<16xf32>
    %swap3A_224 = arith.constant 3 : i32
    %swap3A_225 = arith.index_cast %swap3A_224 : i32 to index
    %swap3A_226 = arith.constant 64 : index
    %swap3A_227 = tpu.vector_load %arg10[%swap3A_225, %swap3A_226] {strides = array<i32>} : memref<16x128xf32, #tpu.memory_space<vmem>>, vector<1x16xf32>,
    %swap3A_228 = vector.shape_cast %swap3A_227 : vector<1x16xf32> to vector<16xf32>
    %swap3A_229 = vector.shape_cast %broadcast_in_dim3A_223 : vector<16xf32> to vector<1x16xf32>
    tpu.vector_store %arg10[%swap3A_225, %swap3A_226], %swap3A_229 {strides = array<i32>} : memref<16x128xf32, #tpu.memory_space<vmem>>, vector<1x16xf32>,
    %broadcast_in_dim3A_230 = arith.constant 0.000000e+00 : f32
    %broadcast_in_dim3A_231 = vector.broadcast %broadcast_in_dim3A_230 : f32 to vector<16xf32>
    %swap3A_232 = arith.constant 3 : i32
    %swap3A_233 = arith.index_cast %swap3A_232 : i32 to index
    %swap3A_234 = arith.constant 80 : index
    %swap3A_235 = tpu.vector_load %arg10[%swap3A_233, %swap3A_234] {strides = array<i32>} : memref<16x128xf32, #tpu.memory_space<vmem>>, vector<1x16xf32>,
    %swap3A_236 = vector.shape_cast %swap3A_235 : vector<1x16xf32> to vector<16xf32>
    %swap3A_237 = vector.shape_cast %broadcast_in_dim3A_231 : vector<16xf32> to vector<1x16xf32>
    tpu.vector_store %arg10[%swap3A_233, %swap3A_234], %swap3A_237 {strides = array<i32>} : memref<16x128xf32, #tpu.memory_space<vmem>>, vector<1x16xf32>,
    %broadcast_in_dim3A_238 = arith.constant 0.000000e+00 : f32
    %broadcast_in_dim3A_239 = vector.broadcast %broadcast_in_dim3A_238 : f32 to vector<16xf32>
    %swap3A_240 = arith.constant 3 : i32
    %swap3A_241 = arith.index_cast %swap3A_240 : i32 to index
    %swap3A_242 = arith.constant 96 : index
    %swap3A_243 = tpu.vector_load %arg10[%swap3A_241, %swap3A_242] {strides = array<i32>} : memref<16x128xf32, #tpu.memory_space<vmem>>, vector<1x16xf32>,
    %swap3A_244 = vector.shape_cast %swap3A_243 : vector<1x16xf32> to vector<16xf32>
    %swap3A_245 = vector.shape_cast %broadcast_in_dim3A_239 : vector<16xf32> to vector<1x16xf32>
    tpu.vector_store %arg10[%swap3A_241, %swap3A_242], %swap3A_245 {strides = array<i32>} : memref<16x128xf32, #tpu.memory_space<vmem>>, vector<1x16xf32>,
    %broadcast_in_dim3A_246 = arith.constant 0.000000e+00 : f32
    %broadcast_in_dim3A_247 = vector.broadcast %broadcast_in_dim3A_246 : f32 to vector<16xf32>
    %swap3A_248 = arith.constant 3 : i32
    %swap3A_249 = arith.index_cast %swap3A_248 : i32 to index
    %swap3A_250 = arith.constant 112 : index
    %swap3A_251 = tpu.vector_load %arg10[%swap3A_249, %swap3A_250] {strides = array<i32>} : memref<16x128xf32, #tpu.memory_space<vmem>>, vector<1x16xf32>,
    %swap3A_252 = vector.shape_cast %swap3A_251 : vector<1x16xf32> to vector<16xf32>
    %swap3A_253 = vector.shape_cast %broadcast_in_dim3A_247 : vector<16xf32> to vector<1x16xf32>
    tpu.vector_store %arg10[%swap3A_249, %swap3A_250], %swap3A_253 {strides = array<i32>} : memref<16x128xf32, #tpu.memory_space<vmem>>, vector<1x16xf32>,
    %broadcast_in_dim3A_254 = arith.constant 0.000000e+00 : f32
    %broadcast_in_dim3A_255 = vector.broadcast %broadcast_in_dim3A_254 : f32 to vector<16xf32>
    %swap3A_256 = arith.constant 4 : i32
    %swap3A_257 = arith.index_cast %swap3A_256 : i32 to index
    %swap3A_258 = arith.constant 0 : index
    %swap3A_259 = tpu.vector_load %arg10[%swap3A_257, %swap3A_258] {strides = array<i32>} : memref<16x128xf32, #tpu.memory_space<vmem>>, vector<1x16xf32>,
    %swap3A_260 = vector.shape_cast %swap3A_259 : vector<1x16xf32> to vector<16xf32>
    %swap3A_261 = vector.shape_cast %broadcast_in_dim3A_255 : vector<16xf32> to vector<1x16xf32>
    tpu.vector_store %arg10[%swap3A_257, %swap3A_258], %swap3A_261 {strides = array<i32>} : memref<16x128xf32, #tpu.memory_space<vmem>>, vector<1x16xf32>,
    %broadcast_in_dim3A_262 = arith.constant 0.000000e+00 : f32
    %broadcast_in_dim3A_263 = vector.broadcast %broadcast_in_dim3A_262 : f32 to vector<16xf32>
    %swap3A_264 = arith.constant 4 : i32
    %swap3A_265 = arith.index_cast %swap3A_264 : i32 to index
    %swap3A_266 = arith.constant 16 : index
    %swap3A_267 = tpu.vector_load %arg10[%swap3A_265, %swap3A_266] {strides = array<i32>} : memref<16x128xf32, #tpu.memory_space<vmem>>, vector<1x16xf32>,
    %swap3A_268 = vector.shape_cast %swap3A_267 : vector<1x16xf32> to vector<16xf32>
    %swap3A_269 = vector.shape_cast %broadcast_in_dim3A_263 : vector<16xf32> to vector<1x16xf32>
    tpu.vector_store %arg10[%swap3A_265, %swap3A_266], %swap3A_269 {strides = array<i32>} : memref<16x128xf32, #tpu.memory_space<vmem>>, vector<1x16xf32>,
    %broadcast_in_dim3A_270 = arith.constant 0.000000e+00 : f32
    %broadcast_in_dim3A_271 = vector.broadcast %broadcast_in_dim3A_270 : f32 to vector<16xf32>
    %swap3A_272 = arith.constant 4 : i32
    %swap3A_273 = arith.index_cast %swap3A_272 : i32 to index
    %swap3A_274 = arith.constant 32 : index
    %swap3A_275 = tpu.vector_load %arg10[%swap3A_273, %swap3A_274] {strides = array<i32>} : memref<16x128xf32, #tpu.memory_space<vmem>>, vector<1x16xf32>,
    %swap3A_276 = vector.shape_cast %swap3A_275 : vector<1x16xf32> to vector<16xf32>
    %swap3A_277 = vector.shape_cast %broadcast_in_dim3A_271 : vector<16xf32> to vector<1x16xf32>
    tpu.vector_store %arg10[%swap3A_273, %swap3A_274], %swap3A_277 {strides = array<i32>} : memref<16x128xf32, #tpu.memory_space<vmem>>, vector<1x16xf32>,
    %broadcast_in_dim3A_278 = arith.constant 0.000000e+00 : f32
    %broadcast_in_dim3A_279 = vector.broadcast %broadcast_in_dim3A_278 : f32 to vector<16xf32>
    %swap3A_280 = arith.constant 4 : i32
    %swap3A_281 = arith.index_cast %swap3A_280 : i32 to index
    %swap3A_282 = arith.constant 48 : index
    %swap3A_283 = tpu.vector_load %arg10[%swap3A_281, %swap3A_282] {strides = array<i32>} : memref<16x128xf32, #tpu.memory_space<vmem>>, vector<1x16xf32>,
    %swap3A_284 = vector.shape_cast %swap3A_283 : vector<1x16xf32> to vector<16xf32>
    %swap3A_285 = vector.shape_cast %broadcast_in_dim3A_279 : vector<16xf32> to vector<1x16xf32>
    tpu.vector_store %arg10[%swap3A_281, %swap3A_282], %swap3A_285 {strides = array<i32>} : memref<16x128xf32, #tpu.memory_space<vmem>>, vector<1x16xf32>,
    %broadcast_in_dim3A_286 = arith.constant 0.000000e+00 : f32
    %broadcast_in_dim3A_287 = vector.broadcast %broadcast_in_dim3A_286 : f32 to vector<16xf32>
    %swap3A_288 = arith.constant 4 : i32
    %swap3A_289 = arith.index_cast %swap3A_288 : i32 to index
    %swap3A_290 = arith.constant 64 : index
    %swap3A_291 = tpu.vector_load %arg10[%swap3A_289, %swap3A_290] {strides = array<i32>} : memref<16x128xf32, #tpu.memory_space<vmem>>, vector<1x16xf32>,
    %swap3A_292 = vector.shape_cast %swap3A_291 : vector<1x16xf32> to vector<16xf32>
    %swap3A_293 = vector.shape_cast %broadcast_in_dim3A_287 : vector<16xf32> to vector<1x16xf32>
    tpu.vector_store %arg10[%swap3A_289, %swap3A_290], %swap3A_293 {strides = array<i32>} : memref<16x128xf32, #tpu.memory_space<vmem>>, vector<1x16xf32>,
    %broadcast_in_dim3A_294 = arith.constant 0.000000e+00 : f32
    %broadcast_in_dim3A_295 = vector.broadcast %broadcast_in_dim3A_294 : f32 to vector<16xf32>
    %swap3A_296 = arith.constant 4 : i32
    %swap3A_297 = arith.index_cast %swap3A_296 : i32 to index
    %swap3A_298 = arith.constant 80 : index
    %swap3A_299 = tpu.vector_load %arg10[%swap3A_297, %swap3A_298] {strides = array<i32>} : memref<16x128xf32, #tpu.memory_space<vmem>>, vector<1x16xf32>,
    %swap3A_300 = vector.shape_cast %swap3A_299 : vector<1x16xf32> to vector<16xf32>
    %swap3A_301 = vector.shape_cast %broadcast_in_dim3A_295 : vector<16xf32> to vector<1x16xf32>
    tpu.vector_store %arg10[%swap3A_297, %swap3A_298], %swap3A_301 {strides = array<i32>} : memref<16x128xf32, #tpu.memory_space<vmem>>, vector<1x16xf32>,
    %broadcast_in_dim3A_302 = arith.constant 0.000000e+00 : f32
    %broadcast_in_dim3A_303 = vector.broadcast %broadcast_in_dim3A_302 : f32 to vector<16xf32>
    %swap3A_304 = arith.constant 4 : i32
    %swap3A_305 = arith.index_cast %swap3A_304 : i32 to index
    %swap3A_306 = arith.constant 96 : index
    %swap3A_307 = tpu.vector_load %arg10[%swap3A_305, %swap3A_306] {strides = array<i32>} : memref<16x128xf32, #tpu.memory_space<vmem>>, vector<1x16xf32>,
    %swap3A_308 = vector.shape_cast %swap3A_307 : vector<1x16xf32> to vector<16xf32>
    %swap3A_309 = vector.shape_cast %broadcast_in_dim3A_303 : vector<16xf32> to vector<1x16xf32>
    tpu.vector_store %arg10[%swap3A_305, %swap3A_306], %swap3A_309 {strides = array<i32>} : memref<16x128xf32, #tpu.memory_space<vmem>>, vector<1x16xf32>,
    %broadcast_in_dim3A_310 = arith.constant 0.000000e+00 : f32
    %broadcast_in_dim3A_311 = vector.broadcast %broadcast_in_dim3A_310 : f32 to vector<16xf32>
    %swap3A_312 = arith.constant 4 : i32
    %swap3A_313 = arith.index_cast %swap3A_312 : i32 to index
    %swap3A_314 = arith.constant 112 : index
    %swap3A_315 = tpu.vector_load %arg10[%swap3A_313, %swap3A_314] {strides = array<i32>} : memref<16x128xf32, #tpu.memory_space<vmem>>, vector<1x16xf32>,
    %swap3A_316 = vector.shape_cast %swap3A_315 : vector<1x16xf32> to vector<16xf32>
    %swap3A_317 = vector.shape_cast %broadcast_in_dim3A_311 : vector<16xf32> to vector<1x16xf32>
    tpu.vector_store %arg10[%swap3A_313, %swap3A_314], %swap3A_317 {strides = array<i32>} : memref<16x128xf32, #tpu.memory_space<vmem>>, vector<1x16xf32>,
    %broadcast_in_dim3A_318 = arith.constant 0.000000e+00 : f32
    %broadcast_in_dim3A_319 = vector.broadcast %broadcast_in_dim3A_318 : f32 to vector<16xf32>
    %swap3A_320 = arith.constant 5 : i32
    %swap3A_321 = arith.index_cast %swap3A_320 : i32 to index
    %swap3A_322 = arith.constant 0 : index
    %swap3A_323 = tpu.vector_load %arg10[%swap3A_321, %swap3A_322] {strides = array<i32>} : memref<16x128xf32, #tpu.memory_space<vmem>>, vector<1x16xf32>,
    %swap3A_324 = vector.shape_cast %swap3A_323 : vector<1x16xf32> to vector<16xf32>
    %swap3A_325 = vector.shape_cast %broadcast_in_dim3A_319 : vector<16xf32> to vector<1x16xf32>
    tpu.vector_store %arg10[%swap3A_321, %swap3A_322], %swap3A_325 {strides = array<i32>} : memref<16x128xf32, #tpu.memory_space<vmem>>, vector<1x16xf32>,
    %broadcast_in_dim3A_326 = arith.constant 0.000000e+00 : f32
    %broadcast_in_dim3A_327 = vector.broadcast %broadcast_in_dim3A_326 : f32 to vector<16xf32>
    %swap3A_328 = arith.constant 5 : i32
    %swap3A_329 = arith.index_cast %swap3A_328 : i32 to index
    %swap3A_330 = arith.constant 16 : index
    %swap3A_331 = tpu.vector_load %arg10[%swap3A_329, %swap3A_330] {strides = array<i32>} : memref<16x128xf32, #tpu.memory_space<vmem>>, vector<1x16xf32>,
    %swap3A_332 = vector.shape_cast %swap3A_331 : vector<1x16xf32> to vector<16xf32>
    %swap3A_333 = vector.shape_cast %broadcast_in_dim3A_327 : vector<16xf32> to vector<1x16xf32>
    tpu.vector_store %arg10[%swap3A_329, %swap3A_330], %swap3A_333 {strides = array<i32>} : memref<16x128xf32, #tpu.memory_space<vmem>>, vector<1x16xf32>,
    %broadcast_in_dim3A_334 = arith.constant 0.000000e+00 : f32
    %broadcast_in_dim3A_335 = vector.broadcast %broadcast_in_dim3A_334 : f32 to vector<16xf32>
    %swap3A_336 = arith.constant 5 : i32
    %swap3A_337 = arith.index_cast %swap3A_336 : i32 to index
    %swap3A_338 = arith.constant 32 : index
    %swap3A_339 = tpu.vector_load %arg10[%swap3A_337, %swap3A_338] {strides = array<i32>} : memref<16x128xf32, #tpu.memory_space<vmem>>, vector<1x16xf32>,
    %swap3A_340 = vector.shape_cast %swap3A_339 : vector<1x16xf32> to vector<16xf32>
    %swap3A_341 = vector.shape_cast %broadcast_in_dim3A_335 : vector<16xf32> to vector<1x16xf32>
    tpu.vector_store %arg10[%swap3A_337, %swap3A_338], %swap3A_341 {strides = array<i32>} : memref<16x128xf32, #tpu.memory_space<vmem>>, vector<1x16xf32>,
    %broadcast_in_dim3A_342 = arith.constant 0.000000e+00 : f32
    %broadcast_in_dim3A_343 = vector.broadcast %broadcast_in_dim3A_342 : f32 to vector<16xf32>
    %swap3A_344 = arith.constant 5 : i32
    %swap3A_345 = arith.index_cast %swap3A_344 : i32 to index
    %swap3A_346 = arith.constant 48 : index
    %swap3A_347 = tpu.vector_load %arg10[%swap3A_345, %swap3A_346] {strides = array<i32>} : memref<16x128xf32, #tpu.memory_space<vmem>>, vector<1x16xf32>,
    %swap3A_348 = vector.shape_cast %swap3A_347 : vector<1x16xf32> to vector<16xf32>
    %swap3A_349 = vector.shape_cast %broadcast_in_dim3A_343 : vector<16xf32> to vector<1x16xf32>
    tpu.vector_store %arg10[%swap3A_345, %swap3A_346], %swap3A_349 {strides = array<i32>} : memref<16x128xf32, #tpu.memory_space<vmem>>, vector<1x16xf32>,
    %broadcast_in_dim3A_350 = arith.constant 0.000000e+00 : f32
    %broadcast_in_dim3A_351 = vector.broadcast %broadcast_in_dim3A_350 : f32 to vector<16xf32>
    %swap3A_352 = arith.constant 5 : i32
    %swap3A_353 = arith.index_cast %swap3A_352 : i32 to index
    %swap3A_354 = arith.constant 64 : index
    %swap3A_355 = tpu.vector_load %arg10[%swap3A_353, %swap3A_354] {strides = array<i32>} : memref<16x128xf32, #tpu.memory_space<vmem>>, vector<1x16xf32>,
    %swap3A_356 = vector.shape_cast %swap3A_355 : vector<1x16xf32> to vector<16xf32>
    %swap3A_357 = vector.shape_cast %broadcast_in_dim3A_351 : vector<16xf32> to vector<1x16xf32>
    tpu.vector_store %arg10[%swap3A_353, %swap3A_354], %swap3A_357 {strides = array<i32>} : memref<16x128xf32, #tpu.memory_space<vmem>>, vector<1x16xf32>,
    %broadcast_in_dim3A_358 = arith.constant 0.000000e+00 : f32
    %broadcast_in_dim3A_359 = vector.broadcast %broadcast_in_dim3A_358 : f32 to vector<16xf32>
    %swap3A_360 = arith.constant 5 : i32
    %swap3A_361 = arith.index_cast %swap3A_360 : i32 to index
    %swap3A_362 = arith.constant 80 : index
    %swap3A_363 = tpu.vector_load %arg10[%swap3A_361, %swap3A_362] {strides = array<i32>} : memref<16x128xf32, #tpu.memory_space<vmem>>, vector<1x16xf32>,
    %swap3A_364 = vector.shape_cast %swap3A_363 : vector<1x16xf32> to vector<16xf32>
    %swap3A_365 = vector.shape_cast %broadcast_in_dim3A_359 : vector<16xf32> to vector<1x16xf32>
    tpu.vector_store %arg10[%swap3A_361, %swap3A_362], %swap3A_365 {strides = array<i32>} : memref<16x128xf32, #tpu.memory_space<vmem>>, vector<1x16xf32>,
    %broadcast_in_dim3A_366 = arith.constant 0.000000e+00 : f32
    %broadcast_in_dim3A_367 = vector.broadcast %broadcast_in_dim3A_366 : f32 to vector<16xf32>
    %swap3A_368 = arith.constant 5 : i32
    %swap3A_369 = arith.index_cast %swap3A_368 : i32 to index
    %swap3A_370 = arith.constant 96 : index
    %swap3A_371 = tpu.vector_load %arg10[%swap3A_369, %swap3A_370] {strides = array<i32>} : memref<16x128xf32, #tpu.memory_space<vmem>>, vector<1x16xf32>,
    %swap3A_372 = vector.shape_cast %swap3A_371 : vector<1x16xf32> to vector<16xf32>
    %swap3A_373 = vector.shape_cast %broadcast_in_dim3A_367 : vector<16xf32> to vector<1x16xf32>
    tpu.vector_store %arg10[%swap3A_369, %swap3A_370], %swap3A_373 {strides = array<i32>} : memref<16x128xf32, #tpu.memory_space<vmem>>, vector<1x16xf32>,
    %broadcast_in_dim3A_374 = arith.constant 0.000000e+00 : f32
    %broadcast_in_dim3A_375 = vector.broadcast %broadcast_in_dim3A_374 : f32 to vector<16xf32>
    %swap3A_376 = arith.constant 5 : i32
    %swap3A_377 = arith.index_cast %swap3A_376 : i32 to index
    %swap3A_378 = arith.constant 112 : index
    %swap3A_379 = tpu.vector_load %arg10[%swap3A_377, %swap3A_378] {strides = array<i32>} : memref<16x128xf32, #tpu.memory_space<vmem>>, vector<1x16xf32>,
    %swap3A_380 = vector.shape_cast %swap3A_379 : vector<1x16xf32> to vector<16xf32>
    %swap3A_381 = vector.shape_cast %broadcast_in_dim3A_375 : vector<16xf32> to vector<1x16xf32>
    tpu.vector_store %arg10[%swap3A_377, %swap3A_378], %swap3A_381 {strides = array<i32>} : memref<16x128xf32, #tpu.memory_space<vmem>>, vector<1x16xf32>,
    %broadcast_in_dim3A_382 = arith.constant 0.000000e+00 : f32
    %broadcast_in_dim3A_383 = vector.broadcast %broadcast_in_dim3A_382 : f32 to vector<16xf32>
    %swap3A_384 = arith.constant 6 : i32
    %swap3A_385 = arith.index_cast %swap3A_384 : i32 to index
    %swap3A_386 = arith.constant 0 : index
    %swap3A_387 = tpu.vector_load %arg10[%swap3A_385, %swap3A_386] {strides = array<i32>} : memref<16x128xf32, #tpu.memory_space<vmem>>, vector<1x16xf32>,
    %swap3A_388 = vector.shape_cast %swap3A_387 : vector<1x16xf32> to vector<16xf32>
    %swap3A_389 = vector.shape_cast %broadcast_in_dim3A_383 : vector<16xf32> to vector<1x16xf32>
    tpu.vector_store %arg10[%swap3A_385, %swap3A_386], %swap3A_389 {strides = array<i32>} : memref<16x128xf32, #tpu.memory_space<vmem>>, vector<1x16xf32>,
    %broadcast_in_dim3A_390 = arith.constant 0.000000e+00 : f32
    %broadcast_in_dim3A_391 = vector.broadcast %broadcast_in_dim3A_390 : f32 to vector<16xf32>
    %swap3A_392 = arith.constant 6 : i32
    %swap3A_393 = arith.index_cast %swap3A_392 : i32 to index
    %swap3A_394 = arith.constant 16 : index
    %swap3A_395 = tpu.vector_load %arg10[%swap3A_393, %swap3A_394] {strides = array<i32>} : memref<16x128xf32, #tpu.memory_space<vmem>>, vector<1x16xf32>,
    %swap3A_396 = vector.shape_cast %swap3A_395 : vector<1x16xf32> to vector<16xf32>
    %swap3A_397 = vector.shape_cast %broadcast_in_dim3A_391 : vector<16xf32> to vector<1x16xf32>
    tpu.vector_store %arg10[%swap3A_393, %swap3A_394], %swap3A_397 {strides = array<i32>} : memref<16x128xf32, #tpu.memory_space<vmem>>, vector<1x16xf32>,
    %broadcast_in_dim3A_398 = arith.constant 0.000000e+00 : f32
    %broadcast_in_dim3A_399 = vector.broadcast %broadcast_in_dim3A_398 : f32 to vector<16xf32>
    %swap3A_400 = arith.constant 6 : i32
    %swap3A_401 = arith.index_cast %swap3A_400 : i32 to index
    %swap3A_402 = arith.constant 32 : index
    %swap3A_403 = tpu.vector_load %arg10[%swap3A_401, %swap3A_402] {strides = array<i32>} : memref<16x128xf32, #tpu.memory_space<vmem>>, vector<1x16xf32>,
    %swap3A_404 = vector.shape_cast %swap3A_403 : vector<1x16xf32> to vector<16xf32>
    %swap3A_405 = vector.shape_cast %broadcast_in_dim3A_399 : vector<16xf32> to vector<1x16xf32>
    tpu.vector_store %arg10[%swap3A_401, %swap3A_402], %swap3A_405 {strides = array<i32>} : memref<16x128xf32, #tpu.memory_space<vmem>>, vector<1x16xf32>,
    %broadcast_in_dim3A_406 = arith.constant 0.000000e+00 : f32
    %broadcast_in_dim3A_407 = vector.broadcast %broadcast_in_dim3A_406 : f32 to vector<16xf32>
    %swap3A_408 = arith.constant 6 : i32
    %swap3A_409 = arith.index_cast %swap3A_408 : i32 to index
    %swap3A_410 = arith.constant 48 : index
    %swap3A_411 = tpu.vector_load %arg10[%swap3A_409, %swap3A_410] {strides = array<i32>} : memref<16x128xf32, #tpu.memory_space<vmem>>, vector<1x16xf32>,
    %swap3A_412 = vector.shape_cast %swap3A_411 : vector<1x16xf32> to vector<16xf32>
    %swap3A_413 = vector.shape_cast %broadcast_in_dim3A_407 : vector<16xf32> to vector<1x16xf32>
    tpu.vector_store %arg10[%swap3A_409, %swap3A_410], %swap3A_413 {strides = array<i32>} : memref<16x128xf32, #tpu.memory_space<vmem>>, vector<1x16xf32>,
    %broadcast_in_dim3A_414 = arith.constant 0.000000e+00 : f32
    %broadcast_in_dim3A_415 = vector.broadcast %broadcast_in_dim3A_414 : f32 to vector<16xf32>
    %swap3A_416 = arith.constant 6 : i32
    %swap3A_417 = arith.index_cast %swap3A_416 : i32 to index
    %swap3A_418 = arith.constant 64 : index
    %swap3A_419 = tpu.vector_load %arg10[%swap3A_417, %swap3A_418] {strides = array<i32>} : memref<16x128xf32, #tpu.memory_space<vmem>>, vector<1x16xf32>,
    %swap3A_420 = vector.shape_cast %swap3A_419 : vector<1x16xf32> to vector<16xf32>
    %swap3A_421 = vector.shape_cast %broadcast_in_dim3A_415 : vector<16xf32> to vector<1x16xf32>
    tpu.vector_store %arg10[%swap3A_417, %swap3A_418], %swap3A_421 {strides = array<i32>} : memref<16x128xf32, #tpu.memory_space<vmem>>, vector<1x16xf32>,
    %broadcast_in_dim3A_422 = arith.constant 0.000000e+00 : f32
    %broadcast_in_dim3A_423 = vector.broadcast %broadcast_in_dim3A_422 : f32 to vector<16xf32>
    %swap3A_424 = arith.constant 6 : i32
    %swap3A_425 = arith.index_cast %swap3A_424 : i32 to index
    %swap3A_426 = arith.constant 80 : index
    %swap3A_427 = tpu.vector_load %arg10[%swap3A_425, %swap3A_426] {strides = array<i32>} : memref<16x128xf32, #tpu.memory_space<vmem>>, vector<1x16xf32>,
    %swap3A_428 = vector.shape_cast %swap3A_427 : vector<1x16xf32> to vector<16xf32>
    %swap3A_429 = vector.shape_cast %broadcast_in_dim3A_423 : vector<16xf32> to vector<1x16xf32>
    tpu.vector_store %arg10[%swap3A_425, %swap3A_426], %swap3A_429 {strides = array<i32>} : memref<16x128xf32, #tpu.memory_space<vmem>>, vector<1x16xf32>,
    %broadcast_in_dim3A_430 = arith.constant 0.000000e+00 : f32
    %broadcast_in_dim3A_431 = vector.broadcast %broadcast_in_dim3A_430 : f32 to vector<16xf32>
    %swap3A_432 = arith.constant 6 : i32
    %swap3A_433 = arith.index_cast %swap3A_432 : i32 to index
    %swap3A_434 = arith.constant 96 : index
    %swap3A_435 = tpu.vector_load %arg10[%swap3A_433, %swap3A_434] {strides = array<i32>} : memref<16x128xf32, #tpu.memory_space<vmem>>, vector<1x16xf32>,
    %swap3A_436 = vector.shape_cast %swap3A_435 : vector<1x16xf32> to vector<16xf32>
    %swap3A_437 = vector.shape_cast %broadcast_in_dim3A_431 : vector<16xf32> to vector<1x16xf32>
    tpu.vector_store %arg10[%swap3A_433, %swap3A_434], %swap3A_437 {strides = array<i32>} : memref<16x128xf32, #tpu.memory_space<vmem>>, vector<1x16xf32>,
    %broadcast_in_dim3A_438 = arith.constant 0.000000e+00 : f32
    %broadcast_in_dim3A_439 = vector.broadcast %broadcast_in_dim3A_438 : f32 to vector<16xf32>
    %swap3A_440 = arith.constant 6 : i32
    %swap3A_441 = arith.index_cast %swap3A_440 : i32 to index
    %swap3A_442 = arith.constant 112 : index
    %swap3A_443 = tpu.vector_load %arg10[%swap3A_441, %swap3A_442] {strides = array<i32>} : memref<16x128xf32, #tpu.memory_space<vmem>>, vector<1x16xf32>,
    %swap3A_444 = vector.shape_cast %swap3A_443 : vector<1x16xf32> to vector<16xf32>
    %swap3A_445 = vector.shape_cast %broadcast_in_dim3A_439 : vector<16xf32> to vector<1x16xf32>
    tpu.vector_store %arg10[%swap3A_441, %swap3A_442], %swap3A_445 {strides = array<i32>} : memref<16x128xf32, #tpu.memory_space<vmem>>, vector<1x16xf32>,
    %broadcast_in_dim3A_446 = arith.constant 0.000000e+00 : f32
    %broadcast_in_dim3A_447 = vector.broadcast %broadcast_in_dim3A_446 : f32 to vector<16xf32>
    %swap3A_448 = arith.constant 7 : i32
    %swap3A_449 = arith.index_cast %swap3A_448 : i32 to index
    %swap3A_450 = arith.constant 0 : index
    %swap3A_451 = tpu.vector_load %arg10[%swap3A_449, %swap3A_450] {strides = array<i32>} : memref<16x128xf32, #tpu.memory_space<vmem>>, vector<1x16xf32>,
    %swap3A_452 = vector.shape_cast %swap3A_451 : vector<1x16xf32> to vector<16xf32>
    %swap3A_453 = vector.shape_cast %broadcast_in_dim3A_447 : vector<16xf32> to vector<1x16xf32>
    tpu.vector_store %arg10[%swap3A_449, %swap3A_450], %swap3A_453 {strides = array<i32>} : memref<16x128xf32, #tpu.memory_space<vmem>>, vector<1x16xf32>,
    %broadcast_in_dim3A_454 = arith.constant 0.000000e+00 : f32
    %broadcast_in_dim3A_455 = vector.broadcast %broadcast_in_dim3A_454 : f32 to vector<16xf32>
    %swap3A_456 = arith.constant 7 : i32
    %swap3A_457 = arith.index_cast %swap3A_456 : i32 to index
    %swap3A_458 = arith.constant 16 : index
    %swap3A_459 = tpu.vector_load %arg10[%swap3A_457, %swap3A_458] {strides = array<i32>} : memref<16x128xf32, #tpu.memory_space<vmem>>, vector<1x16xf32>,
    %swap3A_460 = vector.shape_cast %swap3A_459 : vector<1x16xf32> to vector<16xf32>
    %swap3A_461 = vector.shape_cast %broadcast_in_dim3A_455 : vector<16xf32> to vector<1x16xf32>
    tpu.vector_store %arg10[%swap3A_457, %swap3A_458], %swap3A_461 {strides = array<i32>} : memref<16x128xf32, #tpu.memory_space<vmem>>, vector<1x16xf32>,
    %broadcast_in_dim3A_462 = arith.constant 0.000000e+00 : f32
    %broadcast_in_dim3A_463 = vector.broadcast %broadcast_in_dim3A_462 : f32 to vector<16xf32>
    %swap3A_464 = arith.constant 7 : i32
    %swap3A_465 = arith.index_cast %swap3A_464 : i32 to index
    %swap3A_466 = arith.constant 32 : index
    %swap3A_467 = tpu.vector_load %arg10[%swap3A_465, %swap3A_466] {strides = array<i32>} : memref<16x128xf32, #tpu.memory_space<vmem>>, vector<1x16xf32>,
    %swap3A_468 = vector.shape_cast %swap3A_467 : vector<1x16xf32> to vector<16xf32>
    %swap3A_469 = vector.shape_cast %broadcast_in_dim3A_463 : vector<16xf32> to vector<1x16xf32>
    tpu.vector_store %arg10[%swap3A_465, %swap3A_466], %swap3A_469 {strides = array<i32>} : memref<16x128xf32, #tpu.memory_space<vmem>>, vector<1x16xf32>,
    %broadcast_in_dim3A_470 = arith.constant 0.000000e+00 : f32
    %broadcast_in_dim3A_471 = vector.broadcast %broadcast_in_dim3A_470 : f32 to vector<16xf32>
    %swap3A_472 = arith.constant 7 : i32
    %swap3A_473 = arith.index_cast %swap3A_472 : i32 to index
    %swap3A_474 = arith.constant 48 : index
    %swap3A_475 = tpu.vector_load %arg10[%swap3A_473, %swap3A_474] {strides = array<i32>} : memref<16x128xf32, #tpu.memory_space<vmem>>, vector<1x16xf32>,
    %swap3A_476 = vector.shape_cast %swap3A_475 : vector<1x16xf32> to vector<16xf32>
    %swap3A_477 = vector.shape_cast %broadcast_in_dim3A_471 : vector<16xf32> to vector<1x16xf32>
    tpu.vector_store %arg10[%swap3A_473, %swap3A_474], %swap3A_477 {strides = array<i32>} : memref<16x128xf32, #tpu.memory_space<vmem>>, vector<1x16xf32>,
    %broadcast_in_dim3A_478 = arith.constant 0.000000e+00 : f32
    %broadcast_in_dim3A_479 = vector.broadcast %broadcast_in_dim3A_478 : f32 to vector<16xf32>
    %swap3A_480 = arith.constant 7 : i32
    %swap3A_481 = arith.index_cast %swap3A_480 : i32 to index
    %swap3A_482 = arith.constant 64 : index
    %swap3A_483 = tpu.vector_load %arg10[%swap3A_481, %swap3A_482] {strides = array<i32>} : memref<16x128xf32, #tpu.memory_space<vmem>>, vector<1x16xf32>,
    %swap3A_484 = vector.shape_cast %swap3A_483 : vector<1x16xf32> to vector<16xf32>
    %swap3A_485 = vector.shape_cast %broadcast_in_dim3A_479 : vector<16xf32> to vector<1x16xf32>
    tpu.vector_store %arg10[%swap3A_481, %swap3A_482], %swap3A_485 {strides = array<i32>} : memref<16x128xf32, #tpu.memory_space<vmem>>, vector<1x16xf32>,
    %broadcast_in_dim3A_486 = arith.constant 0.000000e+00 : f32
    %broadcast_in_dim3A_487 = vector.broadcast %broadcast_in_dim3A_486 : f32 to vector<16xf32>
    %swap3A_488 = arith.constant 7 : i32
    %swap3A_489 = arith.index_cast %swap3A_488 : i32 to index
    %swap3A_490 = arith.constant 80 : index
    %swap3A_491 = tpu.vector_load %arg10[%swap3A_489, %swap3A_490] {strides = array<i32>} : memref<16x128xf32, #tpu.memory_space<vmem>>, vector<1x16xf32>,
    %swap3A_492 = vector.shape_cast %swap3A_491 : vector<1x16xf32> to vector<16xf32>
    %swap3A_493 = vector.shape_cast %broadcast_in_dim3A_487 : vector<16xf32> to vector<1x16xf32>
    tpu.vector_store %arg10[%swap3A_489, %swap3A_490], %swap3A_493 {strides = array<i32>} : memref<16x128xf32, #tpu.memory_space<vmem>>, vector<1x16xf32>,
    %broadcast_in_dim3A_494 = arith.constant 0.000000e+00 : f32
    %broadcast_in_dim3A_495 = vector.broadcast %broadcast_in_dim3A_494 : f32 to vector<16xf32>
    %swap3A_496 = arith.constant 7 : i32
    %swap3A_497 = arith.index_cast %swap3A_496 : i32 to index
    %swap3A_498 = arith.constant 96 : index
    %swap3A_499 = tpu.vector_load %arg10[%swap3A_497, %swap3A_498] {strides = array<i32>} : memref<16x128xf32, #tpu.memory_space<vmem>>, vector<1x16xf32>,
    %swap3A_500 = vector.shape_cast %swap3A_499 : vector<1x16xf32> to vector<16xf32>
    %swap3A_501 = vector.shape_cast %broadcast_in_dim3A_495 : vector<16xf32> to vector<1x16xf32>
    tpu.vector_store %arg10[%swap3A_497, %swap3A_498], %swap3A_501 {strides = array<i32>} : memref<16x128xf32, #tpu.memory_space<vmem>>, vector<1x16xf32>,
    %broadcast_in_dim3A_502 = arith.constant 0.000000e+00 : f32
    %broadcast_in_dim3A_503 = vector.broadcast %broadcast_in_dim3A_502 : f32 to vector<16xf32>
    %swap3A_504 = arith.constant 7 : i32
    %swap3A_505 = arith.index_cast %swap3A_504 : i32 to index
    %swap3A_506 = arith.constant 112 : index
    %swap3A_507 = tpu.vector_load %arg10[%swap3A_505, %swap3A_506] {strides = array<i32>} : memref<16x128xf32, #tpu.memory_space<vmem>>, vector<1x16xf32>,
    %swap3A_508 = vector.shape_cast %swap3A_507 : vector<1x16xf32> to vector<16xf32>
    %swap3A_509 = vector.shape_cast %broadcast_in_dim3A_503 : vector<16xf32> to vector<1x16xf32>
    tpu.vector_store %arg10[%swap3A_505, %swap3A_506], %swap3A_509 {strides = array<i32>} : memref<16x128xf32, #tpu.memory_space<vmem>>, vector<1x16xf32>,
    %broadcast_in_dim3A_510 = arith.constant 0.000000e+00 : f32
    %broadcast_in_dim3A_511 = vector.broadcast %broadcast_in_dim3A_510 : f32 to vector<16xf32>
    %swap3A_512 = arith.constant 8 : i32
    %swap3A_513 = arith.index_cast %swap3A_512 : i32 to index
    %swap3A_514 = arith.constant 0 : index
    %swap3A_515 = tpu.vector_load %arg10[%swap3A_513, %swap3A_514] {strides = array<i32>} : memref<16x128xf32, #tpu.memory_space<vmem>>, vector<1x16xf32>,
    %swap3A_516 = vector.shape_cast %swap3A_515 : vector<1x16xf32> to vector<16xf32>
    %swap3A_517 = vector.shape_cast %broadcast_in_dim3A_511 : vector<16xf32> to vector<1x16xf32>
    tpu.vector_store %arg10[%swap3A_513, %swap3A_514], %swap3A_517 {strides = array<i32>} : memref<16x128xf32, #tpu.memory_space<vmem>>, vector<1x16xf32>,
    %broadcast_in_dim3A_518 = arith.constant 0.000000e+00 : f32
    %broadcast_in_dim3A_519 = vector.broadcast %broadcast_in_dim3A_518 : f32 to vector<16xf32>
    %swap3A_520 = arith.constant 8 : i32
    %swap3A_521 = arith.index_cast %swap3A_520 : i32 to index
    %swap3A_522 = arith.constant 16 : index
    %swap3A_523 = tpu.vector_load %arg10[%swap3A_521, %swap3A_522] {strides = array<i32>} : memref<16x128xf32, #tpu.memory_space<vmem>>, vector<1x16xf32>,
    %swap3A_524 = vector.shape_cast %swap3A_523 : vector<1x16xf32> to vector<16xf32>
    %swap3A_525 = vector.shape_cast %broadcast_in_dim3A_519 : vector<16xf32> to vector<1x16xf32>
    tpu.vector_store %arg10[%swap3A_521, %swap3A_522], %swap3A_525 {strides = array<i32>} : memref<16x128xf32, #tpu.memory_space<vmem>>, vector<1x16xf32>,
    %broadcast_in_dim3A_526 = arith.constant 0.000000e+00 : f32
    %broadcast_in_dim3A_527 = vector.broadcast %broadcast_in_dim3A_526 : f32 to vector<16xf32>
    %swap3A_528 = arith.constant 8 : i32
    %swap3A_529 = arith.index_cast %swap3A_528 : i32 to index
    %swap3A_530 = arith.constant 32 : index
    %swap3A_531 = tpu.vector_load %arg10[%swap3A_529, %swap3A_530] {strides = array<i32>} : memref<16x128xf32, #tpu.memory_space<vmem>>, vector<1x16xf32>,
    %swap3A_532 = vector.shape_cast %swap3A_531 : vector<1x16xf32> to vector<16xf32>
    %swap3A_533 = vector.shape_cast %broadcast_in_dim3A_527 : vector<16xf32> to vector<1x16xf32>
    tpu.vector_store %arg10[%swap3A_529, %swap3A_530], %swap3A_533 {strides = array<i32>} : memref<16x128xf32, #tpu.memory_space<vmem>>, vector<1x16xf32>,
    %broadcast_in_dim3A_534 = arith.constant 0.000000e+00 : f32
    %broadcast_in_dim3A_535 = vector.broadcast %broadcast_in_dim3A_534 : f32 to vector<16xf32>
    %swap3A_536 = arith.constant 8 : i32
    %swap3A_537 = arith.index_cast %swap3A_536 : i32 to index
    %swap3A_538 = arith.constant 48 : index
    %swap3A_539 = tpu.vector_load %arg10[%swap3A_537, %swap3A_538] {strides = array<i32>} : memref<16x128xf32, #tpu.memory_space<vmem>>, vector<1x16xf32>,
    %swap3A_540 = vector.shape_cast %swap3A_539 : vector<1x16xf32> to vector<16xf32>
    %swap3A_541 = vector.shape_cast %broadcast_in_dim3A_535 : vector<16xf32> to vector<1x16xf32>
    tpu.vector_store %arg10[%swap3A_537, %swap3A_538], %swap3A_541 {strides = array<i32>} : memref<16x128xf32, #tpu.memory_space<vmem>>, vector<1x16xf32>,
    %broadcast_in_dim3A_542 = arith.constant 0.000000e+00 : f32
    %broadcast_in_dim3A_543 = vector.broadcast %broadcast_in_dim3A_542 : f32 to vector<16xf32>
    %swap3A_544 = arith.constant 8 : i32
    %swap3A_545 = arith.index_cast %swap3A_544 : i32 to index
    %swap3A_546 = arith.constant 64 : index
    %swap3A_547 = tpu.vector_load %arg10[%swap3A_545, %swap3A_546] {strides = array<i32>} : memref<16x128xf32, #tpu.memory_space<vmem>>, vector<1x16xf32>,
    %swap3A_548 = vector.shape_cast %swap3A_547 : vector<1x16xf32> to vector<16xf32>
    %swap3A_549 = vector.shape_cast %broadcast_in_dim3A_543 : vector<16xf32> to vector<1x16xf32>
    tpu.vector_store %arg10[%swap3A_545, %swap3A_546], %swap3A_549 {strides = array<i32>} : memref<16x128xf32, #tpu.memory_space<vmem>>, vector<1x16xf32>,
    %broadcast_in_dim3A_550 = arith.constant 0.000000e+00 : f32
    %broadcast_in_dim3A_551 = vector.broadcast %broadcast_in_dim3A_550 : f32 to vector<16xf32>
    %swap3A_552 = arith.constant 8 : i32
    %swap3A_553 = arith.index_cast %swap3A_552 : i32 to index
    %swap3A_554 = arith.constant 80 : index
    %swap3A_555 = tpu.vector_load %arg10[%swap3A_553, %swap3A_554] {strides = array<i32>} : memref<16x128xf32, #tpu.memory_space<vmem>>, vector<1x16xf32>,
    %swap3A_556 = vector.shape_cast %swap3A_555 : vector<1x16xf32> to vector<16xf32>
    %swap3A_557 = vector.shape_cast %broadcast_in_dim3A_551 : vector<16xf32> to vector<1x16xf32>
    tpu.vector_store %arg10[%swap3A_553, %swap3A_554], %swap3A_557 {strides = array<i32>} : memref<16x128xf32, #tpu.memory_space<vmem>>, vector<1x16xf32>,
    %broadcast_in_dim3A_558 = arith.constant 0.000000e+00 : f32
    %broadcast_in_dim3A_559 = vector.broadcast %broadcast_in_dim3A_558 : f32 to vector<16xf32>
    %swap3A_560 = arith.constant 8 : i32
    %swap3A_561 = arith.index_cast %swap3A_560 : i32 to index
    %swap3A_562 = arith.constant 96 : index
    %swap3A_563 = tpu.vector_load %arg10[%swap3A_561, %swap3A_562] {strides = array<i32>} : memref<16x128xf32, #tpu.memory_space<vmem>>, vector<1x16xf32>,
    %swap3A_564 = vector.shape_cast %swap3A_563 : vector<1x16xf32> to vector<16xf32>
    %swap3A_565 = vector.shape_cast %broadcast_in_dim3A_559 : vector<16xf32> to vector<1x16xf32>
    tpu.vector_store %arg10[%swap3A_561, %swap3A_562], %swap3A_565 {strides = array<i32>} : memref<16x128xf32, #tpu.memory_space<vmem>>, vector<1x16xf32>,
    %broadcast_in_dim3A_566 = arith.constant 0.000000e+00 : f32
    %broadcast_in_dim3A_567 = vector.broadcast %broadcast_in_dim3A_566 : f32 to vector<16xf32>
    %swap3A_568 = arith.constant 8 : i32
    %swap3A_569 = arith.index_cast %swap3A_568 : i32 to index
    %swap3A_570 = arith.constant 112 : index
    %swap3A_571 = tpu.vector_load %arg10[%swap3A_569, %swap3A_570] {strides = array<i32>} : memref<16x128xf32, #tpu.memory_space<vmem>>, vector<1x16xf32>,
    %swap3A_572 = vector.shape_cast %swap3A_571 : vector<1x16xf32> to vector<16xf32>
    %swap3A_573 = vector.shape_cast %broadcast_in_dim3A_567 : vector<16xf32> to vector<1x16xf32>
    tpu.vector_store %arg10[%swap3A_569, %swap3A_570], %swap3A_573 {strides = array<i32>} : memref<16x128xf32, #tpu.memory_space<vmem>>, vector<1x16xf32>,
    %broadcast_in_dim3A_574 = arith.constant 0.000000e+00 : f32
    %broadcast_in_dim3A_575 = vector.broadcast %broadcast_in_dim3A_574 : f32 to vector<16xf32>
    %swap3A_576 = arith.constant 9 : i32
    %swap3A_577 = arith.index_cast %swap3A_576 : i32 to index
    %swap3A_578 = arith.constant 0 : index
    %swap3A_579 = tpu.vector_load %arg10[%swap3A_577, %swap3A_578] {strides = array<i32>} : memref<16x128xf32, #tpu.memory_space<vmem>>, vector<1x16xf32>,
    %swap3A_580 = vector.shape_cast %swap3A_579 : vector<1x16xf32> to vector<16xf32>
    %swap3A_581 = vector.shape_cast %broadcast_in_dim3A_575 : vector<16xf32> to vector<1x16xf32>
    tpu.vector_store %arg10[%swap3A_577, %swap3A_578], %swap3A_581 {strides = array<i32>} : memref<16x128xf32, #tpu.memory_space<vmem>>, vector<1x16xf32>,
    %broadcast_in_dim3A_582 = arith.constant 0.000000e+00 : f32
    %broadcast_in_dim3A_583 = vector.broadcast %broadcast_in_dim3A_582 : f32 to vector<16xf32>
    %swap3A_584 = arith.constant 9 : i32
    %swap3A_585 = arith.index_cast %swap3A_584 : i32 to index
    %swap3A_586 = arith.constant 16 : index
    %swap3A_587 = tpu.vector_load %arg10[%swap3A_585, %swap3A_586] {strides = array<i32>} : memref<16x128xf32, #tpu.memory_space<vmem>>, vector<1x16xf32>,
    %swap3A_588 = vector.shape_cast %swap3A_587 : vector<1x16xf32> to vector<16xf32>
    %swap3A_589 = vector.shape_cast %broadcast_in_dim3A_583 : vector<16xf32> to vector<1x16xf32>
    tpu.vector_store %arg10[%swap3A_585, %swap3A_586], %swap3A_589 {strides = array<i32>} : memref<16x128xf32, #tpu.memory_space<vmem>>, vector<1x16xf32>,
    %broadcast_in_dim3A_590 = arith.constant 0.000000e+00 : f32
    %broadcast_in_dim3A_591 = vector.broadcast %broadcast_in_dim3A_590 : f32 to vector<16xf32>
    %swap3A_592 = arith.constant 9 : i32
    %swap3A_593 = arith.index_cast %swap3A_592 : i32 to index
    %swap3A_594 = arith.constant 32 : index
    %swap3A_595 = tpu.vector_load %arg10[%swap3A_593, %swap3A_594] {strides = array<i32>} : memref<16x128xf32, #tpu.memory_space<vmem>>, vector<1x16xf32>,
    %swap3A_596 = vector.shape_cast %swap3A_595 : vector<1x16xf32> to vector<16xf32>
    %swap3A_597 = vector.shape_cast %broadcast_in_dim3A_591 : vector<16xf32> to vector<1x16xf32>
    tpu.vector_store %arg10[%swap3A_593, %swap3A_594], %swap3A_597 {strides = array<i32>} : memref<16x128xf32, #tpu.memory_space<vmem>>, vector<1x16xf32>,
    %broadcast_in_dim3A_598 = arith.constant 0.000000e+00 : f32
    %broadcast_in_dim3A_599 = vector.broadcast %broadcast_in_dim3A_598 : f32 to vector<16xf32>
    %swap3A_600 = arith.constant 9 : i32
    %swap3A_601 = arith.index_cast %swap3A_600 : i32 to index
    %swap3A_602 = arith.constant 48 : index
    %swap3A_603 = tpu.vector_load %arg10[%swap3A_601, %swap3A_602] {strides = array<i32>} : memref<16x128xf32, #tpu.memory_space<vmem>>, vector<1x16xf32>,
    %swap3A_604 = vector.shape_cast %swap3A_603 : vector<1x16xf32> to vector<16xf32>
    %swap3A_605 = vector.shape_cast %broadcast_in_dim3A_599 : vector<16xf32> to vector<1x16xf32>
    tpu.vector_store %arg10[%swap3A_601, %swap3A_602], %swap3A_605 {strides = array<i32>} : memref<16x128xf32, #tpu.memory_space<vmem>>, vector<1x16xf32>,
    %broadcast_in_dim3A_606 = arith.constant 0.000000e+00 : f32
    %broadcast_in_dim3A_607 = vector.broadcast %broadcast_in_dim3A_606 : f32 to vector<16xf32>
    %swap3A_608 = arith.constant 9 : i32
    %swap3A_609 = arith.index_cast %swap3A_608 : i32 to index
    %swap3A_610 = arith.constant 64 : index
    %swap3A_611 = tpu.vector_load %arg10[%swap3A_609, %swap3A_610] {strides = array<i32>} : memref<16x128xf32, #tpu.memory_space<vmem>>, vector<1x16xf32>,
    %swap3A_612 = vector.shape_cast %swap3A_611 : vector<1x16xf32> to vector<16xf32>
    %swap3A_613 = vector.shape_cast %broadcast_in_dim3A_607 : vector<16xf32> to vector<1x16xf32>
    tpu.vector_store %arg10[%swap3A_609, %swap3A_610], %swap3A_613 {strides = array<i32>} : memref<16x128xf32, #tpu.memory_space<vmem>>, vector<1x16xf32>,
    %broadcast_in_dim3A_614 = arith.constant 0.000000e+00 : f32
    %broadcast_in_dim3A_615 = vector.broadcast %broadcast_in_dim3A_614 : f32 to vector<16xf32>
    %swap3A_616 = arith.constant 9 : i32
    %swap3A_617 = arith.index_cast %swap3A_616 : i32 to index
    %swap3A_618 = arith.constant 80 : index
    %swap3A_619 = tpu.vector_load %arg10[%swap3A_617, %swap3A_618] {strides = array<i32>} : memref<16x128xf32, #tpu.memory_space<vmem>>, vector<1x16xf32>,
    %swap3A_620 = vector.shape_cast %swap3A_619 : vector<1x16xf32> to vector<16xf32>
    %swap3A_621 = vector.shape_cast %broadcast_in_dim3A_615 : vector<16xf32> to vector<1x16xf32>
    tpu.vector_store %arg10[%swap3A_617, %swap3A_618], %swap3A_621 {strides = array<i32>} : memref<16x128xf32, #tpu.memory_space<vmem>>, vector<1x16xf32>,
    %broadcast_in_dim3A_622 = arith.constant 0.000000e+00 : f32
    %broadcast_in_dim3A_623 = vector.broadcast %broadcast_in_dim3A_622 : f32 to vector<16xf32>
    %swap3A_624 = arith.constant 9 : i32
    %swap3A_625 = arith.index_cast %swap3A_624 : i32 to index
    %swap3A_626 = arith.constant 96 : index
    %swap3A_627 = tpu.vector_load %arg10[%swap3A_625, %swap3A_626] {strides = array<i32>} : memref<16x128xf32, #tpu.memory_space<vmem>>, vector<1x16xf32>,
    %swap3A_628 = vector.shape_cast %swap3A_627 : vector<1x16xf32> to vector<16xf32>
    %swap3A_629 = vector.shape_cast %broadcast_in_dim3A_623 : vector<16xf32> to vector<1x16xf32>
    tpu.vector_store %arg10[%swap3A_625, %swap3A_626], %swap3A_629 {strides = array<i32>} : memref<16x128xf32, #tpu.memory_space<vmem>>, vector<1x16xf32>,
    %broadcast_in_dim3A_630 = arith.constant 0.000000e+00 : f32
    %broadcast_in_dim3A_631 = vector.broadcast %broadcast_in_dim3A_630 : f32 to vector<16xf32>
    %swap3A_632 = arith.constant 9 : i32
    %swap3A_633 = arith.index_cast %swap3A_632 : i32 to index
    %swap3A_634 = arith.constant 112 : index
    %swap3A_635 = tpu.vector_load %arg10[%swap3A_633, %swap3A_634] {strides = array<i32>} : memref<16x128xf32, #tpu.memory_space<vmem>>, vector<1x16xf32>,
    %swap3A_636 = vector.shape_cast %swap3A_635 : vector<1x16xf32> to vector<16xf32>
    %swap3A_637 = vector.shape_cast %broadcast_in_dim3A_631 : vector<16xf32> to vector<1x16xf32>
    tpu.vector_store %arg10[%swap3A_633, %swap3A_634], %swap3A_637 {strides = array<i32>} : memref<16x128xf32, #tpu.memory_space<vmem>>, vector<1x16xf32>,
    %broadcast_in_dim3A_638 = arith.constant 0.000000e+00 : f32
    %broadcast_in_dim3A_639 = vector.broadcast %broadcast_in_dim3A_638 : f32 to vector<16xf32>
    %swap3A_640 = arith.constant 10 : i32
    %swap3A_641 = arith.index_cast %swap3A_640 : i32 to index
    %swap3A_642 = arith.constant 0 : index
    %swap3A_643 = tpu.vector_load %arg10[%swap3A_641, %swap3A_642] {strides = array<i32>} : memref<16x128xf32, #tpu.memory_space<vmem>>, vector<1x16xf32>,
    %swap3A_644 = vector.shape_cast %swap3A_643 : vector<1x16xf32> to vector<16xf32>
    %swap3A_645 = vector.shape_cast %broadcast_in_dim3A_639 : vector<16xf32> to vector<1x16xf32>
    tpu.vector_store %arg10[%swap3A_641, %swap3A_642], %swap3A_645 {strides = array<i32>} : memref<16x128xf32, #tpu.memory_space<vmem>>, vector<1x16xf32>,
    %broadcast_in_dim3A_646 = arith.constant 0.000000e+00 : f32
    %broadcast_in_dim3A_647 = vector.broadcast %broadcast_in_dim3A_646 : f32 to vector<16xf32>
    %swap3A_648 = arith.constant 10 : i32
    %swap3A_649 = arith.index_cast %swap3A_648 : i32 to index
    %swap3A_650 = arith.constant 16 : index
    %swap3A_651 = tpu.vector_load %arg10[%swap3A_649, %swap3A_650] {strides = array<i32>} : memref<16x128xf32, #tpu.memory_space<vmem>>, vector<1x16xf32>,
    %swap3A_652 = vector.shape_cast %swap3A_651 : vector<1x16xf32> to vector<16xf32>
    %swap3A_653 = vector.shape_cast %broadcast_in_dim3A_647 : vector<16xf32> to vector<1x16xf32>
    tpu.vector_store %arg10[%swap3A_649, %swap3A_650], %swap3A_653 {strides = array<i32>} : memref<16x128xf32, #tpu.memory_space<vmem>>, vector<1x16xf32>,
    %broadcast_in_dim3A_654 = arith.constant 0.000000e+00 : f32
    %broadcast_in_dim3A_655 = vector.broadcast %broadcast_in_dim3A_654 : f32 to vector<16xf32>
    %swap3A_656 = arith.constant 10 : i32
    %swap3A_657 = arith.index_cast %swap3A_656 : i32 to index
    %swap3A_658 = arith.constant 32 : index
    %swap3A_659 = tpu.vector_load %arg10[%swap3A_657, %swap3A_658] {strides = array<i32>} : memref<16x128xf32, #tpu.memory_space<vmem>>, vector<1x16xf32>,
    %swap3A_660 = vector.shape_cast %swap3A_659 : vector<1x16xf32> to vector<16xf32>
    %swap3A_661 = vector.shape_cast %broadcast_in_dim3A_655 : vector<16xf32> to vector<1x16xf32>
    tpu.vector_store %arg10[%swap3A_657, %swap3A_658], %swap3A_661 {strides = array<i32>} : memref<16x128xf32, #tpu.memory_space<vmem>>, vector<1x16xf32>,
    %broadcast_in_dim3A_662 = arith.constant 0.000000e+00 : f32
    %broadcast_in_dim3A_663 = vector.broadcast %broadcast_in_dim3A_662 : f32 to vector<16xf32>
    %swap3A_664 = arith.constant 10 : i32
    %swap3A_665 = arith.index_cast %swap3A_664 : i32 to index
    %swap3A_666 = arith.constant 48 : index
    %swap3A_667 = tpu.vector_load %arg10[%swap3A_665, %swap3A_666] {strides = array<i32>} : memref<16x128xf32, #tpu.memory_space<vmem>>, vector<1x16xf32>,
    %swap3A_668 = vector.shape_cast %swap3A_667 : vector<1x16xf32> to vector<16xf32>
    %swap3A_669 = vector.shape_cast %broadcast_in_dim3A_663 : vector<16xf32> to vector<1x16xf32>
    tpu.vector_store %arg10[%swap3A_665, %swap3A_666], %swap3A_669 {strides = array<i32>} : memref<16x128xf32, #tpu.memory_space<vmem>>, vector<1x16xf32>,
    %broadcast_in_dim3A_670 = arith.constant 0.000000e+00 : f32
    %broadcast_in_dim3A_671 = vector.broadcast %broadcast_in_dim3A_670 : f32 to vector<16xf32>
    %swap3A_672 = arith.constant 10 : i32
    %swap3A_673 = arith.index_cast %swap3A_672 : i32 to index
    %swap3A_674 = arith.constant 64 : index
    %swap3A_675 = tpu.vector_load %arg10[%swap3A_673, %swap3A_674] {strides = array<i32>} : memref<16x128xf32, #tpu.memory_space<vmem>>, vector<1x16xf32>,
    %swap3A_676 = vector.shape_cast %swap3A_675 : vector<1x16xf32> to vector<16xf32>
    %swap3A_677 = vector.shape_cast %broadcast_in_dim3A_671 : vector<16xf32> to vector<1x16xf32>
    tpu.vector_store %arg10[%swap3A_673, %swap3A_674], %swap3A_677 {strides = array<i32>} : memref<16x128xf32, #tpu.memory_space<vmem>>, vector<1x16xf32>,
    %broadcast_in_dim3A_678 = arith.constant 0.000000e+00 : f32
    %broadcast_in_dim3A_679 = vector.broadcast %broadcast_in_dim3A_678 : f32 to vector<16xf32>
    %swap3A_680 = arith.constant 10 : i32
    %swap3A_681 = arith.index_cast %swap3A_680 : i32 to index
    %swap3A_682 = arith.constant 80 : index
    %swap3A_683 = tpu.vector_load %arg10[%swap3A_681, %swap3A_682] {strides = array<i32>} : memref<16x128xf32, #tpu.memory_space<vmem>>, vector<1x16xf32>,
    %swap3A_684 = vector.shape_cast %swap3A_683 : vector<1x16xf32> to vector<16xf32>
    %swap3A_685 = vector.shape_cast %broadcast_in_dim3A_679 : vector<16xf32> to vector<1x16xf32>
    tpu.vector_store %arg10[%swap3A_681, %swap3A_682], %swap3A_685 {strides = array<i32>} : memref<16x128xf32, #tpu.memory_space<vmem>>, vector<1x16xf32>,
    %broadcast_in_dim3A_686 = arith.constant 0.000000e+00 : f32
    %broadcast_in_dim3A_687 = vector.broadcast %broadcast_in_dim3A_686 : f32 to vector<16xf32>
    %swap3A_688 = arith.constant 10 : i32
    %swap3A_689 = arith.index_cast %swap3A_688 : i32 to index
    %swap3A_690 = arith.constant 96 : index
    %swap3A_691 = tpu.vector_load %arg10[%swap3A_689, %swap3A_690] {strides = array<i32>} : memref<16x128xf32, #tpu.memory_space<vmem>>, vector<1x16xf32>,
    %swap3A_692 = vector.shape_cast %swap3A_691 : vector<1x16xf32> to vector<16xf32>
    %swap3A_693 = vector.shape_cast %broadcast_in_dim3A_687 : vector<16xf32> to vector<1x16xf32>
    tpu.vector_store %arg10[%swap3A_689, %swap3A_690], %swap3A_693 {strides = array<i32>} : memref<16x128xf32, #tpu.memory_space<vmem>>, vector<1x16xf32>,
    %broadcast_in_dim3A_694 = arith.constant 0.000000e+00 : f32
    %broadcast_in_dim3A_695 = vector.broadcast %broadcast_in_dim3A_694 : f32 to vector<16xf32>
    %swap3A_696 = arith.constant 10 : i32
    %swap3A_697 = arith.index_cast %swap3A_696 : i32 to index
    %swap3A_698 = arith.constant 112 : index
    %swap3A_699 = tpu.vector_load %arg10[%swap3A_697, %swap3A_698] {strides = array<i32>} : memref<16x128xf32, #tpu.memory_space<vmem>>, vector<1x16xf32>,
    %swap3A_700 = vector.shape_cast %swap3A_699 : vector<1x16xf32> to vector<16xf32>
    %swap3A_701 = vector.shape_cast %broadcast_in_dim3A_695 : vector<16xf32> to vector<1x16xf32>
    tpu.vector_store %arg10[%swap3A_697, %swap3A_698], %swap3A_701 {strides = array<i32>} : memref<16x128xf32, #tpu.memory_space<vmem>>, vector<1x16xf32>,
    %broadcast_in_dim3A_702 = arith.constant 0.000000e+00 : f32
    %broadcast_in_dim3A_703 = vector.broadcast %broadcast_in_dim3A_702 : f32 to vector<16xf32>
    %swap3A_704 = arith.constant 11 : i32
    %swap3A_705 = arith.index_cast %swap3A_704 : i32 to index
    %swap3A_706 = arith.constant 0 : index
    %swap3A_707 = tpu.vector_load %arg10[%swap3A_705, %swap3A_706] {strides = array<i32>} : memref<16x128xf32, #tpu.memory_space<vmem>>, vector<1x16xf32>,
    %swap3A_708 = vector.shape_cast %swap3A_707 : vector<1x16xf32> to vector<16xf32>
    %swap3A_709 = vector.shape_cast %broadcast_in_dim3A_703 : vector<16xf32> to vector<1x16xf32>
    tpu.vector_store %arg10[%swap3A_705, %swap3A_706], %swap3A_709 {strides = array<i32>} : memref<16x128xf32, #tpu.memory_space<vmem>>, vector<1x16xf32>,
    %broadcast_in_dim3A_710 = arith.constant 0.000000e+00 : f32
    %broadcast_in_dim3A_711 = vector.broadcast %broadcast_in_dim3A_710 : f32 to vector<16xf32>
    %swap3A_712 = arith.constant 11 : i32
    %swap3A_713 = arith.index_cast %swap3A_712 : i32 to index
    %swap3A_714 = arith.constant 16 : index
    %swap3A_715 = tpu.vector_load %arg10[%swap3A_713, %swap3A_714] {strides = array<i32>} : memref<16x128xf32, #tpu.memory_space<vmem>>, vector<1x16xf32>,
    %swap3A_716 = vector.shape_cast %swap3A_715 : vector<1x16xf32> to vector<16xf32>
    %swap3A_717 = vector.shape_cast %broadcast_in_dim3A_711 : vector<16xf32> to vector<1x16xf32>
    tpu.vector_store %arg10[%swap3A_713, %swap3A_714], %swap3A_717 {strides = array<i32>} : memref<16x128xf32, #tpu.memory_space<vmem>>, vector<1x16xf32>,
    %broadcast_in_dim3A_718 = arith.constant 0.000000e+00 : f32
    %broadcast_in_dim3A_719 = vector.broadcast %broadcast_in_dim3A_718 : f32 to vector<16xf32>
    %swap3A_720 = arith.constant 11 : i32
    %swap3A_721 = arith.index_cast %swap3A_720 : i32 to index
    %swap3A_722 = arith.constant 32 : index
    %swap3A_723 = tpu.vector_load %arg10[%swap3A_721, %swap3A_722] {strides = array<i32>} : memref<16x128xf32, #tpu.memory_space<vmem>>, vector<1x16xf32>,
    %swap3A_724 = vector.shape_cast %swap3A_723 : vector<1x16xf32> to vector<16xf32>
    %swap3A_725 = vector.shape_cast %broadcast_in_dim3A_719 : vector<16xf32> to vector<1x16xf32>
    tpu.vector_store %arg10[%swap3A_721, %swap3A_722], %swap3A_725 {strides = array<i32>} : memref<16x128xf32, #tpu.memory_space<vmem>>, vector<1x16xf32>,
    %broadcast_in_dim3A_726 = arith.constant 0.000000e+00 : f32
    %broadcast_in_dim3A_727 = vector.broadcast %broadcast_in_dim3A_726 : f32 to vector<16xf32>
    %swap3A_728 = arith.constant 11 : i32
    %swap3A_729 = arith.index_cast %swap3A_728 : i32 to index
    %swap3A_730 = arith.constant 48 : index
    %swap3A_731 = tpu.vector_load %arg10[%swap3A_729, %swap3A_730] {strides = array<i32>} : memref<16x128xf32, #tpu.memory_space<vmem>>, vector<1x16xf32>,
    %swap3A_732 = vector.shape_cast %swap3A_731 : vector<1x16xf32> to vector<16xf32>
    %swap3A_733 = vector.shape_cast %broadcast_in_dim3A_727 : vector<16xf32> to vector<1x16xf32>
    tpu.vector_store %arg10[%swap3A_729, %swap3A_730], %swap3A_733 {strides = array<i32>} : memref<16x128xf32, #tpu.memory_space<vmem>>, vector<1x16xf32>,
    %broadcast_in_dim3A_734 = arith.constant 0.000000e+00 : f32
    %broadcast_in_dim3A_735 = vector.broadcast %broadcast_in_dim3A_734 : f32 to vector<16xf32>
    %swap3A_736 = arith.constant 11 : i32
    %swap3A_737 = arith.index_cast %swap3A_736 : i32 to index
    %swap3A_738 = arith.constant 64 : index
    %swap3A_739 = tpu.vector_load %arg10[%swap3A_737, %swap3A_738] {strides = array<i32>} : memref<16x128xf32, #tpu.memory_space<vmem>>, vector<1x16xf32>,
    %swap3A_740 = vector.shape_cast %swap3A_739 : vector<1x16xf32> to vector<16xf32>
    %swap3A_741 = vector.shape_cast %broadcast_in_dim3A_735 : vector<16xf32> to vector<1x16xf32>
    tpu.vector_store %arg10[%swap3A_737, %swap3A_738], %swap3A_741 {strides = array<i32>} : memref<16x128xf32, #tpu.memory_space<vmem>>, vector<1x16xf32>,
    %broadcast_in_dim3A_742 = arith.constant 0.000000e+00 : f32
    %broadcast_in_dim3A_743 = vector.broadcast %broadcast_in_dim3A_742 : f32 to vector<16xf32>
    %swap3A_744 = arith.constant 11 : i32
    %swap3A_745 = arith.index_cast %swap3A_744 : i32 to index
    %swap3A_746 = arith.constant 80 : index
    %swap3A_747 = tpu.vector_load %arg10[%swap3A_745, %swap3A_746] {strides = array<i32>} : memref<16x128xf32, #tpu.memory_space<vmem>>, vector<1x16xf32>,
    %swap3A_748 = vector.shape_cast %swap3A_747 : vector<1x16xf32> to vector<16xf32>
    %swap3A_749 = vector.shape_cast %broadcast_in_dim3A_743 : vector<16xf32> to vector<1x16xf32>
    tpu.vector_store %arg10[%swap3A_745, %swap3A_746], %swap3A_749 {strides = array<i32>} : memref<16x128xf32, #tpu.memory_space<vmem>>, vector<1x16xf32>,
    %broadcast_in_dim3A_750 = arith.constant 0.000000e+00 : f32
    %broadcast_in_dim3A_751 = vector.broadcast %broadcast_in_dim3A_750 : f32 to vector<16xf32>
    %swap3A_752 = arith.constant 11 : i32
    %swap3A_753 = arith.index_cast %swap3A_752 : i32 to index
    %swap3A_754 = arith.constant 96 : index
    %swap3A_755 = tpu.vector_load %arg10[%swap3A_753, %swap3A_754] {strides = array<i32>} : memref<16x128xf32, #tpu.memory_space<vmem>>, vector<1x16xf32>,
    %swap3A_756 = vector.shape_cast %swap3A_755 : vector<1x16xf32> to vector<16xf32>
    %swap3A_757 = vector.shape_cast %broadcast_in_dim3A_751 : vector<16xf32> to vector<1x16xf32>
    tpu.vector_store %arg10[%swap3A_753, %swap3A_754], %swap3A_757 {strides = array<i32>} : memref<16x128xf32, #tpu.memory_space<vmem>>, vector<1x16xf32>,
    %broadcast_in_dim3A_758 = arith.constant 0.000000e+00 : f32
    %broadcast_in_dim3A_759 = vector.broadcast %broadcast_in_dim3A_758 : f32 to vector<16xf32>
    %swap3A_760 = arith.constant 11 : i32
    %swap3A_761 = arith.index_cast %swap3A_760 : i32 to index
    %swap3A_762 = arith.constant 112 : index
    %swap3A_763 = tpu.vector_load %arg10[%swap3A_761, %swap3A_762] {strides = array<i32>} : memref<16x128xf32, #tpu.memory_space<vmem>>, vector<1x16xf32>,
    %swap3A_764 = vector.shape_cast %swap3A_763 : vector<1x16xf32> to vector<16xf32>
    %swap3A_765 = vector.shape_cast %broadcast_in_dim3A_759 : vector<16xf32> to vector<1x16xf32>
    tpu.vector_store %arg10[%swap3A_761, %swap3A_762], %swap3A_765 {strides = array<i32>} : memref<16x128xf32, #tpu.memory_space<vmem>>, vector<1x16xf32>,
    %broadcast_in_dim3A_766 = arith.constant 0.000000e+00 : f32
    %broadcast_in_dim3A_767 = vector.broadcast %broadcast_in_dim3A_766 : f32 to vector<16xf32>
    %swap3A_768 = arith.constant 12 : i32
    %swap3A_769 = arith.index_cast %swap3A_768 : i32 to index
    %swap3A_770 = arith.constant 0 : index
    %swap3A_771 = tpu.vector_load %arg10[%swap3A_769, %swap3A_770] {strides = array<i32>} : memref<16x128xf32, #tpu.memory_space<vmem>>, vector<1x16xf32>,
    %swap3A_772 = vector.shape_cast %swap3A_771 : vector<1x16xf32> to vector<16xf32>
    %swap3A_773 = vector.shape_cast %broadcast_in_dim3A_767 : vector<16xf32> to vector<1x16xf32>
    tpu.vector_store %arg10[%swap3A_769, %swap3A_770], %swap3A_773 {strides = array<i32>} : memref<16x128xf32, #tpu.memory_space<vmem>>, vector<1x16xf32>,
    %broadcast_in_dim3A_774 = arith.constant 0.000000e+00 : f32
    %broadcast_in_dim3A_775 = vector.broadcast %broadcast_in_dim3A_774 : f32 to vector<16xf32>
    %swap3A_776 = arith.constant 12 : i32
    %swap3A_777 = arith.index_cast %swap3A_776 : i32 to index
    %swap3A_778 = arith.constant 16 : index
    %swap3A_779 = tpu.vector_load %arg10[%swap3A_777, %swap3A_778] {strides = array<i32>} : memref<16x128xf32, #tpu.memory_space<vmem>>, vector<1x16xf32>,
    %swap3A_780 = vector.shape_cast %swap3A_779 : vector<1x16xf32> to vector<16xf32>
    %swap3A_781 = vector.shape_cast %broadcast_in_dim3A_775 : vector<16xf32> to vector<1x16xf32>
    tpu.vector_store %arg10[%swap3A_777, %swap3A_778], %swap3A_781 {strides = array<i32>} : memref<16x128xf32, #tpu.memory_space<vmem>>, vector<1x16xf32>,
    %broadcast_in_dim3A_782 = arith.constant 0.000000e+00 : f32
    %broadcast_in_dim3A_783 = vector.broadcast %broadcast_in_dim3A_782 : f32 to vector<16xf32>
    %swap3A_784 = arith.constant 12 : i32
    %swap3A_785 = arith.index_cast %swap3A_784 : i32 to index
    %swap3A_786 = arith.constant 32 : index
    %swap3A_787 = tpu.vector_load %arg10[%swap3A_785, %swap3A_786] {strides = array<i32>} : memref<16x128xf32, #tpu.memory_space<vmem>>, vector<1x16xf32>,
    %swap3A_788 = vector.shape_cast %swap3A_787 : vector<1x16xf32> to vector<16xf32>
    %swap3A_789 = vector.shape_cast %broadcast_in_dim3A_783 : vector<16xf32> to vector<1x16xf32>
    tpu.vector_store %arg10[%swap3A_785, %swap3A_786], %swap3A_789 {strides = array<i32>} : memref<16x128xf32, #tpu.memory_space<vmem>>, vector<1x16xf32>,
    %broadcast_in_dim3A_790 = arith.constant 0.000000e+00 : f32
    %broadcast_in_dim3A_791 = vector.broadcast %broadcast_in_dim3A_790 : f32 to vector<16xf32>
    %swap3A_792 = arith.constant 12 : i32
    %swap3A_793 = arith.index_cast %swap3A_792 : i32 to index
    %swap3A_794 = arith.constant 48 : index
    %swap3A_795 = tpu.vector_load %arg10[%swap3A_793, %swap3A_794] {strides = array<i32>} : memref<16x128xf32, #tpu.memory_space<vmem>>, vector<1x16xf32>,
    %swap3A_796 = vector.shape_cast %swap3A_795 : vector<1x16xf32> to vector<16xf32>
    %swap3A_797 = vector.shape_cast %broadcast_in_dim3A_791 : vector<16xf32> to vector<1x16xf32>
    tpu.vector_store %arg10[%swap3A_793, %swap3A_794], %swap3A_797 {strides = array<i32>} : memref<16x128xf32, #tpu.memory_space<vmem>>, vector<1x16xf32>,
    %broadcast_in_dim3A_798 = arith.constant 0.000000e+00 : f32
    %broadcast_in_dim3A_799 = vector.broadcast %broadcast_in_dim3A_798 : f32 to vector<16xf32>
    %swap3A_800 = arith.constant 12 : i32
    %swap3A_801 = arith.index_cast %swap3A_800 : i32 to index
    %swap3A_802 = arith.constant 64 : index
    %swap3A_803 = tpu.vector_load %arg10[%swap3A_801, %swap3A_802] {strides = array<i32>} : memref<16x128xf32, #tpu.memory_space<vmem>>, vector<1x16xf32>,
    %swap3A_804 = vector.shape_cast %swap3A_803 : vector<1x16xf32> to vector<16xf32>
    %swap3A_805 = vector.shape_cast %broadcast_in_dim3A_799 : vector<16xf32> to vector<1x16xf32>
    tpu.vector_store %arg10[%swap3A_801, %swap3A_802], %swap3A_805 {strides = array<i32>} : memref<16x128xf32, #tpu.memory_space<vmem>>, vector<1x16xf32>,
    %broadcast_in_dim3A_806 = arith.constant 0.000000e+00 : f32
    %broadcast_in_dim3A_807 = vector.broadcast %broadcast_in_dim3A_806 : f32 to vector<16xf32>
    %swap3A_808 = arith.constant 12 : i32
    %swap3A_809 = arith.index_cast %swap3A_808 : i32 to index
    %swap3A_810 = arith.constant 80 : index
    %swap3A_811 = tpu.vector_load %arg10[%swap3A_809, %swap3A_810] {strides = array<i32>} : memref<16x128xf32, #tpu.memory_space<vmem>>, vector<1x16xf32>,
    %swap3A_812 = vector.shape_cast %swap3A_811 : vector<1x16xf32> to vector<16xf32>
    %swap3A_813 = vector.shape_cast %broadcast_in_dim3A_807 : vector<16xf32> to vector<1x16xf32>
    tpu.vector_store %arg10[%swap3A_809, %swap3A_810], %swap3A_813 {strides = array<i32>} : memref<16x128xf32, #tpu.memory_space<vmem>>, vector<1x16xf32>,
    %broadcast_in_dim3A_814 = arith.constant 0.000000e+00 : f32
    %broadcast_in_dim3A_815 = vector.broadcast %broadcast_in_dim3A_814 : f32 to vector<16xf32>
    %swap3A_816 = arith.constant 12 : i32
    %swap3A_817 = arith.index_cast %swap3A_816 : i32 to index
    %swap3A_818 = arith.constant 96 : index
    %swap3A_819 = tpu.vector_load %arg10[%swap3A_817, %swap3A_818] {strides = array<i32>} : memref<16x128xf32, #tpu.memory_space<vmem>>, vector<1x16xf32>,
    %swap3A_820 = vector.shape_cast %swap3A_819 : vector<1x16xf32> to vector<16xf32>
    %swap3A_821 = vector.shape_cast %broadcast_in_dim3A_815 : vector<16xf32> to vector<1x16xf32>
    tpu.vector_store %arg10[%swap3A_817, %swap3A_818], %swap3A_821 {strides = array<i32>} : memref<16x128xf32, #tpu.memory_space<vmem>>, vector<1x16xf32>,
    %broadcast_in_dim3A_822 = arith.constant 0.000000e+00 : f32
    %broadcast_in_dim3A_823 = vector.broadcast %broadcast_in_dim3A_822 : f32 to vector<16xf32>
    %swap3A_824 = arith.constant 12 : i32
    %swap3A_825 = arith.index_cast %swap3A_824 : i32 to index
    %swap3A_826 = arith.constant 112 : index
    %swap3A_827 = tpu.vector_load %arg10[%swap3A_825, %swap3A_826] {strides = array<i32>} : memref<16x128xf32, #tpu.memory_space<vmem>>, vector<1x16xf32>,
    %swap3A_828 = vector.shape_cast %swap3A_827 : vector<1x16xf32> to vector<16xf32>
    %swap3A_829 = vector.shape_cast %broadcast_in_dim3A_823 : vector<16xf32> to vector<1x16xf32>
    tpu.vector_store %arg10[%swap3A_825, %swap3A_826], %swap3A_829 {strides = array<i32>} : memref<16x128xf32, #tpu.memory_space<vmem>>, vector<1x16xf32>,
    %broadcast_in_dim3A_830 = arith.constant 0.000000e+00 : f32
    %broadcast_in_dim3A_831 = vector.broadcast %broadcast_in_dim3A_830 : f32 to vector<16xf32>
    %swap3A_832 = arith.constant 13 : i32
    %swap3A_833 = arith.index_cast %swap3A_832 : i32 to index
    %swap3A_834 = arith.constant 0 : index
    %swap3A_835 = tpu.vector_load %arg10[%swap3A_833, %swap3A_834] {strides = array<i32>} : memref<16x128xf32, #tpu.memory_space<vmem>>, vector<1x16xf32>,
    %swap3A_836 = vector.shape_cast %swap3A_835 : vector<1x16xf32> to vector<16xf32>
    %swap3A_837 = vector.shape_cast %broadcast_in_dim3A_831 : vector<16xf32> to vector<1x16xf32>
    tpu.vector_store %arg10[%swap3A_833, %swap3A_834], %swap3A_837 {strides = array<i32>} : memref<16x128xf32, #tpu.memory_space<vmem>>, vector<1x16xf32>,
    %broadcast_in_dim3A_838 = arith.constant 0.000000e+00 : f32
    %broadcast_in_dim3A_839 = vector.broadcast %broadcast_in_dim3A_838 : f32 to vector<16xf32>
    %swap3A_840 = arith.constant 13 : i32
    %swap3A_841 = arith.index_cast %swap3A_840 : i32 to index
    %swap3A_842 = arith.constant 16 : index
    %swap3A_843 = tpu.vector_load %arg10[%swap3A_841, %swap3A_842] {strides = array<i32>} : memref<16x128xf32, #tpu.memory_space<vmem>>, vector<1x16xf32>,
    %swap3A_844 = vector.shape_cast %swap3A_843 : vector<1x16xf32> to vector<16xf32>
    %swap3A_845 = vector.shape_cast %broadcast_in_dim3A_839 : vector<16xf32> to vector<1x16xf32>
    tpu.vector_store %arg10[%swap3A_841, %swap3A_842], %swap3A_845 {strides = array<i32>} : memref<16x128xf32, #tpu.memory_space<vmem>>, vector<1x16xf32>,
    %broadcast_in_dim3A_846 = arith.constant 0.000000e+00 : f32
    %broadcast_in_dim3A_847 = vector.broadcast %broadcast_in_dim3A_846 : f32 to vector<16xf32>
    %swap3A_848 = arith.constant 13 : i32
    %swap3A_849 = arith.index_cast %swap3A_848 : i32 to index
    %swap3A_850 = arith.constant 32 : index
    %swap3A_851 = tpu.vector_load %arg10[%swap3A_849, %swap3A_850] {strides = array<i32>} : memref<16x128xf32, #tpu.memory_space<vmem>>, vector<1x16xf32>,
    %swap3A_852 = vector.shape_cast %swap3A_851 : vector<1x16xf32> to vector<16xf32>
    %swap3A_853 = vector.shape_cast %broadcast_in_dim3A_847 : vector<16xf32> to vector<1x16xf32>
    tpu.vector_store %arg10[%swap3A_849, %swap3A_850], %swap3A_853 {strides = array<i32>} : memref<16x128xf32, #tpu.memory_space<vmem>>, vector<1x16xf32>,
    %broadcast_in_dim3A_854 = arith.constant 0.000000e+00 : f32
    %broadcast_in_dim3A_855 = vector.broadcast %broadcast_in_dim3A_854 : f32 to vector<16xf32>
    %swap3A_856 = arith.constant 13 : i32
    %swap3A_857 = arith.index_cast %swap3A_856 : i32 to index
    %swap3A_858 = arith.constant 48 : index
    %swap3A_859 = tpu.vector_load %arg10[%swap3A_857, %swap3A_858] {strides = array<i32>} : memref<16x128xf32, #tpu.memory_space<vmem>>, vector<1x16xf32>,
    %swap3A_860 = vector.shape_cast %swap3A_859 : vector<1x16xf32> to vector<16xf32>
    %swap3A_861 = vector.shape_cast %broadcast_in_dim3A_855 : vector<16xf32> to vector<1x16xf32>
    tpu.vector_store %arg10[%swap3A_857, %swap3A_858], %swap3A_861 {strides = array<i32>} : memref<16x128xf32, #tpu.memory_space<vmem>>, vector<1x16xf32>,
    %broadcast_in_dim3A_862 = arith.constant 0.000000e+00 : f32
    %broadcast_in_dim3A_863 = vector.broadcast %broadcast_in_dim3A_862 : f32 to vector<16xf32>
    %swap3A_864 = arith.constant 13 : i32
    %swap3A_865 = arith.index_cast %swap3A_864 : i32 to index
    %swap3A_866 = arith.constant 64 : index
    %swap3A_867 = tpu.vector_load %arg10[%swap3A_865, %swap3A_866] {strides = array<i32>} : memref<16x128xf32, #tpu.memory_space<vmem>>, vector<1x16xf32>,
    %swap3A_868 = vector.shape_cast %swap3A_867 : vector<1x16xf32> to vector<16xf32>
    %swap3A_869 = vector.shape_cast %broadcast_in_dim3A_863 : vector<16xf32> to vector<1x16xf32>
    tpu.vector_store %arg10[%swap3A_865, %swap3A_866], %swap3A_869 {strides = array<i32>} : memref<16x128xf32, #tpu.memory_space<vmem>>, vector<1x16xf32>,
    %broadcast_in_dim3A_870 = arith.constant 0.000000e+00 : f32
    %broadcast_in_dim3A_871 = vector.broadcast %broadcast_in_dim3A_870 : f32 to vector<16xf32>
    %swap3A_872 = arith.constant 13 : i32
    %swap3A_873 = arith.index_cast %swap3A_872 : i32 to index
    %swap3A_874 = arith.constant 80 : index
    %swap3A_875 = tpu.vector_load %arg10[%swap3A_873, %swap3A_874] {strides = array<i32>} : memref<16x128xf32, #tpu.memory_space<vmem>>, vector<1x16xf32>,
    %swap3A_876 = vector.shape_cast %swap3A_875 : vector<1x16xf32> to vector<16xf32>
    %swap3A_877 = vector.shape_cast %broadcast_in_dim3A_871 : vector<16xf32> to vector<1x16xf32>
    tpu.vector_store %arg10[%swap3A_873, %swap3A_874], %swap3A_877 {strides = array<i32>} : memref<16x128xf32, #tpu.memory_space<vmem>>, vector<1x16xf32>,
    %broadcast_in_dim3A_878 = arith.constant 0.000000e+00 : f32
    %broadcast_in_dim3A_879 = vector.broadcast %broadcast_in_dim3A_878 : f32 to vector<16xf32>
    %swap3A_880 = arith.constant 13 : i32
    %swap3A_881 = arith.index_cast %swap3A_880 : i32 to index
    %swap3A_882 = arith.constant 96 : index
    %swap3A_883 = tpu.vector_load %arg10[%swap3A_881, %swap3A_882] {strides = array<i32>} : memref<16x128xf32, #tpu.memory_space<vmem>>, vector<1x16xf32>,
    %swap3A_884 = vector.shape_cast %swap3A_883 : vector<1x16xf32> to vector<16xf32>
    %swap3A_885 = vector.shape_cast %broadcast_in_dim3A_879 : vector<16xf32> to vector<1x16xf32>
    tpu.vector_store %arg10[%swap3A_881, %swap3A_882], %swap3A_885 {strides = array<i32>} : memref<16x128xf32, #tpu.memory_space<vmem>>, vector<1x16xf32>,
    %broadcast_in_dim3A_886 = arith.constant 0.000000e+00 : f32
    %broadcast_in_dim3A_887 = vector.broadcast %broadcast_in_dim3A_886 : f32 to vector<16xf32>
    %swap3A_888 = arith.constant 13 : i32
    %swap3A_889 = arith.index_cast %swap3A_888 : i32 to index
    %swap3A_890 = arith.constant 112 : index
    %swap3A_891 = tpu.vector_load %arg10[%swap3A_889, %swap3A_890] {strides = array<i32>} : memref<16x128xf32, #tpu.memory_space<vmem>>, vector<1x16xf32>,
    %swap3A_892 = vector.shape_cast %swap3A_891 : vector<1x16xf32> to vector<16xf32>
    %swap3A_893 = vector.shape_cast %broadcast_in_dim3A_887 : vector<16xf32> to vector<1x16xf32>
    tpu.vector_store %arg10[%swap3A_889, %swap3A_890], %swap3A_893 {strides = array<i32>} : memref<16x128xf32, #tpu.memory_space<vmem>>, vector<1x16xf32>,
    %broadcast_in_dim3A_894 = arith.constant 0.000000e+00 : f32
    %broadcast_in_dim3A_895 = vector.broadcast %broadcast_in_dim3A_894 : f32 to vector<16xf32>
    %swap3A_896 = arith.constant 14 : i32
    %swap3A_897 = arith.index_cast %swap3A_896 : i32 to index
    %swap3A_898 = arith.constant 0 : index
    %swap3A_899 = tpu.vector_load %arg10[%swap3A_897, %swap3A_898] {strides = array<i32>} : memref<16x128xf32, #tpu.memory_space<vmem>>, vector<1x16xf32>,
    %swap3A_900 = vector.shape_cast %swap3A_899 : vector<1x16xf32> to vector<16xf32>
    %swap3A_901 = vector.shape_cast %broadcast_in_dim3A_895 : vector<16xf32> to vector<1x16xf32>
    tpu.vector_store %arg10[%swap3A_897, %swap3A_898], %swap3A_901 {strides = array<i32>} : memref<16x128xf32, #tpu.memory_space<vmem>>, vector<1x16xf32>,
    %broadcast_in_dim3A_902 = arith.constant 0.000000e+00 : f32
    %broadcast_in_dim3A_903 = vector.broadcast %broadcast_in_dim3A_902 : f32 to vector<16xf32>
    %swap3A_904 = arith.constant 14 : i32
    %swap3A_905 = arith.index_cast %swap3A_904 : i32 to index
    %swap3A_906 = arith.constant 16 : index
    %swap3A_907 = tpu.vector_load %arg10[%swap3A_905, %swap3A_906] {strides = array<i32>} : memref<16x128xf32, #tpu.memory_space<vmem>>, vector<1x16xf32>,
    %swap3A_908 = vector.shape_cast %swap3A_907 : vector<1x16xf32> to vector<16xf32>
    %swap3A_909 = vector.shape_cast %broadcast_in_dim3A_903 : vector<16xf32> to vector<1x16xf32>
    tpu.vector_store %arg10[%swap3A_905, %swap3A_906], %swap3A_909 {strides = array<i32>} : memref<16x128xf32, #tpu.memory_space<vmem>>, vector<1x16xf32>,
    %broadcast_in_dim3A_910 = arith.constant 0.000000e+00 : f32
    %broadcast_in_dim3A_911 = vector.broadcast %broadcast_in_dim3A_910 : f32 to vector<16xf32>
    %swap3A_912 = arith.constant 14 : i32
    %swap3A_913 = arith.index_cast %swap3A_912 : i32 to index
    %swap3A_914 = arith.constant 32 : index
    %swap3A_915 = tpu.vector_load %arg10[%swap3A_913, %swap3A_914] {strides = array<i32>} : memref<16x128xf32, #tpu.memory_space<vmem>>, vector<1x16xf32>,
    %swap3A_916 = vector.shape_cast %swap3A_915 : vector<1x16xf32> to vector<16xf32>
    %swap3A_917 = vector.shape_cast %broadcast_in_dim3A_911 : vector<16xf32> to vector<1x16xf32>
    tpu.vector_store %arg10[%swap3A_913, %swap3A_914], %swap3A_917 {strides = array<i32>} : memref<16x128xf32, #tpu.memory_space<vmem>>, vector<1x16xf32>,
    %broadcast_in_dim3A_918 = arith.constant 0.000000e+00 : f32
    %broadcast_in_dim3A_919 = vector.broadcast %broadcast_in_dim3A_918 : f32 to vector<16xf32>
    %swap3A_920 = arith.constant 14 : i32
    %swap3A_921 = arith.index_cast %swap3A_920 : i32 to index
    %swap3A_922 = arith.constant 48 : index
    %swap3A_923 = tpu.vector_load %arg10[%swap3A_921, %swap3A_922] {strides = array<i32>} : memref<16x128xf32, #tpu.memory_space<vmem>>, vector<1x16xf32>,
    %swap3A_924 = vector.shape_cast %swap3A_923 : vector<1x16xf32> to vector<16xf32>
    %swap3A_925 = vector.shape_cast %broadcast_in_dim3A_919 : vector<16xf32> to vector<1x16xf32>
    tpu.vector_store %arg10[%swap3A_921, %swap3A_922], %swap3A_925 {strides = array<i32>} : memref<16x128xf32, #tpu.memory_space<vmem>>, vector<1x16xf32>,
    %broadcast_in_dim3A_926 = arith.constant 0.000000e+00 : f32
    %broadcast_in_dim3A_927 = vector.broadcast %broadcast_in_dim3A_926 : f32 to vector<16xf32>
    %swap3A_928 = arith.constant 14 : i32
    %swap3A_929 = arith.index_cast %swap3A_928 : i32 to index
    %swap3A_930 = arith.constant 64 : index
    %swap3A_931 = tpu.vector_load %arg10[%swap3A_929, %swap3A_930] {strides = array<i32>} : memref<16x128xf32, #tpu.memory_space<vmem>>, vector<1x16xf32>,
    %swap3A_932 = vector.shape_cast %swap3A_931 : vector<1x16xf32> to vector<16xf32>
    %swap3A_933 = vector.shape_cast %broadcast_in_dim3A_927 : vector<16xf32> to vector<1x16xf32>
    tpu.vector_store %arg10[%swap3A_929, %swap3A_930], %swap3A_933 {strides = array<i32>} : memref<16x128xf32, #tpu.memory_space<vmem>>, vector<1x16xf32>,
    %broadcast_in_dim3A_934 = arith.constant 0.000000e+00 : f32
    %broadcast_in_dim3A_935 = vector.broadcast %broadcast_in_dim3A_934 : f32 to vector<16xf32>
    %swap3A_936 = arith.constant 14 : i32
    %swap3A_937 = arith.index_cast %swap3A_936 : i32 to index
    %swap3A_938 = arith.constant 80 : index
    %swap3A_939 = tpu.vector_load %arg10[%swap3A_937, %swap3A_938] {strides = array<i32>} : memref<16x128xf32, #tpu.memory_space<vmem>>, vector<1x16xf32>,
    %swap3A_940 = vector.shape_cast %swap3A_939 : vector<1x16xf32> to vector<16xf32>
    %swap3A_941 = vector.shape_cast %broadcast_in_dim3A_935 : vector<16xf32> to vector<1x16xf32>
    tpu.vector_store %arg10[%swap3A_937, %swap3A_938], %swap3A_941 {strides = array<i32>} : memref<16x128xf32, #tpu.memory_space<vmem>>, vector<1x16xf32>,
    %broadcast_in_dim3A_942 = arith.constant 0.000000e+00 : f32
    %broadcast_in_dim3A_943 = vector.broadcast %broadcast_in_dim3A_942 : f32 to vector<16xf32>
    %swap3A_944 = arith.constant 14 : i32
    %swap3A_945 = arith.index_cast %swap3A_944 : i32 to index
    %swap3A_946 = arith.constant 96 : index
    %swap3A_947 = tpu.vector_load %arg10[%swap3A_945, %swap3A_946] {strides = array<i32>} : memref<16x128xf32, #tpu.memory_space<vmem>>, vector<1x16xf32>,
    %swap3A_948 = vector.shape_cast %swap3A_947 : vector<1x16xf32> to vector<16xf32>
    %swap3A_949 = vector.shape_cast %broadcast_in_dim3A_943 : vector<16xf32> to vector<1x16xf32>
    tpu.vector_store %arg10[%swap3A_945, %swap3A_946], %swap3A_949 {strides = array<i32>} : memref<16x128xf32, #tpu.memory_space<vmem>>, vector<1x16xf32>,
    %broadcast_in_dim3A_950 = arith.constant 0.000000e+00 : f32
    %broadcast_in_dim3A_951 = vector.broadcast %broadcast_in_dim3A_950 : f32 to vector<16xf32>
    %swap3A_952 = arith.constant 14 : i32
    %swap3A_953 = arith.index_cast %swap3A_952 : i32 to index
    %swap3A_954 = arith.constant 112 : index
    %swap3A_955 = tpu.vector_load %arg10[%swap3A_953, %swap3A_954] {strides = array<i32>} : memref<16x128xf32, #tpu.memory_space<vmem>>, vector<1x16xf32>,
    %swap3A_956 = vector.shape_cast %swap3A_955 : vector<1x16xf32> to vector<16xf32>
    %swap3A_957 = vector.shape_cast %broadcast_in_dim3A_951 : vector<16xf32> to vector<1x16xf32>
    tpu.vector_store %arg10[%swap3A_953, %swap3A_954], %swap3A_957 {strides = array<i32>} : memref<16x128xf32, #tpu.memory_space<vmem>>, vector<1x16xf32>,
    %broadcast_in_dim3A_958 = arith.constant 0.000000e+00 : f32
    %broadcast_in_dim3A_959 = vector.broadcast %broadcast_in_dim3A_958 : f32 to vector<16xf32>
    %swap3A_960 = arith.constant 15 : i32
    %swap3A_961 = arith.index_cast %swap3A_960 : i32 to index
    %swap3A_962 = arith.constant 0 : index
    %swap3A_963 = tpu.vector_load %arg10[%swap3A_961, %swap3A_962] {strides = array<i32>} : memref<16x128xf32, #tpu.memory_space<vmem>>, vector<1x16xf32>,
    %swap3A_964 = vector.shape_cast %swap3A_963 : vector<1x16xf32> to vector<16xf32>
    %swap3A_965 = vector.shape_cast %broadcast_in_dim3A_959 : vector<16xf32> to vector<1x16xf32>
    tpu.vector_store %arg10[%swap3A_961, %swap3A_962], %swap3A_965 {strides = array<i32>} : memref<16x128xf32, #tpu.memory_space<vmem>>, vector<1x16xf32>,
    %broadcast_in_dim3A_966 = arith.constant 0.000000e+00 : f32
    %broadcast_in_dim3A_967 = vector.broadcast %broadcast_in_dim3A_966 : f32 to vector<16xf32>
    %swap3A_968 = arith.constant 15 : i32
    %swap3A_969 = arith.index_cast %swap3A_968 : i32 to index
    %swap3A_970 = arith.constant 16 : index
    %swap3A_971 = tpu.vector_load %arg10[%swap3A_969, %swap3A_970] {strides = array<i32>} : memref<16x128xf32, #tpu.memory_space<vmem>>, vector<1x16xf32>,
    %swap3A_972 = vector.shape_cast %swap3A_971 : vector<1x16xf32> to vector<16xf32>
    %swap3A_973 = vector.shape_cast %broadcast_in_dim3A_967 : vector<16xf32> to vector<1x16xf32>
    tpu.vector_store %arg10[%swap3A_969, %swap3A_970], %swap3A_973 {strides = array<i32>} : memref<16x128xf32, #tpu.memory_space<vmem>>, vector<1x16xf32>,
    %broadcast_in_dim3A_974 = arith.constant 0.000000e+00 : f32
    %broadcast_in_dim3A_975 = vector.broadcast %broadcast_in_dim3A_974 : f32 to vector<16xf32>
    %swap3A_976 = arith.constant 15 : i32
    %swap3A_977 = arith.index_cast %swap3A_976 : i32 to index
    %swap3A_978 = arith.constant 32 : index
    %swap3A_979 = tpu.vector_load %arg10[%swap3A_977, %swap3A_978] {strides = array<i32>} : memref<16x128xf32, #tpu.memory_space<vmem>>, vector<1x16xf32>,
    %swap3A_980 = vector.shape_cast %swap3A_979 : vector<1x16xf32> to vector<16xf32>
    %swap3A_981 = vector.shape_cast %broadcast_in_dim3A_975 : vector<16xf32> to vector<1x16xf32>
    tpu.vector_store %arg10[%swap3A_977, %swap3A_978], %swap3A_981 {strides = array<i32>} : memref<16x128xf32, #tpu.memory_space<vmem>>, vector<1x16xf32>,
    %broadcast_in_dim3A_982 = arith.constant 0.000000e+00 : f32
    %broadcast_in_dim3A_983 = vector.broadcast %broadcast_in_dim3A_982 : f32 to vector<16xf32>
    %swap3A_984 = arith.constant 15 : i32
    %swap3A_985 = arith.index_cast %swap3A_984 : i32 to index
    %swap3A_986 = arith.constant 48 : index
    %swap3A_987 = tpu.vector_load %arg10[%swap3A_985, %swap3A_986] {strides = array<i32>} : memref<16x128xf32, #tpu.memory_space<vmem>>, vector<1x16xf32>,
    %swap3A_988 = vector.shape_cast %swap3A_987 : vector<1x16xf32> to vector<16xf32>
    %swap3A_989 = vector.shape_cast %broadcast_in_dim3A_983 : vector<16xf32> to vector<1x16xf32>
    tpu.vector_store %arg10[%swap3A_985, %swap3A_986], %swap3A_989 {strides = array<i32>} : memref<16x128xf32, #tpu.memory_space<vmem>>, vector<1x16xf32>,
    %broadcast_in_dim3A_990 = arith.constant 0.000000e+00 : f32
    %broadcast_in_dim3A_991 = vector.broadcast %broadcast_in_dim3A_990 : f32 to vector<16xf32>
    %swap3A_992 = arith.constant 15 : i32
    %swap3A_993 = arith.index_cast %swap3A_992 : i32 to index
    %swap3A_994 = arith.constant 64 : index
    %swap3A_995 = tpu.vector_load %arg10[%swap3A_993, %swap3A_994] {strides = array<i32>} : memref<16x128xf32, #tpu.memory_space<vmem>>, vector<1x16xf32>,
    %swap3A_996 = vector.shape_cast %swap3A_995 : vector<1x16xf32> to vector<16xf32>
    %swap3A_997 = vector.shape_cast %broadcast_in_dim3A_991 : vector<16xf32> to vector<1x16xf32>
    tpu.vector_store %arg10[%swap3A_993, %swap3A_994], %swap3A_997 {strides = array<i32>} : memref<16x128xf32, #tpu.memory_space<vmem>>, vector<1x16xf32>,
    %broadcast_in_dim3A_998 = arith.constant 0.000000e+00 : f32
    %broadcast_in_dim3A_999 = vector.broadcast %broadcast_in_dim3A_998 : f32 to vector<16xf32>
    %swap3A_1000 = arith.constant 15 : i32
    %swap3A_1001 = arith.index_cast %swap3A_1000 : i32 to index
    %swap3A_1002 = arith.constant 80 : index
    %swap3A_1003 = tpu.vector_load %arg10[%swap3A_1001, %swap3A_1002] {strides = array<i32>} : memref<16x128xf32, #tpu.memory_space<vmem>>, vector<1x16xf32>,
    %swap3A_1004 = vector.shape_cast %swap3A_1003 : vector<1x16xf32> to vector<16xf32>
    %swap3A_1005 = vector.shape_cast %broadcast_in_dim3A_999 : vector<16xf32> to vector<1x16xf32>
    tpu.vector_store %arg10[%swap3A_1001, %swap3A_1002], %swap3A_1005 {strides = array<i32>} : memref<16x128xf32, #tpu.memory_space<vmem>>, vector<1x16xf32>,
    %broadcast_in_dim3A_1006 = arith.constant 0.000000e+00 : f32
    %broadcast_in_dim3A_1007 = vector.broadcast %broadcast_in_dim3A_1006 : f32 to vector<16xf32>
    %swap3A_1008 = arith.constant 15 : i32
    %swap3A_1009 = arith.index_cast %swap3A_1008 : i32 to index
    %swap3A_1010 = arith.constant 96 : index
    %swap3A_1011 = tpu.vector_load %arg10[%swap3A_1009, %swap3A_1010] {strides = array<i32>} : memref<16x128xf32, #tpu.memory_space<vmem>>, vector<1x16xf32>,
    %swap3A_1012 = vector.shape_cast %swap3A_1011 : vector<1x16xf32> to vector<16xf32>
    %swap3A_1013 = vector.shape_cast %broadcast_in_dim3A_1007 : vector<16xf32> to vector<1x16xf32>
    tpu.vector_store %arg10[%swap3A_1009, %swap3A_1010], %swap3A_1013 {strides = array<i32>} : memref<16x128xf32, #tpu.memory_space<vmem>>, vector<1x16xf32>,
    %broadcast_in_dim3A_1014 = arith.constant 0.000000e+00 : f32
    %broadcast_in_dim3A_1015 = vector.broadcast %broadcast_in_dim3A_1014 : f32 to vector<16xf32>
    %swap3A_1016 = arith.constant 15 : i32
    %swap3A_1017 = arith.index_cast %swap3A_1016 : i32 to index
    %swap3A_1018 = arith.constant 112 : index
    %swap3A_1019 = tpu.vector_load %arg10[%swap3A_1017, %swap3A_1018] {strides = array<i32>} : memref<16x128xf32, #tpu.memory_space<vmem>>, vector<1x16xf32>,
    %swap3A_1020 = vector.shape_cast %swap3A_1019 : vector<1x16xf32> to vector<16xf32>
    %swap3A_1021 = vector.shape_cast %broadcast_in_dim3A_1015 : vector<16xf32> to vector<1x16xf32>
    tpu.vector_store %arg10[%swap3A_1017, %swap3A_1018], %swap3A_1021 {strides = array<i32>} : memref<16x128xf32, #tpu.memory_space<vmem>>, vector<1x16xf32>,
    %add3A = arith.constant 0 : i32
    %add3A_1022 = arith.addi %arg0, %add3A : i32
    %mul3A = arith.constant 12544 : i32
    %mul3A_1023 = arith.muli %add3A_1022, %mul3A : i32
    %mul3A_1024 = arith.constant 784 : i32
    %mul3A_1025 = arith.muli %arg1, %mul3A_1024 : i32
    %add3A_1026 = arith.constant 0 : i32
    %add3A_1027 = arith.addi %mul3A_1025, %add3A_1026 : i32
    "tpu.region"() ({
      %run_scoped3A = tpu.sem_alloc : memref<!tpu.dma_semaphore, #tpu.memory_space<semaphore_mem>>
      %dma_start3A = arith.constant 0 : i32
      %dma_start3A_1448 = tpu.memref_slice %arg11[%add3A_1027, %dma_start3A] : memref<12560x128xf32, #tpu.memory_space<vmem_shared>> -> memref<16x128xf32, #tpu.memory_space<vmem_shared>>
      %dma_start3A_1449 = arith.constant 0 : i32
      %dma_start3A_1450 = tpu.memref_slice %arg11[%add3A_1027, %dma_start3A_1449] : memref<12560x128xf32, #tpu.memory_space<vmem_shared>> -> memref<16x128xf32, #tpu.memory_space<vmem_shared>>
      tpu.enqueue_dma source(%arg10 : memref<16x128xf32, #tpu.memory_space<vmem>>) target(%dma_start3A_1450 : memref<16x128xf32, #tpu.memory_space<vmem_shared>>) target_semaphore(%run_scoped3A : memref<!tpu.dma_semaphore, #tpu.memory_space<semaphore_mem>>)
      %dma_wait3A = arith.constant 0 : i32
      %dma_wait3A_1451 = tpu.memref_slice %arg11[%add3A_1027, %dma_wait3A] : memref<12560x128xf32, #tpu.memory_space<vmem_shared>> -> memref<16x128xf32, #tpu.memory_space<vmem_shared>>
      %dma_wait3A_1452 = arith.constant 0 : i32
      %dma_wait3A_1453 = tpu.memref_slice %arg11[%add3A_1027, %dma_wait3A_1452] : memref<12560x128xf32, #tpu.memory_space<vmem_shared>> -> memref<16x128xf32, #tpu.memory_space<vmem_shared>>
      tpu.wait_dma2 semaphore(%run_scoped3A : memref<!tpu.dma_semaphore, #tpu.memory_space<semaphore_mem>>) src(%arg10 : memref<16x128xf32, #tpu.memory_space<vmem>>) dst(%dma_wait3A_1453 : memref<16x128xf32, #tpu.memory_space<vmem_shared>>)
      tpu.yield
    }) : () -> ()
    %mul3A_1028 = arith.constant 784 : i32
    %mul3A_1029 = arith.muli %arg1, %mul3A_1028 : i32
    %add3A_1030 = arith.constant 16 : i32
    %add3A_1031 = arith.addi %mul3A_1029, %add3A_1030 : i32
    "tpu.region"() ({
      %run_scoped3A = tpu.sem_alloc : memref<!tpu.dma_semaphore, #tpu.memory_space<semaphore_mem>>
      %dma_start3A = arith.constant 0 : i32
      %dma_start3A_1448 = tpu.memref_slice %arg11[%add3A_1031, %dma_start3A] : memref<12560x128xf32, #tpu.memory_space<vmem_shared>> -> memref<16x128xf32, #tpu.memory_space<vmem_shared>>
      %dma_start3A_1449 = arith.constant 0 : i32
      %dma_start3A_1450 = tpu.memref_slice %arg11[%add3A_1031, %dma_start3A_1449] : memref<12560x128xf32, #tpu.memory_space<vmem_shared>> -> memref<16x128xf32, #tpu.memory_space<vmem_shared>>
      tpu.enqueue_dma source(%arg10 : memref<16x128xf32, #tpu.memory_space<vmem>>) target(%dma_start3A_1450 : memref<16x128xf32, #tpu.memory_space<vmem_shared>>) target_semaphore(%run_scoped3A : memref<!tpu.dma_semaphore, #tpu.memory_space<semaphore_mem>>)
      %dma_wait3A = arith.constant 0 : i32
      %dma_wait3A_1451 = tpu.memref_slice %arg11[%add3A_1031, %dma_wait3A] : memref<12560x128xf32, #tpu.memory_space<vmem_shared>> -> memref<16x128xf32, #tpu.memory_space<vmem_shared>>
      %dma_wait3A_1452 = arith.constant 0 : i32
      %dma_wait3A_1453 = tpu.memref_slice %arg11[%add3A_1031, %dma_wait3A_1452] : memref<12560x128xf32, #tpu.memory_space<vmem_shared>> -> memref<16x128xf32, #tpu.memory_space<vmem_shared>>
      tpu.wait_dma2 semaphore(%run_scoped3A : memref<!tpu.dma_semaphore, #tpu.memory_space<semaphore_mem>>) src(%arg10 : memref<16x128xf32, #tpu.memory_space<vmem>>) dst(%dma_wait3A_1453 : memref<16x128xf32, #tpu.memory_space<vmem_shared>>)
      tpu.yield
    }) : () -> ()
    %mul3A_1032 = arith.constant 784 : i32
    %mul3A_1033 = arith.muli %arg1, %mul3A_1032 : i32
    %add3A_1034 = arith.constant 32 : i32
    %add3A_1035 = arith.addi %mul3A_1033, %add3A_1034 : i32
    "tpu.region"() ({
      %run_scoped3A = tpu.sem_alloc : memref<!tpu.dma_semaphore, #tpu.memory_space<semaphore_mem>>
      %dma_start3A = arith.constant 0 : i32
      %dma_start3A_1448 = tpu.memref_slice %arg11[%add3A_1035, %dma_start3A] : memref<12560x128xf32, #tpu.memory_space<vmem_shared>> -> memref<16x128xf32, #tpu.memory_space<vmem_shared>>
      %dma_start3A_1449 = arith.constant 0 : i32
      %dma_start3A_1450 = tpu.memref_slice %arg11[%add3A_1035, %dma_start3A_1449] : memref<12560x128xf32, #tpu.memory_space<vmem_shared>> -> memref<16x128xf32, #tpu.memory_space<vmem_shared>>
      tpu.enqueue_dma source(%arg10 : memref<16x128xf32, #tpu.memory_space<vmem>>) target(%dma_start3A_1450 : memref<16x128xf32, #tpu.memory_space<vmem_shared>>) target_semaphore(%run_scoped3A : memref<!tpu.dma_semaphore, #tpu.memory_space<semaphore_mem>>)
      %dma_wait3A = arith.constant 0 : i32
      %dma_wait3A_1451 = tpu.memref_slice %arg11[%add3A_1035, %dma_wait3A] : memref<12560x128xf32, #tpu.memory_space<vmem_shared>> -> memref<16x128xf32, #tpu.memory_space<vmem_shared>>
      %dma_wait3A_1452 = arith.constant 0 : i32
      %dma_wait3A_1453 = tpu.memref_slice %arg11[%add3A_1035, %dma_wait3A_1452] : memref<12560x128xf32, #tpu.memory_space<vmem_shared>> -> memref<16x128xf32, #tpu.memory_space<vmem_shared>>
      tpu.wait_dma2 semaphore(%run_scoped3A : memref<!tpu.dma_semaphore, #tpu.memory_space<semaphore_mem>>) src(%arg10 : memref<16x128xf32, #tpu.memory_space<vmem>>) dst(%dma_wait3A_1453 : memref<16x128xf32, #tpu.memory_space<vmem_shared>>)
      tpu.yield
    }) : () -> ()
    %mul3A_1036 = arith.constant 784 : i32
    %mul3A_1037 = arith.muli %arg1, %mul3A_1036 : i32
    %add3A_1038 = arith.constant 48 : i32
    %add3A_1039 = arith.addi %mul3A_1037, %add3A_1038 : i32
    "tpu.region"() ({
      %run_scoped3A = tpu.sem_alloc : memref<!tpu.dma_semaphore, #tpu.memory_space<semaphore_mem>>
      %dma_start3A = arith.constant 0 : i32
      %dma_start3A_1448 = tpu.memref_slice %arg11[%add3A_1039, %dma_start3A] : memref<12560x128xf32, #tpu.memory_space<vmem_shared>> -> memref<16x128xf32, #tpu.memory_space<vmem_shared>>
      %dma_start3A_1449 = arith.constant 0 : i32
      %dma_start3A_1450 = tpu.memref_slice %arg11[%add3A_1039, %dma_start3A_1449] : memref<12560x128xf32, #tpu.memory_space<vmem_shared>> -> memref<16x128xf32, #tpu.memory_space<vmem_shared>>
      tpu.enqueue_dma source(%arg10 : memref<16x128xf32, #tpu.memory_space<vmem>>) target(%dma_start3A_1450 : memref<16x128xf32, #tpu.memory_space<vmem_shared>>) target_semaphore(%run_scoped3A : memref<!tpu.dma_semaphore, #tpu.memory_space<semaphore_mem>>)
      %dma_wait3A = arith.constant 0 : i32
      %dma_wait3A_1451 = tpu.memref_slice %arg11[%add3A_1039, %dma_wait3A] : memref<12560x128xf32, #tpu.memory_space<vmem_shared>> -> memref<16x128xf32, #tpu.memory_space<vmem_shared>>
      %dma_wait3A_1452 = arith.constant 0 : i32
      %dma_wait3A_1453 = tpu.memref_slice %arg11[%add3A_1039, %dma_wait3A_1452] : memref<12560x128xf32, #tpu.memory_space<vmem_shared>> -> memref<16x128xf32, #tpu.memory_space<vmem_shared>>
      tpu.wait_dma2 semaphore(%run_scoped3A : memref<!tpu.dma_semaphore, #tpu.memory_space<semaphore_mem>>) src(%arg10 : memref<16x128xf32, #tpu.memory_space<vmem>>) dst(%dma_wait3A_1453 : memref<16x128xf32, #tpu.memory_space<vmem_shared>>)
      tpu.yield
    }) : () -> ()
    %mul3A_1040 = arith.constant 784 : i32
    %mul3A_1041 = arith.muli %arg1, %mul3A_1040 : i32
    %add3A_1042 = arith.constant 64 : i32
    %add3A_1043 = arith.addi %mul3A_1041, %add3A_1042 : i32
    "tpu.region"() ({
      %run_scoped3A = tpu.sem_alloc : memref<!tpu.dma_semaphore, #tpu.memory_space<semaphore_mem>>
      %dma_start3A = arith.constant 0 : i32
      %dma_start3A_1448 = tpu.memref_slice %arg11[%add3A_1043, %dma_start3A] : memref<12560x128xf32, #tpu.memory_space<vmem_shared>> -> memref<16x128xf32, #tpu.memory_space<vmem_shared>>
      %dma_start3A_1449 = arith.constant 0 : i32
      %dma_start3A_1450 = tpu.memref_slice %arg11[%add3A_1043, %dma_start3A_1449] : memref<12560x128xf32, #tpu.memory_space<vmem_shared>> -> memref<16x128xf32, #tpu.memory_space<vmem_shared>>
      tpu.enqueue_dma source(%arg10 : memref<16x128xf32, #tpu.memory_space<vmem>>) target(%dma_start3A_1450 : memref<16x128xf32, #tpu.memory_space<vmem_shared>>) target_semaphore(%run_scoped3A : memref<!tpu.dma_semaphore, #tpu.memory_space<semaphore_mem>>)
      %dma_wait3A = arith.constant 0 : i32
      %dma_wait3A_1451 = tpu.memref_slice %arg11[%add3A_1043, %dma_wait3A] : memref<12560x128xf32, #tpu.memory_space<vmem_shared>> -> memref<16x128xf32, #tpu.memory_space<vmem_shared>>
      %dma_wait3A_1452 = arith.constant 0 : i32
      %dma_wait3A_1453 = tpu.memref_slice %arg11[%add3A_1043, %dma_wait3A_1452] : memref<12560x128xf32, #tpu.memory_space<vmem_shared>> -> memref<16x128xf32, #tpu.memory_space<vmem_shared>>
      tpu.wait_dma2 semaphore(%run_scoped3A : memref<!tpu.dma_semaphore, #tpu.memory_space<semaphore_mem>>) src(%arg10 : memref<16x128xf32, #tpu.memory_space<vmem>>) dst(%dma_wait3A_1453 : memref<16x128xf32, #tpu.memory_space<vmem_shared>>)
      tpu.yield
    }) : () -> ()
    %mul3A_1044 = arith.constant 784 : i32
    %mul3A_1045 = arith.muli %arg1, %mul3A_1044 : i32
    %add3A_1046 = arith.constant 80 : i32
    %add3A_1047 = arith.addi %mul3A_1045, %add3A_1046 : i32
    "tpu.region"() ({
      %run_scoped3A = tpu.sem_alloc : memref<!tpu.dma_semaphore, #tpu.memory_space<semaphore_mem>>
      %dma_start3A = arith.constant 0 : i32
      %dma_start3A_1448 = tpu.memref_slice %arg11[%add3A_1047, %dma_start3A] : memref<12560x128xf32, #tpu.memory_space<vmem_shared>> -> memref<16x128xf32, #tpu.memory_space<vmem_shared>>
      %dma_start3A_1449 = arith.constant 0 : i32
      %dma_start3A_1450 = tpu.memref_slice %arg11[%add3A_1047, %dma_start3A_1449] : memref<12560x128xf32, #tpu.memory_space<vmem_shared>> -> memref<16x128xf32, #tpu.memory_space<vmem_shared>>
      tpu.enqueue_dma source(%arg10 : memref<16x128xf32, #tpu.memory_space<vmem>>) target(%dma_start3A_1450 : memref<16x128xf32, #tpu.memory_space<vmem_shared>>) target_semaphore(%run_scoped3A : memref<!tpu.dma_semaphore, #tpu.memory_space<semaphore_mem>>)
      %dma_wait3A = arith.constant 0 : i32
      %dma_wait3A_1451 = tpu.memref_slice %arg11[%add3A_1047, %dma_wait3A] : memref<12560x128xf32, #tpu.memory_space<vmem_shared>> -> memref<16x128xf32, #tpu.memory_space<vmem_shared>>
      %dma_wait3A_1452 = arith.constant 0 : i32
      %dma_wait3A_1453 = tpu.memref_slice %arg11[%add3A_1047, %dma_wait3A_1452] : memref<12560x128xf32, #tpu.memory_space<vmem_shared>> -> memref<16x128xf32, #tpu.memory_space<vmem_shared>>
      tpu.wait_dma2 semaphore(%run_scoped3A : memref<!tpu.dma_semaphore, #tpu.memory_space<semaphore_mem>>) src(%arg10 : memref<16x128xf32, #tpu.memory_space<vmem>>) dst(%dma_wait3A_1453 : memref<16x128xf32, #tpu.memory_space<vmem_shared>>)
      tpu.yield
    }) : () -> ()
    %mul3A_1048 = arith.constant 784 : i32
    %mul3A_1049 = arith.muli %arg1, %mul3A_1048 : i32
    %add3A_1050 = arith.constant 96 : i32
    %add3A_1051 = arith.addi %mul3A_1049, %add3A_1050 : i32
    "tpu.region"() ({
      %run_scoped3A = tpu.sem_alloc : memref<!tpu.dma_semaphore, #tpu.memory_space<semaphore_mem>>
      %dma_start3A = arith.constant 0 : i32
      %dma_start3A_1448 = tpu.memref_slice %arg11[%add3A_1051, %dma_start3A] : memref<12560x128xf32, #tpu.memory_space<vmem_shared>> -> memref<16x128xf32, #tpu.memory_space<vmem_shared>>
      %dma_start3A_1449 = arith.constant 0 : i32
      %dma_start3A_1450 = tpu.memref_slice %arg11[%add3A_1051, %dma_start3A_1449] : memref<12560x128xf32, #tpu.memory_space<vmem_shared>> -> memref<16x128xf32, #tpu.memory_space<vmem_shared>>
      tpu.enqueue_dma source(%arg10 : memref<16x128xf32, #tpu.memory_space<vmem>>) target(%dma_start3A_1450 : memref<16x128xf32, #tpu.memory_space<vmem_shared>>) target_semaphore(%run_scoped3A : memref<!tpu.dma_semaphore, #tpu.memory_space<semaphore_mem>>)
      %dma_wait3A = arith.constant 0 : i32
      %dma_wait3A_1451 = tpu.memref_slice %arg11[%add3A_1051, %dma_wait3A] : memref<12560x128xf32, #tpu.memory_space<vmem_shared>> -> memref<16x128xf32, #tpu.memory_space<vmem_shared>>
      %dma_wait3A_1452 = arith.constant 0 : i32
      %dma_wait3A_1453 = tpu.memref_slice %arg11[%add3A_1051, %dma_wait3A_1452] : memref<12560x128xf32, #tpu.memory_space<vmem_shared>> -> memref<16x128xf32, #tpu.memory_space<vmem_shared>>
      tpu.wait_dma2 semaphore(%run_scoped3A : memref<!tpu.dma_semaphore, #tpu.memory_space<semaphore_mem>>) src(%arg10 : memref<16x128xf32, #tpu.memory_space<vmem>>) dst(%dma_wait3A_1453 : memref<16x128xf32, #tpu.memory_space<vmem_shared>>)
      tpu.yield
    }) : () -> ()
    %mul3A_1052 = arith.constant 784 : i32
    %mul3A_1053 = arith.muli %arg1, %mul3A_1052 : i32
    %add3A_1054 = arith.constant 112 : i32
    %add3A_1055 = arith.addi %mul3A_1053, %add3A_1054 : i32
    "tpu.region"() ({
      %run_scoped3A = tpu.sem_alloc : memref<!tpu.dma_semaphore, #tpu.memory_space<semaphore_mem>>
      %dma_start3A = arith.constant 0 : i32
      %dma_start3A_1448 = tpu.memref_slice %arg11[%add3A_1055, %dma_start3A] : memref<12560x128xf32, #tpu.memory_space<vmem_shared>> -> memref<16x128xf32, #tpu.memory_space<vmem_shared>>
      %dma_start3A_1449 = arith.constant 0 : i32
      %dma_start3A_1450 = tpu.memref_slice %arg11[%add3A_1055, %dma_start3A_1449] : memref<12560x128xf32, #tpu.memory_space<vmem_shared>> -> memref<16x128xf32, #tpu.memory_space<vmem_shared>>
      tpu.enqueue_dma source(%arg10 : memref<16x128xf32, #tpu.memory_space<vmem>>) target(%dma_start3A_1450 : memref<16x128xf32, #tpu.memory_space<vmem_shared>>) target_semaphore(%run_scoped3A : memref<!tpu.dma_semaphore, #tpu.memory_space<semaphore_mem>>)
      %dma_wait3A = arith.constant 0 : i32
      %dma_wait3A_1451 = tpu.memref_slice %arg11[%add3A_1055, %dma_wait3A] : memref<12560x128xf32, #tpu.memory_space<vmem_shared>> -> memref<16x128xf32, #tpu.memory_space<vmem_shared>>
      %dma_wait3A_1452 = arith.constant 0 : i32
      %dma_wait3A_1453 = tpu.memref_slice %arg11[%add3A_1055, %dma_wait3A_1452] : memref<12560x128xf32, #tpu.memory_space<vmem_shared>> -> memref<16x128xf32, #tpu.memory_space<vmem_shared>>
      tpu.wait_dma2 semaphore(%run_scoped3A : memref<!tpu.dma_semaphore, #tpu.memory_space<semaphore_mem>>) src(%arg10 : memref<16x128xf32, #tpu.memory_space<vmem>>) dst(%dma_wait3A_1453 : memref<16x128xf32, #tpu.memory_space<vmem_shared>>)
      tpu.yield
    }) : () -> ()
    %mul3A_1056 = arith.constant 784 : i32
    %mul3A_1057 = arith.muli %arg1, %mul3A_1056 : i32
    %add3A_1058 = arith.constant 128 : i32
    %add3A_1059 = arith.addi %mul3A_1057, %add3A_1058 : i32
    "tpu.region"() ({
      %run_scoped3A = tpu.sem_alloc : memref<!tpu.dma_semaphore, #tpu.memory_space<semaphore_mem>>
      %dma_start3A = arith.constant 0 : i32
      %dma_start3A_1448 = tpu.memref_slice %arg11[%add3A_1059, %dma_start3A] : memref<12560x128xf32, #tpu.memory_space<vmem_shared>> -> memref<16x128xf32, #tpu.memory_space<vmem_shared>>
      %dma_start3A_1449 = arith.constant 0 : i32
      %dma_start3A_1450 = tpu.memref_slice %arg11[%add3A_1059, %dma_start3A_1449] : memref<12560x128xf32, #tpu.memory_space<vmem_shared>> -> memref<16x128xf32, #tpu.memory_space<vmem_shared>>
      tpu.enqueue_dma source(%arg10 : memref<16x128xf32, #tpu.memory_space<vmem>>) target(%dma_start3A_1450 : memref<16x128xf32, #tpu.memory_space<vmem_shared>>) target_semaphore(%run_scoped3A : memref<!tpu.dma_semaphore, #tpu.memory_space<semaphore_mem>>)
      %dma_wait3A = arith.constant 0 : i32
      %dma_wait3A_1451 = tpu.memref_slice %arg11[%add3A_1059, %dma_wait3A] : memref<12560x128xf32, #tpu.memory_space<vmem_shared>> -> memref<16x128xf32, #tpu.memory_space<vmem_shared>>
      %dma_wait3A_1452 = arith.constant 0 : i32
      %dma_wait3A_1453 = tpu.memref_slice %arg11[%add3A_1059, %dma_wait3A_1452] : memref<12560x128xf32, #tpu.memory_space<vmem_shared>> -> memref<16x128xf32, #tpu.memory_space<vmem_shared>>
      tpu.wait_dma2 semaphore(%run_scoped3A : memref<!tpu.dma_semaphore, #tpu.memory_space<semaphore_mem>>) src(%arg10 : memref<16x128xf32, #tpu.memory_space<vmem>>) dst(%dma_wait3A_1453 : memref<16x128xf32, #tpu.memory_space<vmem_shared>>)
      tpu.yield
    }) : () -> ()
    %mul3A_1060 = arith.constant 784 : i32
    %mul3A_1061 = arith.muli %arg1, %mul3A_1060 : i32
    %add3A_1062 = arith.constant 144 : i32
    %add3A_1063 = arith.addi %mul3A_1061, %add3A_1062 : i32
    "tpu.region"() ({
      %run_scoped3A = tpu.sem_alloc : memref<!tpu.dma_semaphore, #tpu.memory_space<semaphore_mem>>
      %dma_start3A = arith.constant 0 : i32
      %dma_start3A_1448 = tpu.memref_slice %arg11[%add3A_1063, %dma_start3A] : memref<12560x128xf32, #tpu.memory_space<vmem_shared>> -> memref<16x128xf32, #tpu.memory_space<vmem_shared>>
      %dma_start3A_1449 = arith.constant 0 : i32
      %dma_start3A_1450 = tpu.memref_slice %arg11[%add3A_1063, %dma_start3A_1449] : memref<12560x128xf32, #tpu.memory_space<vmem_shared>> -> memref<16x128xf32, #tpu.memory_space<vmem_shared>>
      tpu.enqueue_dma source(%arg10 : memref<16x128xf32, #tpu.memory_space<vmem>>) target(%dma_start3A_1450 : memref<16x128xf32, #tpu.memory_space<vmem_shared>>) target_semaphore(%run_scoped3A : memref<!tpu.dma_semaphore, #tpu.memory_space<semaphore_mem>>)
      %dma_wait3A = arith.constant 0 : i32
      %dma_wait3A_1451 = tpu.memref_slice %arg11[%add3A_1063, %dma_wait3A] : memref<12560x128xf32, #tpu.memory_space<vmem_shared>> -> memref<16x128xf32, #tpu.memory_space<vmem_shared>>
      %dma_wait3A_1452 = arith.constant 0 : i32
      %dma_wait3A_1453 = tpu.memref_slice %arg11[%add3A_1063, %dma_wait3A_1452] : memref<12560x128xf32, #tpu.memory_space<vmem_shared>> -> memref<16x128xf32, #tpu.memory_space<vmem_shared>>
      tpu.wait_dma2 semaphore(%run_scoped3A : memref<!tpu.dma_semaphore, #tpu.memory_space<semaphore_mem>>) src(%arg10 : memref<16x128xf32, #tpu.memory_space<vmem>>) dst(%dma_wait3A_1453 : memref<16x128xf32, #tpu.memory_space<vmem_shared>>)
      tpu.yield
    }) : () -> ()
    %mul3A_1064 = arith.constant 784 : i32
    %mul3A_1065 = arith.muli %arg1, %mul3A_1064 : i32
    %add3A_1066 = arith.constant 160 : i32
    %add3A_1067 = arith.addi %mul3A_1065, %add3A_1066 : i32
    "tpu.region"() ({
      %run_scoped3A = tpu.sem_alloc : memref<!tpu.dma_semaphore, #tpu.memory_space<semaphore_mem>>
      %dma_start3A = arith.constant 0 : i32
      %dma_start3A_1448 = tpu.memref_slice %arg11[%add3A_1067, %dma_start3A] : memref<12560x128xf32, #tpu.memory_space<vmem_shared>> -> memref<16x128xf32, #tpu.memory_space<vmem_shared>>
      %dma_start3A_1449 = arith.constant 0 : i32
      %dma_start3A_1450 = tpu.memref_slice %arg11[%add3A_1067, %dma_start3A_1449] : memref<12560x128xf32, #tpu.memory_space<vmem_shared>> -> memref<16x128xf32, #tpu.memory_space<vmem_shared>>
      tpu.enqueue_dma source(%arg10 : memref<16x128xf32, #tpu.memory_space<vmem>>) target(%dma_start3A_1450 : memref<16x128xf32, #tpu.memory_space<vmem_shared>>) target_semaphore(%run_scoped3A : memref<!tpu.dma_semaphore, #tpu.memory_space<semaphore_mem>>)
      %dma_wait3A = arith.constant 0 : i32
      %dma_wait3A_1451 = tpu.memref_slice %arg11[%add3A_1067, %dma_wait3A] : memref<12560x128xf32, #tpu.memory_space<vmem_shared>> -> memref<16x128xf32, #tpu.memory_space<vmem_shared>>
      %dma_wait3A_1452 = arith.constant 0 : i32
      %dma_wait3A_1453 = tpu.memref_slice %arg11[%add3A_1067, %dma_wait3A_1452] : memref<12560x128xf32, #tpu.memory_space<vmem_shared>> -> memref<16x128xf32, #tpu.memory_space<vmem_shared>>
      tpu.wait_dma2 semaphore(%run_scoped3A : memref<!tpu.dma_semaphore, #tpu.memory_space<semaphore_mem>>) src(%arg10 : memref<16x128xf32, #tpu.memory_space<vmem>>) dst(%dma_wait3A_1453 : memref<16x128xf32, #tpu.memory_space<vmem_shared>>)
      tpu.yield
    }) : () -> ()
    %mul3A_1068 = arith.constant 784 : i32
    %mul3A_1069 = arith.muli %arg1, %mul3A_1068 : i32
    %add3A_1070 = arith.constant 176 : i32
    %add3A_1071 = arith.addi %mul3A_1069, %add3A_1070 : i32
    "tpu.region"() ({
      %run_scoped3A = tpu.sem_alloc : memref<!tpu.dma_semaphore, #tpu.memory_space<semaphore_mem>>
      %dma_start3A = arith.constant 0 : i32
      %dma_start3A_1448 = tpu.memref_slice %arg11[%add3A_1071, %dma_start3A] : memref<12560x128xf32, #tpu.memory_space<vmem_shared>> -> memref<16x128xf32, #tpu.memory_space<vmem_shared>>
      %dma_start3A_1449 = arith.constant 0 : i32
      %dma_start3A_1450 = tpu.memref_slice %arg11[%add3A_1071, %dma_start3A_1449] : memref<12560x128xf32, #tpu.memory_space<vmem_shared>> -> memref<16x128xf32, #tpu.memory_space<vmem_shared>>
      tpu.enqueue_dma source(%arg10 : memref<16x128xf32, #tpu.memory_space<vmem>>) target(%dma_start3A_1450 : memref<16x128xf32, #tpu.memory_space<vmem_shared>>) target_semaphore(%run_scoped3A : memref<!tpu.dma_semaphore, #tpu.memory_space<semaphore_mem>>)
      %dma_wait3A = arith.constant 0 : i32
      %dma_wait3A_1451 = tpu.memref_slice %arg11[%add3A_1071, %dma_wait3A] : memref<12560x128xf32, #tpu.memory_space<vmem_shared>> -> memref<16x128xf32, #tpu.memory_space<vmem_shared>>
      %dma_wait3A_1452 = arith.constant 0 : i32
      %dma_wait3A_1453 = tpu.memref_slice %arg11[%add3A_1071, %dma_wait3A_1452] : memref<12560x128xf32, #tpu.memory_space<vmem_shared>> -> memref<16x128xf32, #tpu.memory_space<vmem_shared>>
      tpu.wait_dma2 semaphore(%run_scoped3A : memref<!tpu.dma_semaphore, #tpu.memory_space<semaphore_mem>>) src(%arg10 : memref<16x128xf32, #tpu.memory_space<vmem>>) dst(%dma_wait3A_1453 : memref<16x128xf32, #tpu.memory_space<vmem_shared>>)
      tpu.yield
    }) : () -> ()
    %mul3A_1072 = arith.constant 784 : i32
    %mul3A_1073 = arith.muli %arg1, %mul3A_1072 : i32
    %add3A_1074 = arith.constant 192 : i32
    %add3A_1075 = arith.addi %mul3A_1073, %add3A_1074 : i32
    "tpu.region"() ({
      %run_scoped3A = tpu.sem_alloc : memref<!tpu.dma_semaphore, #tpu.memory_space<semaphore_mem>>
      %dma_start3A = arith.constant 0 : i32
      %dma_start3A_1448 = tpu.memref_slice %arg11[%add3A_1075, %dma_start3A] : memref<12560x128xf32, #tpu.memory_space<vmem_shared>> -> memref<16x128xf32, #tpu.memory_space<vmem_shared>>
      %dma_start3A_1449 = arith.constant 0 : i32
      %dma_start3A_1450 = tpu.memref_slice %arg11[%add3A_1075, %dma_start3A_1449] : memref<12560x128xf32, #tpu.memory_space<vmem_shared>> -> memref<16x128xf32, #tpu.memory_space<vmem_shared>>
      tpu.enqueue_dma source(%arg10 : memref<16x128xf32, #tpu.memory_space<vmem>>) target(%dma_start3A_1450 : memref<16x128xf32, #tpu.memory_space<vmem_shared>>) target_semaphore(%run_scoped3A : memref<!tpu.dma_semaphore, #tpu.memory_space<semaphore_mem>>)
      %dma_wait3A = arith.constant 0 : i32
      %dma_wait3A_1451 = tpu.memref_slice %arg11[%add3A_1075, %dma_wait3A] : memref<12560x128xf32, #tpu.memory_space<vmem_shared>> -> memref<16x128xf32, #tpu.memory_space<vmem_shared>>
      %dma_wait3A_1452 = arith.constant 0 : i32
      %dma_wait3A_1453 = tpu.memref_slice %arg11[%add3A_1075, %dma_wait3A_1452] : memref<12560x128xf32, #tpu.memory_space<vmem_shared>> -> memref<16x128xf32, #tpu.memory_space<vmem_shared>>
      tpu.wait_dma2 semaphore(%run_scoped3A : memref<!tpu.dma_semaphore, #tpu.memory_space<semaphore_mem>>) src(%arg10 : memref<16x128xf32, #tpu.memory_space<vmem>>) dst(%dma_wait3A_1453 : memref<16x128xf32, #tpu.memory_space<vmem_shared>>)
      tpu.yield
    }) : () -> ()
    %mul3A_1076 = arith.constant 784 : i32
    %mul3A_1077 = arith.muli %arg1, %mul3A_1076 : i32
    %add3A_1078 = arith.constant 208 : i32
    %add3A_1079 = arith.addi %mul3A_1077, %add3A_1078 : i32
    "tpu.region"() ({
      %run_scoped3A = tpu.sem_alloc : memref<!tpu.dma_semaphore, #tpu.memory_space<semaphore_mem>>
      %dma_start3A = arith.constant 0 : i32
      %dma_start3A_1448 = tpu.memref_slice %arg11[%add3A_1079, %dma_start3A] : memref<12560x128xf32, #tpu.memory_space<vmem_shared>> -> memref<16x128xf32, #tpu.memory_space<vmem_shared>>
      %dma_start3A_1449 = arith.constant 0 : i32
      %dma_start3A_1450 = tpu.memref_slice %arg11[%add3A_1079, %dma_start3A_1449] : memref<12560x128xf32, #tpu.memory_space<vmem_shared>> -> memref<16x128xf32, #tpu.memory_space<vmem_shared>>
      tpu.enqueue_dma source(%arg10 : memref<16x128xf32, #tpu.memory_space<vmem>>) target(%dma_start3A_1450 : memref<16x128xf32, #tpu.memory_space<vmem_shared>>) target_semaphore(%run_scoped3A : memref<!tpu.dma_semaphore, #tpu.memory_space<semaphore_mem>>)
      %dma_wait3A = arith.constant 0 : i32
      %dma_wait3A_1451 = tpu.memref_slice %arg11[%add3A_1079, %dma_wait3A] : memref<12560x128xf32, #tpu.memory_space<vmem_shared>> -> memref<16x128xf32, #tpu.memory_space<vmem_shared>>
      %dma_wait3A_1452 = arith.constant 0 : i32
      %dma_wait3A_1453 = tpu.memref_slice %arg11[%add3A_1079, %dma_wait3A_1452] : memref<12560x128xf32, #tpu.memory_space<vmem_shared>> -> memref<16x128xf32, #tpu.memory_space<vmem_shared>>
      tpu.wait_dma2 semaphore(%run_scoped3A : memref<!tpu.dma_semaphore, #tpu.memory_space<semaphore_mem>>) src(%arg10 : memref<16x128xf32, #tpu.memory_space<vmem>>) dst(%dma_wait3A_1453 : memref<16x128xf32, #tpu.memory_space<vmem_shared>>)
      tpu.yield
    }) : () -> ()
    %mul3A_1080 = arith.constant 784 : i32
    %mul3A_1081 = arith.muli %arg1, %mul3A_1080 : i32
    %add3A_1082 = arith.constant 224 : i32
    %add3A_1083 = arith.addi %mul3A_1081, %add3A_1082 : i32
    "tpu.region"() ({
      %run_scoped3A = tpu.sem_alloc : memref<!tpu.dma_semaphore, #tpu.memory_space<semaphore_mem>>
      %dma_start3A = arith.constant 0 : i32
      %dma_start3A_1448 = tpu.memref_slice %arg11[%add3A_1083, %dma_start3A] : memref<12560x128xf32, #tpu.memory_space<vmem_shared>> -> memref<16x128xf32, #tpu.memory_space<vmem_shared>>
      %dma_start3A_1449 = arith.constant 0 : i32
      %dma_start3A_1450 = tpu.memref_slice %arg11[%add3A_1083, %dma_start3A_1449] : memref<12560x128xf32, #tpu.memory_space<vmem_shared>> -> memref<16x128xf32, #tpu.memory_space<vmem_shared>>
      tpu.enqueue_dma source(%arg10 : memref<16x128xf32, #tpu.memory_space<vmem>>) target(%dma_start3A_1450 : memref<16x128xf32, #tpu.memory_space<vmem_shared>>) target_semaphore(%run_scoped3A : memref<!tpu.dma_semaphore, #tpu.memory_space<semaphore_mem>>)
      %dma_wait3A = arith.constant 0 : i32
      %dma_wait3A_1451 = tpu.memref_slice %arg11[%add3A_1083, %dma_wait3A] : memref<12560x128xf32, #tpu.memory_space<vmem_shared>> -> memref<16x128xf32, #tpu.memory_space<vmem_shared>>
      %dma_wait3A_1452 = arith.constant 0 : i32
      %dma_wait3A_1453 = tpu.memref_slice %arg11[%add3A_1083, %dma_wait3A_1452] : memref<12560x128xf32, #tpu.memory_space<vmem_shared>> -> memref<16x128xf32, #tpu.memory_space<vmem_shared>>
      tpu.wait_dma2 semaphore(%run_scoped3A : memref<!tpu.dma_semaphore, #tpu.memory_space<semaphore_mem>>) src(%arg10 : memref<16x128xf32, #tpu.memory_space<vmem>>) dst(%dma_wait3A_1453 : memref<16x128xf32, #tpu.memory_space<vmem_shared>>)
      tpu.yield
    }) : () -> ()
    %mul3A_1084 = arith.constant 784 : i32
    %mul3A_1085 = arith.muli %arg1, %mul3A_1084 : i32
    %add3A_1086 = arith.constant 240 : i32
    %add3A_1087 = arith.addi %mul3A_1085, %add3A_1086 : i32
    "tpu.region"() ({
      %run_scoped3A = tpu.sem_alloc : memref<!tpu.dma_semaphore, #tpu.memory_space<semaphore_mem>>
      %dma_start3A = arith.constant 0 : i32
      %dma_start3A_1448 = tpu.memref_slice %arg11[%add3A_1087, %dma_start3A] : memref<12560x128xf32, #tpu.memory_space<vmem_shared>> -> memref<16x128xf32, #tpu.memory_space<vmem_shared>>
      %dma_start3A_1449 = arith.constant 0 : i32
      %dma_start3A_1450 = tpu.memref_slice %arg11[%add3A_1087, %dma_start3A_1449] : memref<12560x128xf32, #tpu.memory_space<vmem_shared>> -> memref<16x128xf32, #tpu.memory_space<vmem_shared>>
      tpu.enqueue_dma source(%arg10 : memref<16x128xf32, #tpu.memory_space<vmem>>) target(%dma_start3A_1450 : memref<16x128xf32, #tpu.memory_space<vmem_shared>>) target_semaphore(%run_scoped3A : memref<!tpu.dma_semaphore, #tpu.memory_space<semaphore_mem>>)
      %dma_wait3A = arith.constant 0 : i32
      %dma_wait3A_1451 = tpu.memref_slice %arg11[%add3A_1087, %dma_wait3A] : memref<12560x128xf32, #tpu.memory_space<vmem_shared>> -> memref<16x128xf32, #tpu.memory_space<vmem_shared>>
      %dma_wait3A_1452 = arith.constant 0 : i32
      %dma_wait3A_1453 = tpu.memref_slice %arg11[%add3A_1087, %dma_wait3A_1452] : memref<12560x128xf32, #tpu.memory_space<vmem_shared>> -> memref<16x128xf32, #tpu.memory_space<vmem_shared>>
      tpu.wait_dma2 semaphore(%run_scoped3A : memref<!tpu.dma_semaphore, #tpu.memory_space<semaphore_mem>>) src(%arg10 : memref<16x128xf32, #tpu.memory_space<vmem>>) dst(%dma_wait3A_1453 : memref<16x128xf32, #tpu.memory_space<vmem_shared>>)
      tpu.yield
    }) : () -> ()
    %mul3A_1088 = arith.constant 784 : i32
    %mul3A_1089 = arith.muli %arg1, %mul3A_1088 : i32
    %add3A_1090 = arith.constant 256 : i32
    %add3A_1091 = arith.addi %mul3A_1089, %add3A_1090 : i32
    "tpu.region"() ({
      %run_scoped3A = tpu.sem_alloc : memref<!tpu.dma_semaphore, #tpu.memory_space<semaphore_mem>>
      %dma_start3A = arith.constant 0 : i32
      %dma_start3A_1448 = tpu.memref_slice %arg11[%add3A_1091, %dma_start3A] : memref<12560x128xf32, #tpu.memory_space<vmem_shared>> -> memref<16x128xf32, #tpu.memory_space<vmem_shared>>
      %dma_start3A_1449 = arith.constant 0 : i32
      %dma_start3A_1450 = tpu.memref_slice %arg11[%add3A_1091, %dma_start3A_1449] : memref<12560x128xf32, #tpu.memory_space<vmem_shared>> -> memref<16x128xf32, #tpu.memory_space<vmem_shared>>
      tpu.enqueue_dma source(%arg10 : memref<16x128xf32, #tpu.memory_space<vmem>>) target(%dma_start3A_1450 : memref<16x128xf32, #tpu.memory_space<vmem_shared>>) target_semaphore(%run_scoped3A : memref<!tpu.dma_semaphore, #tpu.memory_space<semaphore_mem>>)
      %dma_wait3A = arith.constant 0 : i32
      %dma_wait3A_1451 = tpu.memref_slice %arg11[%add3A_1091, %dma_wait3A] : memref<12560x128xf32, #tpu.memory_space<vmem_shared>> -> memref<16x128xf32, #tpu.memory_space<vmem_shared>>
      %dma_wait3A_1452 = arith.constant 0 : i32
      %dma_wait3A_1453 = tpu.memref_slice %arg11[%add3A_1091, %dma_wait3A_1452] : memref<12560x128xf32, #tpu.memory_space<vmem_shared>> -> memref<16x128xf32, #tpu.memory_space<vmem_shared>>
      tpu.wait_dma2 semaphore(%run_scoped3A : memref<!tpu.dma_semaphore, #tpu.memory_space<semaphore_mem>>) src(%arg10 : memref<16x128xf32, #tpu.memory_space<vmem>>) dst(%dma_wait3A_1453 : memref<16x128xf32, #tpu.memory_space<vmem_shared>>)
      tpu.yield
    }) : () -> ()
    %mul3A_1092 = arith.constant 784 : i32
    %mul3A_1093 = arith.muli %arg1, %mul3A_1092 : i32
    %add3A_1094 = arith.constant 272 : i32
    %add3A_1095 = arith.addi %mul3A_1093, %add3A_1094 : i32
    "tpu.region"() ({
      %run_scoped3A = tpu.sem_alloc : memref<!tpu.dma_semaphore, #tpu.memory_space<semaphore_mem>>
      %dma_start3A = arith.constant 0 : i32
      %dma_start3A_1448 = tpu.memref_slice %arg11[%add3A_1095, %dma_start3A] : memref<12560x128xf32, #tpu.memory_space<vmem_shared>> -> memref<16x128xf32, #tpu.memory_space<vmem_shared>>
      %dma_start3A_1449 = arith.constant 0 : i32
      %dma_start3A_1450 = tpu.memref_slice %arg11[%add3A_1095, %dma_start3A_1449] : memref<12560x128xf32, #tpu.memory_space<vmem_shared>> -> memref<16x128xf32, #tpu.memory_space<vmem_shared>>
      tpu.enqueue_dma source(%arg10 : memref<16x128xf32, #tpu.memory_space<vmem>>) target(%dma_start3A_1450 : memref<16x128xf32, #tpu.memory_space<vmem_shared>>) target_semaphore(%run_scoped3A : memref<!tpu.dma_semaphore, #tpu.memory_space<semaphore_mem>>)
      %dma_wait3A = arith.constant 0 : i32
      %dma_wait3A_1451 = tpu.memref_slice %arg11[%add3A_1095, %dma_wait3A] : memref<12560x128xf32, #tpu.memory_space<vmem_shared>> -> memref<16x128xf32, #tpu.memory_space<vmem_shared>>
      %dma_wait3A_1452 = arith.constant 0 : i32
      %dma_wait3A_1453 = tpu.memref_slice %arg11[%add3A_1095, %dma_wait3A_1452] : memref<12560x128xf32, #tpu.memory_space<vmem_shared>> -> memref<16x128xf32, #tpu.memory_space<vmem_shared>>
      tpu.wait_dma2 semaphore(%run_scoped3A : memref<!tpu.dma_semaphore, #tpu.memory_space<semaphore_mem>>) src(%arg10 : memref<16x128xf32, #tpu.memory_space<vmem>>) dst(%dma_wait3A_1453 : memref<16x128xf32, #tpu.memory_space<vmem_shared>>)
      tpu.yield
    }) : () -> ()
    %mul3A_1096 = arith.constant 784 : i32
    %mul3A_1097 = arith.muli %arg1, %mul3A_1096 : i32
    %add3A_1098 = arith.constant 288 : i32
    %add3A_1099 = arith.addi %mul3A_1097, %add3A_1098 : i32
    "tpu.region"() ({
      %run_scoped3A = tpu.sem_alloc : memref<!tpu.dma_semaphore, #tpu.memory_space<semaphore_mem>>
      %dma_start3A = arith.constant 0 : i32
      %dma_start3A_1448 = tpu.memref_slice %arg11[%add3A_1099, %dma_start3A] : memref<12560x128xf32, #tpu.memory_space<vmem_shared>> -> memref<16x128xf32, #tpu.memory_space<vmem_shared>>
      %dma_start3A_1449 = arith.constant 0 : i32
      %dma_start3A_1450 = tpu.memref_slice %arg11[%add3A_1099, %dma_start3A_1449] : memref<12560x128xf32, #tpu.memory_space<vmem_shared>> -> memref<16x128xf32, #tpu.memory_space<vmem_shared>>
      tpu.enqueue_dma source(%arg10 : memref<16x128xf32, #tpu.memory_space<vmem>>) target(%dma_start3A_1450 : memref<16x128xf32, #tpu.memory_space<vmem_shared>>) target_semaphore(%run_scoped3A : memref<!tpu.dma_semaphore, #tpu.memory_space<semaphore_mem>>)
      %dma_wait3A = arith.constant 0 : i32
      %dma_wait3A_1451 = tpu.memref_slice %arg11[%add3A_1099, %dma_wait3A] : memref<12560x128xf32, #tpu.memory_space<vmem_shared>> -> memref<16x128xf32, #tpu.memory_space<vmem_shared>>
      %dma_wait3A_1452 = arith.constant 0 : i32
      %dma_wait3A_1453 = tpu.memref_slice %arg11[%add3A_1099, %dma_wait3A_1452] : memref<12560x128xf32, #tpu.memory_space<vmem_shared>> -> memref<16x128xf32, #tpu.memory_space<vmem_shared>>
      tpu.wait_dma2 semaphore(%run_scoped3A : memref<!tpu.dma_semaphore, #tpu.memory_space<semaphore_mem>>) src(%arg10 : memref<16x128xf32, #tpu.memory_space<vmem>>) dst(%dma_wait3A_1453 : memref<16x128xf32, #tpu.memory_space<vmem_shared>>)
      tpu.yield
    }) : () -> ()
    %mul3A_1100 = arith.constant 784 : i32
    %mul3A_1101 = arith.muli %arg1, %mul3A_1100 : i32
    %add3A_1102 = arith.constant 304 : i32
    %add3A_1103 = arith.addi %mul3A_1101, %add3A_1102 : i32
    "tpu.region"() ({
      %run_scoped3A = tpu.sem_alloc : memref<!tpu.dma_semaphore, #tpu.memory_space<semaphore_mem>>
      %dma_start3A = arith.constant 0 : i32
      %dma_start3A_1448 = tpu.memref_slice %arg11[%add3A_1103, %dma_start3A] : memref<12560x128xf32, #tpu.memory_space<vmem_shared>> -> memref<16x128xf32, #tpu.memory_space<vmem_shared>>
      %dma_start3A_1449 = arith.constant 0 : i32
      %dma_start3A_1450 = tpu.memref_slice %arg11[%add3A_1103, %dma_start3A_1449] : memref<12560x128xf32, #tpu.memory_space<vmem_shared>> -> memref<16x128xf32, #tpu.memory_space<vmem_shared>>
      tpu.enqueue_dma source(%arg10 : memref<16x128xf32, #tpu.memory_space<vmem>>) target(%dma_start3A_1450 : memref<16x128xf32, #tpu.memory_space<vmem_shared>>) target_semaphore(%run_scoped3A : memref<!tpu.dma_semaphore, #tpu.memory_space<semaphore_mem>>)
      %dma_wait3A = arith.constant 0 : i32
      %dma_wait3A_1451 = tpu.memref_slice %arg11[%add3A_1103, %dma_wait3A] : memref<12560x128xf32, #tpu.memory_space<vmem_shared>> -> memref<16x128xf32, #tpu.memory_space<vmem_shared>>
      %dma_wait3A_1452 = arith.constant 0 : i32
      %dma_wait3A_1453 = tpu.memref_slice %arg11[%add3A_1103, %dma_wait3A_1452] : memref<12560x128xf32, #tpu.memory_space<vmem_shared>> -> memref<16x128xf32, #tpu.memory_space<vmem_shared>>
      tpu.wait_dma2 semaphore(%run_scoped3A : memref<!tpu.dma_semaphore, #tpu.memory_space<semaphore_mem>>) src(%arg10 : memref<16x128xf32, #tpu.memory_space<vmem>>) dst(%dma_wait3A_1453 : memref<16x128xf32, #tpu.memory_space<vmem_shared>>)
      tpu.yield
    }) : () -> ()
    %mul3A_1104 = arith.constant 784 : i32
    %mul3A_1105 = arith.muli %arg1, %mul3A_1104 : i32
    %add3A_1106 = arith.constant 320 : i32
    %add3A_1107 = arith.addi %mul3A_1105, %add3A_1106 : i32
    "tpu.region"() ({
      %run_scoped3A = tpu.sem_alloc : memref<!tpu.dma_semaphore, #tpu.memory_space<semaphore_mem>>
      %dma_start3A = arith.constant 0 : i32
      %dma_start3A_1448 = tpu.memref_slice %arg11[%add3A_1107, %dma_start3A] : memref<12560x128xf32, #tpu.memory_space<vmem_shared>> -> memref<16x128xf32, #tpu.memory_space<vmem_shared>>
      %dma_start3A_1449 = arith.constant 0 : i32
      %dma_start3A_1450 = tpu.memref_slice %arg11[%add3A_1107, %dma_start3A_1449] : memref<12560x128xf32, #tpu.memory_space<vmem_shared>> -> memref<16x128xf32, #tpu.memory_space<vmem_shared>>
      tpu.enqueue_dma source(%arg10 : memref<16x128xf32, #tpu.memory_space<vmem>>) target(%dma_start3A_1450 : memref<16x128xf32, #tpu.memory_space<vmem_shared>>) target_semaphore(%run_scoped3A : memref<!tpu.dma_semaphore, #tpu.memory_space<semaphore_mem>>)
      %dma_wait3A = arith.constant 0 : i32
      %dma_wait3A_1451 = tpu.memref_slice %arg11[%add3A_1107, %dma_wait3A] : memref<12560x128xf32, #tpu.memory_space<vmem_shared>> -> memref<16x128xf32, #tpu.memory_space<vmem_shared>>
      %dma_wait3A_1452 = arith.constant 0 : i32
      %dma_wait3A_1453 = tpu.memref_slice %arg11[%add3A_1107, %dma_wait3A_1452] : memref<12560x128xf32, #tpu.memory_space<vmem_shared>> -> memref<16x128xf32, #tpu.memory_space<vmem_shared>>
      tpu.wait_dma2 semaphore(%run_scoped3A : memref<!tpu.dma_semaphore, #tpu.memory_space<semaphore_mem>>) src(%arg10 : memref<16x128xf32, #tpu.memory_space<vmem>>) dst(%dma_wait3A_1453 : memref<16x128xf32, #tpu.memory_space<vmem_shared>>)
      tpu.yield
    }) : () -> ()
    %mul3A_1108 = arith.constant 784 : i32
    %mul3A_1109 = arith.muli %arg1, %mul3A_1108 : i32
    %add3A_1110 = arith.constant 336 : i32
    %add3A_1111 = arith.addi %mul3A_1109, %add3A_1110 : i32
    "tpu.region"() ({
      %run_scoped3A = tpu.sem_alloc : memref<!tpu.dma_semaphore, #tpu.memory_space<semaphore_mem>>
      %dma_start3A = arith.constant 0 : i32
      %dma_start3A_1448 = tpu.memref_slice %arg11[%add3A_1111, %dma_start3A] : memref<12560x128xf32, #tpu.memory_space<vmem_shared>> -> memref<16x128xf32, #tpu.memory_space<vmem_shared>>
      %dma_start3A_1449 = arith.constant 0 : i32
      %dma_start3A_1450 = tpu.memref_slice %arg11[%add3A_1111, %dma_start3A_1449] : memref<12560x128xf32, #tpu.memory_space<vmem_shared>> -> memref<16x128xf32, #tpu.memory_space<vmem_shared>>
      tpu.enqueue_dma source(%arg10 : memref<16x128xf32, #tpu.memory_space<vmem>>) target(%dma_start3A_1450 : memref<16x128xf32, #tpu.memory_space<vmem_shared>>) target_semaphore(%run_scoped3A : memref<!tpu.dma_semaphore, #tpu.memory_space<semaphore_mem>>)
      %dma_wait3A = arith.constant 0 : i32
      %dma_wait3A_1451 = tpu.memref_slice %arg11[%add3A_1111, %dma_wait3A] : memref<12560x128xf32, #tpu.memory_space<vmem_shared>> -> memref<16x128xf32, #tpu.memory_space<vmem_shared>>
      %dma_wait3A_1452 = arith.constant 0 : i32
      %dma_wait3A_1453 = tpu.memref_slice %arg11[%add3A_1111, %dma_wait3A_1452] : memref<12560x128xf32, #tpu.memory_space<vmem_shared>> -> memref<16x128xf32, #tpu.memory_space<vmem_shared>>
      tpu.wait_dma2 semaphore(%run_scoped3A : memref<!tpu.dma_semaphore, #tpu.memory_space<semaphore_mem>>) src(%arg10 : memref<16x128xf32, #tpu.memory_space<vmem>>) dst(%dma_wait3A_1453 : memref<16x128xf32, #tpu.memory_space<vmem_shared>>)
      tpu.yield
    }) : () -> ()
    %mul3A_1112 = arith.constant 784 : i32
    %mul3A_1113 = arith.muli %arg1, %mul3A_1112 : i32
    %add3A_1114 = arith.constant 352 : i32
    %add3A_1115 = arith.addi %mul3A_1113, %add3A_1114 : i32
    "tpu.region"() ({
      %run_scoped3A = tpu.sem_alloc : memref<!tpu.dma_semaphore, #tpu.memory_space<semaphore_mem>>
      %dma_start3A = arith.constant 0 : i32
      %dma_start3A_1448 = tpu.memref_slice %arg11[%add3A_1115, %dma_start3A] : memref<12560x128xf32, #tpu.memory_space<vmem_shared>> -> memref<16x128xf32, #tpu.memory_space<vmem_shared>>
      %dma_start3A_1449 = arith.constant 0 : i32
      %dma_start3A_1450 = tpu.memref_slice %arg11[%add3A_1115, %dma_start3A_1449] : memref<12560x128xf32, #tpu.memory_space<vmem_shared>> -> memref<16x128xf32, #tpu.memory_space<vmem_shared>>
      tpu.enqueue_dma source(%arg10 : memref<16x128xf32, #tpu.memory_space<vmem>>) target(%dma_start3A_1450 : memref<16x128xf32, #tpu.memory_space<vmem_shared>>) target_semaphore(%run_scoped3A : memref<!tpu.dma_semaphore, #tpu.memory_space<semaphore_mem>>)
      %dma_wait3A = arith.constant 0 : i32
      %dma_wait3A_1451 = tpu.memref_slice %arg11[%add3A_1115, %dma_wait3A] : memref<12560x128xf32, #tpu.memory_space<vmem_shared>> -> memref<16x128xf32, #tpu.memory_space<vmem_shared>>
      %dma_wait3A_1452 = arith.constant 0 : i32
      %dma_wait3A_1453 = tpu.memref_slice %arg11[%add3A_1115, %dma_wait3A_1452] : memref<12560x128xf32, #tpu.memory_space<vmem_shared>> -> memref<16x128xf32, #tpu.memory_space<vmem_shared>>
      tpu.wait_dma2 semaphore(%run_scoped3A : memref<!tpu.dma_semaphore, #tpu.memory_space<semaphore_mem>>) src(%arg10 : memref<16x128xf32, #tpu.memory_space<vmem>>) dst(%dma_wait3A_1453 : memref<16x128xf32, #tpu.memory_space<vmem_shared>>)
      tpu.yield
    }) : () -> ()
    %mul3A_1116 = arith.constant 784 : i32
    %mul3A_1117 = arith.muli %arg1, %mul3A_1116 : i32
    %add3A_1118 = arith.constant 368 : i32
    %add3A_1119 = arith.addi %mul3A_1117, %add3A_1118 : i32
    "tpu.region"() ({
      %run_scoped3A = tpu.sem_alloc : memref<!tpu.dma_semaphore, #tpu.memory_space<semaphore_mem>>
      %dma_start3A = arith.constant 0 : i32
      %dma_start3A_1448 = tpu.memref_slice %arg11[%add3A_1119, %dma_start3A] : memref<12560x128xf32, #tpu.memory_space<vmem_shared>> -> memref<16x128xf32, #tpu.memory_space<vmem_shared>>
      %dma_start3A_1449 = arith.constant 0 : i32
      %dma_start3A_1450 = tpu.memref_slice %arg11[%add3A_1119, %dma_start3A_1449] : memref<12560x128xf32, #tpu.memory_space<vmem_shared>> -> memref<16x128xf32, #tpu.memory_space<vmem_shared>>
      tpu.enqueue_dma source(%arg10 : memref<16x128xf32, #tpu.memory_space<vmem>>) target(%dma_start3A_1450 : memref<16x128xf32, #tpu.memory_space<vmem_shared>>) target_semaphore(%run_scoped3A : memref<!tpu.dma_semaphore, #tpu.memory_space<semaphore_mem>>)
      %dma_wait3A = arith.constant 0 : i32
      %dma_wait3A_1451 = tpu.memref_slice %arg11[%add3A_1119, %dma_wait3A] : memref<12560x128xf32, #tpu.memory_space<vmem_shared>> -> memref<16x128xf32, #tpu.memory_space<vmem_shared>>
      %dma_wait3A_1452 = arith.constant 0 : i32
      %dma_wait3A_1453 = tpu.memref_slice %arg11[%add3A_1119, %dma_wait3A_1452] : memref<12560x128xf32, #tpu.memory_space<vmem_shared>> -> memref<16x128xf32, #tpu.memory_space<vmem_shared>>
      tpu.wait_dma2 semaphore(%run_scoped3A : memref<!tpu.dma_semaphore, #tpu.memory_space<semaphore_mem>>) src(%arg10 : memref<16x128xf32, #tpu.memory_space<vmem>>) dst(%dma_wait3A_1453 : memref<16x128xf32, #tpu.memory_space<vmem_shared>>)
      tpu.yield
    }) : () -> ()
    %mul3A_1120 = arith.constant 784 : i32
    %mul3A_1121 = arith.muli %arg1, %mul3A_1120 : i32
    %add3A_1122 = arith.constant 384 : i32
    %add3A_1123 = arith.addi %mul3A_1121, %add3A_1122 : i32
    "tpu.region"() ({
      %run_scoped3A = tpu.sem_alloc : memref<!tpu.dma_semaphore, #tpu.memory_space<semaphore_mem>>
      %dma_start3A = arith.constant 0 : i32
      %dma_start3A_1448 = tpu.memref_slice %arg11[%add3A_1123, %dma_start3A] : memref<12560x128xf32, #tpu.memory_space<vmem_shared>> -> memref<16x128xf32, #tpu.memory_space<vmem_shared>>
      %dma_start3A_1449 = arith.constant 0 : i32
      %dma_start3A_1450 = tpu.memref_slice %arg11[%add3A_1123, %dma_start3A_1449] : memref<12560x128xf32, #tpu.memory_space<vmem_shared>> -> memref<16x128xf32, #tpu.memory_space<vmem_shared>>
      tpu.enqueue_dma source(%arg10 : memref<16x128xf32, #tpu.memory_space<vmem>>) target(%dma_start3A_1450 : memref<16x128xf32, #tpu.memory_space<vmem_shared>>) target_semaphore(%run_scoped3A : memref<!tpu.dma_semaphore, #tpu.memory_space<semaphore_mem>>)
      %dma_wait3A = arith.constant 0 : i32
      %dma_wait3A_1451 = tpu.memref_slice %arg11[%add3A_1123, %dma_wait3A] : memref<12560x128xf32, #tpu.memory_space<vmem_shared>> -> memref<16x128xf32, #tpu.memory_space<vmem_shared>>
      %dma_wait3A_1452 = arith.constant 0 : i32
      %dma_wait3A_1453 = tpu.memref_slice %arg11[%add3A_1123, %dma_wait3A_1452] : memref<12560x128xf32, #tpu.memory_space<vmem_shared>> -> memref<16x128xf32, #tpu.memory_space<vmem_shared>>
      tpu.wait_dma2 semaphore(%run_scoped3A : memref<!tpu.dma_semaphore, #tpu.memory_space<semaphore_mem>>) src(%arg10 : memref<16x128xf32, #tpu.memory_space<vmem>>) dst(%dma_wait3A_1453 : memref<16x128xf32, #tpu.memory_space<vmem_shared>>)
      tpu.yield
    }) : () -> ()
    %mul3A_1124 = arith.constant 784 : i32
    %mul3A_1125 = arith.muli %arg1, %mul3A_1124 : i32
    %add3A_1126 = arith.constant 400 : i32
    %add3A_1127 = arith.addi %mul3A_1125, %add3A_1126 : i32
    "tpu.region"() ({
      %run_scoped3A = tpu.sem_alloc : memref<!tpu.dma_semaphore, #tpu.memory_space<semaphore_mem>>
      %dma_start3A = arith.constant 0 : i32
      %dma_start3A_1448 = tpu.memref_slice %arg11[%add3A_1127, %dma_start3A] : memref<12560x128xf32, #tpu.memory_space<vmem_shared>> -> memref<16x128xf32, #tpu.memory_space<vmem_shared>>
      %dma_start3A_1449 = arith.constant 0 : i32
      %dma_start3A_1450 = tpu.memref_slice %arg11[%add3A_1127, %dma_start3A_1449] : memref<12560x128xf32, #tpu.memory_space<vmem_shared>> -> memref<16x128xf32, #tpu.memory_space<vmem_shared>>
      tpu.enqueue_dma source(%arg10 : memref<16x128xf32, #tpu.memory_space<vmem>>) target(%dma_start3A_1450 : memref<16x128xf32, #tpu.memory_space<vmem_shared>>) target_semaphore(%run_scoped3A : memref<!tpu.dma_semaphore, #tpu.memory_space<semaphore_mem>>)
      %dma_wait3A = arith.constant 0 : i32
      %dma_wait3A_1451 = tpu.memref_slice %arg11[%add3A_1127, %dma_wait3A] : memref<12560x128xf32, #tpu.memory_space<vmem_shared>> -> memref<16x128xf32, #tpu.memory_space<vmem_shared>>
      %dma_wait3A_1452 = arith.constant 0 : i32
      %dma_wait3A_1453 = tpu.memref_slice %arg11[%add3A_1127, %dma_wait3A_1452] : memref<12560x128xf32, #tpu.memory_space<vmem_shared>> -> memref<16x128xf32, #tpu.memory_space<vmem_shared>>
      tpu.wait_dma2 semaphore(%run_scoped3A : memref<!tpu.dma_semaphore, #tpu.memory_space<semaphore_mem>>) src(%arg10 : memref<16x128xf32, #tpu.memory_space<vmem>>) dst(%dma_wait3A_1453 : memref<16x128xf32, #tpu.memory_space<vmem_shared>>)
      tpu.yield
    }) : () -> ()
    %mul3A_1128 = arith.constant 784 : i32
    %mul3A_1129 = arith.muli %arg1, %mul3A_1128 : i32
    %add3A_1130 = arith.constant 416 : i32
    %add3A_1131 = arith.addi %mul3A_1129, %add3A_1130 : i32
    "tpu.region"() ({
      %run_scoped3A = tpu.sem_alloc : memref<!tpu.dma_semaphore, #tpu.memory_space<semaphore_mem>>
      %dma_start3A = arith.constant 0 : i32
      %dma_start3A_1448 = tpu.memref_slice %arg11[%add3A_1131, %dma_start3A] : memref<12560x128xf32, #tpu.memory_space<vmem_shared>> -> memref<16x128xf32, #tpu.memory_space<vmem_shared>>
      %dma_start3A_1449 = arith.constant 0 : i32
      %dma_start3A_1450 = tpu.memref_slice %arg11[%add3A_1131, %dma_start3A_1449] : memref<12560x128xf32, #tpu.memory_space<vmem_shared>> -> memref<16x128xf32, #tpu.memory_space<vmem_shared>>
      tpu.enqueue_dma source(%arg10 : memref<16x128xf32, #tpu.memory_space<vmem>>) target(%dma_start3A_1450 : memref<16x128xf32, #tpu.memory_space<vmem_shared>>) target_semaphore(%run_scoped3A : memref<!tpu.dma_semaphore, #tpu.memory_space<semaphore_mem>>)
      %dma_wait3A = arith.constant 0 : i32
      %dma_wait3A_1451 = tpu.memref_slice %arg11[%add3A_1131, %dma_wait3A] : memref<12560x128xf32, #tpu.memory_space<vmem_shared>> -> memref<16x128xf32, #tpu.memory_space<vmem_shared>>
      %dma_wait3A_1452 = arith.constant 0 : i32
      %dma_wait3A_1453 = tpu.memref_slice %arg11[%add3A_1131, %dma_wait3A_1452] : memref<12560x128xf32, #tpu.memory_space<vmem_shared>> -> memref<16x128xf32, #tpu.memory_space<vmem_shared>>
      tpu.wait_dma2 semaphore(%run_scoped3A : memref<!tpu.dma_semaphore, #tpu.memory_space<semaphore_mem>>) src(%arg10 : memref<16x128xf32, #tpu.memory_space<vmem>>) dst(%dma_wait3A_1453 : memref<16x128xf32, #tpu.memory_space<vmem_shared>>)
      tpu.yield
    }) : () -> ()
    %mul3A_1132 = arith.constant 784 : i32
    %mul3A_1133 = arith.muli %arg1, %mul3A_1132 : i32
    %add3A_1134 = arith.constant 432 : i32
    %add3A_1135 = arith.addi %mul3A_1133, %add3A_1134 : i32
    "tpu.region"() ({
      %run_scoped3A = tpu.sem_alloc : memref<!tpu.dma_semaphore, #tpu.memory_space<semaphore_mem>>
      %dma_start3A = arith.constant 0 : i32
      %dma_start3A_1448 = tpu.memref_slice %arg11[%add3A_1135, %dma_start3A] : memref<12560x128xf32, #tpu.memory_space<vmem_shared>> -> memref<16x128xf32, #tpu.memory_space<vmem_shared>>
      %dma_start3A_1449 = arith.constant 0 : i32
      %dma_start3A_1450 = tpu.memref_slice %arg11[%add3A_1135, %dma_start3A_1449] : memref<12560x128xf32, #tpu.memory_space<vmem_shared>> -> memref<16x128xf32, #tpu.memory_space<vmem_shared>>
      tpu.enqueue_dma source(%arg10 : memref<16x128xf32, #tpu.memory_space<vmem>>) target(%dma_start3A_1450 : memref<16x128xf32, #tpu.memory_space<vmem_shared>>) target_semaphore(%run_scoped3A : memref<!tpu.dma_semaphore, #tpu.memory_space<semaphore_mem>>)
      %dma_wait3A = arith.constant 0 : i32
      %dma_wait3A_1451 = tpu.memref_slice %arg11[%add3A_1135, %dma_wait3A] : memref<12560x128xf32, #tpu.memory_space<vmem_shared>> -> memref<16x128xf32, #tpu.memory_space<vmem_shared>>
      %dma_wait3A_1452 = arith.constant 0 : i32
      %dma_wait3A_1453 = tpu.memref_slice %arg11[%add3A_1135, %dma_wait3A_1452] : memref<12560x128xf32, #tpu.memory_space<vmem_shared>> -> memref<16x128xf32, #tpu.memory_space<vmem_shared>>
      tpu.wait_dma2 semaphore(%run_scoped3A : memref<!tpu.dma_semaphore, #tpu.memory_space<semaphore_mem>>) src(%arg10 : memref<16x128xf32, #tpu.memory_space<vmem>>) dst(%dma_wait3A_1453 : memref<16x128xf32, #tpu.memory_space<vmem_shared>>)
      tpu.yield
    }) : () -> ()
    %mul3A_1136 = arith.constant 784 : i32
    %mul3A_1137 = arith.muli %arg1, %mul3A_1136 : i32
    %add3A_1138 = arith.constant 448 : i32
    %add3A_1139 = arith.addi %mul3A_1137, %add3A_1138 : i32
    "tpu.region"() ({
      %run_scoped3A = tpu.sem_alloc : memref<!tpu.dma_semaphore, #tpu.memory_space<semaphore_mem>>
      %dma_start3A = arith.constant 0 : i32
      %dma_start3A_1448 = tpu.memref_slice %arg11[%add3A_1139, %dma_start3A] : memref<12560x128xf32, #tpu.memory_space<vmem_shared>> -> memref<16x128xf32, #tpu.memory_space<vmem_shared>>
      %dma_start3A_1449 = arith.constant 0 : i32
      %dma_start3A_1450 = tpu.memref_slice %arg11[%add3A_1139, %dma_start3A_1449] : memref<12560x128xf32, #tpu.memory_space<vmem_shared>> -> memref<16x128xf32, #tpu.memory_space<vmem_shared>>
      tpu.enqueue_dma source(%arg10 : memref<16x128xf32, #tpu.memory_space<vmem>>) target(%dma_start3A_1450 : memref<16x128xf32, #tpu.memory_space<vmem_shared>>) target_semaphore(%run_scoped3A : memref<!tpu.dma_semaphore, #tpu.memory_space<semaphore_mem>>)
      %dma_wait3A = arith.constant 0 : i32
      %dma_wait3A_1451 = tpu.memref_slice %arg11[%add3A_1139, %dma_wait3A] : memref<12560x128xf32, #tpu.memory_space<vmem_shared>> -> memref<16x128xf32, #tpu.memory_space<vmem_shared>>
      %dma_wait3A_1452 = arith.constant 0 : i32
      %dma_wait3A_1453 = tpu.memref_slice %arg11[%add3A_1139, %dma_wait3A_1452] : memref<12560x128xf32, #tpu.memory_space<vmem_shared>> -> memref<16x128xf32, #tpu.memory_space<vmem_shared>>
      tpu.wait_dma2 semaphore(%run_scoped3A : memref<!tpu.dma_semaphore, #tpu.memory_space<semaphore_mem>>) src(%arg10 : memref<16x128xf32, #tpu.memory_space<vmem>>) dst(%dma_wait3A_1453 : memref<16x128xf32, #tpu.memory_space<vmem_shared>>)
      tpu.yield
    }) : () -> ()
    %mul3A_1140 = arith.constant 784 : i32
    %mul3A_1141 = arith.muli %arg1, %mul3A_1140 : i32
    %add3A_1142 = arith.constant 464 : i32
    %add3A_1143 = arith.addi %mul3A_1141, %add3A_1142 : i32
    "tpu.region"() ({
      %run_scoped3A = tpu.sem_alloc : memref<!tpu.dma_semaphore, #tpu.memory_space<semaphore_mem>>
      %dma_start3A = arith.constant 0 : i32
      %dma_start3A_1448 = tpu.memref_slice %arg11[%add3A_1143, %dma_start3A] : memref<12560x128xf32, #tpu.memory_space<vmem_shared>> -> memref<16x128xf32, #tpu.memory_space<vmem_shared>>
      %dma_start3A_1449 = arith.constant 0 : i32
      %dma_start3A_1450 = tpu.memref_slice %arg11[%add3A_1143, %dma_start3A_1449] : memref<12560x128xf32, #tpu.memory_space<vmem_shared>> -> memref<16x128xf32, #tpu.memory_space<vmem_shared>>
      tpu.enqueue_dma source(%arg10 : memref<16x128xf32, #tpu.memory_space<vmem>>) target(%dma_start3A_1450 : memref<16x128xf32, #tpu.memory_space<vmem_shared>>) target_semaphore(%run_scoped3A : memref<!tpu.dma_semaphore, #tpu.memory_space<semaphore_mem>>)
      %dma_wait3A = arith.constant 0 : i32
      %dma_wait3A_1451 = tpu.memref_slice %arg11[%add3A_1143, %dma_wait3A] : memref<12560x128xf32, #tpu.memory_space<vmem_shared>> -> memref<16x128xf32, #tpu.memory_space<vmem_shared>>
      %dma_wait3A_1452 = arith.constant 0 : i32
      %dma_wait3A_1453 = tpu.memref_slice %arg11[%add3A_1143, %dma_wait3A_1452] : memref<12560x128xf32, #tpu.memory_space<vmem_shared>> -> memref<16x128xf32, #tpu.memory_space<vmem_shared>>
      tpu.wait_dma2 semaphore(%run_scoped3A : memref<!tpu.dma_semaphore, #tpu.memory_space<semaphore_mem>>) src(%arg10 : memref<16x128xf32, #tpu.memory_space<vmem>>) dst(%dma_wait3A_1453 : memref<16x128xf32, #tpu.memory_space<vmem_shared>>)
      tpu.yield
    }) : () -> ()
    %mul3A_1144 = arith.constant 784 : i32
    %mul3A_1145 = arith.muli %arg1, %mul3A_1144 : i32
    %add3A_1146 = arith.constant 480 : i32
    %add3A_1147 = arith.addi %mul3A_1145, %add3A_1146 : i32
    "tpu.region"() ({
      %run_scoped3A = tpu.sem_alloc : memref<!tpu.dma_semaphore, #tpu.memory_space<semaphore_mem>>
      %dma_start3A = arith.constant 0 : i32
      %dma_start3A_1448 = tpu.memref_slice %arg11[%add3A_1147, %dma_start3A] : memref<12560x128xf32, #tpu.memory_space<vmem_shared>> -> memref<16x128xf32, #tpu.memory_space<vmem_shared>>
      %dma_start3A_1449 = arith.constant 0 : i32
      %dma_start3A_1450 = tpu.memref_slice %arg11[%add3A_1147, %dma_start3A_1449] : memref<12560x128xf32, #tpu.memory_space<vmem_shared>> -> memref<16x128xf32, #tpu.memory_space<vmem_shared>>
      tpu.enqueue_dma source(%arg10 : memref<16x128xf32, #tpu.memory_space<vmem>>) target(%dma_start3A_1450 : memref<16x128xf32, #tpu.memory_space<vmem_shared>>) target_semaphore(%run_scoped3A : memref<!tpu.dma_semaphore, #tpu.memory_space<semaphore_mem>>)
      %dma_wait3A = arith.constant 0 : i32
      %dma_wait3A_1451 = tpu.memref_slice %arg11[%add3A_1147, %dma_wait3A] : memref<12560x128xf32, #tpu.memory_space<vmem_shared>> -> memref<16x128xf32, #tpu.memory_space<vmem_shared>>
      %dma_wait3A_1452 = arith.constant 0 : i32
      %dma_wait3A_1453 = tpu.memref_slice %arg11[%add3A_1147, %dma_wait3A_1452] : memref<12560x128xf32, #tpu.memory_space<vmem_shared>> -> memref<16x128xf32, #tpu.memory_space<vmem_shared>>
      tpu.wait_dma2 semaphore(%run_scoped3A : memref<!tpu.dma_semaphore, #tpu.memory_space<semaphore_mem>>) src(%arg10 : memref<16x128xf32, #tpu.memory_space<vmem>>) dst(%dma_wait3A_1453 : memref<16x128xf32, #tpu.memory_space<vmem_shared>>)
      tpu.yield
    }) : () -> ()
    %mul3A_1148 = arith.constant 784 : i32
    %mul3A_1149 = arith.muli %arg1, %mul3A_1148 : i32
    %add3A_1150 = arith.constant 496 : i32
    %add3A_1151 = arith.addi %mul3A_1149, %add3A_1150 : i32
    "tpu.region"() ({
      %run_scoped3A = tpu.sem_alloc : memref<!tpu.dma_semaphore, #tpu.memory_space<semaphore_mem>>
      %dma_start3A = arith.constant 0 : i32
      %dma_start3A_1448 = tpu.memref_slice %arg11[%add3A_1151, %dma_start3A] : memref<12560x128xf32, #tpu.memory_space<vmem_shared>> -> memref<16x128xf32, #tpu.memory_space<vmem_shared>>
      %dma_start3A_1449 = arith.constant 0 : i32
      %dma_start3A_1450 = tpu.memref_slice %arg11[%add3A_1151, %dma_start3A_1449] : memref<12560x128xf32, #tpu.memory_space<vmem_shared>> -> memref<16x128xf32, #tpu.memory_space<vmem_shared>>
      tpu.enqueue_dma source(%arg10 : memref<16x128xf32, #tpu.memory_space<vmem>>) target(%dma_start3A_1450 : memref<16x128xf32, #tpu.memory_space<vmem_shared>>) target_semaphore(%run_scoped3A : memref<!tpu.dma_semaphore, #tpu.memory_space<semaphore_mem>>)
      %dma_wait3A = arith.constant 0 : i32
      %dma_wait3A_1451 = tpu.memref_slice %arg11[%add3A_1151, %dma_wait3A] : memref<12560x128xf32, #tpu.memory_space<vmem_shared>> -> memref<16x128xf32, #tpu.memory_space<vmem_shared>>
      %dma_wait3A_1452 = arith.constant 0 : i32
      %dma_wait3A_1453 = tpu.memref_slice %arg11[%add3A_1151, %dma_wait3A_1452] : memref<12560x128xf32, #tpu.memory_space<vmem_shared>> -> memref<16x128xf32, #tpu.memory_space<vmem_shared>>
      tpu.wait_dma2 semaphore(%run_scoped3A : memref<!tpu.dma_semaphore, #tpu.memory_space<semaphore_mem>>) src(%arg10 : memref<16x128xf32, #tpu.memory_space<vmem>>) dst(%dma_wait3A_1453 : memref<16x128xf32, #tpu.memory_space<vmem_shared>>)
      tpu.yield
    }) : () -> ()
    %mul3A_1152 = arith.constant 784 : i32
    %mul3A_1153 = arith.muli %arg1, %mul3A_1152 : i32
    %add3A_1154 = arith.constant 512 : i32
    %add3A_1155 = arith.addi %mul3A_1153, %add3A_1154 : i32
    "tpu.region"() ({
      %run_scoped3A = tpu.sem_alloc : memref<!tpu.dma_semaphore, #tpu.memory_space<semaphore_mem>>
      %dma_start3A = arith.constant 0 : i32
      %dma_start3A_1448 = tpu.memref_slice %arg11[%add3A_1155, %dma_start3A] : memref<12560x128xf32, #tpu.memory_space<vmem_shared>> -> memref<16x128xf32, #tpu.memory_space<vmem_shared>>
      %dma_start3A_1449 = arith.constant 0 : i32
      %dma_start3A_1450 = tpu.memref_slice %arg11[%add3A_1155, %dma_start3A_1449] : memref<12560x128xf32, #tpu.memory_space<vmem_shared>> -> memref<16x128xf32, #tpu.memory_space<vmem_shared>>
      tpu.enqueue_dma source(%arg10 : memref<16x128xf32, #tpu.memory_space<vmem>>) target(%dma_start3A_1450 : memref<16x128xf32, #tpu.memory_space<vmem_shared>>) target_semaphore(%run_scoped3A : memref<!tpu.dma_semaphore, #tpu.memory_space<semaphore_mem>>)
      %dma_wait3A = arith.constant 0 : i32
      %dma_wait3A_1451 = tpu.memref_slice %arg11[%add3A_1155, %dma_wait3A] : memref<12560x128xf32, #tpu.memory_space<vmem_shared>> -> memref<16x128xf32, #tpu.memory_space<vmem_shared>>
      %dma_wait3A_1452 = arith.constant 0 : i32
      %dma_wait3A_1453 = tpu.memref_slice %arg11[%add3A_1155, %dma_wait3A_1452] : memref<12560x128xf32, #tpu.memory_space<vmem_shared>> -> memref<16x128xf32, #tpu.memory_space<vmem_shared>>
      tpu.wait_dma2 semaphore(%run_scoped3A : memref<!tpu.dma_semaphore, #tpu.memory_space<semaphore_mem>>) src(%arg10 : memref<16x128xf32, #tpu.memory_space<vmem>>) dst(%dma_wait3A_1453 : memref<16x128xf32, #tpu.memory_space<vmem_shared>>)
      tpu.yield
    }) : () -> ()
    %mul3A_1156 = arith.constant 784 : i32
    %mul3A_1157 = arith.muli %arg1, %mul3A_1156 : i32
    %add3A_1158 = arith.constant 528 : i32
    %add3A_1159 = arith.addi %mul3A_1157, %add3A_1158 : i32
    "tpu.region"() ({
      %run_scoped3A = tpu.sem_alloc : memref<!tpu.dma_semaphore, #tpu.memory_space<semaphore_mem>>
      %dma_start3A = arith.constant 0 : i32
      %dma_start3A_1448 = tpu.memref_slice %arg11[%add3A_1159, %dma_start3A] : memref<12560x128xf32, #tpu.memory_space<vmem_shared>> -> memref<16x128xf32, #tpu.memory_space<vmem_shared>>
      %dma_start3A_1449 = arith.constant 0 : i32
      %dma_start3A_1450 = tpu.memref_slice %arg11[%add3A_1159, %dma_start3A_1449] : memref<12560x128xf32, #tpu.memory_space<vmem_shared>> -> memref<16x128xf32, #tpu.memory_space<vmem_shared>>
      tpu.enqueue_dma source(%arg10 : memref<16x128xf32, #tpu.memory_space<vmem>>) target(%dma_start3A_1450 : memref<16x128xf32, #tpu.memory_space<vmem_shared>>) target_semaphore(%run_scoped3A : memref<!tpu.dma_semaphore, #tpu.memory_space<semaphore_mem>>)
      %dma_wait3A = arith.constant 0 : i32
      %dma_wait3A_1451 = tpu.memref_slice %arg11[%add3A_1159, %dma_wait3A] : memref<12560x128xf32, #tpu.memory_space<vmem_shared>> -> memref<16x128xf32, #tpu.memory_space<vmem_shared>>
      %dma_wait3A_1452 = arith.constant 0 : i32
      %dma_wait3A_1453 = tpu.memref_slice %arg11[%add3A_1159, %dma_wait3A_1452] : memref<12560x128xf32, #tpu.memory_space<vmem_shared>> -> memref<16x128xf32, #tpu.memory_space<vmem_shared>>
      tpu.wait_dma2 semaphore(%run_scoped3A : memref<!tpu.dma_semaphore, #tpu.memory_space<semaphore_mem>>) src(%arg10 : memref<16x128xf32, #tpu.memory_space<vmem>>) dst(%dma_wait3A_1453 : memref<16x128xf32, #tpu.memory_space<vmem_shared>>)
      tpu.yield
    }) : () -> ()
    %mul3A_1160 = arith.constant 784 : i32
    %mul3A_1161 = arith.muli %arg1, %mul3A_1160 : i32
    %add3A_1162 = arith.constant 544 : i32
    %add3A_1163 = arith.addi %mul3A_1161, %add3A_1162 : i32
    "tpu.region"() ({
      %run_scoped3A = tpu.sem_alloc : memref<!tpu.dma_semaphore, #tpu.memory_space<semaphore_mem>>
      %dma_start3A = arith.constant 0 : i32
      %dma_start3A_1448 = tpu.memref_slice %arg11[%add3A_1163, %dma_start3A] : memref<12560x128xf32, #tpu.memory_space<vmem_shared>> -> memref<16x128xf32, #tpu.memory_space<vmem_shared>>
      %dma_start3A_1449 = arith.constant 0 : i32
      %dma_start3A_1450 = tpu.memref_slice %arg11[%add3A_1163, %dma_start3A_1449] : memref<12560x128xf32, #tpu.memory_space<vmem_shared>> -> memref<16x128xf32, #tpu.memory_space<vmem_shared>>
      tpu.enqueue_dma source(%arg10 : memref<16x128xf32, #tpu.memory_space<vmem>>) target(%dma_start3A_1450 : memref<16x128xf32, #tpu.memory_space<vmem_shared>>) target_semaphore(%run_scoped3A : memref<!tpu.dma_semaphore, #tpu.memory_space<semaphore_mem>>)
      %dma_wait3A = arith.constant 0 : i32
      %dma_wait3A_1451 = tpu.memref_slice %arg11[%add3A_1163, %dma_wait3A] : memref<12560x128xf32, #tpu.memory_space<vmem_shared>> -> memref<16x128xf32, #tpu.memory_space<vmem_shared>>
      %dma_wait3A_1452 = arith.constant 0 : i32
      %dma_wait3A_1453 = tpu.memref_slice %arg11[%add3A_1163, %dma_wait3A_1452] : memref<12560x128xf32, #tpu.memory_space<vmem_shared>> -> memref<16x128xf32, #tpu.memory_space<vmem_shared>>
      tpu.wait_dma2 semaphore(%run_scoped3A : memref<!tpu.dma_semaphore, #tpu.memory_space<semaphore_mem>>) src(%arg10 : memref<16x128xf32, #tpu.memory_space<vmem>>) dst(%dma_wait3A_1453 : memref<16x128xf32, #tpu.memory_space<vmem_shared>>)
      tpu.yield
    }) : () -> ()
    %mul3A_1164 = arith.constant 784 : i32
    %mul3A_1165 = arith.muli %arg1, %mul3A_1164 : i32
    %add3A_1166 = arith.constant 560 : i32
    %add3A_1167 = arith.addi %mul3A_1165, %add3A_1166 : i32
    "tpu.region"() ({
      %run_scoped3A = tpu.sem_alloc : memref<!tpu.dma_semaphore, #tpu.memory_space<semaphore_mem>>
      %dma_start3A = arith.constant 0 : i32
      %dma_start3A_1448 = tpu.memref_slice %arg11[%add3A_1167, %dma_start3A] : memref<12560x128xf32, #tpu.memory_space<vmem_shared>> -> memref<16x128xf32, #tpu.memory_space<vmem_shared>>
      %dma_start3A_1449 = arith.constant 0 : i32
      %dma_start3A_1450 = tpu.memref_slice %arg11[%add3A_1167, %dma_start3A_1449] : memref<12560x128xf32, #tpu.memory_space<vmem_shared>> -> memref<16x128xf32, #tpu.memory_space<vmem_shared>>
      tpu.enqueue_dma source(%arg10 : memref<16x128xf32, #tpu.memory_space<vmem>>) target(%dma_start3A_1450 : memref<16x128xf32, #tpu.memory_space<vmem_shared>>) target_semaphore(%run_scoped3A : memref<!tpu.dma_semaphore, #tpu.memory_space<semaphore_mem>>)
      %dma_wait3A = arith.constant 0 : i32
      %dma_wait3A_1451 = tpu.memref_slice %arg11[%add3A_1167, %dma_wait3A] : memref<12560x128xf32, #tpu.memory_space<vmem_shared>> -> memref<16x128xf32, #tpu.memory_space<vmem_shared>>
      %dma_wait3A_1452 = arith.constant 0 : i32
      %dma_wait3A_1453 = tpu.memref_slice %arg11[%add3A_1167, %dma_wait3A_1452] : memref<12560x128xf32, #tpu.memory_space<vmem_shared>> -> memref<16x128xf32, #tpu.memory_space<vmem_shared>>
      tpu.wait_dma2 semaphore(%run_scoped3A : memref<!tpu.dma_semaphore, #tpu.memory_space<semaphore_mem>>) src(%arg10 : memref<16x128xf32, #tpu.memory_space<vmem>>) dst(%dma_wait3A_1453 : memref<16x128xf32, #tpu.memory_space<vmem_shared>>)
      tpu.yield
    }) : () -> ()
    %mul3A_1168 = arith.constant 784 : i32
    %mul3A_1169 = arith.muli %arg1, %mul3A_1168 : i32
    %add3A_1170 = arith.constant 576 : i32
    %add3A_1171 = arith.addi %mul3A_1169, %add3A_1170 : i32
    "tpu.region"() ({
      %run_scoped3A = tpu.sem_alloc : memref<!tpu.dma_semaphore, #tpu.memory_space<semaphore_mem>>
      %dma_start3A = arith.constant 0 : i32
      %dma_start3A_1448 = tpu.memref_slice %arg11[%add3A_1171, %dma_start3A] : memref<12560x128xf32, #tpu.memory_space<vmem_shared>> -> memref<16x128xf32, #tpu.memory_space<vmem_shared>>
      %dma_start3A_1449 = arith.constant 0 : i32
      %dma_start3A_1450 = tpu.memref_slice %arg11[%add3A_1171, %dma_start3A_1449] : memref<12560x128xf32, #tpu.memory_space<vmem_shared>> -> memref<16x128xf32, #tpu.memory_space<vmem_shared>>
      tpu.enqueue_dma source(%arg10 : memref<16x128xf32, #tpu.memory_space<vmem>>) target(%dma_start3A_1450 : memref<16x128xf32, #tpu.memory_space<vmem_shared>>) target_semaphore(%run_scoped3A : memref<!tpu.dma_semaphore, #tpu.memory_space<semaphore_mem>>)
      %dma_wait3A = arith.constant 0 : i32
      %dma_wait3A_1451 = tpu.memref_slice %arg11[%add3A_1171, %dma_wait3A] : memref<12560x128xf32, #tpu.memory_space<vmem_shared>> -> memref<16x128xf32, #tpu.memory_space<vmem_shared>>
      %dma_wait3A_1452 = arith.constant 0 : i32
      %dma_wait3A_1453 = tpu.memref_slice %arg11[%add3A_1171, %dma_wait3A_1452] : memref<12560x128xf32, #tpu.memory_space<vmem_shared>> -> memref<16x128xf32, #tpu.memory_space<vmem_shared>>
      tpu.wait_dma2 semaphore(%run_scoped3A : memref<!tpu.dma_semaphore, #tpu.memory_space<semaphore_mem>>) src(%arg10 : memref<16x128xf32, #tpu.memory_space<vmem>>) dst(%dma_wait3A_1453 : memref<16x128xf32, #tpu.memory_space<vmem_shared>>)
      tpu.yield
    }) : () -> ()
    %mul3A_1172 = arith.constant 784 : i32
    %mul3A_1173 = arith.muli %arg1, %mul3A_1172 : i32
    %add3A_1174 = arith.constant 592 : i32
    %add3A_1175 = arith.addi %mul3A_1173, %add3A_1174 : i32
    "tpu.region"() ({
      %run_scoped3A = tpu.sem_alloc : memref<!tpu.dma_semaphore, #tpu.memory_space<semaphore_mem>>
      %dma_start3A = arith.constant 0 : i32
      %dma_start3A_1448 = tpu.memref_slice %arg11[%add3A_1175, %dma_start3A] : memref<12560x128xf32, #tpu.memory_space<vmem_shared>> -> memref<16x128xf32, #tpu.memory_space<vmem_shared>>
      %dma_start3A_1449 = arith.constant 0 : i32
      %dma_start3A_1450 = tpu.memref_slice %arg11[%add3A_1175, %dma_start3A_1449] : memref<12560x128xf32, #tpu.memory_space<vmem_shared>> -> memref<16x128xf32, #tpu.memory_space<vmem_shared>>
      tpu.enqueue_dma source(%arg10 : memref<16x128xf32, #tpu.memory_space<vmem>>) target(%dma_start3A_1450 : memref<16x128xf32, #tpu.memory_space<vmem_shared>>) target_semaphore(%run_scoped3A : memref<!tpu.dma_semaphore, #tpu.memory_space<semaphore_mem>>)
      %dma_wait3A = arith.constant 0 : i32
      %dma_wait3A_1451 = tpu.memref_slice %arg11[%add3A_1175, %dma_wait3A] : memref<12560x128xf32, #tpu.memory_space<vmem_shared>> -> memref<16x128xf32, #tpu.memory_space<vmem_shared>>
      %dma_wait3A_1452 = arith.constant 0 : i32
      %dma_wait3A_1453 = tpu.memref_slice %arg11[%add3A_1175, %dma_wait3A_1452] : memref<12560x128xf32, #tpu.memory_space<vmem_shared>> -> memref<16x128xf32, #tpu.memory_space<vmem_shared>>
      tpu.wait_dma2 semaphore(%run_scoped3A : memref<!tpu.dma_semaphore, #tpu.memory_space<semaphore_mem>>) src(%arg10 : memref<16x128xf32, #tpu.memory_space<vmem>>) dst(%dma_wait3A_1453 : memref<16x128xf32, #tpu.memory_space<vmem_shared>>)
      tpu.yield
    }) : () -> ()
    %mul3A_1176 = arith.constant 784 : i32
    %mul3A_1177 = arith.muli %arg1, %mul3A_1176 : i32
    %add3A_1178 = arith.constant 608 : i32
    %add3A_1179 = arith.addi %mul3A_1177, %add3A_1178 : i32
    "tpu.region"() ({
      %run_scoped3A = tpu.sem_alloc : memref<!tpu.dma_semaphore, #tpu.memory_space<semaphore_mem>>
      %dma_start3A = arith.constant 0 : i32
      %dma_start3A_1448 = tpu.memref_slice %arg11[%add3A_1179, %dma_start3A] : memref<12560x128xf32, #tpu.memory_space<vmem_shared>> -> memref<16x128xf32, #tpu.memory_space<vmem_shared>>
      %dma_start3A_1449 = arith.constant 0 : i32
      %dma_start3A_1450 = tpu.memref_slice %arg11[%add3A_1179, %dma_start3A_1449] : memref<12560x128xf32, #tpu.memory_space<vmem_shared>> -> memref<16x128xf32, #tpu.memory_space<vmem_shared>>
      tpu.enqueue_dma source(%arg10 : memref<16x128xf32, #tpu.memory_space<vmem>>) target(%dma_start3A_1450 : memref<16x128xf32, #tpu.memory_space<vmem_shared>>) target_semaphore(%run_scoped3A : memref<!tpu.dma_semaphore, #tpu.memory_space<semaphore_mem>>)
      %dma_wait3A = arith.constant 0 : i32
      %dma_wait3A_1451 = tpu.memref_slice %arg11[%add3A_1179, %dma_wait3A] : memref<12560x128xf32, #tpu.memory_space<vmem_shared>> -> memref<16x128xf32, #tpu.memory_space<vmem_shared>>
      %dma_wait3A_1452 = arith.constant 0 : i32
      %dma_wait3A_1453 = tpu.memref_slice %arg11[%add3A_1179, %dma_wait3A_1452] : memref<12560x128xf32, #tpu.memory_space<vmem_shared>> -> memref<16x128xf32, #tpu.memory_space<vmem_shared>>
      tpu.wait_dma2 semaphore(%run_scoped3A : memref<!tpu.dma_semaphore, #tpu.memory_space<semaphore_mem>>) src(%arg10 : memref<16x128xf32, #tpu.memory_space<vmem>>) dst(%dma_wait3A_1453 : memref<16x128xf32, #tpu.memory_space<vmem_shared>>)
      tpu.yield
    }) : () -> ()
    %mul3A_1180 = arith.constant 784 : i32
    %mul3A_1181 = arith.muli %arg1, %mul3A_1180 : i32
    %add3A_1182 = arith.constant 624 : i32
    %add3A_1183 = arith.addi %mul3A_1181, %add3A_1182 : i32
    "tpu.region"() ({
      %run_scoped3A = tpu.sem_alloc : memref<!tpu.dma_semaphore, #tpu.memory_space<semaphore_mem>>
      %dma_start3A = arith.constant 0 : i32
      %dma_start3A_1448 = tpu.memref_slice %arg11[%add3A_1183, %dma_start3A] : memref<12560x128xf32, #tpu.memory_space<vmem_shared>> -> memref<16x128xf32, #tpu.memory_space<vmem_shared>>
      %dma_start3A_1449 = arith.constant 0 : i32
      %dma_start3A_1450 = tpu.memref_slice %arg11[%add3A_1183, %dma_start3A_1449] : memref<12560x128xf32, #tpu.memory_space<vmem_shared>> -> memref<16x128xf32, #tpu.memory_space<vmem_shared>>
      tpu.enqueue_dma source(%arg10 : memref<16x128xf32, #tpu.memory_space<vmem>>) target(%dma_start3A_1450 : memref<16x128xf32, #tpu.memory_space<vmem_shared>>) target_semaphore(%run_scoped3A : memref<!tpu.dma_semaphore, #tpu.memory_space<semaphore_mem>>)
      %dma_wait3A = arith.constant 0 : i32
      %dma_wait3A_1451 = tpu.memref_slice %arg11[%add3A_1183, %dma_wait3A] : memref<12560x128xf32, #tpu.memory_space<vmem_shared>> -> memref<16x128xf32, #tpu.memory_space<vmem_shared>>
      %dma_wait3A_1452 = arith.constant 0 : i32
      %dma_wait3A_1453 = tpu.memref_slice %arg11[%add3A_1183, %dma_wait3A_1452] : memref<12560x128xf32, #tpu.memory_space<vmem_shared>> -> memref<16x128xf32, #tpu.memory_space<vmem_shared>>
      tpu.wait_dma2 semaphore(%run_scoped3A : memref<!tpu.dma_semaphore, #tpu.memory_space<semaphore_mem>>) src(%arg10 : memref<16x128xf32, #tpu.memory_space<vmem>>) dst(%dma_wait3A_1453 : memref<16x128xf32, #tpu.memory_space<vmem_shared>>)
      tpu.yield
    }) : () -> ()
    %mul3A_1184 = arith.constant 784 : i32
    %mul3A_1185 = arith.muli %arg1, %mul3A_1184 : i32
    %add3A_1186 = arith.constant 640 : i32
    %add3A_1187 = arith.addi %mul3A_1185, %add3A_1186 : i32
    "tpu.region"() ({
      %run_scoped3A = tpu.sem_alloc : memref<!tpu.dma_semaphore, #tpu.memory_space<semaphore_mem>>
      %dma_start3A = arith.constant 0 : i32
      %dma_start3A_1448 = tpu.memref_slice %arg11[%add3A_1187, %dma_start3A] : memref<12560x128xf32, #tpu.memory_space<vmem_shared>> -> memref<16x128xf32, #tpu.memory_space<vmem_shared>>
      %dma_start3A_1449 = arith.constant 0 : i32
      %dma_start3A_1450 = tpu.memref_slice %arg11[%add3A_1187, %dma_start3A_1449] : memref<12560x128xf32, #tpu.memory_space<vmem_shared>> -> memref<16x128xf32, #tpu.memory_space<vmem_shared>>
      tpu.enqueue_dma source(%arg10 : memref<16x128xf32, #tpu.memory_space<vmem>>) target(%dma_start3A_1450 : memref<16x128xf32, #tpu.memory_space<vmem_shared>>) target_semaphore(%run_scoped3A : memref<!tpu.dma_semaphore, #tpu.memory_space<semaphore_mem>>)
      %dma_wait3A = arith.constant 0 : i32
      %dma_wait3A_1451 = tpu.memref_slice %arg11[%add3A_1187, %dma_wait3A] : memref<12560x128xf32, #tpu.memory_space<vmem_shared>> -> memref<16x128xf32, #tpu.memory_space<vmem_shared>>
      %dma_wait3A_1452 = arith.constant 0 : i32
      %dma_wait3A_1453 = tpu.memref_slice %arg11[%add3A_1187, %dma_wait3A_1452] : memref<12560x128xf32, #tpu.memory_space<vmem_shared>> -> memref<16x128xf32, #tpu.memory_space<vmem_shared>>
      tpu.wait_dma2 semaphore(%run_scoped3A : memref<!tpu.dma_semaphore, #tpu.memory_space<semaphore_mem>>) src(%arg10 : memref<16x128xf32, #tpu.memory_space<vmem>>) dst(%dma_wait3A_1453 : memref<16x128xf32, #tpu.memory_space<vmem_shared>>)
      tpu.yield
    }) : () -> ()
    %mul3A_1188 = arith.constant 784 : i32
    %mul3A_1189 = arith.muli %arg1, %mul3A_1188 : i32
    %add3A_1190 = arith.constant 656 : i32
    %add3A_1191 = arith.addi %mul3A_1189, %add3A_1190 : i32
    "tpu.region"() ({
      %run_scoped3A = tpu.sem_alloc : memref<!tpu.dma_semaphore, #tpu.memory_space<semaphore_mem>>
      %dma_start3A = arith.constant 0 : i32
      %dma_start3A_1448 = tpu.memref_slice %arg11[%add3A_1191, %dma_start3A] : memref<12560x128xf32, #tpu.memory_space<vmem_shared>> -> memref<16x128xf32, #tpu.memory_space<vmem_shared>>
      %dma_start3A_1449 = arith.constant 0 : i32
      %dma_start3A_1450 = tpu.memref_slice %arg11[%add3A_1191, %dma_start3A_1449] : memref<12560x128xf32, #tpu.memory_space<vmem_shared>> -> memref<16x128xf32, #tpu.memory_space<vmem_shared>>
      tpu.enqueue_dma source(%arg10 : memref<16x128xf32, #tpu.memory_space<vmem>>) target(%dma_start3A_1450 : memref<16x128xf32, #tpu.memory_space<vmem_shared>>) target_semaphore(%run_scoped3A : memref<!tpu.dma_semaphore, #tpu.memory_space<semaphore_mem>>)
      %dma_wait3A = arith.constant 0 : i32
      %dma_wait3A_1451 = tpu.memref_slice %arg11[%add3A_1191, %dma_wait3A] : memref<12560x128xf32, #tpu.memory_space<vmem_shared>> -> memref<16x128xf32, #tpu.memory_space<vmem_shared>>
      %dma_wait3A_1452 = arith.constant 0 : i32
      %dma_wait3A_1453 = tpu.memref_slice %arg11[%add3A_1191, %dma_wait3A_1452] : memref<12560x128xf32, #tpu.memory_space<vmem_shared>> -> memref<16x128xf32, #tpu.memory_space<vmem_shared>>
      tpu.wait_dma2 semaphore(%run_scoped3A : memref<!tpu.dma_semaphore, #tpu.memory_space<semaphore_mem>>) src(%arg10 : memref<16x128xf32, #tpu.memory_space<vmem>>) dst(%dma_wait3A_1453 : memref<16x128xf32, #tpu.memory_space<vmem_shared>>)
      tpu.yield
    }) : () -> ()
    %mul3A_1192 = arith.constant 784 : i32
    %mul3A_1193 = arith.muli %arg1, %mul3A_1192 : i32
    %add3A_1194 = arith.constant 672 : i32
    %add3A_1195 = arith.addi %mul3A_1193, %add3A_1194 : i32
    "tpu.region"() ({
      %run_scoped3A = tpu.sem_alloc : memref<!tpu.dma_semaphore, #tpu.memory_space<semaphore_mem>>
      %dma_start3A = arith.constant 0 : i32
      %dma_start3A_1448 = tpu.memref_slice %arg11[%add3A_1195, %dma_start3A] : memref<12560x128xf32, #tpu.memory_space<vmem_shared>> -> memref<16x128xf32, #tpu.memory_space<vmem_shared>>
      %dma_start3A_1449 = arith.constant 0 : i32
      %dma_start3A_1450 = tpu.memref_slice %arg11[%add3A_1195, %dma_start3A_1449] : memref<12560x128xf32, #tpu.memory_space<vmem_shared>> -> memref<16x128xf32, #tpu.memory_space<vmem_shared>>
      tpu.enqueue_dma source(%arg10 : memref<16x128xf32, #tpu.memory_space<vmem>>) target(%dma_start3A_1450 : memref<16x128xf32, #tpu.memory_space<vmem_shared>>) target_semaphore(%run_scoped3A : memref<!tpu.dma_semaphore, #tpu.memory_space<semaphore_mem>>)
      %dma_wait3A = arith.constant 0 : i32
      %dma_wait3A_1451 = tpu.memref_slice %arg11[%add3A_1195, %dma_wait3A] : memref<12560x128xf32, #tpu.memory_space<vmem_shared>> -> memref<16x128xf32, #tpu.memory_space<vmem_shared>>
      %dma_wait3A_1452 = arith.constant 0 : i32
      %dma_wait3A_1453 = tpu.memref_slice %arg11[%add3A_1195, %dma_wait3A_1452] : memref<12560x128xf32, #tpu.memory_space<vmem_shared>> -> memref<16x128xf32, #tpu.memory_space<vmem_shared>>
      tpu.wait_dma2 semaphore(%run_scoped3A : memref<!tpu.dma_semaphore, #tpu.memory_space<semaphore_mem>>) src(%arg10 : memref<16x128xf32, #tpu.memory_space<vmem>>) dst(%dma_wait3A_1453 : memref<16x128xf32, #tpu.memory_space<vmem_shared>>)
      tpu.yield
    }) : () -> ()
    %mul3A_1196 = arith.constant 784 : i32
    %mul3A_1197 = arith.muli %arg1, %mul3A_1196 : i32
    %add3A_1198 = arith.constant 688 : i32
    %add3A_1199 = arith.addi %mul3A_1197, %add3A_1198 : i32
    "tpu.region"() ({
      %run_scoped3A = tpu.sem_alloc : memref<!tpu.dma_semaphore, #tpu.memory_space<semaphore_mem>>
      %dma_start3A = arith.constant 0 : i32
      %dma_start3A_1448 = tpu.memref_slice %arg11[%add3A_1199, %dma_start3A] : memref<12560x128xf32, #tpu.memory_space<vmem_shared>> -> memref<16x128xf32, #tpu.memory_space<vmem_shared>>
      %dma_start3A_1449 = arith.constant 0 : i32
      %dma_start3A_1450 = tpu.memref_slice %arg11[%add3A_1199, %dma_start3A_1449] : memref<12560x128xf32, #tpu.memory_space<vmem_shared>> -> memref<16x128xf32, #tpu.memory_space<vmem_shared>>
      tpu.enqueue_dma source(%arg10 : memref<16x128xf32, #tpu.memory_space<vmem>>) target(%dma_start3A_1450 : memref<16x128xf32, #tpu.memory_space<vmem_shared>>) target_semaphore(%run_scoped3A : memref<!tpu.dma_semaphore, #tpu.memory_space<semaphore_mem>>)
      %dma_wait3A = arith.constant 0 : i32
      %dma_wait3A_1451 = tpu.memref_slice %arg11[%add3A_1199, %dma_wait3A] : memref<12560x128xf32, #tpu.memory_space<vmem_shared>> -> memref<16x128xf32, #tpu.memory_space<vmem_shared>>
      %dma_wait3A_1452 = arith.constant 0 : i32
      %dma_wait3A_1453 = tpu.memref_slice %arg11[%add3A_1199, %dma_wait3A_1452] : memref<12560x128xf32, #tpu.memory_space<vmem_shared>> -> memref<16x128xf32, #tpu.memory_space<vmem_shared>>
      tpu.wait_dma2 semaphore(%run_scoped3A : memref<!tpu.dma_semaphore, #tpu.memory_space<semaphore_mem>>) src(%arg10 : memref<16x128xf32, #tpu.memory_space<vmem>>) dst(%dma_wait3A_1453 : memref<16x128xf32, #tpu.memory_space<vmem_shared>>)
      tpu.yield
    }) : () -> ()
    %mul3A_1200 = arith.constant 784 : i32
    %mul3A_1201 = arith.muli %arg1, %mul3A_1200 : i32
    %add3A_1202 = arith.constant 704 : i32
    %add3A_1203 = arith.addi %mul3A_1201, %add3A_1202 : i32
    "tpu.region"() ({
      %run_scoped3A = tpu.sem_alloc : memref<!tpu.dma_semaphore, #tpu.memory_space<semaphore_mem>>
      %dma_start3A = arith.constant 0 : i32
      %dma_start3A_1448 = tpu.memref_slice %arg11[%add3A_1203, %dma_start3A] : memref<12560x128xf32, #tpu.memory_space<vmem_shared>> -> memref<16x128xf32, #tpu.memory_space<vmem_shared>>
      %dma_start3A_1449 = arith.constant 0 : i32
      %dma_start3A_1450 = tpu.memref_slice %arg11[%add3A_1203, %dma_start3A_1449] : memref<12560x128xf32, #tpu.memory_space<vmem_shared>> -> memref<16x128xf32, #tpu.memory_space<vmem_shared>>
      tpu.enqueue_dma source(%arg10 : memref<16x128xf32, #tpu.memory_space<vmem>>) target(%dma_start3A_1450 : memref<16x128xf32, #tpu.memory_space<vmem_shared>>) target_semaphore(%run_scoped3A : memref<!tpu.dma_semaphore, #tpu.memory_space<semaphore_mem>>)
      %dma_wait3A = arith.constant 0 : i32
      %dma_wait3A_1451 = tpu.memref_slice %arg11[%add3A_1203, %dma_wait3A] : memref<12560x128xf32, #tpu.memory_space<vmem_shared>> -> memref<16x128xf32, #tpu.memory_space<vmem_shared>>
      %dma_wait3A_1452 = arith.constant 0 : i32
      %dma_wait3A_1453 = tpu.memref_slice %arg11[%add3A_1203, %dma_wait3A_1452] : memref<12560x128xf32, #tpu.memory_space<vmem_shared>> -> memref<16x128xf32, #tpu.memory_space<vmem_shared>>
      tpu.wait_dma2 semaphore(%run_scoped3A : memref<!tpu.dma_semaphore, #tpu.memory_space<semaphore_mem>>) src(%arg10 : memref<16x128xf32, #tpu.memory_space<vmem>>) dst(%dma_wait3A_1453 : memref<16x128xf32, #tpu.memory_space<vmem_shared>>)
      tpu.yield
    }) : () -> ()
    %mul3A_1204 = arith.constant 784 : i32
    %mul3A_1205 = arith.muli %arg1, %mul3A_1204 : i32
    %add3A_1206 = arith.constant 720 : i32
    %add3A_1207 = arith.addi %mul3A_1205, %add3A_1206 : i32
    "tpu.region"() ({
      %run_scoped3A = tpu.sem_alloc : memref<!tpu.dma_semaphore, #tpu.memory_space<semaphore_mem>>
      %dma_start3A = arith.constant 0 : i32
      %dma_start3A_1448 = tpu.memref_slice %arg11[%add3A_1207, %dma_start3A] : memref<12560x128xf32, #tpu.memory_space<vmem_shared>> -> memref<16x128xf32, #tpu.memory_space<vmem_shared>>
      %dma_start3A_1449 = arith.constant 0 : i32
      %dma_start3A_1450 = tpu.memref_slice %arg11[%add3A_1207, %dma_start3A_1449] : memref<12560x128xf32, #tpu.memory_space<vmem_shared>> -> memref<16x128xf32, #tpu.memory_space<vmem_shared>>
      tpu.enqueue_dma source(%arg10 : memref<16x128xf32, #tpu.memory_space<vmem>>) target(%dma_start3A_1450 : memref<16x128xf32, #tpu.memory_space<vmem_shared>>) target_semaphore(%run_scoped3A : memref<!tpu.dma_semaphore, #tpu.memory_space<semaphore_mem>>)
      %dma_wait3A = arith.constant 0 : i32
      %dma_wait3A_1451 = tpu.memref_slice %arg11[%add3A_1207, %dma_wait3A] : memref<12560x128xf32, #tpu.memory_space<vmem_shared>> -> memref<16x128xf32, #tpu.memory_space<vmem_shared>>
      %dma_wait3A_1452 = arith.constant 0 : i32
      %dma_wait3A_1453 = tpu.memref_slice %arg11[%add3A_1207, %dma_wait3A_1452] : memref<12560x128xf32, #tpu.memory_space<vmem_shared>> -> memref<16x128xf32, #tpu.memory_space<vmem_shared>>
      tpu.wait_dma2 semaphore(%run_scoped3A : memref<!tpu.dma_semaphore, #tpu.memory_space<semaphore_mem>>) src(%arg10 : memref<16x128xf32, #tpu.memory_space<vmem>>) dst(%dma_wait3A_1453 : memref<16x128xf32, #tpu.memory_space<vmem_shared>>)
      tpu.yield
    }) : () -> ()
    %mul3A_1208 = arith.constant 784 : i32
    %mul3A_1209 = arith.muli %arg1, %mul3A_1208 : i32
    %add3A_1210 = arith.constant 736 : i32
    %add3A_1211 = arith.addi %mul3A_1209, %add3A_1210 : i32
    "tpu.region"() ({
      %run_scoped3A = tpu.sem_alloc : memref<!tpu.dma_semaphore, #tpu.memory_space<semaphore_mem>>
      %dma_start3A = arith.constant 0 : i32
      %dma_start3A_1448 = tpu.memref_slice %arg11[%add3A_1211, %dma_start3A] : memref<12560x128xf32, #tpu.memory_space<vmem_shared>> -> memref<16x128xf32, #tpu.memory_space<vmem_shared>>
      %dma_start3A_1449 = arith.constant 0 : i32
      %dma_start3A_1450 = tpu.memref_slice %arg11[%add3A_1211, %dma_start3A_1449] : memref<12560x128xf32, #tpu.memory_space<vmem_shared>> -> memref<16x128xf32, #tpu.memory_space<vmem_shared>>
      tpu.enqueue_dma source(%arg10 : memref<16x128xf32, #tpu.memory_space<vmem>>) target(%dma_start3A_1450 : memref<16x128xf32, #tpu.memory_space<vmem_shared>>) target_semaphore(%run_scoped3A : memref<!tpu.dma_semaphore, #tpu.memory_space<semaphore_mem>>)
      %dma_wait3A = arith.constant 0 : i32
      %dma_wait3A_1451 = tpu.memref_slice %arg11[%add3A_1211, %dma_wait3A] : memref<12560x128xf32, #tpu.memory_space<vmem_shared>> -> memref<16x128xf32, #tpu.memory_space<vmem_shared>>
      %dma_wait3A_1452 = arith.constant 0 : i32
      %dma_wait3A_1453 = tpu.memref_slice %arg11[%add3A_1211, %dma_wait3A_1452] : memref<12560x128xf32, #tpu.memory_space<vmem_shared>> -> memref<16x128xf32, #tpu.memory_space<vmem_shared>>
      tpu.wait_dma2 semaphore(%run_scoped3A : memref<!tpu.dma_semaphore, #tpu.memory_space<semaphore_mem>>) src(%arg10 : memref<16x128xf32, #tpu.memory_space<vmem>>) dst(%dma_wait3A_1453 : memref<16x128xf32, #tpu.memory_space<vmem_shared>>)
      tpu.yield
    }) : () -> ()
    %mul3A_1212 = arith.constant 784 : i32
    %mul3A_1213 = arith.muli %arg1, %mul3A_1212 : i32
    %add3A_1214 = arith.constant 752 : i32
    %add3A_1215 = arith.addi %mul3A_1213, %add3A_1214 : i32
    "tpu.region"() ({
      %run_scoped3A = tpu.sem_alloc : memref<!tpu.dma_semaphore, #tpu.memory_space<semaphore_mem>>
      %dma_start3A = arith.constant 0 : i32
      %dma_start3A_1448 = tpu.memref_slice %arg11[%add3A_1215, %dma_start3A] : memref<12560x128xf32, #tpu.memory_space<vmem_shared>> -> memref<16x128xf32, #tpu.memory_space<vmem_shared>>
      %dma_start3A_1449 = arith.constant 0 : i32
      %dma_start3A_1450 = tpu.memref_slice %arg11[%add3A_1215, %dma_start3A_1449] : memref<12560x128xf32, #tpu.memory_space<vmem_shared>> -> memref<16x128xf32, #tpu.memory_space<vmem_shared>>
      tpu.enqueue_dma source(%arg10 : memref<16x128xf32, #tpu.memory_space<vmem>>) target(%dma_start3A_1450 : memref<16x128xf32, #tpu.memory_space<vmem_shared>>) target_semaphore(%run_scoped3A : memref<!tpu.dma_semaphore, #tpu.memory_space<semaphore_mem>>)
      %dma_wait3A = arith.constant 0 : i32
      %dma_wait3A_1451 = tpu.memref_slice %arg11[%add3A_1215, %dma_wait3A] : memref<12560x128xf32, #tpu.memory_space<vmem_shared>> -> memref<16x128xf32, #tpu.memory_space<vmem_shared>>
      %dma_wait3A_1452 = arith.constant 0 : i32
      %dma_wait3A_1453 = tpu.memref_slice %arg11[%add3A_1215, %dma_wait3A_1452] : memref<12560x128xf32, #tpu.memory_space<vmem_shared>> -> memref<16x128xf32, #tpu.memory_space<vmem_shared>>
      tpu.wait_dma2 semaphore(%run_scoped3A : memref<!tpu.dma_semaphore, #tpu.memory_space<semaphore_mem>>) src(%arg10 : memref<16x128xf32, #tpu.memory_space<vmem>>) dst(%dma_wait3A_1453 : memref<16x128xf32, #tpu.memory_space<vmem_shared>>)
      tpu.yield
    }) : () -> ()
    %mul3A_1216 = arith.constant 784 : i32
    %mul3A_1217 = arith.muli %arg1, %mul3A_1216 : i32
    %add3A_1218 = arith.constant 768 : i32
    %add3A_1219 = arith.addi %mul3A_1217, %add3A_1218 : i32
    "tpu.region"() ({
      %run_scoped3A = tpu.sem_alloc : memref<!tpu.dma_semaphore, #tpu.memory_space<semaphore_mem>>
      %dma_start3A = arith.constant 0 : i32
      %dma_start3A_1448 = tpu.memref_slice %arg11[%add3A_1219, %dma_start3A] : memref<12560x128xf32, #tpu.memory_space<vmem_shared>> -> memref<16x128xf32, #tpu.memory_space<vmem_shared>>
      %dma_start3A_1449 = arith.constant 0 : i32
      %dma_start3A_1450 = tpu.memref_slice %arg11[%add3A_1219, %dma_start3A_1449] : memref<12560x128xf32, #tpu.memory_space<vmem_shared>> -> memref<16x128xf32, #tpu.memory_space<vmem_shared>>
      tpu.enqueue_dma source(%arg10 : memref<16x128xf32, #tpu.memory_space<vmem>>) target(%dma_start3A_1450 : memref<16x128xf32, #tpu.memory_space<vmem_shared>>) target_semaphore(%run_scoped3A : memref<!tpu.dma_semaphore, #tpu.memory_space<semaphore_mem>>)
      %dma_wait3A = arith.constant 0 : i32
      %dma_wait3A_1451 = tpu.memref_slice %arg11[%add3A_1219, %dma_wait3A] : memref<12560x128xf32, #tpu.memory_space<vmem_shared>> -> memref<16x128xf32, #tpu.memory_space<vmem_shared>>
      %dma_wait3A_1452 = arith.constant 0 : i32
      %dma_wait3A_1453 = tpu.memref_slice %arg11[%add3A_1219, %dma_wait3A_1452] : memref<12560x128xf32, #tpu.memory_space<vmem_shared>> -> memref<16x128xf32, #tpu.memory_space<vmem_shared>>
      tpu.wait_dma2 semaphore(%run_scoped3A : memref<!tpu.dma_semaphore, #tpu.memory_space<semaphore_mem>>) src(%arg10 : memref<16x128xf32, #tpu.memory_space<vmem>>) dst(%dma_wait3A_1453 : memref<16x128xf32, #tpu.memory_space<vmem_shared>>)
      tpu.yield
    }) : () -> ()
    %barrier3A = arith.constant 0 : index
    tpu.barrier barrier_id(%barrier3A)
    %scan3A = arith.constant 0 : i32
    %scan3A_1220 = arith.constant 0 : i32
    %scan3A_1221 = arith.constant 391 : i32
    %scan3A_1222 = arith.addi %scan3A_1220, %scan3A_1221 : i32
    %scan3A_1223 = arith.constant 1 : i32
    %scan3A_1224 = scf.for %scan3A_1448 = %scan3A_1220 to %scan3A_1222 step %scan3A_1223 iter_args(%scan3A_1449 = %scan3A) -> (i32)  : i32 {
      %mul3A_1450 = arith.constant 50048 : i32
      %mul3A_1451 = arith.muli %arg1, %mul3A_1450 : i32
      %mul3A_1452 = arith.constant 128 : i32
      %mul3A_1453 = arith.muli %scan3A_1448, %mul3A_1452 : i32
      %add3A_1454 = arith.addi %mul3A_1451, %mul3A_1453 : i32
      "tpu.region"() ({
        %run_scoped3A = tpu.sem_alloc : memref<!tpu.dma_semaphore, #tpu.memory_space<semaphore_mem>>
        %dma_start3A_1605 = tpu.memref_slice %arg3[%add3A_1454] : memref<800768xi32, #tpu.memory_space<hbm>> -> memref<128xi32, #tpu.memory_space<hbm>>
        %dma_start3A_1606 = tpu.memref_slice %arg3[%add3A_1454] : memref<800768xi32, #tpu.memory_space<hbm>> -> memref<128xi32, #tpu.memory_space<hbm>>
        tpu.enqueue_dma source(%dma_start3A_1606 : memref<128xi32, #tpu.memory_space<hbm>>) target(%arg6 : memref<128xi32, #tpu.memory_space<vmem>>) target_semaphore(%run_scoped3A : memref<!tpu.dma_semaphore, #tpu.memory_space<semaphore_mem>>)
        %dma_wait3A_1607 = tpu.memref_slice %arg3[%add3A_1454] : memref<800768xi32, #tpu.memory_space<hbm>> -> memref<128xi32, #tpu.memory_space<hbm>>
        %dma_wait3A_1608 = tpu.memref_slice %arg3[%add3A_1454] : memref<800768xi32, #tpu.memory_space<hbm>> -> memref<128xi32, #tpu.memory_space<hbm>>
        tpu.wait_dma2 semaphore(%run_scoped3A : memref<!tpu.dma_semaphore, #tpu.memory_space<semaphore_mem>>) src(%dma_wait3A_1608 : memref<128xi32, #tpu.memory_space<hbm>>) dst(%arg6 : memref<128xi32, #tpu.memory_space<vmem>>)
        tpu.yield
      }) : () -> ()
      "tpu.region"() ({
        %run_scoped3A = tpu.sem_alloc : memref<!tpu.dma_semaphore, #tpu.memory_space<semaphore_mem>>
        %dma_start3A_1605 = tpu.memref_slice %arg4[%add3A_1454] : memref<800768xi32, #tpu.memory_space<hbm>> -> memref<128xi32, #tpu.memory_space<hbm>>
        %dma_start3A_1606 = tpu.memref_slice %arg4[%add3A_1454] : memref<800768xi32, #tpu.memory_space<hbm>> -> memref<128xi32, #tpu.memory_space<hbm>>
        tpu.enqueue_dma source(%dma_start3A_1606 : memref<128xi32, #tpu.memory_space<hbm>>) target(%arg7 : memref<128xi32, #tpu.memory_space<vmem>>) target_semaphore(%run_scoped3A : memref<!tpu.dma_semaphore, #tpu.memory_space<semaphore_mem>>)
        %dma_wait3A_1607 = tpu.memref_slice %arg4[%add3A_1454] : memref<800768xi32, #tpu.memory_space<hbm>> -> memref<128xi32, #tpu.memory_space<hbm>>
        %dma_wait3A_1608 = tpu.memref_slice %arg4[%add3A_1454] : memref<800768xi32, #tpu.memory_space<hbm>> -> memref<128xi32, #tpu.memory_space<hbm>>
        tpu.wait_dma2 semaphore(%run_scoped3A : memref<!tpu.dma_semaphore, #tpu.memory_space<semaphore_mem>>) src(%dma_wait3A_1608 : memref<128xi32, #tpu.memory_space<hbm>>) dst(%arg7 : memref<128xi32, #tpu.memory_space<vmem>>)
        tpu.yield
      }) : () -> ()
      %dma_start3A = arith.constant 0 : i32
      %dma_start3A_1455 = arith.constant 0 : i32
      %dma_start3A_1456 = tpu.memref_slice %arg2[%dma_start3A, %dma_start3A_1455] : memref<50176x128xf32, #tpu.memory_space<hbm>> -> memref<50176x128xf32, #tpu.memory_space<hbm>>
      tpu.enqueue_indirect_dma source(%dma_start3A_1456 : memref<50176x128xf32, #tpu.memory_space<hbm>>) target(%arg9 : memref<128x128xf32, #tpu.memory_space<vmem>>) offsets(%arg6 : memref<128xi32, #tpu.memory_space<vmem>>) semaphore(%arg12 : memref<!tpu.dma_semaphore, #tpu.memory_space<semaphore_mem>>)
      %get3A = arith.constant 0 : index
      %get3A_1457 = tpu.vector_load %arg7[%get3A] {strides = array<i32>} : memref<128xi32, #tpu.memory_space<vmem>>, vector<16xi32>,
      %get3A_1458 = vector.shape_cast %get3A_1457 : vector<16xi32> to vector<16xi32>
      %sub3A = vector.broadcast %mul3A_1023 : i32 to vector<16xi32>
      %sub3A_1459 = arith.subi %get3A_1458, %sub3A : vector<16xi32>
      %lt3A = arith.constant 0 : i32
      %lt3A_1460 = vector.broadcast %lt3A : i32 to vector<16xi32>
      %lt3A_1461 = arith.cmpi slt, %sub3A_1459, %lt3A_1460 : vector<16xi32>
      %ge3A = arith.constant 12544 : i32
      %ge3A_1462 = vector.broadcast %ge3A : i32 to vector<16xi32>
      %ge3A_1463 = arith.cmpi sge, %sub3A_1459, %ge3A_1462 : vector<16xi32>
      %or3A = arith.ori %lt3A_1461, %ge3A_1463 : vector<16xi1>
      %jit3A = arith.constant 12544 : i32
      %broadcast_in_dim3A_1464 = vector.broadcast %jit3A : i32 to vector<16xi32>
      %select_n3A = arith.select %or3A, %broadcast_in_dim3A_1464, %sub3A_1459 : vector<16xi1>, vector<16xi32>
      %swap3A_1465 = arith.constant 0 : index
      %swap3A_1466 = tpu.vector_load %arg8[%swap3A_1465] {strides = array<i32>} : memref<128xi32, #tpu.memory_space<vmem>>, vector<16xi32>,
      %swap3A_1467 = vector.shape_cast %swap3A_1466 : vector<16xi32> to vector<16xi32>
      %swap3A_1468 = vector.shape_cast %select_n3A : vector<16xi32> to vector<16xi32>
      tpu.vector_store %arg8[%swap3A_1465], %swap3A_1468 {strides = array<i32>} : memref<128xi32, #tpu.memory_space<vmem>>, vector<16xi32>,
      %get3A_1469 = arith.constant 16 : index
      %get3A_1470 = tpu.vector_load %arg7[%get3A_1469] {strides = array<i32>} : memref<128xi32, #tpu.memory_space<vmem>>, vector<16xi32>,
      %get3A_1471 = vector.shape_cast %get3A_1470 : vector<16xi32> to vector<16xi32>
      %sub3A_1472 = vector.broadcast %mul3A_1023 : i32 to vector<16xi32>
      %sub3A_1473 = arith.subi %get3A_1471, %sub3A_1472 : vector<16xi32>
      %lt3A_1474 = arith.constant 0 : i32
      %lt3A_1475 = vector.broadcast %lt3A_1474 : i32 to vector<16xi32>
      %lt3A_1476 = arith.cmpi slt, %sub3A_1473, %lt3A_1475 : vector<16xi32>
      %ge3A_1477 = arith.constant 12544 : i32
      %ge3A_1478 = vector.broadcast %ge3A_1477 : i32 to vector<16xi32>
      %ge3A_1479 = arith.cmpi sge, %sub3A_1473, %ge3A_1478 : vector<16xi32>
      %or3A_1480 = arith.ori %lt3A_1476, %ge3A_1479 : vector<16xi1>
      %jit3A_1481 = arith.constant 12544 : i32
      %broadcast_in_dim3A_1482 = vector.broadcast %jit3A_1481 : i32 to vector<16xi32>
      %select_n3A_1483 = arith.select %or3A_1480, %broadcast_in_dim3A_1482, %sub3A_1473 : vector<16xi1>, vector<16xi32>
      %swap3A_1484 = arith.constant 16 : index
      %swap3A_1485 = tpu.vector_load %arg8[%swap3A_1484] {strides = array<i32>} : memref<128xi32, #tpu.memory_space<vmem>>, vector<16xi32>,
      %swap3A_1486 = vector.shape_cast %swap3A_1485 : vector<16xi32> to vector<16xi32>
      %swap3A_1487 = vector.shape_cast %select_n3A_1483 : vector<16xi32> to vector<16xi32>
      tpu.vector_store %arg8[%swap3A_1484], %swap3A_1487 {strides = array<i32>} : memref<128xi32, #tpu.memory_space<vmem>>, vector<16xi32>,
      %get3A_1488 = arith.constant 32 : index
      %get3A_1489 = tpu.vector_load %arg7[%get3A_1488] {strides = array<i32>} : memref<128xi32, #tpu.memory_space<vmem>>, vector<16xi32>,
      %get3A_1490 = vector.shape_cast %get3A_1489 : vector<16xi32> to vector<16xi32>
      %sub3A_1491 = vector.broadcast %mul3A_1023 : i32 to vector<16xi32>
      %sub3A_1492 = arith.subi %get3A_1490, %sub3A_1491 : vector<16xi32>
      %lt3A_1493 = arith.constant 0 : i32
      %lt3A_1494 = vector.broadcast %lt3A_1493 : i32 to vector<16xi32>
      %lt3A_1495 = arith.cmpi slt, %sub3A_1492, %lt3A_1494 : vector<16xi32>
      %ge3A_1496 = arith.constant 12544 : i32
      %ge3A_1497 = vector.broadcast %ge3A_1496 : i32 to vector<16xi32>
      %ge3A_1498 = arith.cmpi sge, %sub3A_1492, %ge3A_1497 : vector<16xi32>
      %or3A_1499 = arith.ori %lt3A_1495, %ge3A_1498 : vector<16xi1>
      %jit3A_1500 = arith.constant 12544 : i32
      %broadcast_in_dim3A_1501 = vector.broadcast %jit3A_1500 : i32 to vector<16xi32>
      %select_n3A_1502 = arith.select %or3A_1499, %broadcast_in_dim3A_1501, %sub3A_1492 : vector<16xi1>, vector<16xi32>
      %swap3A_1503 = arith.constant 32 : index
      %swap3A_1504 = tpu.vector_load %arg8[%swap3A_1503] {strides = array<i32>} : memref<128xi32, #tpu.memory_space<vmem>>, vector<16xi32>,
      %swap3A_1505 = vector.shape_cast %swap3A_1504 : vector<16xi32> to vector<16xi32>
      %swap3A_1506 = vector.shape_cast %select_n3A_1502 : vector<16xi32> to vector<16xi32>
      tpu.vector_store %arg8[%swap3A_1503], %swap3A_1506 {strides = array<i32>} : memref<128xi32, #tpu.memory_space<vmem>>, vector<16xi32>,
      %get3A_1507 = arith.constant 48 : index
      %get3A_1508 = tpu.vector_load %arg7[%get3A_1507] {strides = array<i32>} : memref<128xi32, #tpu.memory_space<vmem>>, vector<16xi32>,
      %get3A_1509 = vector.shape_cast %get3A_1508 : vector<16xi32> to vector<16xi32>
      %sub3A_1510 = vector.broadcast %mul3A_1023 : i32 to vector<16xi32>
      %sub3A_1511 = arith.subi %get3A_1509, %sub3A_1510 : vector<16xi32>
      %lt3A_1512 = arith.constant 0 : i32
      %lt3A_1513 = vector.broadcast %lt3A_1512 : i32 to vector<16xi32>
      %lt3A_1514 = arith.cmpi slt, %sub3A_1511, %lt3A_1513 : vector<16xi32>
      %ge3A_1515 = arith.constant 12544 : i32
      %ge3A_1516 = vector.broadcast %ge3A_1515 : i32 to vector<16xi32>
      %ge3A_1517 = arith.cmpi sge, %sub3A_1511, %ge3A_1516 : vector<16xi32>
      %or3A_1518 = arith.ori %lt3A_1514, %ge3A_1517 : vector<16xi1>
      %jit3A_1519 = arith.constant 12544 : i32
      %broadcast_in_dim3A_1520 = vector.broadcast %jit3A_1519 : i32 to vector<16xi32>
      %select_n3A_1521 = arith.select %or3A_1518, %broadcast_in_dim3A_1520, %sub3A_1511 : vector<16xi1>, vector<16xi32>
      %swap3A_1522 = arith.constant 48 : index
      %swap3A_1523 = tpu.vector_load %arg8[%swap3A_1522] {strides = array<i32>} : memref<128xi32, #tpu.memory_space<vmem>>, vector<16xi32>,
      %swap3A_1524 = vector.shape_cast %swap3A_1523 : vector<16xi32> to vector<16xi32>
      %swap3A_1525 = vector.shape_cast %select_n3A_1521 : vector<16xi32> to vector<16xi32>
      tpu.vector_store %arg8[%swap3A_1522], %swap3A_1525 {strides = array<i32>} : memref<128xi32, #tpu.memory_space<vmem>>, vector<16xi32>,
      %get3A_1526 = arith.constant 64 : index
      %get3A_1527 = tpu.vector_load %arg7[%get3A_1526] {strides = array<i32>} : memref<128xi32, #tpu.memory_space<vmem>>, vector<16xi32>,
      %get3A_1528 = vector.shape_cast %get3A_1527 : vector<16xi32> to vector<16xi32>
      %sub3A_1529 = vector.broadcast %mul3A_1023 : i32 to vector<16xi32>
      %sub3A_1530 = arith.subi %get3A_1528, %sub3A_1529 : vector<16xi32>
      %lt3A_1531 = arith.constant 0 : i32
      %lt3A_1532 = vector.broadcast %lt3A_1531 : i32 to vector<16xi32>
      %lt3A_1533 = arith.cmpi slt, %sub3A_1530, %lt3A_1532 : vector<16xi32>
      %ge3A_1534 = arith.constant 12544 : i32
      %ge3A_1535 = vector.broadcast %ge3A_1534 : i32 to vector<16xi32>
      %ge3A_1536 = arith.cmpi sge, %sub3A_1530, %ge3A_1535 : vector<16xi32>
      %or3A_1537 = arith.ori %lt3A_1533, %ge3A_1536 : vector<16xi1>
      %jit3A_1538 = arith.constant 12544 : i32
      %broadcast_in_dim3A_1539 = vector.broadcast %jit3A_1538 : i32 to vector<16xi32>
      %select_n3A_1540 = arith.select %or3A_1537, %broadcast_in_dim3A_1539, %sub3A_1530 : vector<16xi1>, vector<16xi32>
      %swap3A_1541 = arith.constant 64 : index
      %swap3A_1542 = tpu.vector_load %arg8[%swap3A_1541] {strides = array<i32>} : memref<128xi32, #tpu.memory_space<vmem>>, vector<16xi32>,
      %swap3A_1543 = vector.shape_cast %swap3A_1542 : vector<16xi32> to vector<16xi32>
      %swap3A_1544 = vector.shape_cast %select_n3A_1540 : vector<16xi32> to vector<16xi32>
      tpu.vector_store %arg8[%swap3A_1541], %swap3A_1544 {strides = array<i32>} : memref<128xi32, #tpu.memory_space<vmem>>, vector<16xi32>,
      %get3A_1545 = arith.constant 80 : index
      %get3A_1546 = tpu.vector_load %arg7[%get3A_1545] {strides = array<i32>} : memref<128xi32, #tpu.memory_space<vmem>>, vector<16xi32>,
      %get3A_1547 = vector.shape_cast %get3A_1546 : vector<16xi32> to vector<16xi32>
      %sub3A_1548 = vector.broadcast %mul3A_1023 : i32 to vector<16xi32>
      %sub3A_1549 = arith.subi %get3A_1547, %sub3A_1548 : vector<16xi32>
      %lt3A_1550 = arith.constant 0 : i32
      %lt3A_1551 = vector.broadcast %lt3A_1550 : i32 to vector<16xi32>
      %lt3A_1552 = arith.cmpi slt, %sub3A_1549, %lt3A_1551 : vector<16xi32>
      %ge3A_1553 = arith.constant 12544 : i32
      %ge3A_1554 = vector.broadcast %ge3A_1553 : i32 to vector<16xi32>
      %ge3A_1555 = arith.cmpi sge, %sub3A_1549, %ge3A_1554 : vector<16xi32>
      %or3A_1556 = arith.ori %lt3A_1552, %ge3A_1555 : vector<16xi1>
      %jit3A_1557 = arith.constant 12544 : i32
      %broadcast_in_dim3A_1558 = vector.broadcast %jit3A_1557 : i32 to vector<16xi32>
      %select_n3A_1559 = arith.select %or3A_1556, %broadcast_in_dim3A_1558, %sub3A_1549 : vector<16xi1>, vector<16xi32>
      %swap3A_1560 = arith.constant 80 : index
      %swap3A_1561 = tpu.vector_load %arg8[%swap3A_1560] {strides = array<i32>} : memref<128xi32, #tpu.memory_space<vmem>>, vector<16xi32>,
      %swap3A_1562 = vector.shape_cast %swap3A_1561 : vector<16xi32> to vector<16xi32>
      %swap3A_1563 = vector.shape_cast %select_n3A_1559 : vector<16xi32> to vector<16xi32>
      tpu.vector_store %arg8[%swap3A_1560], %swap3A_1563 {strides = array<i32>} : memref<128xi32, #tpu.memory_space<vmem>>, vector<16xi32>,
      %get3A_1564 = arith.constant 96 : index
      %get3A_1565 = tpu.vector_load %arg7[%get3A_1564] {strides = array<i32>} : memref<128xi32, #tpu.memory_space<vmem>>, vector<16xi32>,
      %get3A_1566 = vector.shape_cast %get3A_1565 : vector<16xi32> to vector<16xi32>
      %sub3A_1567 = vector.broadcast %mul3A_1023 : i32 to vector<16xi32>
      %sub3A_1568 = arith.subi %get3A_1566, %sub3A_1567 : vector<16xi32>
      %lt3A_1569 = arith.constant 0 : i32
      %lt3A_1570 = vector.broadcast %lt3A_1569 : i32 to vector<16xi32>
      %lt3A_1571 = arith.cmpi slt, %sub3A_1568, %lt3A_1570 : vector<16xi32>
      %ge3A_1572 = arith.constant 12544 : i32
      %ge3A_1573 = vector.broadcast %ge3A_1572 : i32 to vector<16xi32>
      %ge3A_1574 = arith.cmpi sge, %sub3A_1568, %ge3A_1573 : vector<16xi32>
      %or3A_1575 = arith.ori %lt3A_1571, %ge3A_1574 : vector<16xi1>
      %jit3A_1576 = arith.constant 12544 : i32
      %broadcast_in_dim3A_1577 = vector.broadcast %jit3A_1576 : i32 to vector<16xi32>
      %select_n3A_1578 = arith.select %or3A_1575, %broadcast_in_dim3A_1577, %sub3A_1568 : vector<16xi1>, vector<16xi32>
      %swap3A_1579 = arith.constant 96 : index
      %swap3A_1580 = tpu.vector_load %arg8[%swap3A_1579] {strides = array<i32>} : memref<128xi32, #tpu.memory_space<vmem>>, vector<16xi32>,
      %swap3A_1581 = vector.shape_cast %swap3A_1580 : vector<16xi32> to vector<16xi32>
      %swap3A_1582 = vector.shape_cast %select_n3A_1578 : vector<16xi32> to vector<16xi32>
      tpu.vector_store %arg8[%swap3A_1579], %swap3A_1582 {strides = array<i32>} : memref<128xi32, #tpu.memory_space<vmem>>, vector<16xi32>,
      %get3A_1583 = arith.constant 112 : index
      %get3A_1584 = tpu.vector_load %arg7[%get3A_1583] {strides = array<i32>} : memref<128xi32, #tpu.memory_space<vmem>>, vector<16xi32>,
      %get3A_1585 = vector.shape_cast %get3A_1584 : vector<16xi32> to vector<16xi32>
      %sub3A_1586 = vector.broadcast %mul3A_1023 : i32 to vector<16xi32>
      %sub3A_1587 = arith.subi %get3A_1585, %sub3A_1586 : vector<16xi32>
      %lt3A_1588 = arith.constant 0 : i32
      %lt3A_1589 = vector.broadcast %lt3A_1588 : i32 to vector<16xi32>
      %lt3A_1590 = arith.cmpi slt, %sub3A_1587, %lt3A_1589 : vector<16xi32>
      %ge3A_1591 = arith.constant 12544 : i32
      %ge3A_1592 = vector.broadcast %ge3A_1591 : i32 to vector<16xi32>
      %ge3A_1593 = arith.cmpi sge, %sub3A_1587, %ge3A_1592 : vector<16xi32>
      %or3A_1594 = arith.ori %lt3A_1590, %ge3A_1593 : vector<16xi1>
      %jit3A_1595 = arith.constant 12544 : i32
      %broadcast_in_dim3A_1596 = vector.broadcast %jit3A_1595 : i32 to vector<16xi32>
      %select_n3A_1597 = arith.select %or3A_1594, %broadcast_in_dim3A_1596, %sub3A_1587 : vector<16xi1>, vector<16xi32>
      %swap3A_1598 = arith.constant 112 : index
      %swap3A_1599 = tpu.vector_load %arg8[%swap3A_1598] {strides = array<i32>} : memref<128xi32, #tpu.memory_space<vmem>>, vector<16xi32>,
      %swap3A_1600 = vector.shape_cast %swap3A_1599 : vector<16xi32> to vector<16xi32>
      %swap3A_1601 = vector.shape_cast %select_n3A_1597 : vector<16xi32> to vector<16xi32>
      tpu.vector_store %arg8[%swap3A_1598], %swap3A_1601 {strides = array<i32>} : memref<128xi32, #tpu.memory_space<vmem>>, vector<16xi32>,
      %dma_wait3A = arith.constant 0 : i32
      %dma_wait3A_1602 = arith.constant 0 : i32
      %dma_wait3A_1603 = tpu.memref_slice %arg2[%dma_wait3A, %dma_wait3A_1602] : memref<50176x128xf32, #tpu.memory_space<hbm>> -> memref<50176x128xf32, #tpu.memory_space<hbm>>
      tpu.wait_indirect_dma semaphore(%arg12 : memref<!tpu.dma_semaphore, #tpu.memory_space<semaphore_mem>>) src(%dma_wait3A_1603 : memref<50176x128xf32, #tpu.memory_space<hbm>>) dst(%arg9 : memref<128x128xf32, #tpu.memory_space<vmem>>)
      "tpu.region"() ({
        %run_scoped3A = tpu.sem_alloc : memref<!tpu.dma_semaphore, #tpu.memory_space<semaphore_mem>>
        %dma_start3A_1605 = arith.constant 0 : i32
        %dma_start3A_1606 = arith.constant 0 : i32
        %dma_start3A_1607 = tpu.memref_slice %arg11[%dma_start3A_1605, %dma_start3A_1606] : memref<12560x128xf32, #tpu.memory_space<vmem_shared>> -> memref<12560x128xf32, #tpu.memory_space<vmem_shared>>
        tpu.enqueue_indirect_dma source(%arg9 : memref<128x128xf32, #tpu.memory_space<vmem>>) target(%dma_start3A_1607 : memref<12560x128xf32, #tpu.memory_space<vmem_shared>>) offsets(%arg8 : memref<128xi32, #tpu.memory_space<vmem>>) semaphore(%run_scoped3A : memref<!tpu.dma_semaphore, #tpu.memory_space<semaphore_mem>>) {add = true}
        %dma_wait3A_1608 = arith.constant 0 : i32
        %dma_wait3A_1609 = arith.constant 0 : i32
        %dma_wait3A_1610 = tpu.memref_slice %arg11[%dma_wait3A_1608, %dma_wait3A_1609] : memref<12560x128xf32, #tpu.memory_space<vmem_shared>> -> memref<12560x128xf32, #tpu.memory_space<vmem_shared>>
        tpu.wait_indirect_dma semaphore(%run_scoped3A : memref<!tpu.dma_semaphore, #tpu.memory_space<semaphore_mem>>) src(%arg9 : memref<128x128xf32, #tpu.memory_space<vmem>>) dst(%dma_wait3A_1610 : memref<12560x128xf32, #tpu.memory_space<vmem_shared>>)
        tpu.yield
      }) : () -> ()
      %scan3A_1604 = arith.constant 0 : i32
      scf.yield %scan3A_1604 : i32
    }
    %scan3A_1225 = arith.constant 391 : i32
    %barrier3A_1226 = arith.constant 0 : index
    tpu.barrier barrier_id(%barrier3A_1226)
    %mul3A_1227 = arith.constant 784 : i32
    %mul3A_1228 = arith.muli %arg1, %mul3A_1227 : i32
    %mul3A_1229 = arith.constant 784 : i32
    %mul3A_1230 = arith.muli %arg1, %mul3A_1229 : i32
    %add3A_1231 = arith.addi %mul3A_1023, %mul3A_1230 : i32
    "tpu.region"() ({
      %run_scoped3A = tpu.sem_alloc : memref<!tpu.dma_semaphore, #tpu.memory_space<semaphore_mem>>
      %dma_start3A = arith.constant 0 : i32
      %dma_start3A_1448 = tpu.memref_slice %arg5[%add3A_1231, %dma_start3A] : memref<50176x128xf32, #tpu.memory_space<hbm>> -> memref<784x128xf32, #tpu.memory_space<hbm>>
      %dma_start3A_1449 = arith.constant 0 : i32
      %dma_start3A_1450 = tpu.memref_slice %arg11[%mul3A_1228, %dma_start3A_1449] : memref<12560x128xf32, #tpu.memory_space<vmem_shared>> -> memref<784x128xf32, #tpu.memory_space<vmem_shared>>
      tpu.enqueue_dma source(%dma_start3A_1450 : memref<784x128xf32, #tpu.memory_space<vmem_shared>>) target(%dma_start3A_1448 : memref<784x128xf32, #tpu.memory_space<hbm>>) target_semaphore(%run_scoped3A : memref<!tpu.dma_semaphore, #tpu.memory_space<semaphore_mem>>)
      %dma_wait3A = arith.constant 0 : i32
      %dma_wait3A_1451 = tpu.memref_slice %arg5[%add3A_1231, %dma_wait3A] : memref<50176x128xf32, #tpu.memory_space<hbm>> -> memref<784x128xf32, #tpu.memory_space<hbm>>
      %dma_wait3A_1452 = arith.constant 0 : i32
      %dma_wait3A_1453 = tpu.memref_slice %arg11[%mul3A_1228, %dma_wait3A_1452] : memref<12560x128xf32, #tpu.memory_space<vmem_shared>> -> memref<784x128xf32, #tpu.memory_space<vmem_shared>>
      tpu.wait_dma2 semaphore(%run_scoped3A : memref<!tpu.dma_semaphore, #tpu.memory_space<semaphore_mem>>) src(%dma_wait3A_1453 : memref<784x128xf32, #tpu.memory_space<vmem_shared>>) dst(%dma_wait3A_1451 : memref<784x128xf32, #tpu.memory_space<hbm>>)
      tpu.yield
    }) : () -> ()
    %barrier3A_1232 = arith.constant 0 : index
    tpu.barrier barrier_id(%barrier3A_1232)
    %add3A_1233 = arith.constant 2 : i32
    %add3A_1234 = arith.addi %arg0, %add3A_1233 : i32
    %mul3A_1235 = arith.constant 12544 : i32
    %mul3A_1236 = arith.muli %add3A_1234, %mul3A_1235 : i32
    %mul3A_1237 = arith.constant 784 : i32
    %mul3A_1238 = arith.muli %arg1, %mul3A_1237 : i32
    %add3A_1239 = arith.constant 0 : i32
    %add3A_1240 = arith.addi %mul3A_1238, %add3A_1239 : i32
    "tpu.region"() ({
      %run_scoped3A = tpu.sem_alloc : memref<!tpu.dma_semaphore, #tpu.memory_space<semaphore_mem>>
      %dma_start3A = arith.constant 0 : i32
      %dma_start3A_1448 = tpu.memref_slice %arg11[%add3A_1240, %dma_start3A] : memref<12560x128xf32, #tpu.memory_space<vmem_shared>> -> memref<16x128xf32, #tpu.memory_space<vmem_shared>>
      %dma_start3A_1449 = arith.constant 0 : i32
      %dma_start3A_1450 = tpu.memref_slice %arg11[%add3A_1240, %dma_start3A_1449] : memref<12560x128xf32, #tpu.memory_space<vmem_shared>> -> memref<16x128xf32, #tpu.memory_space<vmem_shared>>
      tpu.enqueue_dma source(%arg10 : memref<16x128xf32, #tpu.memory_space<vmem>>) target(%dma_start3A_1450 : memref<16x128xf32, #tpu.memory_space<vmem_shared>>) target_semaphore(%run_scoped3A : memref<!tpu.dma_semaphore, #tpu.memory_space<semaphore_mem>>)
      %dma_wait3A = arith.constant 0 : i32
      %dma_wait3A_1451 = tpu.memref_slice %arg11[%add3A_1240, %dma_wait3A] : memref<12560x128xf32, #tpu.memory_space<vmem_shared>> -> memref<16x128xf32, #tpu.memory_space<vmem_shared>>
      %dma_wait3A_1452 = arith.constant 0 : i32
      %dma_wait3A_1453 = tpu.memref_slice %arg11[%add3A_1240, %dma_wait3A_1452] : memref<12560x128xf32, #tpu.memory_space<vmem_shared>> -> memref<16x128xf32, #tpu.memory_space<vmem_shared>>
      tpu.wait_dma2 semaphore(%run_scoped3A : memref<!tpu.dma_semaphore, #tpu.memory_space<semaphore_mem>>) src(%arg10 : memref<16x128xf32, #tpu.memory_space<vmem>>) dst(%dma_wait3A_1453 : memref<16x128xf32, #tpu.memory_space<vmem_shared>>)
      tpu.yield
    }) : () -> ()
    %mul3A_1241 = arith.constant 784 : i32
    %mul3A_1242 = arith.muli %arg1, %mul3A_1241 : i32
    %add3A_1243 = arith.constant 16 : i32
    %add3A_1244 = arith.addi %mul3A_1242, %add3A_1243 : i32
    "tpu.region"() ({
      %run_scoped3A = tpu.sem_alloc : memref<!tpu.dma_semaphore, #tpu.memory_space<semaphore_mem>>
      %dma_start3A = arith.constant 0 : i32
      %dma_start3A_1448 = tpu.memref_slice %arg11[%add3A_1244, %dma_start3A] : memref<12560x128xf32, #tpu.memory_space<vmem_shared>> -> memref<16x128xf32, #tpu.memory_space<vmem_shared>>
      %dma_start3A_1449 = arith.constant 0 : i32
      %dma_start3A_1450 = tpu.memref_slice %arg11[%add3A_1244, %dma_start3A_1449] : memref<12560x128xf32, #tpu.memory_space<vmem_shared>> -> memref<16x128xf32, #tpu.memory_space<vmem_shared>>
      tpu.enqueue_dma source(%arg10 : memref<16x128xf32, #tpu.memory_space<vmem>>) target(%dma_start3A_1450 : memref<16x128xf32, #tpu.memory_space<vmem_shared>>) target_semaphore(%run_scoped3A : memref<!tpu.dma_semaphore, #tpu.memory_space<semaphore_mem>>)
      %dma_wait3A = arith.constant 0 : i32
      %dma_wait3A_1451 = tpu.memref_slice %arg11[%add3A_1244, %dma_wait3A] : memref<12560x128xf32, #tpu.memory_space<vmem_shared>> -> memref<16x128xf32, #tpu.memory_space<vmem_shared>>
      %dma_wait3A_1452 = arith.constant 0 : i32
      %dma_wait3A_1453 = tpu.memref_slice %arg11[%add3A_1244, %dma_wait3A_1452] : memref<12560x128xf32, #tpu.memory_space<vmem_shared>> -> memref<16x128xf32, #tpu.memory_space<vmem_shared>>
      tpu.wait_dma2 semaphore(%run_scoped3A : memref<!tpu.dma_semaphore, #tpu.memory_space<semaphore_mem>>) src(%arg10 : memref<16x128xf32, #tpu.memory_space<vmem>>) dst(%dma_wait3A_1453 : memref<16x128xf32, #tpu.memory_space<vmem_shared>>)
      tpu.yield
    }) : () -> ()
    %mul3A_1245 = arith.constant 784 : i32
    %mul3A_1246 = arith.muli %arg1, %mul3A_1245 : i32
    %add3A_1247 = arith.constant 32 : i32
    %add3A_1248 = arith.addi %mul3A_1246, %add3A_1247 : i32
    "tpu.region"() ({
      %run_scoped3A = tpu.sem_alloc : memref<!tpu.dma_semaphore, #tpu.memory_space<semaphore_mem>>
      %dma_start3A = arith.constant 0 : i32
      %dma_start3A_1448 = tpu.memref_slice %arg11[%add3A_1248, %dma_start3A] : memref<12560x128xf32, #tpu.memory_space<vmem_shared>> -> memref<16x128xf32, #tpu.memory_space<vmem_shared>>
      %dma_start3A_1449 = arith.constant 0 : i32
      %dma_start3A_1450 = tpu.memref_slice %arg11[%add3A_1248, %dma_start3A_1449] : memref<12560x128xf32, #tpu.memory_space<vmem_shared>> -> memref<16x128xf32, #tpu.memory_space<vmem_shared>>
      tpu.enqueue_dma source(%arg10 : memref<16x128xf32, #tpu.memory_space<vmem>>) target(%dma_start3A_1450 : memref<16x128xf32, #tpu.memory_space<vmem_shared>>) target_semaphore(%run_scoped3A : memref<!tpu.dma_semaphore, #tpu.memory_space<semaphore_mem>>)
      %dma_wait3A = arith.constant 0 : i32
      %dma_wait3A_1451 = tpu.memref_slice %arg11[%add3A_1248, %dma_wait3A] : memref<12560x128xf32, #tpu.memory_space<vmem_shared>> -> memref<16x128xf32, #tpu.memory_space<vmem_shared>>
      %dma_wait3A_1452 = arith.constant 0 : i32
      %dma_wait3A_1453 = tpu.memref_slice %arg11[%add3A_1248, %dma_wait3A_1452] : memref<12560x128xf32, #tpu.memory_space<vmem_shared>> -> memref<16x128xf32, #tpu.memory_space<vmem_shared>>
      tpu.wait_dma2 semaphore(%run_scoped3A : memref<!tpu.dma_semaphore, #tpu.memory_space<semaphore_mem>>) src(%arg10 : memref<16x128xf32, #tpu.memory_space<vmem>>) dst(%dma_wait3A_1453 : memref<16x128xf32, #tpu.memory_space<vmem_shared>>)
      tpu.yield
    }) : () -> ()
    %mul3A_1249 = arith.constant 784 : i32
    %mul3A_1250 = arith.muli %arg1, %mul3A_1249 : i32
    %add3A_1251 = arith.constant 48 : i32
    %add3A_1252 = arith.addi %mul3A_1250, %add3A_1251 : i32
    "tpu.region"() ({
      %run_scoped3A = tpu.sem_alloc : memref<!tpu.dma_semaphore, #tpu.memory_space<semaphore_mem>>
      %dma_start3A = arith.constant 0 : i32
      %dma_start3A_1448 = tpu.memref_slice %arg11[%add3A_1252, %dma_start3A] : memref<12560x128xf32, #tpu.memory_space<vmem_shared>> -> memref<16x128xf32, #tpu.memory_space<vmem_shared>>
      %dma_start3A_1449 = arith.constant 0 : i32
      %dma_start3A_1450 = tpu.memref_slice %arg11[%add3A_1252, %dma_start3A_1449] : memref<12560x128xf32, #tpu.memory_space<vmem_shared>> -> memref<16x128xf32, #tpu.memory_space<vmem_shared>>
      tpu.enqueue_dma source(%arg10 : memref<16x128xf32, #tpu.memory_space<vmem>>) target(%dma_start3A_1450 : memref<16x128xf32, #tpu.memory_space<vmem_shared>>) target_semaphore(%run_scoped3A : memref<!tpu.dma_semaphore, #tpu.memory_space<semaphore_mem>>)
      %dma_wait3A = arith.constant 0 : i32
      %dma_wait3A_1451 = tpu.memref_slice %arg11[%add3A_1252, %dma_wait3A] : memref<12560x128xf32, #tpu.memory_space<vmem_shared>> -> memref<16x128xf32, #tpu.memory_space<vmem_shared>>
      %dma_wait3A_1452 = arith.constant 0 : i32
      %dma_wait3A_1453 = tpu.memref_slice %arg11[%add3A_1252, %dma_wait3A_1452] : memref<12560x128xf32, #tpu.memory_space<vmem_shared>> -> memref<16x128xf32, #tpu.memory_space<vmem_shared>>
      tpu.wait_dma2 semaphore(%run_scoped3A : memref<!tpu.dma_semaphore, #tpu.memory_space<semaphore_mem>>) src(%arg10 : memref<16x128xf32, #tpu.memory_space<vmem>>) dst(%dma_wait3A_1453 : memref<16x128xf32, #tpu.memory_space<vmem_shared>>)
      tpu.yield
    }) : () -> ()
    %mul3A_1253 = arith.constant 784 : i32
    %mul3A_1254 = arith.muli %arg1, %mul3A_1253 : i32
    %add3A_1255 = arith.constant 64 : i32
    %add3A_1256 = arith.addi %mul3A_1254, %add3A_1255 : i32
    "tpu.region"() ({
      %run_scoped3A = tpu.sem_alloc : memref<!tpu.dma_semaphore, #tpu.memory_space<semaphore_mem>>
      %dma_start3A = arith.constant 0 : i32
      %dma_start3A_1448 = tpu.memref_slice %arg11[%add3A_1256, %dma_start3A] : memref<12560x128xf32, #tpu.memory_space<vmem_shared>> -> memref<16x128xf32, #tpu.memory_space<vmem_shared>>
      %dma_start3A_1449 = arith.constant 0 : i32
      %dma_start3A_1450 = tpu.memref_slice %arg11[%add3A_1256, %dma_start3A_1449] : memref<12560x128xf32, #tpu.memory_space<vmem_shared>> -> memref<16x128xf32, #tpu.memory_space<vmem_shared>>
      tpu.enqueue_dma source(%arg10 : memref<16x128xf32, #tpu.memory_space<vmem>>) target(%dma_start3A_1450 : memref<16x128xf32, #tpu.memory_space<vmem_shared>>) target_semaphore(%run_scoped3A : memref<!tpu.dma_semaphore, #tpu.memory_space<semaphore_mem>>)
      %dma_wait3A = arith.constant 0 : i32
      %dma_wait3A_1451 = tpu.memref_slice %arg11[%add3A_1256, %dma_wait3A] : memref<12560x128xf32, #tpu.memory_space<vmem_shared>> -> memref<16x128xf32, #tpu.memory_space<vmem_shared>>
      %dma_wait3A_1452 = arith.constant 0 : i32
      %dma_wait3A_1453 = tpu.memref_slice %arg11[%add3A_1256, %dma_wait3A_1452] : memref<12560x128xf32, #tpu.memory_space<vmem_shared>> -> memref<16x128xf32, #tpu.memory_space<vmem_shared>>
      tpu.wait_dma2 semaphore(%run_scoped3A : memref<!tpu.dma_semaphore, #tpu.memory_space<semaphore_mem>>) src(%arg10 : memref<16x128xf32, #tpu.memory_space<vmem>>) dst(%dma_wait3A_1453 : memref<16x128xf32, #tpu.memory_space<vmem_shared>>)
      tpu.yield
    }) : () -> ()
    %mul3A_1257 = arith.constant 784 : i32
    %mul3A_1258 = arith.muli %arg1, %mul3A_1257 : i32
    %add3A_1259 = arith.constant 80 : i32
    %add3A_1260 = arith.addi %mul3A_1258, %add3A_1259 : i32
    "tpu.region"() ({
      %run_scoped3A = tpu.sem_alloc : memref<!tpu.dma_semaphore, #tpu.memory_space<semaphore_mem>>
      %dma_start3A = arith.constant 0 : i32
      %dma_start3A_1448 = tpu.memref_slice %arg11[%add3A_1260, %dma_start3A] : memref<12560x128xf32, #tpu.memory_space<vmem_shared>> -> memref<16x128xf32, #tpu.memory_space<vmem_shared>>
      %dma_start3A_1449 = arith.constant 0 : i32
      %dma_start3A_1450 = tpu.memref_slice %arg11[%add3A_1260, %dma_start3A_1449] : memref<12560x128xf32, #tpu.memory_space<vmem_shared>> -> memref<16x128xf32, #tpu.memory_space<vmem_shared>>
      tpu.enqueue_dma source(%arg10 : memref<16x128xf32, #tpu.memory_space<vmem>>) target(%dma_start3A_1450 : memref<16x128xf32, #tpu.memory_space<vmem_shared>>) target_semaphore(%run_scoped3A : memref<!tpu.dma_semaphore, #tpu.memory_space<semaphore_mem>>)
      %dma_wait3A = arith.constant 0 : i32
      %dma_wait3A_1451 = tpu.memref_slice %arg11[%add3A_1260, %dma_wait3A] : memref<12560x128xf32, #tpu.memory_space<vmem_shared>> -> memref<16x128xf32, #tpu.memory_space<vmem_shared>>
      %dma_wait3A_1452 = arith.constant 0 : i32
      %dma_wait3A_1453 = tpu.memref_slice %arg11[%add3A_1260, %dma_wait3A_1452] : memref<12560x128xf32, #tpu.memory_space<vmem_shared>> -> memref<16x128xf32, #tpu.memory_space<vmem_shared>>
      tpu.wait_dma2 semaphore(%run_scoped3A : memref<!tpu.dma_semaphore, #tpu.memory_space<semaphore_mem>>) src(%arg10 : memref<16x128xf32, #tpu.memory_space<vmem>>) dst(%dma_wait3A_1453 : memref<16x128xf32, #tpu.memory_space<vmem_shared>>)
      tpu.yield
    }) : () -> ()
    %mul3A_1261 = arith.constant 784 : i32
    %mul3A_1262 = arith.muli %arg1, %mul3A_1261 : i32
    %add3A_1263 = arith.constant 96 : i32
    %add3A_1264 = arith.addi %mul3A_1262, %add3A_1263 : i32
    "tpu.region"() ({
      %run_scoped3A = tpu.sem_alloc : memref<!tpu.dma_semaphore, #tpu.memory_space<semaphore_mem>>
      %dma_start3A = arith.constant 0 : i32
      %dma_start3A_1448 = tpu.memref_slice %arg11[%add3A_1264, %dma_start3A] : memref<12560x128xf32, #tpu.memory_space<vmem_shared>> -> memref<16x128xf32, #tpu.memory_space<vmem_shared>>
      %dma_start3A_1449 = arith.constant 0 : i32
      %dma_start3A_1450 = tpu.memref_slice %arg11[%add3A_1264, %dma_start3A_1449] : memref<12560x128xf32, #tpu.memory_space<vmem_shared>> -> memref<16x128xf32, #tpu.memory_space<vmem_shared>>
      tpu.enqueue_dma source(%arg10 : memref<16x128xf32, #tpu.memory_space<vmem>>) target(%dma_start3A_1450 : memref<16x128xf32, #tpu.memory_space<vmem_shared>>) target_semaphore(%run_scoped3A : memref<!tpu.dma_semaphore, #tpu.memory_space<semaphore_mem>>)
      %dma_wait3A = arith.constant 0 : i32
      %dma_wait3A_1451 = tpu.memref_slice %arg11[%add3A_1264, %dma_wait3A] : memref<12560x128xf32, #tpu.memory_space<vmem_shared>> -> memref<16x128xf32, #tpu.memory_space<vmem_shared>>
      %dma_wait3A_1452 = arith.constant 0 : i32
      %dma_wait3A_1453 = tpu.memref_slice %arg11[%add3A_1264, %dma_wait3A_1452] : memref<12560x128xf32, #tpu.memory_space<vmem_shared>> -> memref<16x128xf32, #tpu.memory_space<vmem_shared>>
      tpu.wait_dma2 semaphore(%run_scoped3A : memref<!tpu.dma_semaphore, #tpu.memory_space<semaphore_mem>>) src(%arg10 : memref<16x128xf32, #tpu.memory_space<vmem>>) dst(%dma_wait3A_1453 : memref<16x128xf32, #tpu.memory_space<vmem_shared>>)
      tpu.yield
    }) : () -> ()
    %mul3A_1265 = arith.constant 784 : i32
    %mul3A_1266 = arith.muli %arg1, %mul3A_1265 : i32
    %add3A_1267 = arith.constant 112 : i32
    %add3A_1268 = arith.addi %mul3A_1266, %add3A_1267 : i32
    "tpu.region"() ({
      %run_scoped3A = tpu.sem_alloc : memref<!tpu.dma_semaphore, #tpu.memory_space<semaphore_mem>>
      %dma_start3A = arith.constant 0 : i32
      %dma_start3A_1448 = tpu.memref_slice %arg11[%add3A_1268, %dma_start3A] : memref<12560x128xf32, #tpu.memory_space<vmem_shared>> -> memref<16x128xf32, #tpu.memory_space<vmem_shared>>
      %dma_start3A_1449 = arith.constant 0 : i32
      %dma_start3A_1450 = tpu.memref_slice %arg11[%add3A_1268, %dma_start3A_1449] : memref<12560x128xf32, #tpu.memory_space<vmem_shared>> -> memref<16x128xf32, #tpu.memory_space<vmem_shared>>
      tpu.enqueue_dma source(%arg10 : memref<16x128xf32, #tpu.memory_space<vmem>>) target(%dma_start3A_1450 : memref<16x128xf32, #tpu.memory_space<vmem_shared>>) target_semaphore(%run_scoped3A : memref<!tpu.dma_semaphore, #tpu.memory_space<semaphore_mem>>)
      %dma_wait3A = arith.constant 0 : i32
      %dma_wait3A_1451 = tpu.memref_slice %arg11[%add3A_1268, %dma_wait3A] : memref<12560x128xf32, #tpu.memory_space<vmem_shared>> -> memref<16x128xf32, #tpu.memory_space<vmem_shared>>
      %dma_wait3A_1452 = arith.constant 0 : i32
      %dma_wait3A_1453 = tpu.memref_slice %arg11[%add3A_1268, %dma_wait3A_1452] : memref<12560x128xf32, #tpu.memory_space<vmem_shared>> -> memref<16x128xf32, #tpu.memory_space<vmem_shared>>
      tpu.wait_dma2 semaphore(%run_scoped3A : memref<!tpu.dma_semaphore, #tpu.memory_space<semaphore_mem>>) src(%arg10 : memref<16x128xf32, #tpu.memory_space<vmem>>) dst(%dma_wait3A_1453 : memref<16x128xf32, #tpu.memory_space<vmem_shared>>)
      tpu.yield
    }) : () -> ()
    %mul3A_1269 = arith.constant 784 : i32
    %mul3A_1270 = arith.muli %arg1, %mul3A_1269 : i32
    %add3A_1271 = arith.constant 128 : i32
    %add3A_1272 = arith.addi %mul3A_1270, %add3A_1271 : i32
    "tpu.region"() ({
      %run_scoped3A = tpu.sem_alloc : memref<!tpu.dma_semaphore, #tpu.memory_space<semaphore_mem>>
      %dma_start3A = arith.constant 0 : i32
      %dma_start3A_1448 = tpu.memref_slice %arg11[%add3A_1272, %dma_start3A] : memref<12560x128xf32, #tpu.memory_space<vmem_shared>> -> memref<16x128xf32, #tpu.memory_space<vmem_shared>>
      %dma_start3A_1449 = arith.constant 0 : i32
      %dma_start3A_1450 = tpu.memref_slice %arg11[%add3A_1272, %dma_start3A_1449] : memref<12560x128xf32, #tpu.memory_space<vmem_shared>> -> memref<16x128xf32, #tpu.memory_space<vmem_shared>>
      tpu.enqueue_dma source(%arg10 : memref<16x128xf32, #tpu.memory_space<vmem>>) target(%dma_start3A_1450 : memref<16x128xf32, #tpu.memory_space<vmem_shared>>) target_semaphore(%run_scoped3A : memref<!tpu.dma_semaphore, #tpu.memory_space<semaphore_mem>>)
      %dma_wait3A = arith.constant 0 : i32
      %dma_wait3A_1451 = tpu.memref_slice %arg11[%add3A_1272, %dma_wait3A] : memref<12560x128xf32, #tpu.memory_space<vmem_shared>> -> memref<16x128xf32, #tpu.memory_space<vmem_shared>>
      %dma_wait3A_1452 = arith.constant 0 : i32
      %dma_wait3A_1453 = tpu.memref_slice %arg11[%add3A_1272, %dma_wait3A_1452] : memref<12560x128xf32, #tpu.memory_space<vmem_shared>> -> memref<16x128xf32, #tpu.memory_space<vmem_shared>>
      tpu.wait_dma2 semaphore(%run_scoped3A : memref<!tpu.dma_semaphore, #tpu.memory_space<semaphore_mem>>) src(%arg10 : memref<16x128xf32, #tpu.memory_space<vmem>>) dst(%dma_wait3A_1453 : memref<16x128xf32, #tpu.memory_space<vmem_shared>>)
      tpu.yield
    }) : () -> ()
    %mul3A_1273 = arith.constant 784 : i32
    %mul3A_1274 = arith.muli %arg1, %mul3A_1273 : i32
    %add3A_1275 = arith.constant 144 : i32
    %add3A_1276 = arith.addi %mul3A_1274, %add3A_1275 : i32
    "tpu.region"() ({
      %run_scoped3A = tpu.sem_alloc : memref<!tpu.dma_semaphore, #tpu.memory_space<semaphore_mem>>
      %dma_start3A = arith.constant 0 : i32
      %dma_start3A_1448 = tpu.memref_slice %arg11[%add3A_1276, %dma_start3A] : memref<12560x128xf32, #tpu.memory_space<vmem_shared>> -> memref<16x128xf32, #tpu.memory_space<vmem_shared>>
      %dma_start3A_1449 = arith.constant 0 : i32
      %dma_start3A_1450 = tpu.memref_slice %arg11[%add3A_1276, %dma_start3A_1449] : memref<12560x128xf32, #tpu.memory_space<vmem_shared>> -> memref<16x128xf32, #tpu.memory_space<vmem_shared>>
      tpu.enqueue_dma source(%arg10 : memref<16x128xf32, #tpu.memory_space<vmem>>) target(%dma_start3A_1450 : memref<16x128xf32, #tpu.memory_space<vmem_shared>>) target_semaphore(%run_scoped3A : memref<!tpu.dma_semaphore, #tpu.memory_space<semaphore_mem>>)
      %dma_wait3A = arith.constant 0 : i32
      %dma_wait3A_1451 = tpu.memref_slice %arg11[%add3A_1276, %dma_wait3A] : memref<12560x128xf32, #tpu.memory_space<vmem_shared>> -> memref<16x128xf32, #tpu.memory_space<vmem_shared>>
      %dma_wait3A_1452 = arith.constant 0 : i32
      %dma_wait3A_1453 = tpu.memref_slice %arg11[%add3A_1276, %dma_wait3A_1452] : memref<12560x128xf32, #tpu.memory_space<vmem_shared>> -> memref<16x128xf32, #tpu.memory_space<vmem_shared>>
      tpu.wait_dma2 semaphore(%run_scoped3A : memref<!tpu.dma_semaphore, #tpu.memory_space<semaphore_mem>>) src(%arg10 : memref<16x128xf32, #tpu.memory_space<vmem>>) dst(%dma_wait3A_1453 : memref<16x128xf32, #tpu.memory_space<vmem_shared>>)
      tpu.yield
    }) : () -> ()
    %mul3A_1277 = arith.constant 784 : i32
    %mul3A_1278 = arith.muli %arg1, %mul3A_1277 : i32
    %add3A_1279 = arith.constant 160 : i32
    %add3A_1280 = arith.addi %mul3A_1278, %add3A_1279 : i32
    "tpu.region"() ({
      %run_scoped3A = tpu.sem_alloc : memref<!tpu.dma_semaphore, #tpu.memory_space<semaphore_mem>>
      %dma_start3A = arith.constant 0 : i32
      %dma_start3A_1448 = tpu.memref_slice %arg11[%add3A_1280, %dma_start3A] : memref<12560x128xf32, #tpu.memory_space<vmem_shared>> -> memref<16x128xf32, #tpu.memory_space<vmem_shared>>
      %dma_start3A_1449 = arith.constant 0 : i32
      %dma_start3A_1450 = tpu.memref_slice %arg11[%add3A_1280, %dma_start3A_1449] : memref<12560x128xf32, #tpu.memory_space<vmem_shared>> -> memref<16x128xf32, #tpu.memory_space<vmem_shared>>
      tpu.enqueue_dma source(%arg10 : memref<16x128xf32, #tpu.memory_space<vmem>>) target(%dma_start3A_1450 : memref<16x128xf32, #tpu.memory_space<vmem_shared>>) target_semaphore(%run_scoped3A : memref<!tpu.dma_semaphore, #tpu.memory_space<semaphore_mem>>)
      %dma_wait3A = arith.constant 0 : i32
      %dma_wait3A_1451 = tpu.memref_slice %arg11[%add3A_1280, %dma_wait3A] : memref<12560x128xf32, #tpu.memory_space<vmem_shared>> -> memref<16x128xf32, #tpu.memory_space<vmem_shared>>
      %dma_wait3A_1452 = arith.constant 0 : i32
      %dma_wait3A_1453 = tpu.memref_slice %arg11[%add3A_1280, %dma_wait3A_1452] : memref<12560x128xf32, #tpu.memory_space<vmem_shared>> -> memref<16x128xf32, #tpu.memory_space<vmem_shared>>
      tpu.wait_dma2 semaphore(%run_scoped3A : memref<!tpu.dma_semaphore, #tpu.memory_space<semaphore_mem>>) src(%arg10 : memref<16x128xf32, #tpu.memory_space<vmem>>) dst(%dma_wait3A_1453 : memref<16x128xf32, #tpu.memory_space<vmem_shared>>)
      tpu.yield
    }) : () -> ()
    %mul3A_1281 = arith.constant 784 : i32
    %mul3A_1282 = arith.muli %arg1, %mul3A_1281 : i32
    %add3A_1283 = arith.constant 176 : i32
    %add3A_1284 = arith.addi %mul3A_1282, %add3A_1283 : i32
    "tpu.region"() ({
      %run_scoped3A = tpu.sem_alloc : memref<!tpu.dma_semaphore, #tpu.memory_space<semaphore_mem>>
      %dma_start3A = arith.constant 0 : i32
      %dma_start3A_1448 = tpu.memref_slice %arg11[%add3A_1284, %dma_start3A] : memref<12560x128xf32, #tpu.memory_space<vmem_shared>> -> memref<16x128xf32, #tpu.memory_space<vmem_shared>>
      %dma_start3A_1449 = arith.constant 0 : i32
      %dma_start3A_1450 = tpu.memref_slice %arg11[%add3A_1284, %dma_start3A_1449] : memref<12560x128xf32, #tpu.memory_space<vmem_shared>> -> memref<16x128xf32, #tpu.memory_space<vmem_shared>>
      tpu.enqueue_dma source(%arg10 : memref<16x128xf32, #tpu.memory_space<vmem>>) target(%dma_start3A_1450 : memref<16x128xf32, #tpu.memory_space<vmem_shared>>) target_semaphore(%run_scoped3A : memref<!tpu.dma_semaphore, #tpu.memory_space<semaphore_mem>>)
      %dma_wait3A = arith.constant 0 : i32
      %dma_wait3A_1451 = tpu.memref_slice %arg11[%add3A_1284, %dma_wait3A] : memref<12560x128xf32, #tpu.memory_space<vmem_shared>> -> memref<16x128xf32, #tpu.memory_space<vmem_shared>>
      %dma_wait3A_1452 = arith.constant 0 : i32
      %dma_wait3A_1453 = tpu.memref_slice %arg11[%add3A_1284, %dma_wait3A_1452] : memref<12560x128xf32, #tpu.memory_space<vmem_shared>> -> memref<16x128xf32, #tpu.memory_space<vmem_shared>>
      tpu.wait_dma2 semaphore(%run_scoped3A : memref<!tpu.dma_semaphore, #tpu.memory_space<semaphore_mem>>) src(%arg10 : memref<16x128xf32, #tpu.memory_space<vmem>>) dst(%dma_wait3A_1453 : memref<16x128xf32, #tpu.memory_space<vmem_shared>>)
      tpu.yield
    }) : () -> ()
    %mul3A_1285 = arith.constant 784 : i32
    %mul3A_1286 = arith.muli %arg1, %mul3A_1285 : i32
    %add3A_1287 = arith.constant 192 : i32
    %add3A_1288 = arith.addi %mul3A_1286, %add3A_1287 : i32
    "tpu.region"() ({
      %run_scoped3A = tpu.sem_alloc : memref<!tpu.dma_semaphore, #tpu.memory_space<semaphore_mem>>
      %dma_start3A = arith.constant 0 : i32
      %dma_start3A_1448 = tpu.memref_slice %arg11[%add3A_1288, %dma_start3A] : memref<12560x128xf32, #tpu.memory_space<vmem_shared>> -> memref<16x128xf32, #tpu.memory_space<vmem_shared>>
      %dma_start3A_1449 = arith.constant 0 : i32
      %dma_start3A_1450 = tpu.memref_slice %arg11[%add3A_1288, %dma_start3A_1449] : memref<12560x128xf32, #tpu.memory_space<vmem_shared>> -> memref<16x128xf32, #tpu.memory_space<vmem_shared>>
      tpu.enqueue_dma source(%arg10 : memref<16x128xf32, #tpu.memory_space<vmem>>) target(%dma_start3A_1450 : memref<16x128xf32, #tpu.memory_space<vmem_shared>>) target_semaphore(%run_scoped3A : memref<!tpu.dma_semaphore, #tpu.memory_space<semaphore_mem>>)
      %dma_wait3A = arith.constant 0 : i32
      %dma_wait3A_1451 = tpu.memref_slice %arg11[%add3A_1288, %dma_wait3A] : memref<12560x128xf32, #tpu.memory_space<vmem_shared>> -> memref<16x128xf32, #tpu.memory_space<vmem_shared>>
      %dma_wait3A_1452 = arith.constant 0 : i32
      %dma_wait3A_1453 = tpu.memref_slice %arg11[%add3A_1288, %dma_wait3A_1452] : memref<12560x128xf32, #tpu.memory_space<vmem_shared>> -> memref<16x128xf32, #tpu.memory_space<vmem_shared>>
      tpu.wait_dma2 semaphore(%run_scoped3A : memref<!tpu.dma_semaphore, #tpu.memory_space<semaphore_mem>>) src(%arg10 : memref<16x128xf32, #tpu.memory_space<vmem>>) dst(%dma_wait3A_1453 : memref<16x128xf32, #tpu.memory_space<vmem_shared>>)
      tpu.yield
    }) : () -> ()
    %mul3A_1289 = arith.constant 784 : i32
    %mul3A_1290 = arith.muli %arg1, %mul3A_1289 : i32
    %add3A_1291 = arith.constant 208 : i32
    %add3A_1292 = arith.addi %mul3A_1290, %add3A_1291 : i32
    "tpu.region"() ({
      %run_scoped3A = tpu.sem_alloc : memref<!tpu.dma_semaphore, #tpu.memory_space<semaphore_mem>>
      %dma_start3A = arith.constant 0 : i32
      %dma_start3A_1448 = tpu.memref_slice %arg11[%add3A_1292, %dma_start3A] : memref<12560x128xf32, #tpu.memory_space<vmem_shared>> -> memref<16x128xf32, #tpu.memory_space<vmem_shared>>
      %dma_start3A_1449 = arith.constant 0 : i32
      %dma_start3A_1450 = tpu.memref_slice %arg11[%add3A_1292, %dma_start3A_1449] : memref<12560x128xf32, #tpu.memory_space<vmem_shared>> -> memref<16x128xf32, #tpu.memory_space<vmem_shared>>
      tpu.enqueue_dma source(%arg10 : memref<16x128xf32, #tpu.memory_space<vmem>>) target(%dma_start3A_1450 : memref<16x128xf32, #tpu.memory_space<vmem_shared>>) target_semaphore(%run_scoped3A : memref<!tpu.dma_semaphore, #tpu.memory_space<semaphore_mem>>)
      %dma_wait3A = arith.constant 0 : i32
      %dma_wait3A_1451 = tpu.memref_slice %arg11[%add3A_1292, %dma_wait3A] : memref<12560x128xf32, #tpu.memory_space<vmem_shared>> -> memref<16x128xf32, #tpu.memory_space<vmem_shared>>
      %dma_wait3A_1452 = arith.constant 0 : i32
      %dma_wait3A_1453 = tpu.memref_slice %arg11[%add3A_1292, %dma_wait3A_1452] : memref<12560x128xf32, #tpu.memory_space<vmem_shared>> -> memref<16x128xf32, #tpu.memory_space<vmem_shared>>
      tpu.wait_dma2 semaphore(%run_scoped3A : memref<!tpu.dma_semaphore, #tpu.memory_space<semaphore_mem>>) src(%arg10 : memref<16x128xf32, #tpu.memory_space<vmem>>) dst(%dma_wait3A_1453 : memref<16x128xf32, #tpu.memory_space<vmem_shared>>)
      tpu.yield
    }) : () -> ()
    %mul3A_1293 = arith.constant 784 : i32
    %mul3A_1294 = arith.muli %arg1, %mul3A_1293 : i32
    %add3A_1295 = arith.constant 224 : i32
    %add3A_1296 = arith.addi %mul3A_1294, %add3A_1295 : i32
    "tpu.region"() ({
      %run_scoped3A = tpu.sem_alloc : memref<!tpu.dma_semaphore, #tpu.memory_space<semaphore_mem>>
      %dma_start3A = arith.constant 0 : i32
      %dma_start3A_1448 = tpu.memref_slice %arg11[%add3A_1296, %dma_start3A] : memref<12560x128xf32, #tpu.memory_space<vmem_shared>> -> memref<16x128xf32, #tpu.memory_space<vmem_shared>>
      %dma_start3A_1449 = arith.constant 0 : i32
      %dma_start3A_1450 = tpu.memref_slice %arg11[%add3A_1296, %dma_start3A_1449] : memref<12560x128xf32, #tpu.memory_space<vmem_shared>> -> memref<16x128xf32, #tpu.memory_space<vmem_shared>>
      tpu.enqueue_dma source(%arg10 : memref<16x128xf32, #tpu.memory_space<vmem>>) target(%dma_start3A_1450 : memref<16x128xf32, #tpu.memory_space<vmem_shared>>) target_semaphore(%run_scoped3A : memref<!tpu.dma_semaphore, #tpu.memory_space<semaphore_mem>>)
      %dma_wait3A = arith.constant 0 : i32
      %dma_wait3A_1451 = tpu.memref_slice %arg11[%add3A_1296, %dma_wait3A] : memref<12560x128xf32, #tpu.memory_space<vmem_shared>> -> memref<16x128xf32, #tpu.memory_space<vmem_shared>>
      %dma_wait3A_1452 = arith.constant 0 : i32
      %dma_wait3A_1453 = tpu.memref_slice %arg11[%add3A_1296, %dma_wait3A_1452] : memref<12560x128xf32, #tpu.memory_space<vmem_shared>> -> memref<16x128xf32, #tpu.memory_space<vmem_shared>>
      tpu.wait_dma2 semaphore(%run_scoped3A : memref<!tpu.dma_semaphore, #tpu.memory_space<semaphore_mem>>) src(%arg10 : memref<16x128xf32, #tpu.memory_space<vmem>>) dst(%dma_wait3A_1453 : memref<16x128xf32, #tpu.memory_space<vmem_shared>>)
      tpu.yield
    }) : () -> ()
    %mul3A_1297 = arith.constant 784 : i32
    %mul3A_1298 = arith.muli %arg1, %mul3A_1297 : i32
    %add3A_1299 = arith.constant 240 : i32
    %add3A_1300 = arith.addi %mul3A_1298, %add3A_1299 : i32
    "tpu.region"() ({
      %run_scoped3A = tpu.sem_alloc : memref<!tpu.dma_semaphore, #tpu.memory_space<semaphore_mem>>
      %dma_start3A = arith.constant 0 : i32
      %dma_start3A_1448 = tpu.memref_slice %arg11[%add3A_1300, %dma_start3A] : memref<12560x128xf32, #tpu.memory_space<vmem_shared>> -> memref<16x128xf32, #tpu.memory_space<vmem_shared>>
      %dma_start3A_1449 = arith.constant 0 : i32
      %dma_start3A_1450 = tpu.memref_slice %arg11[%add3A_1300, %dma_start3A_1449] : memref<12560x128xf32, #tpu.memory_space<vmem_shared>> -> memref<16x128xf32, #tpu.memory_space<vmem_shared>>
      tpu.enqueue_dma source(%arg10 : memref<16x128xf32, #tpu.memory_space<vmem>>) target(%dma_start3A_1450 : memref<16x128xf32, #tpu.memory_space<vmem_shared>>) target_semaphore(%run_scoped3A : memref<!tpu.dma_semaphore, #tpu.memory_space<semaphore_mem>>)
      %dma_wait3A = arith.constant 0 : i32
      %dma_wait3A_1451 = tpu.memref_slice %arg11[%add3A_1300, %dma_wait3A] : memref<12560x128xf32, #tpu.memory_space<vmem_shared>> -> memref<16x128xf32, #tpu.memory_space<vmem_shared>>
      %dma_wait3A_1452 = arith.constant 0 : i32
      %dma_wait3A_1453 = tpu.memref_slice %arg11[%add3A_1300, %dma_wait3A_1452] : memref<12560x128xf32, #tpu.memory_space<vmem_shared>> -> memref<16x128xf32, #tpu.memory_space<vmem_shared>>
      tpu.wait_dma2 semaphore(%run_scoped3A : memref<!tpu.dma_semaphore, #tpu.memory_space<semaphore_mem>>) src(%arg10 : memref<16x128xf32, #tpu.memory_space<vmem>>) dst(%dma_wait3A_1453 : memref<16x128xf32, #tpu.memory_space<vmem_shared>>)
      tpu.yield
    }) : () -> ()
    %mul3A_1301 = arith.constant 784 : i32
    %mul3A_1302 = arith.muli %arg1, %mul3A_1301 : i32
    %add3A_1303 = arith.constant 256 : i32
    %add3A_1304 = arith.addi %mul3A_1302, %add3A_1303 : i32
    "tpu.region"() ({
      %run_scoped3A = tpu.sem_alloc : memref<!tpu.dma_semaphore, #tpu.memory_space<semaphore_mem>>
      %dma_start3A = arith.constant 0 : i32
      %dma_start3A_1448 = tpu.memref_slice %arg11[%add3A_1304, %dma_start3A] : memref<12560x128xf32, #tpu.memory_space<vmem_shared>> -> memref<16x128xf32, #tpu.memory_space<vmem_shared>>
      %dma_start3A_1449 = arith.constant 0 : i32
      %dma_start3A_1450 = tpu.memref_slice %arg11[%add3A_1304, %dma_start3A_1449] : memref<12560x128xf32, #tpu.memory_space<vmem_shared>> -> memref<16x128xf32, #tpu.memory_space<vmem_shared>>
      tpu.enqueue_dma source(%arg10 : memref<16x128xf32, #tpu.memory_space<vmem>>) target(%dma_start3A_1450 : memref<16x128xf32, #tpu.memory_space<vmem_shared>>) target_semaphore(%run_scoped3A : memref<!tpu.dma_semaphore, #tpu.memory_space<semaphore_mem>>)
      %dma_wait3A = arith.constant 0 : i32
      %dma_wait3A_1451 = tpu.memref_slice %arg11[%add3A_1304, %dma_wait3A] : memref<12560x128xf32, #tpu.memory_space<vmem_shared>> -> memref<16x128xf32, #tpu.memory_space<vmem_shared>>
      %dma_wait3A_1452 = arith.constant 0 : i32
      %dma_wait3A_1453 = tpu.memref_slice %arg11[%add3A_1304, %dma_wait3A_1452] : memref<12560x128xf32, #tpu.memory_space<vmem_shared>> -> memref<16x128xf32, #tpu.memory_space<vmem_shared>>
      tpu.wait_dma2 semaphore(%run_scoped3A : memref<!tpu.dma_semaphore, #tpu.memory_space<semaphore_mem>>) src(%arg10 : memref<16x128xf32, #tpu.memory_space<vmem>>) dst(%dma_wait3A_1453 : memref<16x128xf32, #tpu.memory_space<vmem_shared>>)
      tpu.yield
    }) : () -> ()
    %mul3A_1305 = arith.constant 784 : i32
    %mul3A_1306 = arith.muli %arg1, %mul3A_1305 : i32
    %add3A_1307 = arith.constant 272 : i32
    %add3A_1308 = arith.addi %mul3A_1306, %add3A_1307 : i32
    "tpu.region"() ({
      %run_scoped3A = tpu.sem_alloc : memref<!tpu.dma_semaphore, #tpu.memory_space<semaphore_mem>>
      %dma_start3A = arith.constant 0 : i32
      %dma_start3A_1448 = tpu.memref_slice %arg11[%add3A_1308, %dma_start3A] : memref<12560x128xf32, #tpu.memory_space<vmem_shared>> -> memref<16x128xf32, #tpu.memory_space<vmem_shared>>
      %dma_start3A_1449 = arith.constant 0 : i32
      %dma_start3A_1450 = tpu.memref_slice %arg11[%add3A_1308, %dma_start3A_1449] : memref<12560x128xf32, #tpu.memory_space<vmem_shared>> -> memref<16x128xf32, #tpu.memory_space<vmem_shared>>
      tpu.enqueue_dma source(%arg10 : memref<16x128xf32, #tpu.memory_space<vmem>>) target(%dma_start3A_1450 : memref<16x128xf32, #tpu.memory_space<vmem_shared>>) target_semaphore(%run_scoped3A : memref<!tpu.dma_semaphore, #tpu.memory_space<semaphore_mem>>)
      %dma_wait3A = arith.constant 0 : i32
      %dma_wait3A_1451 = tpu.memref_slice %arg11[%add3A_1308, %dma_wait3A] : memref<12560x128xf32, #tpu.memory_space<vmem_shared>> -> memref<16x128xf32, #tpu.memory_space<vmem_shared>>
      %dma_wait3A_1452 = arith.constant 0 : i32
      %dma_wait3A_1453 = tpu.memref_slice %arg11[%add3A_1308, %dma_wait3A_1452] : memref<12560x128xf32, #tpu.memory_space<vmem_shared>> -> memref<16x128xf32, #tpu.memory_space<vmem_shared>>
      tpu.wait_dma2 semaphore(%run_scoped3A : memref<!tpu.dma_semaphore, #tpu.memory_space<semaphore_mem>>) src(%arg10 : memref<16x128xf32, #tpu.memory_space<vmem>>) dst(%dma_wait3A_1453 : memref<16x128xf32, #tpu.memory_space<vmem_shared>>)
      tpu.yield
    }) : () -> ()
    %mul3A_1309 = arith.constant 784 : i32
    %mul3A_1310 = arith.muli %arg1, %mul3A_1309 : i32
    %add3A_1311 = arith.constant 288 : i32
    %add3A_1312 = arith.addi %mul3A_1310, %add3A_1311 : i32
    "tpu.region"() ({
      %run_scoped3A = tpu.sem_alloc : memref<!tpu.dma_semaphore, #tpu.memory_space<semaphore_mem>>
      %dma_start3A = arith.constant 0 : i32
      %dma_start3A_1448 = tpu.memref_slice %arg11[%add3A_1312, %dma_start3A] : memref<12560x128xf32, #tpu.memory_space<vmem_shared>> -> memref<16x128xf32, #tpu.memory_space<vmem_shared>>
      %dma_start3A_1449 = arith.constant 0 : i32
      %dma_start3A_1450 = tpu.memref_slice %arg11[%add3A_1312, %dma_start3A_1449] : memref<12560x128xf32, #tpu.memory_space<vmem_shared>> -> memref<16x128xf32, #tpu.memory_space<vmem_shared>>
      tpu.enqueue_dma source(%arg10 : memref<16x128xf32, #tpu.memory_space<vmem>>) target(%dma_start3A_1450 : memref<16x128xf32, #tpu.memory_space<vmem_shared>>) target_semaphore(%run_scoped3A : memref<!tpu.dma_semaphore, #tpu.memory_space<semaphore_mem>>)
      %dma_wait3A = arith.constant 0 : i32
      %dma_wait3A_1451 = tpu.memref_slice %arg11[%add3A_1312, %dma_wait3A] : memref<12560x128xf32, #tpu.memory_space<vmem_shared>> -> memref<16x128xf32, #tpu.memory_space<vmem_shared>>
      %dma_wait3A_1452 = arith.constant 0 : i32
      %dma_wait3A_1453 = tpu.memref_slice %arg11[%add3A_1312, %dma_wait3A_1452] : memref<12560x128xf32, #tpu.memory_space<vmem_shared>> -> memref<16x128xf32, #tpu.memory_space<vmem_shared>>
      tpu.wait_dma2 semaphore(%run_scoped3A : memref<!tpu.dma_semaphore, #tpu.memory_space<semaphore_mem>>) src(%arg10 : memref<16x128xf32, #tpu.memory_space<vmem>>) dst(%dma_wait3A_1453 : memref<16x128xf32, #tpu.memory_space<vmem_shared>>)
      tpu.yield
    }) : () -> ()
    %mul3A_1313 = arith.constant 784 : i32
    %mul3A_1314 = arith.muli %arg1, %mul3A_1313 : i32
    %add3A_1315 = arith.constant 304 : i32
    %add3A_1316 = arith.addi %mul3A_1314, %add3A_1315 : i32
    "tpu.region"() ({
      %run_scoped3A = tpu.sem_alloc : memref<!tpu.dma_semaphore, #tpu.memory_space<semaphore_mem>>
      %dma_start3A = arith.constant 0 : i32
      %dma_start3A_1448 = tpu.memref_slice %arg11[%add3A_1316, %dma_start3A] : memref<12560x128xf32, #tpu.memory_space<vmem_shared>> -> memref<16x128xf32, #tpu.memory_space<vmem_shared>>
      %dma_start3A_1449 = arith.constant 0 : i32
      %dma_start3A_1450 = tpu.memref_slice %arg11[%add3A_1316, %dma_start3A_1449] : memref<12560x128xf32, #tpu.memory_space<vmem_shared>> -> memref<16x128xf32, #tpu.memory_space<vmem_shared>>
      tpu.enqueue_dma source(%arg10 : memref<16x128xf32, #tpu.memory_space<vmem>>) target(%dma_start3A_1450 : memref<16x128xf32, #tpu.memory_space<vmem_shared>>) target_semaphore(%run_scoped3A : memref<!tpu.dma_semaphore, #tpu.memory_space<semaphore_mem>>)
      %dma_wait3A = arith.constant 0 : i32
      %dma_wait3A_1451 = tpu.memref_slice %arg11[%add3A_1316, %dma_wait3A] : memref<12560x128xf32, #tpu.memory_space<vmem_shared>> -> memref<16x128xf32, #tpu.memory_space<vmem_shared>>
      %dma_wait3A_1452 = arith.constant 0 : i32
      %dma_wait3A_1453 = tpu.memref_slice %arg11[%add3A_1316, %dma_wait3A_1452] : memref<12560x128xf32, #tpu.memory_space<vmem_shared>> -> memref<16x128xf32, #tpu.memory_space<vmem_shared>>
      tpu.wait_dma2 semaphore(%run_scoped3A : memref<!tpu.dma_semaphore, #tpu.memory_space<semaphore_mem>>) src(%arg10 : memref<16x128xf32, #tpu.memory_space<vmem>>) dst(%dma_wait3A_1453 : memref<16x128xf32, #tpu.memory_space<vmem_shared>>)
      tpu.yield
    }) : () -> ()
    %mul3A_1317 = arith.constant 784 : i32
    %mul3A_1318 = arith.muli %arg1, %mul3A_1317 : i32
    %add3A_1319 = arith.constant 320 : i32
    %add3A_1320 = arith.addi %mul3A_1318, %add3A_1319 : i32
    "tpu.region"() ({
      %run_scoped3A = tpu.sem_alloc : memref<!tpu.dma_semaphore, #tpu.memory_space<semaphore_mem>>
      %dma_start3A = arith.constant 0 : i32
      %dma_start3A_1448 = tpu.memref_slice %arg11[%add3A_1320, %dma_start3A] : memref<12560x128xf32, #tpu.memory_space<vmem_shared>> -> memref<16x128xf32, #tpu.memory_space<vmem_shared>>
      %dma_start3A_1449 = arith.constant 0 : i32
      %dma_start3A_1450 = tpu.memref_slice %arg11[%add3A_1320, %dma_start3A_1449] : memref<12560x128xf32, #tpu.memory_space<vmem_shared>> -> memref<16x128xf32, #tpu.memory_space<vmem_shared>>
      tpu.enqueue_dma source(%arg10 : memref<16x128xf32, #tpu.memory_space<vmem>>) target(%dma_start3A_1450 : memref<16x128xf32, #tpu.memory_space<vmem_shared>>) target_semaphore(%run_scoped3A : memref<!tpu.dma_semaphore, #tpu.memory_space<semaphore_mem>>)
      %dma_wait3A = arith.constant 0 : i32
      %dma_wait3A_1451 = tpu.memref_slice %arg11[%add3A_1320, %dma_wait3A] : memref<12560x128xf32, #tpu.memory_space<vmem_shared>> -> memref<16x128xf32, #tpu.memory_space<vmem_shared>>
      %dma_wait3A_1452 = arith.constant 0 : i32
      %dma_wait3A_1453 = tpu.memref_slice %arg11[%add3A_1320, %dma_wait3A_1452] : memref<12560x128xf32, #tpu.memory_space<vmem_shared>> -> memref<16x128xf32, #tpu.memory_space<vmem_shared>>
      tpu.wait_dma2 semaphore(%run_scoped3A : memref<!tpu.dma_semaphore, #tpu.memory_space<semaphore_mem>>) src(%arg10 : memref<16x128xf32, #tpu.memory_space<vmem>>) dst(%dma_wait3A_1453 : memref<16x128xf32, #tpu.memory_space<vmem_shared>>)
      tpu.yield
    }) : () -> ()
    %mul3A_1321 = arith.constant 784 : i32
    %mul3A_1322 = arith.muli %arg1, %mul3A_1321 : i32
    %add3A_1323 = arith.constant 336 : i32
    %add3A_1324 = arith.addi %mul3A_1322, %add3A_1323 : i32
    "tpu.region"() ({
      %run_scoped3A = tpu.sem_alloc : memref<!tpu.dma_semaphore, #tpu.memory_space<semaphore_mem>>
      %dma_start3A = arith.constant 0 : i32
      %dma_start3A_1448 = tpu.memref_slice %arg11[%add3A_1324, %dma_start3A] : memref<12560x128xf32, #tpu.memory_space<vmem_shared>> -> memref<16x128xf32, #tpu.memory_space<vmem_shared>>
      %dma_start3A_1449 = arith.constant 0 : i32
      %dma_start3A_1450 = tpu.memref_slice %arg11[%add3A_1324, %dma_start3A_1449] : memref<12560x128xf32, #tpu.memory_space<vmem_shared>> -> memref<16x128xf32, #tpu.memory_space<vmem_shared>>
      tpu.enqueue_dma source(%arg10 : memref<16x128xf32, #tpu.memory_space<vmem>>) target(%dma_start3A_1450 : memref<16x128xf32, #tpu.memory_space<vmem_shared>>) target_semaphore(%run_scoped3A : memref<!tpu.dma_semaphore, #tpu.memory_space<semaphore_mem>>)
      %dma_wait3A = arith.constant 0 : i32
      %dma_wait3A_1451 = tpu.memref_slice %arg11[%add3A_1324, %dma_wait3A] : memref<12560x128xf32, #tpu.memory_space<vmem_shared>> -> memref<16x128xf32, #tpu.memory_space<vmem_shared>>
      %dma_wait3A_1452 = arith.constant 0 : i32
      %dma_wait3A_1453 = tpu.memref_slice %arg11[%add3A_1324, %dma_wait3A_1452] : memref<12560x128xf32, #tpu.memory_space<vmem_shared>> -> memref<16x128xf32, #tpu.memory_space<vmem_shared>>
      tpu.wait_dma2 semaphore(%run_scoped3A : memref<!tpu.dma_semaphore, #tpu.memory_space<semaphore_mem>>) src(%arg10 : memref<16x128xf32, #tpu.memory_space<vmem>>) dst(%dma_wait3A_1453 : memref<16x128xf32, #tpu.memory_space<vmem_shared>>)
      tpu.yield
    }) : () -> ()
    %mul3A_1325 = arith.constant 784 : i32
    %mul3A_1326 = arith.muli %arg1, %mul3A_1325 : i32
    %add3A_1327 = arith.constant 352 : i32
    %add3A_1328 = arith.addi %mul3A_1326, %add3A_1327 : i32
    "tpu.region"() ({
      %run_scoped3A = tpu.sem_alloc : memref<!tpu.dma_semaphore, #tpu.memory_space<semaphore_mem>>
      %dma_start3A = arith.constant 0 : i32
      %dma_start3A_1448 = tpu.memref_slice %arg11[%add3A_1328, %dma_start3A] : memref<12560x128xf32, #tpu.memory_space<vmem_shared>> -> memref<16x128xf32, #tpu.memory_space<vmem_shared>>
      %dma_start3A_1449 = arith.constant 0 : i32
      %dma_start3A_1450 = tpu.memref_slice %arg11[%add3A_1328, %dma_start3A_1449] : memref<12560x128xf32, #tpu.memory_space<vmem_shared>> -> memref<16x128xf32, #tpu.memory_space<vmem_shared>>
      tpu.enqueue_dma source(%arg10 : memref<16x128xf32, #tpu.memory_space<vmem>>) target(%dma_start3A_1450 : memref<16x128xf32, #tpu.memory_space<vmem_shared>>) target_semaphore(%run_scoped3A : memref<!tpu.dma_semaphore, #tpu.memory_space<semaphore_mem>>)
      %dma_wait3A = arith.constant 0 : i32
      %dma_wait3A_1451 = tpu.memref_slice %arg11[%add3A_1328, %dma_wait3A] : memref<12560x128xf32, #tpu.memory_space<vmem_shared>> -> memref<16x128xf32, #tpu.memory_space<vmem_shared>>
      %dma_wait3A_1452 = arith.constant 0 : i32
      %dma_wait3A_1453 = tpu.memref_slice %arg11[%add3A_1328, %dma_wait3A_1452] : memref<12560x128xf32, #tpu.memory_space<vmem_shared>> -> memref<16x128xf32, #tpu.memory_space<vmem_shared>>
      tpu.wait_dma2 semaphore(%run_scoped3A : memref<!tpu.dma_semaphore, #tpu.memory_space<semaphore_mem>>) src(%arg10 : memref<16x128xf32, #tpu.memory_space<vmem>>) dst(%dma_wait3A_1453 : memref<16x128xf32, #tpu.memory_space<vmem_shared>>)
      tpu.yield
    }) : () -> ()
    %mul3A_1329 = arith.constant 784 : i32
    %mul3A_1330 = arith.muli %arg1, %mul3A_1329 : i32
    %add3A_1331 = arith.constant 368 : i32
    %add3A_1332 = arith.addi %mul3A_1330, %add3A_1331 : i32
    "tpu.region"() ({
      %run_scoped3A = tpu.sem_alloc : memref<!tpu.dma_semaphore, #tpu.memory_space<semaphore_mem>>
      %dma_start3A = arith.constant 0 : i32
      %dma_start3A_1448 = tpu.memref_slice %arg11[%add3A_1332, %dma_start3A] : memref<12560x128xf32, #tpu.memory_space<vmem_shared>> -> memref<16x128xf32, #tpu.memory_space<vmem_shared>>
      %dma_start3A_1449 = arith.constant 0 : i32
      %dma_start3A_1450 = tpu.memref_slice %arg11[%add3A_1332, %dma_start3A_1449] : memref<12560x128xf32, #tpu.memory_space<vmem_shared>> -> memref<16x128xf32, #tpu.memory_space<vmem_shared>>
      tpu.enqueue_dma source(%arg10 : memref<16x128xf32, #tpu.memory_space<vmem>>) target(%dma_start3A_1450 : memref<16x128xf32, #tpu.memory_space<vmem_shared>>) target_semaphore(%run_scoped3A : memref<!tpu.dma_semaphore, #tpu.memory_space<semaphore_mem>>)
      %dma_wait3A = arith.constant 0 : i32
      %dma_wait3A_1451 = tpu.memref_slice %arg11[%add3A_1332, %dma_wait3A] : memref<12560x128xf32, #tpu.memory_space<vmem_shared>> -> memref<16x128xf32, #tpu.memory_space<vmem_shared>>
      %dma_wait3A_1452 = arith.constant 0 : i32
      %dma_wait3A_1453 = tpu.memref_slice %arg11[%add3A_1332, %dma_wait3A_1452] : memref<12560x128xf32, #tpu.memory_space<vmem_shared>> -> memref<16x128xf32, #tpu.memory_space<vmem_shared>>
      tpu.wait_dma2 semaphore(%run_scoped3A : memref<!tpu.dma_semaphore, #tpu.memory_space<semaphore_mem>>) src(%arg10 : memref<16x128xf32, #tpu.memory_space<vmem>>) dst(%dma_wait3A_1453 : memref<16x128xf32, #tpu.memory_space<vmem_shared>>)
      tpu.yield
    }) : () -> ()
    %mul3A_1333 = arith.constant 784 : i32
    %mul3A_1334 = arith.muli %arg1, %mul3A_1333 : i32
    %add3A_1335 = arith.constant 384 : i32
    %add3A_1336 = arith.addi %mul3A_1334, %add3A_1335 : i32
    "tpu.region"() ({
      %run_scoped3A = tpu.sem_alloc : memref<!tpu.dma_semaphore, #tpu.memory_space<semaphore_mem>>
      %dma_start3A = arith.constant 0 : i32
      %dma_start3A_1448 = tpu.memref_slice %arg11[%add3A_1336, %dma_start3A] : memref<12560x128xf32, #tpu.memory_space<vmem_shared>> -> memref<16x128xf32, #tpu.memory_space<vmem_shared>>
      %dma_start3A_1449 = arith.constant 0 : i32
      %dma_start3A_1450 = tpu.memref_slice %arg11[%add3A_1336, %dma_start3A_1449] : memref<12560x128xf32, #tpu.memory_space<vmem_shared>> -> memref<16x128xf32, #tpu.memory_space<vmem_shared>>
      tpu.enqueue_dma source(%arg10 : memref<16x128xf32, #tpu.memory_space<vmem>>) target(%dma_start3A_1450 : memref<16x128xf32, #tpu.memory_space<vmem_shared>>) target_semaphore(%run_scoped3A : memref<!tpu.dma_semaphore, #tpu.memory_space<semaphore_mem>>)
      %dma_wait3A = arith.constant 0 : i32
      %dma_wait3A_1451 = tpu.memref_slice %arg11[%add3A_1336, %dma_wait3A] : memref<12560x128xf32, #tpu.memory_space<vmem_shared>> -> memref<16x128xf32, #tpu.memory_space<vmem_shared>>
      %dma_wait3A_1452 = arith.constant 0 : i32
      %dma_wait3A_1453 = tpu.memref_slice %arg11[%add3A_1336, %dma_wait3A_1452] : memref<12560x128xf32, #tpu.memory_space<vmem_shared>> -> memref<16x128xf32, #tpu.memory_space<vmem_shared>>
      tpu.wait_dma2 semaphore(%run_scoped3A : memref<!tpu.dma_semaphore, #tpu.memory_space<semaphore_mem>>) src(%arg10 : memref<16x128xf32, #tpu.memory_space<vmem>>) dst(%dma_wait3A_1453 : memref<16x128xf32, #tpu.memory_space<vmem_shared>>)
      tpu.yield
    }) : () -> ()
    %mul3A_1337 = arith.constant 784 : i32
    %mul3A_1338 = arith.muli %arg1, %mul3A_1337 : i32
    %add3A_1339 = arith.constant 400 : i32
    %add3A_1340 = arith.addi %mul3A_1338, %add3A_1339 : i32
    "tpu.region"() ({
      %run_scoped3A = tpu.sem_alloc : memref<!tpu.dma_semaphore, #tpu.memory_space<semaphore_mem>>
      %dma_start3A = arith.constant 0 : i32
      %dma_start3A_1448 = tpu.memref_slice %arg11[%add3A_1340, %dma_start3A] : memref<12560x128xf32, #tpu.memory_space<vmem_shared>> -> memref<16x128xf32, #tpu.memory_space<vmem_shared>>
      %dma_start3A_1449 = arith.constant 0 : i32
      %dma_start3A_1450 = tpu.memref_slice %arg11[%add3A_1340, %dma_start3A_1449] : memref<12560x128xf32, #tpu.memory_space<vmem_shared>> -> memref<16x128xf32, #tpu.memory_space<vmem_shared>>
      tpu.enqueue_dma source(%arg10 : memref<16x128xf32, #tpu.memory_space<vmem>>) target(%dma_start3A_1450 : memref<16x128xf32, #tpu.memory_space<vmem_shared>>) target_semaphore(%run_scoped3A : memref<!tpu.dma_semaphore, #tpu.memory_space<semaphore_mem>>)
      %dma_wait3A = arith.constant 0 : i32
      %dma_wait3A_1451 = tpu.memref_slice %arg11[%add3A_1340, %dma_wait3A] : memref<12560x128xf32, #tpu.memory_space<vmem_shared>> -> memref<16x128xf32, #tpu.memory_space<vmem_shared>>
      %dma_wait3A_1452 = arith.constant 0 : i32
      %dma_wait3A_1453 = tpu.memref_slice %arg11[%add3A_1340, %dma_wait3A_1452] : memref<12560x128xf32, #tpu.memory_space<vmem_shared>> -> memref<16x128xf32, #tpu.memory_space<vmem_shared>>
      tpu.wait_dma2 semaphore(%run_scoped3A : memref<!tpu.dma_semaphore, #tpu.memory_space<semaphore_mem>>) src(%arg10 : memref<16x128xf32, #tpu.memory_space<vmem>>) dst(%dma_wait3A_1453 : memref<16x128xf32, #tpu.memory_space<vmem_shared>>)
      tpu.yield
    }) : () -> ()
    %mul3A_1341 = arith.constant 784 : i32
    %mul3A_1342 = arith.muli %arg1, %mul3A_1341 : i32
    %add3A_1343 = arith.constant 416 : i32
    %add3A_1344 = arith.addi %mul3A_1342, %add3A_1343 : i32
    "tpu.region"() ({
      %run_scoped3A = tpu.sem_alloc : memref<!tpu.dma_semaphore, #tpu.memory_space<semaphore_mem>>
      %dma_start3A = arith.constant 0 : i32
      %dma_start3A_1448 = tpu.memref_slice %arg11[%add3A_1344, %dma_start3A] : memref<12560x128xf32, #tpu.memory_space<vmem_shared>> -> memref<16x128xf32, #tpu.memory_space<vmem_shared>>
      %dma_start3A_1449 = arith.constant 0 : i32
      %dma_start3A_1450 = tpu.memref_slice %arg11[%add3A_1344, %dma_start3A_1449] : memref<12560x128xf32, #tpu.memory_space<vmem_shared>> -> memref<16x128xf32, #tpu.memory_space<vmem_shared>>
      tpu.enqueue_dma source(%arg10 : memref<16x128xf32, #tpu.memory_space<vmem>>) target(%dma_start3A_1450 : memref<16x128xf32, #tpu.memory_space<vmem_shared>>) target_semaphore(%run_scoped3A : memref<!tpu.dma_semaphore, #tpu.memory_space<semaphore_mem>>)
      %dma_wait3A = arith.constant 0 : i32
      %dma_wait3A_1451 = tpu.memref_slice %arg11[%add3A_1344, %dma_wait3A] : memref<12560x128xf32, #tpu.memory_space<vmem_shared>> -> memref<16x128xf32, #tpu.memory_space<vmem_shared>>
      %dma_wait3A_1452 = arith.constant 0 : i32
      %dma_wait3A_1453 = tpu.memref_slice %arg11[%add3A_1344, %dma_wait3A_1452] : memref<12560x128xf32, #tpu.memory_space<vmem_shared>> -> memref<16x128xf32, #tpu.memory_space<vmem_shared>>
      tpu.wait_dma2 semaphore(%run_scoped3A : memref<!tpu.dma_semaphore, #tpu.memory_space<semaphore_mem>>) src(%arg10 : memref<16x128xf32, #tpu.memory_space<vmem>>) dst(%dma_wait3A_1453 : memref<16x128xf32, #tpu.memory_space<vmem_shared>>)
      tpu.yield
    }) : () -> ()
    %mul3A_1345 = arith.constant 784 : i32
    %mul3A_1346 = arith.muli %arg1, %mul3A_1345 : i32
    %add3A_1347 = arith.constant 432 : i32
    %add3A_1348 = arith.addi %mul3A_1346, %add3A_1347 : i32
    "tpu.region"() ({
      %run_scoped3A = tpu.sem_alloc : memref<!tpu.dma_semaphore, #tpu.memory_space<semaphore_mem>>
      %dma_start3A = arith.constant 0 : i32
      %dma_start3A_1448 = tpu.memref_slice %arg11[%add3A_1348, %dma_start3A] : memref<12560x128xf32, #tpu.memory_space<vmem_shared>> -> memref<16x128xf32, #tpu.memory_space<vmem_shared>>
      %dma_start3A_1449 = arith.constant 0 : i32
      %dma_start3A_1450 = tpu.memref_slice %arg11[%add3A_1348, %dma_start3A_1449] : memref<12560x128xf32, #tpu.memory_space<vmem_shared>> -> memref<16x128xf32, #tpu.memory_space<vmem_shared>>
      tpu.enqueue_dma source(%arg10 : memref<16x128xf32, #tpu.memory_space<vmem>>) target(%dma_start3A_1450 : memref<16x128xf32, #tpu.memory_space<vmem_shared>>) target_semaphore(%run_scoped3A : memref<!tpu.dma_semaphore, #tpu.memory_space<semaphore_mem>>)
      %dma_wait3A = arith.constant 0 : i32
      %dma_wait3A_1451 = tpu.memref_slice %arg11[%add3A_1348, %dma_wait3A] : memref<12560x128xf32, #tpu.memory_space<vmem_shared>> -> memref<16x128xf32, #tpu.memory_space<vmem_shared>>
      %dma_wait3A_1452 = arith.constant 0 : i32
      %dma_wait3A_1453 = tpu.memref_slice %arg11[%add3A_1348, %dma_wait3A_1452] : memref<12560x128xf32, #tpu.memory_space<vmem_shared>> -> memref<16x128xf32, #tpu.memory_space<vmem_shared>>
      tpu.wait_dma2 semaphore(%run_scoped3A : memref<!tpu.dma_semaphore, #tpu.memory_space<semaphore_mem>>) src(%arg10 : memref<16x128xf32, #tpu.memory_space<vmem>>) dst(%dma_wait3A_1453 : memref<16x128xf32, #tpu.memory_space<vmem_shared>>)
      tpu.yield
    }) : () -> ()
    %mul3A_1349 = arith.constant 784 : i32
    %mul3A_1350 = arith.muli %arg1, %mul3A_1349 : i32
    %add3A_1351 = arith.constant 448 : i32
    %add3A_1352 = arith.addi %mul3A_1350, %add3A_1351 : i32
    "tpu.region"() ({
      %run_scoped3A = tpu.sem_alloc : memref<!tpu.dma_semaphore, #tpu.memory_space<semaphore_mem>>
      %dma_start3A = arith.constant 0 : i32
      %dma_start3A_1448 = tpu.memref_slice %arg11[%add3A_1352, %dma_start3A] : memref<12560x128xf32, #tpu.memory_space<vmem_shared>> -> memref<16x128xf32, #tpu.memory_space<vmem_shared>>
      %dma_start3A_1449 = arith.constant 0 : i32
      %dma_start3A_1450 = tpu.memref_slice %arg11[%add3A_1352, %dma_start3A_1449] : memref<12560x128xf32, #tpu.memory_space<vmem_shared>> -> memref<16x128xf32, #tpu.memory_space<vmem_shared>>
      tpu.enqueue_dma source(%arg10 : memref<16x128xf32, #tpu.memory_space<vmem>>) target(%dma_start3A_1450 : memref<16x128xf32, #tpu.memory_space<vmem_shared>>) target_semaphore(%run_scoped3A : memref<!tpu.dma_semaphore, #tpu.memory_space<semaphore_mem>>)
      %dma_wait3A = arith.constant 0 : i32
      %dma_wait3A_1451 = tpu.memref_slice %arg11[%add3A_1352, %dma_wait3A] : memref<12560x128xf32, #tpu.memory_space<vmem_shared>> -> memref<16x128xf32, #tpu.memory_space<vmem_shared>>
      %dma_wait3A_1452 = arith.constant 0 : i32
      %dma_wait3A_1453 = tpu.memref_slice %arg11[%add3A_1352, %dma_wait3A_1452] : memref<12560x128xf32, #tpu.memory_space<vmem_shared>> -> memref<16x128xf32, #tpu.memory_space<vmem_shared>>
      tpu.wait_dma2 semaphore(%run_scoped3A : memref<!tpu.dma_semaphore, #tpu.memory_space<semaphore_mem>>) src(%arg10 : memref<16x128xf32, #tpu.memory_space<vmem>>) dst(%dma_wait3A_1453 : memref<16x128xf32, #tpu.memory_space<vmem_shared>>)
      tpu.yield
    }) : () -> ()
    %mul3A_1353 = arith.constant 784 : i32
    %mul3A_1354 = arith.muli %arg1, %mul3A_1353 : i32
    %add3A_1355 = arith.constant 464 : i32
    %add3A_1356 = arith.addi %mul3A_1354, %add3A_1355 : i32
    "tpu.region"() ({
      %run_scoped3A = tpu.sem_alloc : memref<!tpu.dma_semaphore, #tpu.memory_space<semaphore_mem>>
      %dma_start3A = arith.constant 0 : i32
      %dma_start3A_1448 = tpu.memref_slice %arg11[%add3A_1356, %dma_start3A] : memref<12560x128xf32, #tpu.memory_space<vmem_shared>> -> memref<16x128xf32, #tpu.memory_space<vmem_shared>>
      %dma_start3A_1449 = arith.constant 0 : i32
      %dma_start3A_1450 = tpu.memref_slice %arg11[%add3A_1356, %dma_start3A_1449] : memref<12560x128xf32, #tpu.memory_space<vmem_shared>> -> memref<16x128xf32, #tpu.memory_space<vmem_shared>>
      tpu.enqueue_dma source(%arg10 : memref<16x128xf32, #tpu.memory_space<vmem>>) target(%dma_start3A_1450 : memref<16x128xf32, #tpu.memory_space<vmem_shared>>) target_semaphore(%run_scoped3A : memref<!tpu.dma_semaphore, #tpu.memory_space<semaphore_mem>>)
      %dma_wait3A = arith.constant 0 : i32
      %dma_wait3A_1451 = tpu.memref_slice %arg11[%add3A_1356, %dma_wait3A] : memref<12560x128xf32, #tpu.memory_space<vmem_shared>> -> memref<16x128xf32, #tpu.memory_space<vmem_shared>>
      %dma_wait3A_1452 = arith.constant 0 : i32
      %dma_wait3A_1453 = tpu.memref_slice %arg11[%add3A_1356, %dma_wait3A_1452] : memref<12560x128xf32, #tpu.memory_space<vmem_shared>> -> memref<16x128xf32, #tpu.memory_space<vmem_shared>>
      tpu.wait_dma2 semaphore(%run_scoped3A : memref<!tpu.dma_semaphore, #tpu.memory_space<semaphore_mem>>) src(%arg10 : memref<16x128xf32, #tpu.memory_space<vmem>>) dst(%dma_wait3A_1453 : memref<16x128xf32, #tpu.memory_space<vmem_shared>>)
      tpu.yield
    }) : () -> ()
    %mul3A_1357 = arith.constant 784 : i32
    %mul3A_1358 = arith.muli %arg1, %mul3A_1357 : i32
    %add3A_1359 = arith.constant 480 : i32
    %add3A_1360 = arith.addi %mul3A_1358, %add3A_1359 : i32
    "tpu.region"() ({
      %run_scoped3A = tpu.sem_alloc : memref<!tpu.dma_semaphore, #tpu.memory_space<semaphore_mem>>
      %dma_start3A = arith.constant 0 : i32
      %dma_start3A_1448 = tpu.memref_slice %arg11[%add3A_1360, %dma_start3A] : memref<12560x128xf32, #tpu.memory_space<vmem_shared>> -> memref<16x128xf32, #tpu.memory_space<vmem_shared>>
      %dma_start3A_1449 = arith.constant 0 : i32
      %dma_start3A_1450 = tpu.memref_slice %arg11[%add3A_1360, %dma_start3A_1449] : memref<12560x128xf32, #tpu.memory_space<vmem_shared>> -> memref<16x128xf32, #tpu.memory_space<vmem_shared>>
      tpu.enqueue_dma source(%arg10 : memref<16x128xf32, #tpu.memory_space<vmem>>) target(%dma_start3A_1450 : memref<16x128xf32, #tpu.memory_space<vmem_shared>>) target_semaphore(%run_scoped3A : memref<!tpu.dma_semaphore, #tpu.memory_space<semaphore_mem>>)
      %dma_wait3A = arith.constant 0 : i32
      %dma_wait3A_1451 = tpu.memref_slice %arg11[%add3A_1360, %dma_wait3A] : memref<12560x128xf32, #tpu.memory_space<vmem_shared>> -> memref<16x128xf32, #tpu.memory_space<vmem_shared>>
      %dma_wait3A_1452 = arith.constant 0 : i32
      %dma_wait3A_1453 = tpu.memref_slice %arg11[%add3A_1360, %dma_wait3A_1452] : memref<12560x128xf32, #tpu.memory_space<vmem_shared>> -> memref<16x128xf32, #tpu.memory_space<vmem_shared>>
      tpu.wait_dma2 semaphore(%run_scoped3A : memref<!tpu.dma_semaphore, #tpu.memory_space<semaphore_mem>>) src(%arg10 : memref<16x128xf32, #tpu.memory_space<vmem>>) dst(%dma_wait3A_1453 : memref<16x128xf32, #tpu.memory_space<vmem_shared>>)
      tpu.yield
    }) : () -> ()
    %mul3A_1361 = arith.constant 784 : i32
    %mul3A_1362 = arith.muli %arg1, %mul3A_1361 : i32
    %add3A_1363 = arith.constant 496 : i32
    %add3A_1364 = arith.addi %mul3A_1362, %add3A_1363 : i32
    "tpu.region"() ({
      %run_scoped3A = tpu.sem_alloc : memref<!tpu.dma_semaphore, #tpu.memory_space<semaphore_mem>>
      %dma_start3A = arith.constant 0 : i32
      %dma_start3A_1448 = tpu.memref_slice %arg11[%add3A_1364, %dma_start3A] : memref<12560x128xf32, #tpu.memory_space<vmem_shared>> -> memref<16x128xf32, #tpu.memory_space<vmem_shared>>
      %dma_start3A_1449 = arith.constant 0 : i32
      %dma_start3A_1450 = tpu.memref_slice %arg11[%add3A_1364, %dma_start3A_1449] : memref<12560x128xf32, #tpu.memory_space<vmem_shared>> -> memref<16x128xf32, #tpu.memory_space<vmem_shared>>
      tpu.enqueue_dma source(%arg10 : memref<16x128xf32, #tpu.memory_space<vmem>>) target(%dma_start3A_1450 : memref<16x128xf32, #tpu.memory_space<vmem_shared>>) target_semaphore(%run_scoped3A : memref<!tpu.dma_semaphore, #tpu.memory_space<semaphore_mem>>)
      %dma_wait3A = arith.constant 0 : i32
      %dma_wait3A_1451 = tpu.memref_slice %arg11[%add3A_1364, %dma_wait3A] : memref<12560x128xf32, #tpu.memory_space<vmem_shared>> -> memref<16x128xf32, #tpu.memory_space<vmem_shared>>
      %dma_wait3A_1452 = arith.constant 0 : i32
      %dma_wait3A_1453 = tpu.memref_slice %arg11[%add3A_1364, %dma_wait3A_1452] : memref<12560x128xf32, #tpu.memory_space<vmem_shared>> -> memref<16x128xf32, #tpu.memory_space<vmem_shared>>
      tpu.wait_dma2 semaphore(%run_scoped3A : memref<!tpu.dma_semaphore, #tpu.memory_space<semaphore_mem>>) src(%arg10 : memref<16x128xf32, #tpu.memory_space<vmem>>) dst(%dma_wait3A_1453 : memref<16x128xf32, #tpu.memory_space<vmem_shared>>)
      tpu.yield
    }) : () -> ()
    %mul3A_1365 = arith.constant 784 : i32
    %mul3A_1366 = arith.muli %arg1, %mul3A_1365 : i32
    %add3A_1367 = arith.constant 512 : i32
    %add3A_1368 = arith.addi %mul3A_1366, %add3A_1367 : i32
    "tpu.region"() ({
      %run_scoped3A = tpu.sem_alloc : memref<!tpu.dma_semaphore, #tpu.memory_space<semaphore_mem>>
      %dma_start3A = arith.constant 0 : i32
      %dma_start3A_1448 = tpu.memref_slice %arg11[%add3A_1368, %dma_start3A] : memref<12560x128xf32, #tpu.memory_space<vmem_shared>> -> memref<16x128xf32, #tpu.memory_space<vmem_shared>>
      %dma_start3A_1449 = arith.constant 0 : i32
      %dma_start3A_1450 = tpu.memref_slice %arg11[%add3A_1368, %dma_start3A_1449] : memref<12560x128xf32, #tpu.memory_space<vmem_shared>> -> memref<16x128xf32, #tpu.memory_space<vmem_shared>>
      tpu.enqueue_dma source(%arg10 : memref<16x128xf32, #tpu.memory_space<vmem>>) target(%dma_start3A_1450 : memref<16x128xf32, #tpu.memory_space<vmem_shared>>) target_semaphore(%run_scoped3A : memref<!tpu.dma_semaphore, #tpu.memory_space<semaphore_mem>>)
      %dma_wait3A = arith.constant 0 : i32
      %dma_wait3A_1451 = tpu.memref_slice %arg11[%add3A_1368, %dma_wait3A] : memref<12560x128xf32, #tpu.memory_space<vmem_shared>> -> memref<16x128xf32, #tpu.memory_space<vmem_shared>>
      %dma_wait3A_1452 = arith.constant 0 : i32
      %dma_wait3A_1453 = tpu.memref_slice %arg11[%add3A_1368, %dma_wait3A_1452] : memref<12560x128xf32, #tpu.memory_space<vmem_shared>> -> memref<16x128xf32, #tpu.memory_space<vmem_shared>>
      tpu.wait_dma2 semaphore(%run_scoped3A : memref<!tpu.dma_semaphore, #tpu.memory_space<semaphore_mem>>) src(%arg10 : memref<16x128xf32, #tpu.memory_space<vmem>>) dst(%dma_wait3A_1453 : memref<16x128xf32, #tpu.memory_space<vmem_shared>>)
      tpu.yield
    }) : () -> ()
    %mul3A_1369 = arith.constant 784 : i32
    %mul3A_1370 = arith.muli %arg1, %mul3A_1369 : i32
    %add3A_1371 = arith.constant 528 : i32
    %add3A_1372 = arith.addi %mul3A_1370, %add3A_1371 : i32
    "tpu.region"() ({
      %run_scoped3A = tpu.sem_alloc : memref<!tpu.dma_semaphore, #tpu.memory_space<semaphore_mem>>
      %dma_start3A = arith.constant 0 : i32
      %dma_start3A_1448 = tpu.memref_slice %arg11[%add3A_1372, %dma_start3A] : memref<12560x128xf32, #tpu.memory_space<vmem_shared>> -> memref<16x128xf32, #tpu.memory_space<vmem_shared>>
      %dma_start3A_1449 = arith.constant 0 : i32
      %dma_start3A_1450 = tpu.memref_slice %arg11[%add3A_1372, %dma_start3A_1449] : memref<12560x128xf32, #tpu.memory_space<vmem_shared>> -> memref<16x128xf32, #tpu.memory_space<vmem_shared>>
      tpu.enqueue_dma source(%arg10 : memref<16x128xf32, #tpu.memory_space<vmem>>) target(%dma_start3A_1450 : memref<16x128xf32, #tpu.memory_space<vmem_shared>>) target_semaphore(%run_scoped3A : memref<!tpu.dma_semaphore, #tpu.memory_space<semaphore_mem>>)
      %dma_wait3A = arith.constant 0 : i32
      %dma_wait3A_1451 = tpu.memref_slice %arg11[%add3A_1372, %dma_wait3A] : memref<12560x128xf32, #tpu.memory_space<vmem_shared>> -> memref<16x128xf32, #tpu.memory_space<vmem_shared>>
      %dma_wait3A_1452 = arith.constant 0 : i32
      %dma_wait3A_1453 = tpu.memref_slice %arg11[%add3A_1372, %dma_wait3A_1452] : memref<12560x128xf32, #tpu.memory_space<vmem_shared>> -> memref<16x128xf32, #tpu.memory_space<vmem_shared>>
      tpu.wait_dma2 semaphore(%run_scoped3A : memref<!tpu.dma_semaphore, #tpu.memory_space<semaphore_mem>>) src(%arg10 : memref<16x128xf32, #tpu.memory_space<vmem>>) dst(%dma_wait3A_1453 : memref<16x128xf32, #tpu.memory_space<vmem_shared>>)
      tpu.yield
    }) : () -> ()
    %mul3A_1373 = arith.constant 784 : i32
    %mul3A_1374 = arith.muli %arg1, %mul3A_1373 : i32
    %add3A_1375 = arith.constant 544 : i32
    %add3A_1376 = arith.addi %mul3A_1374, %add3A_1375 : i32
    "tpu.region"() ({
      %run_scoped3A = tpu.sem_alloc : memref<!tpu.dma_semaphore, #tpu.memory_space<semaphore_mem>>
      %dma_start3A = arith.constant 0 : i32
      %dma_start3A_1448 = tpu.memref_slice %arg11[%add3A_1376, %dma_start3A] : memref<12560x128xf32, #tpu.memory_space<vmem_shared>> -> memref<16x128xf32, #tpu.memory_space<vmem_shared>>
      %dma_start3A_1449 = arith.constant 0 : i32
      %dma_start3A_1450 = tpu.memref_slice %arg11[%add3A_1376, %dma_start3A_1449] : memref<12560x128xf32, #tpu.memory_space<vmem_shared>> -> memref<16x128xf32, #tpu.memory_space<vmem_shared>>
      tpu.enqueue_dma source(%arg10 : memref<16x128xf32, #tpu.memory_space<vmem>>) target(%dma_start3A_1450 : memref<16x128xf32, #tpu.memory_space<vmem_shared>>) target_semaphore(%run_scoped3A : memref<!tpu.dma_semaphore, #tpu.memory_space<semaphore_mem>>)
      %dma_wait3A = arith.constant 0 : i32
      %dma_wait3A_1451 = tpu.memref_slice %arg11[%add3A_1376, %dma_wait3A] : memref<12560x128xf32, #tpu.memory_space<vmem_shared>> -> memref<16x128xf32, #tpu.memory_space<vmem_shared>>
      %dma_wait3A_1452 = arith.constant 0 : i32
      %dma_wait3A_1453 = tpu.memref_slice %arg11[%add3A_1376, %dma_wait3A_1452] : memref<12560x128xf32, #tpu.memory_space<vmem_shared>> -> memref<16x128xf32, #tpu.memory_space<vmem_shared>>
      tpu.wait_dma2 semaphore(%run_scoped3A : memref<!tpu.dma_semaphore, #tpu.memory_space<semaphore_mem>>) src(%arg10 : memref<16x128xf32, #tpu.memory_space<vmem>>) dst(%dma_wait3A_1453 : memref<16x128xf32, #tpu.memory_space<vmem_shared>>)
      tpu.yield
    }) : () -> ()
    %mul3A_1377 = arith.constant 784 : i32
    %mul3A_1378 = arith.muli %arg1, %mul3A_1377 : i32
    %add3A_1379 = arith.constant 560 : i32
    %add3A_1380 = arith.addi %mul3A_1378, %add3A_1379 : i32
    "tpu.region"() ({
      %run_scoped3A = tpu.sem_alloc : memref<!tpu.dma_semaphore, #tpu.memory_space<semaphore_mem>>
      %dma_start3A = arith.constant 0 : i32
      %dma_start3A_1448 = tpu.memref_slice %arg11[%add3A_1380, %dma_start3A] : memref<12560x128xf32, #tpu.memory_space<vmem_shared>> -> memref<16x128xf32, #tpu.memory_space<vmem_shared>>
      %dma_start3A_1449 = arith.constant 0 : i32
      %dma_start3A_1450 = tpu.memref_slice %arg11[%add3A_1380, %dma_start3A_1449] : memref<12560x128xf32, #tpu.memory_space<vmem_shared>> -> memref<16x128xf32, #tpu.memory_space<vmem_shared>>
      tpu.enqueue_dma source(%arg10 : memref<16x128xf32, #tpu.memory_space<vmem>>) target(%dma_start3A_1450 : memref<16x128xf32, #tpu.memory_space<vmem_shared>>) target_semaphore(%run_scoped3A : memref<!tpu.dma_semaphore, #tpu.memory_space<semaphore_mem>>)
      %dma_wait3A = arith.constant 0 : i32
      %dma_wait3A_1451 = tpu.memref_slice %arg11[%add3A_1380, %dma_wait3A] : memref<12560x128xf32, #tpu.memory_space<vmem_shared>> -> memref<16x128xf32, #tpu.memory_space<vmem_shared>>
      %dma_wait3A_1452 = arith.constant 0 : i32
      %dma_wait3A_1453 = tpu.memref_slice %arg11[%add3A_1380, %dma_wait3A_1452] : memref<12560x128xf32, #tpu.memory_space<vmem_shared>> -> memref<16x128xf32, #tpu.memory_space<vmem_shared>>
      tpu.wait_dma2 semaphore(%run_scoped3A : memref<!tpu.dma_semaphore, #tpu.memory_space<semaphore_mem>>) src(%arg10 : memref<16x128xf32, #tpu.memory_space<vmem>>) dst(%dma_wait3A_1453 : memref<16x128xf32, #tpu.memory_space<vmem_shared>>)
      tpu.yield
    }) : () -> ()
    %mul3A_1381 = arith.constant 784 : i32
    %mul3A_1382 = arith.muli %arg1, %mul3A_1381 : i32
    %add3A_1383 = arith.constant 576 : i32
    %add3A_1384 = arith.addi %mul3A_1382, %add3A_1383 : i32
    "tpu.region"() ({
      %run_scoped3A = tpu.sem_alloc : memref<!tpu.dma_semaphore, #tpu.memory_space<semaphore_mem>>
      %dma_start3A = arith.constant 0 : i32
      %dma_start3A_1448 = tpu.memref_slice %arg11[%add3A_1384, %dma_start3A] : memref<12560x128xf32, #tpu.memory_space<vmem_shared>> -> memref<16x128xf32, #tpu.memory_space<vmem_shared>>
      %dma_start3A_1449 = arith.constant 0 : i32
      %dma_start3A_1450 = tpu.memref_slice %arg11[%add3A_1384, %dma_start3A_1449] : memref<12560x128xf32, #tpu.memory_space<vmem_shared>> -> memref<16x128xf32, #tpu.memory_space<vmem_shared>>
      tpu.enqueue_dma source(%arg10 : memref<16x128xf32, #tpu.memory_space<vmem>>) target(%dma_start3A_1450 : memref<16x128xf32, #tpu.memory_space<vmem_shared>>) target_semaphore(%run_scoped3A : memref<!tpu.dma_semaphore, #tpu.memory_space<semaphore_mem>>)
      %dma_wait3A = arith.constant 0 : i32
      %dma_wait3A_1451 = tpu.memref_slice %arg11[%add3A_1384, %dma_wait3A] : memref<12560x128xf32, #tpu.memory_space<vmem_shared>> -> memref<16x128xf32, #tpu.memory_space<vmem_shared>>
      %dma_wait3A_1452 = arith.constant 0 : i32
      %dma_wait3A_1453 = tpu.memref_slice %arg11[%add3A_1384, %dma_wait3A_1452] : memref<12560x128xf32, #tpu.memory_space<vmem_shared>> -> memref<16x128xf32, #tpu.memory_space<vmem_shared>>
      tpu.wait_dma2 semaphore(%run_scoped3A : memref<!tpu.dma_semaphore, #tpu.memory_space<semaphore_mem>>) src(%arg10 : memref<16x128xf32, #tpu.memory_space<vmem>>) dst(%dma_wait3A_1453 : memref<16x128xf32, #tpu.memory_space<vmem_shared>>)
      tpu.yield
    }) : () -> ()
    %mul3A_1385 = arith.constant 784 : i32
    %mul3A_1386 = arith.muli %arg1, %mul3A_1385 : i32
    %add3A_1387 = arith.constant 592 : i32
    %add3A_1388 = arith.addi %mul3A_1386, %add3A_1387 : i32
    "tpu.region"() ({
      %run_scoped3A = tpu.sem_alloc : memref<!tpu.dma_semaphore, #tpu.memory_space<semaphore_mem>>
      %dma_start3A = arith.constant 0 : i32
      %dma_start3A_1448 = tpu.memref_slice %arg11[%add3A_1388, %dma_start3A] : memref<12560x128xf32, #tpu.memory_space<vmem_shared>> -> memref<16x128xf32, #tpu.memory_space<vmem_shared>>
      %dma_start3A_1449 = arith.constant 0 : i32
      %dma_start3A_1450 = tpu.memref_slice %arg11[%add3A_1388, %dma_start3A_1449] : memref<12560x128xf32, #tpu.memory_space<vmem_shared>> -> memref<16x128xf32, #tpu.memory_space<vmem_shared>>
      tpu.enqueue_dma source(%arg10 : memref<16x128xf32, #tpu.memory_space<vmem>>) target(%dma_start3A_1450 : memref<16x128xf32, #tpu.memory_space<vmem_shared>>) target_semaphore(%run_scoped3A : memref<!tpu.dma_semaphore, #tpu.memory_space<semaphore_mem>>)
      %dma_wait3A = arith.constant 0 : i32
      %dma_wait3A_1451 = tpu.memref_slice %arg11[%add3A_1388, %dma_wait3A] : memref<12560x128xf32, #tpu.memory_space<vmem_shared>> -> memref<16x128xf32, #tpu.memory_space<vmem_shared>>
      %dma_wait3A_1452 = arith.constant 0 : i32
      %dma_wait3A_1453 = tpu.memref_slice %arg11[%add3A_1388, %dma_wait3A_1452] : memref<12560x128xf32, #tpu.memory_space<vmem_shared>> -> memref<16x128xf32, #tpu.memory_space<vmem_shared>>
      tpu.wait_dma2 semaphore(%run_scoped3A : memref<!tpu.dma_semaphore, #tpu.memory_space<semaphore_mem>>) src(%arg10 : memref<16x128xf32, #tpu.memory_space<vmem>>) dst(%dma_wait3A_1453 : memref<16x128xf32, #tpu.memory_space<vmem_shared>>)
      tpu.yield
    }) : () -> ()
    %mul3A_1389 = arith.constant 784 : i32
    %mul3A_1390 = arith.muli %arg1, %mul3A_1389 : i32
    %add3A_1391 = arith.constant 608 : i32
    %add3A_1392 = arith.addi %mul3A_1390, %add3A_1391 : i32
    "tpu.region"() ({
      %run_scoped3A = tpu.sem_alloc : memref<!tpu.dma_semaphore, #tpu.memory_space<semaphore_mem>>
      %dma_start3A = arith.constant 0 : i32
      %dma_start3A_1448 = tpu.memref_slice %arg11[%add3A_1392, %dma_start3A] : memref<12560x128xf32, #tpu.memory_space<vmem_shared>> -> memref<16x128xf32, #tpu.memory_space<vmem_shared>>
      %dma_start3A_1449 = arith.constant 0 : i32
      %dma_start3A_1450 = tpu.memref_slice %arg11[%add3A_1392, %dma_start3A_1449] : memref<12560x128xf32, #tpu.memory_space<vmem_shared>> -> memref<16x128xf32, #tpu.memory_space<vmem_shared>>
      tpu.enqueue_dma source(%arg10 : memref<16x128xf32, #tpu.memory_space<vmem>>) target(%dma_start3A_1450 : memref<16x128xf32, #tpu.memory_space<vmem_shared>>) target_semaphore(%run_scoped3A : memref<!tpu.dma_semaphore, #tpu.memory_space<semaphore_mem>>)
      %dma_wait3A = arith.constant 0 : i32
      %dma_wait3A_1451 = tpu.memref_slice %arg11[%add3A_1392, %dma_wait3A] : memref<12560x128xf32, #tpu.memory_space<vmem_shared>> -> memref<16x128xf32, #tpu.memory_space<vmem_shared>>
      %dma_wait3A_1452 = arith.constant 0 : i32
      %dma_wait3A_1453 = tpu.memref_slice %arg11[%add3A_1392, %dma_wait3A_1452] : memref<12560x128xf32, #tpu.memory_space<vmem_shared>> -> memref<16x128xf32, #tpu.memory_space<vmem_shared>>
      tpu.wait_dma2 semaphore(%run_scoped3A : memref<!tpu.dma_semaphore, #tpu.memory_space<semaphore_mem>>) src(%arg10 : memref<16x128xf32, #tpu.memory_space<vmem>>) dst(%dma_wait3A_1453 : memref<16x128xf32, #tpu.memory_space<vmem_shared>>)
      tpu.yield
    }) : () -> ()
    %mul3A_1393 = arith.constant 784 : i32
    %mul3A_1394 = arith.muli %arg1, %mul3A_1393 : i32
    %add3A_1395 = arith.constant 624 : i32
    %add3A_1396 = arith.addi %mul3A_1394, %add3A_1395 : i32
    "tpu.region"() ({
      %run_scoped3A = tpu.sem_alloc : memref<!tpu.dma_semaphore, #tpu.memory_space<semaphore_mem>>
      %dma_start3A = arith.constant 0 : i32
      %dma_start3A_1448 = tpu.memref_slice %arg11[%add3A_1396, %dma_start3A] : memref<12560x128xf32, #tpu.memory_space<vmem_shared>> -> memref<16x128xf32, #tpu.memory_space<vmem_shared>>
      %dma_start3A_1449 = arith.constant 0 : i32
      %dma_start3A_1450 = tpu.memref_slice %arg11[%add3A_1396, %dma_start3A_1449] : memref<12560x128xf32, #tpu.memory_space<vmem_shared>> -> memref<16x128xf32, #tpu.memory_space<vmem_shared>>
      tpu.enqueue_dma source(%arg10 : memref<16x128xf32, #tpu.memory_space<vmem>>) target(%dma_start3A_1450 : memref<16x128xf32, #tpu.memory_space<vmem_shared>>) target_semaphore(%run_scoped3A : memref<!tpu.dma_semaphore, #tpu.memory_space<semaphore_mem>>)
      %dma_wait3A = arith.constant 0 : i32
      %dma_wait3A_1451 = tpu.memref_slice %arg11[%add3A_1396, %dma_wait3A] : memref<12560x128xf32, #tpu.memory_space<vmem_shared>> -> memref<16x128xf32, #tpu.memory_space<vmem_shared>>
      %dma_wait3A_1452 = arith.constant 0 : i32
      %dma_wait3A_1453 = tpu.memref_slice %arg11[%add3A_1396, %dma_wait3A_1452] : memref<12560x128xf32, #tpu.memory_space<vmem_shared>> -> memref<16x128xf32, #tpu.memory_space<vmem_shared>>
      tpu.wait_dma2 semaphore(%run_scoped3A : memref<!tpu.dma_semaphore, #tpu.memory_space<semaphore_mem>>) src(%arg10 : memref<16x128xf32, #tpu.memory_space<vmem>>) dst(%dma_wait3A_1453 : memref<16x128xf32, #tpu.memory_space<vmem_shared>>)
      tpu.yield
    }) : () -> ()
    %mul3A_1397 = arith.constant 784 : i32
    %mul3A_1398 = arith.muli %arg1, %mul3A_1397 : i32
    %add3A_1399 = arith.constant 640 : i32
    %add3A_1400 = arith.addi %mul3A_1398, %add3A_1399 : i32
    "tpu.region"() ({
      %run_scoped3A = tpu.sem_alloc : memref<!tpu.dma_semaphore, #tpu.memory_space<semaphore_mem>>
      %dma_start3A = arith.constant 0 : i32
      %dma_start3A_1448 = tpu.memref_slice %arg11[%add3A_1400, %dma_start3A] : memref<12560x128xf32, #tpu.memory_space<vmem_shared>> -> memref<16x128xf32, #tpu.memory_space<vmem_shared>>
      %dma_start3A_1449 = arith.constant 0 : i32
      %dma_start3A_1450 = tpu.memref_slice %arg11[%add3A_1400, %dma_start3A_1449] : memref<12560x128xf32, #tpu.memory_space<vmem_shared>> -> memref<16x128xf32, #tpu.memory_space<vmem_shared>>
      tpu.enqueue_dma source(%arg10 : memref<16x128xf32, #tpu.memory_space<vmem>>) target(%dma_start3A_1450 : memref<16x128xf32, #tpu.memory_space<vmem_shared>>) target_semaphore(%run_scoped3A : memref<!tpu.dma_semaphore, #tpu.memory_space<semaphore_mem>>)
      %dma_wait3A = arith.constant 0 : i32
      %dma_wait3A_1451 = tpu.memref_slice %arg11[%add3A_1400, %dma_wait3A] : memref<12560x128xf32, #tpu.memory_space<vmem_shared>> -> memref<16x128xf32, #tpu.memory_space<vmem_shared>>
      %dma_wait3A_1452 = arith.constant 0 : i32
      %dma_wait3A_1453 = tpu.memref_slice %arg11[%add3A_1400, %dma_wait3A_1452] : memref<12560x128xf32, #tpu.memory_space<vmem_shared>> -> memref<16x128xf32, #tpu.memory_space<vmem_shared>>
      tpu.wait_dma2 semaphore(%run_scoped3A : memref<!tpu.dma_semaphore, #tpu.memory_space<semaphore_mem>>) src(%arg10 : memref<16x128xf32, #tpu.memory_space<vmem>>) dst(%dma_wait3A_1453 : memref<16x128xf32, #tpu.memory_space<vmem_shared>>)
      tpu.yield
    }) : () -> ()
    %mul3A_1401 = arith.constant 784 : i32
    %mul3A_1402 = arith.muli %arg1, %mul3A_1401 : i32
    %add3A_1403 = arith.constant 656 : i32
    %add3A_1404 = arith.addi %mul3A_1402, %add3A_1403 : i32
    "tpu.region"() ({
      %run_scoped3A = tpu.sem_alloc : memref<!tpu.dma_semaphore, #tpu.memory_space<semaphore_mem>>
      %dma_start3A = arith.constant 0 : i32
      %dma_start3A_1448 = tpu.memref_slice %arg11[%add3A_1404, %dma_start3A] : memref<12560x128xf32, #tpu.memory_space<vmem_shared>> -> memref<16x128xf32, #tpu.memory_space<vmem_shared>>
      %dma_start3A_1449 = arith.constant 0 : i32
      %dma_start3A_1450 = tpu.memref_slice %arg11[%add3A_1404, %dma_start3A_1449] : memref<12560x128xf32, #tpu.memory_space<vmem_shared>> -> memref<16x128xf32, #tpu.memory_space<vmem_shared>>
      tpu.enqueue_dma source(%arg10 : memref<16x128xf32, #tpu.memory_space<vmem>>) target(%dma_start3A_1450 : memref<16x128xf32, #tpu.memory_space<vmem_shared>>) target_semaphore(%run_scoped3A : memref<!tpu.dma_semaphore, #tpu.memory_space<semaphore_mem>>)
      %dma_wait3A = arith.constant 0 : i32
      %dma_wait3A_1451 = tpu.memref_slice %arg11[%add3A_1404, %dma_wait3A] : memref<12560x128xf32, #tpu.memory_space<vmem_shared>> -> memref<16x128xf32, #tpu.memory_space<vmem_shared>>
      %dma_wait3A_1452 = arith.constant 0 : i32
      %dma_wait3A_1453 = tpu.memref_slice %arg11[%add3A_1404, %dma_wait3A_1452] : memref<12560x128xf32, #tpu.memory_space<vmem_shared>> -> memref<16x128xf32, #tpu.memory_space<vmem_shared>>
      tpu.wait_dma2 semaphore(%run_scoped3A : memref<!tpu.dma_semaphore, #tpu.memory_space<semaphore_mem>>) src(%arg10 : memref<16x128xf32, #tpu.memory_space<vmem>>) dst(%dma_wait3A_1453 : memref<16x128xf32, #tpu.memory_space<vmem_shared>>)
      tpu.yield
    }) : () -> ()
    %mul3A_1405 = arith.constant 784 : i32
    %mul3A_1406 = arith.muli %arg1, %mul3A_1405 : i32
    %add3A_1407 = arith.constant 672 : i32
    %add3A_1408 = arith.addi %mul3A_1406, %add3A_1407 : i32
    "tpu.region"() ({
      %run_scoped3A = tpu.sem_alloc : memref<!tpu.dma_semaphore, #tpu.memory_space<semaphore_mem>>
      %dma_start3A = arith.constant 0 : i32
      %dma_start3A_1448 = tpu.memref_slice %arg11[%add3A_1408, %dma_start3A] : memref<12560x128xf32, #tpu.memory_space<vmem_shared>> -> memref<16x128xf32, #tpu.memory_space<vmem_shared>>
      %dma_start3A_1449 = arith.constant 0 : i32
      %dma_start3A_1450 = tpu.memref_slice %arg11[%add3A_1408, %dma_start3A_1449] : memref<12560x128xf32, #tpu.memory_space<vmem_shared>> -> memref<16x128xf32, #tpu.memory_space<vmem_shared>>
      tpu.enqueue_dma source(%arg10 : memref<16x128xf32, #tpu.memory_space<vmem>>) target(%dma_start3A_1450 : memref<16x128xf32, #tpu.memory_space<vmem_shared>>) target_semaphore(%run_scoped3A : memref<!tpu.dma_semaphore, #tpu.memory_space<semaphore_mem>>)
      %dma_wait3A = arith.constant 0 : i32
      %dma_wait3A_1451 = tpu.memref_slice %arg11[%add3A_1408, %dma_wait3A] : memref<12560x128xf32, #tpu.memory_space<vmem_shared>> -> memref<16x128xf32, #tpu.memory_space<vmem_shared>>
      %dma_wait3A_1452 = arith.constant 0 : i32
      %dma_wait3A_1453 = tpu.memref_slice %arg11[%add3A_1408, %dma_wait3A_1452] : memref<12560x128xf32, #tpu.memory_space<vmem_shared>> -> memref<16x128xf32, #tpu.memory_space<vmem_shared>>
      tpu.wait_dma2 semaphore(%run_scoped3A : memref<!tpu.dma_semaphore, #tpu.memory_space<semaphore_mem>>) src(%arg10 : memref<16x128xf32, #tpu.memory_space<vmem>>) dst(%dma_wait3A_1453 : memref<16x128xf32, #tpu.memory_space<vmem_shared>>)
      tpu.yield
    }) : () -> ()
    %mul3A_1409 = arith.constant 784 : i32
    %mul3A_1410 = arith.muli %arg1, %mul3A_1409 : i32
    %add3A_1411 = arith.constant 688 : i32
    %add3A_1412 = arith.addi %mul3A_1410, %add3A_1411 : i32
    "tpu.region"() ({
      %run_scoped3A = tpu.sem_alloc : memref<!tpu.dma_semaphore, #tpu.memory_space<semaphore_mem>>
      %dma_start3A = arith.constant 0 : i32
      %dma_start3A_1448 = tpu.memref_slice %arg11[%add3A_1412, %dma_start3A] : memref<12560x128xf32, #tpu.memory_space<vmem_shared>> -> memref<16x128xf32, #tpu.memory_space<vmem_shared>>
      %dma_start3A_1449 = arith.constant 0 : i32
      %dma_start3A_1450 = tpu.memref_slice %arg11[%add3A_1412, %dma_start3A_1449] : memref<12560x128xf32, #tpu.memory_space<vmem_shared>> -> memref<16x128xf32, #tpu.memory_space<vmem_shared>>
      tpu.enqueue_dma source(%arg10 : memref<16x128xf32, #tpu.memory_space<vmem>>) target(%dma_start3A_1450 : memref<16x128xf32, #tpu.memory_space<vmem_shared>>) target_semaphore(%run_scoped3A : memref<!tpu.dma_semaphore, #tpu.memory_space<semaphore_mem>>)
      %dma_wait3A = arith.constant 0 : i32
      %dma_wait3A_1451 = tpu.memref_slice %arg11[%add3A_1412, %dma_wait3A] : memref<12560x128xf32, #tpu.memory_space<vmem_shared>> -> memref<16x128xf32, #tpu.memory_space<vmem_shared>>
      %dma_wait3A_1452 = arith.constant 0 : i32
      %dma_wait3A_1453 = tpu.memref_slice %arg11[%add3A_1412, %dma_wait3A_1452] : memref<12560x128xf32, #tpu.memory_space<vmem_shared>> -> memref<16x128xf32, #tpu.memory_space<vmem_shared>>
      tpu.wait_dma2 semaphore(%run_scoped3A : memref<!tpu.dma_semaphore, #tpu.memory_space<semaphore_mem>>) src(%arg10 : memref<16x128xf32, #tpu.memory_space<vmem>>) dst(%dma_wait3A_1453 : memref<16x128xf32, #tpu.memory_space<vmem_shared>>)
      tpu.yield
    }) : () -> ()
    %mul3A_1413 = arith.constant 784 : i32
    %mul3A_1414 = arith.muli %arg1, %mul3A_1413 : i32
    %add3A_1415 = arith.constant 704 : i32
    %add3A_1416 = arith.addi %mul3A_1414, %add3A_1415 : i32
    "tpu.region"() ({
      %run_scoped3A = tpu.sem_alloc : memref<!tpu.dma_semaphore, #tpu.memory_space<semaphore_mem>>
      %dma_start3A = arith.constant 0 : i32
      %dma_start3A_1448 = tpu.memref_slice %arg11[%add3A_1416, %dma_start3A] : memref<12560x128xf32, #tpu.memory_space<vmem_shared>> -> memref<16x128xf32, #tpu.memory_space<vmem_shared>>
      %dma_start3A_1449 = arith.constant 0 : i32
      %dma_start3A_1450 = tpu.memref_slice %arg11[%add3A_1416, %dma_start3A_1449] : memref<12560x128xf32, #tpu.memory_space<vmem_shared>> -> memref<16x128xf32, #tpu.memory_space<vmem_shared>>
      tpu.enqueue_dma source(%arg10 : memref<16x128xf32, #tpu.memory_space<vmem>>) target(%dma_start3A_1450 : memref<16x128xf32, #tpu.memory_space<vmem_shared>>) target_semaphore(%run_scoped3A : memref<!tpu.dma_semaphore, #tpu.memory_space<semaphore_mem>>)
      %dma_wait3A = arith.constant 0 : i32
      %dma_wait3A_1451 = tpu.memref_slice %arg11[%add3A_1416, %dma_wait3A] : memref<12560x128xf32, #tpu.memory_space<vmem_shared>> -> memref<16x128xf32, #tpu.memory_space<vmem_shared>>
      %dma_wait3A_1452 = arith.constant 0 : i32
      %dma_wait3A_1453 = tpu.memref_slice %arg11[%add3A_1416, %dma_wait3A_1452] : memref<12560x128xf32, #tpu.memory_space<vmem_shared>> -> memref<16x128xf32, #tpu.memory_space<vmem_shared>>
      tpu.wait_dma2 semaphore(%run_scoped3A : memref<!tpu.dma_semaphore, #tpu.memory_space<semaphore_mem>>) src(%arg10 : memref<16x128xf32, #tpu.memory_space<vmem>>) dst(%dma_wait3A_1453 : memref<16x128xf32, #tpu.memory_space<vmem_shared>>)
      tpu.yield
    }) : () -> ()
    %mul3A_1417 = arith.constant 784 : i32
    %mul3A_1418 = arith.muli %arg1, %mul3A_1417 : i32
    %add3A_1419 = arith.constant 720 : i32
    %add3A_1420 = arith.addi %mul3A_1418, %add3A_1419 : i32
    "tpu.region"() ({
      %run_scoped3A = tpu.sem_alloc : memref<!tpu.dma_semaphore, #tpu.memory_space<semaphore_mem>>
      %dma_start3A = arith.constant 0 : i32
      %dma_start3A_1448 = tpu.memref_slice %arg11[%add3A_1420, %dma_start3A] : memref<12560x128xf32, #tpu.memory_space<vmem_shared>> -> memref<16x128xf32, #tpu.memory_space<vmem_shared>>
      %dma_start3A_1449 = arith.constant 0 : i32
      %dma_start3A_1450 = tpu.memref_slice %arg11[%add3A_1420, %dma_start3A_1449] : memref<12560x128xf32, #tpu.memory_space<vmem_shared>> -> memref<16x128xf32, #tpu.memory_space<vmem_shared>>
      tpu.enqueue_dma source(%arg10 : memref<16x128xf32, #tpu.memory_space<vmem>>) target(%dma_start3A_1450 : memref<16x128xf32, #tpu.memory_space<vmem_shared>>) target_semaphore(%run_scoped3A : memref<!tpu.dma_semaphore, #tpu.memory_space<semaphore_mem>>)
      %dma_wait3A = arith.constant 0 : i32
      %dma_wait3A_1451 = tpu.memref_slice %arg11[%add3A_1420, %dma_wait3A] : memref<12560x128xf32, #tpu.memory_space<vmem_shared>> -> memref<16x128xf32, #tpu.memory_space<vmem_shared>>
      %dma_wait3A_1452 = arith.constant 0 : i32
      %dma_wait3A_1453 = tpu.memref_slice %arg11[%add3A_1420, %dma_wait3A_1452] : memref<12560x128xf32, #tpu.memory_space<vmem_shared>> -> memref<16x128xf32, #tpu.memory_space<vmem_shared>>
      tpu.wait_dma2 semaphore(%run_scoped3A : memref<!tpu.dma_semaphore, #tpu.memory_space<semaphore_mem>>) src(%arg10 : memref<16x128xf32, #tpu.memory_space<vmem>>) dst(%dma_wait3A_1453 : memref<16x128xf32, #tpu.memory_space<vmem_shared>>)
      tpu.yield
    }) : () -> ()
    %mul3A_1421 = arith.constant 784 : i32
    %mul3A_1422 = arith.muli %arg1, %mul3A_1421 : i32
    %add3A_1423 = arith.constant 736 : i32
    %add3A_1424 = arith.addi %mul3A_1422, %add3A_1423 : i32
    "tpu.region"() ({
      %run_scoped3A = tpu.sem_alloc : memref<!tpu.dma_semaphore, #tpu.memory_space<semaphore_mem>>
      %dma_start3A = arith.constant 0 : i32
      %dma_start3A_1448 = tpu.memref_slice %arg11[%add3A_1424, %dma_start3A] : memref<12560x128xf32, #tpu.memory_space<vmem_shared>> -> memref<16x128xf32, #tpu.memory_space<vmem_shared>>
      %dma_start3A_1449 = arith.constant 0 : i32
      %dma_start3A_1450 = tpu.memref_slice %arg11[%add3A_1424, %dma_start3A_1449] : memref<12560x128xf32, #tpu.memory_space<vmem_shared>> -> memref<16x128xf32, #tpu.memory_space<vmem_shared>>
      tpu.enqueue_dma source(%arg10 : memref<16x128xf32, #tpu.memory_space<vmem>>) target(%dma_start3A_1450 : memref<16x128xf32, #tpu.memory_space<vmem_shared>>) target_semaphore(%run_scoped3A : memref<!tpu.dma_semaphore, #tpu.memory_space<semaphore_mem>>)
      %dma_wait3A = arith.constant 0 : i32
      %dma_wait3A_1451 = tpu.memref_slice %arg11[%add3A_1424, %dma_wait3A] : memref<12560x128xf32, #tpu.memory_space<vmem_shared>> -> memref<16x128xf32, #tpu.memory_space<vmem_shared>>
      %dma_wait3A_1452 = arith.constant 0 : i32
      %dma_wait3A_1453 = tpu.memref_slice %arg11[%add3A_1424, %dma_wait3A_1452] : memref<12560x128xf32, #tpu.memory_space<vmem_shared>> -> memref<16x128xf32, #tpu.memory_space<vmem_shared>>
      tpu.wait_dma2 semaphore(%run_scoped3A : memref<!tpu.dma_semaphore, #tpu.memory_space<semaphore_mem>>) src(%arg10 : memref<16x128xf32, #tpu.memory_space<vmem>>) dst(%dma_wait3A_1453 : memref<16x128xf32, #tpu.memory_space<vmem_shared>>)
      tpu.yield
    }) : () -> ()
    %mul3A_1425 = arith.constant 784 : i32
    %mul3A_1426 = arith.muli %arg1, %mul3A_1425 : i32
    %add3A_1427 = arith.constant 752 : i32
    %add3A_1428 = arith.addi %mul3A_1426, %add3A_1427 : i32
    "tpu.region"() ({
      %run_scoped3A = tpu.sem_alloc : memref<!tpu.dma_semaphore, #tpu.memory_space<semaphore_mem>>
      %dma_start3A = arith.constant 0 : i32
      %dma_start3A_1448 = tpu.memref_slice %arg11[%add3A_1428, %dma_start3A] : memref<12560x128xf32, #tpu.memory_space<vmem_shared>> -> memref<16x128xf32, #tpu.memory_space<vmem_shared>>
      %dma_start3A_1449 = arith.constant 0 : i32
      %dma_start3A_1450 = tpu.memref_slice %arg11[%add3A_1428, %dma_start3A_1449] : memref<12560x128xf32, #tpu.memory_space<vmem_shared>> -> memref<16x128xf32, #tpu.memory_space<vmem_shared>>
      tpu.enqueue_dma source(%arg10 : memref<16x128xf32, #tpu.memory_space<vmem>>) target(%dma_start3A_1450 : memref<16x128xf32, #tpu.memory_space<vmem_shared>>) target_semaphore(%run_scoped3A : memref<!tpu.dma_semaphore, #tpu.memory_space<semaphore_mem>>)
      %dma_wait3A = arith.constant 0 : i32
      %dma_wait3A_1451 = tpu.memref_slice %arg11[%add3A_1428, %dma_wait3A] : memref<12560x128xf32, #tpu.memory_space<vmem_shared>> -> memref<16x128xf32, #tpu.memory_space<vmem_shared>>
      %dma_wait3A_1452 = arith.constant 0 : i32
      %dma_wait3A_1453 = tpu.memref_slice %arg11[%add3A_1428, %dma_wait3A_1452] : memref<12560x128xf32, #tpu.memory_space<vmem_shared>> -> memref<16x128xf32, #tpu.memory_space<vmem_shared>>
      tpu.wait_dma2 semaphore(%run_scoped3A : memref<!tpu.dma_semaphore, #tpu.memory_space<semaphore_mem>>) src(%arg10 : memref<16x128xf32, #tpu.memory_space<vmem>>) dst(%dma_wait3A_1453 : memref<16x128xf32, #tpu.memory_space<vmem_shared>>)
      tpu.yield
    }) : () -> ()
    %mul3A_1429 = arith.constant 784 : i32
    %mul3A_1430 = arith.muli %arg1, %mul3A_1429 : i32
    %add3A_1431 = arith.constant 768 : i32
    %add3A_1432 = arith.addi %mul3A_1430, %add3A_1431 : i32
    "tpu.region"() ({
      %run_scoped3A = tpu.sem_alloc : memref<!tpu.dma_semaphore, #tpu.memory_space<semaphore_mem>>
      %dma_start3A = arith.constant 0 : i32
      %dma_start3A_1448 = tpu.memref_slice %arg11[%add3A_1432, %dma_start3A] : memref<12560x128xf32, #tpu.memory_space<vmem_shared>> -> memref<16x128xf32, #tpu.memory_space<vmem_shared>>
      %dma_start3A_1449 = arith.constant 0 : i32
      %dma_start3A_1450 = tpu.memref_slice %arg11[%add3A_1432, %dma_start3A_1449] : memref<12560x128xf32, #tpu.memory_space<vmem_shared>> -> memref<16x128xf32, #tpu.memory_space<vmem_shared>>
      tpu.enqueue_dma source(%arg10 : memref<16x128xf32, #tpu.memory_space<vmem>>) target(%dma_start3A_1450 : memref<16x128xf32, #tpu.memory_space<vmem_shared>>) target_semaphore(%run_scoped3A : memref<!tpu.dma_semaphore, #tpu.memory_space<semaphore_mem>>)
      %dma_wait3A = arith.constant 0 : i32
      %dma_wait3A_1451 = tpu.memref_slice %arg11[%add3A_1432, %dma_wait3A] : memref<12560x128xf32, #tpu.memory_space<vmem_shared>> -> memref<16x128xf32, #tpu.memory_space<vmem_shared>>
      %dma_wait3A_1452 = arith.constant 0 : i32
      %dma_wait3A_1453 = tpu.memref_slice %arg11[%add3A_1432, %dma_wait3A_1452] : memref<12560x128xf32, #tpu.memory_space<vmem_shared>> -> memref<16x128xf32, #tpu.memory_space<vmem_shared>>
      tpu.wait_dma2 semaphore(%run_scoped3A : memref<!tpu.dma_semaphore, #tpu.memory_space<semaphore_mem>>) src(%arg10 : memref<16x128xf32, #tpu.memory_space<vmem>>) dst(%dma_wait3A_1453 : memref<16x128xf32, #tpu.memory_space<vmem_shared>>)
      tpu.yield
    }) : () -> ()
    %barrier3A_1433 = arith.constant 0 : index
    tpu.barrier barrier_id(%barrier3A_1433)
    %scan3A_1434 = arith.constant 0 : i32
    %scan3A_1435 = arith.constant 0 : i32
    %scan3A_1436 = arith.constant 391 : i32
    %scan3A_1437 = arith.addi %scan3A_1435, %scan3A_1436 : i32
    %scan3A_1438 = arith.constant 1 : i32
    %scan3A_1439 = scf.for %scan3A_1448 = %scan3A_1435 to %scan3A_1437 step %scan3A_1438 iter_args(%scan3A_1449 = %scan3A_1434) -> (i32)  : i32 {
      %mul3A_1450 = arith.constant 50048 : i32
      %mul3A_1451 = arith.muli %arg1, %mul3A_1450 : i32
      %mul3A_1452 = arith.constant 128 : i32
      %mul3A_1453 = arith.muli %scan3A_1448, %mul3A_1452 : i32
      %add3A_1454 = arith.addi %mul3A_1451, %mul3A_1453 : i32
      "tpu.region"() ({
        %run_scoped3A = tpu.sem_alloc : memref<!tpu.dma_semaphore, #tpu.memory_space<semaphore_mem>>
        %dma_start3A_1605 = tpu.memref_slice %arg3[%add3A_1454] : memref<800768xi32, #tpu.memory_space<hbm>> -> memref<128xi32, #tpu.memory_space<hbm>>
        %dma_start3A_1606 = tpu.memref_slice %arg3[%add3A_1454] : memref<800768xi32, #tpu.memory_space<hbm>> -> memref<128xi32, #tpu.memory_space<hbm>>
        tpu.enqueue_dma source(%dma_start3A_1606 : memref<128xi32, #tpu.memory_space<hbm>>) target(%arg6 : memref<128xi32, #tpu.memory_space<vmem>>) target_semaphore(%run_scoped3A : memref<!tpu.dma_semaphore, #tpu.memory_space<semaphore_mem>>)
        %dma_wait3A_1607 = tpu.memref_slice %arg3[%add3A_1454] : memref<800768xi32, #tpu.memory_space<hbm>> -> memref<128xi32, #tpu.memory_space<hbm>>
        %dma_wait3A_1608 = tpu.memref_slice %arg3[%add3A_1454] : memref<800768xi32, #tpu.memory_space<hbm>> -> memref<128xi32, #tpu.memory_space<hbm>>
        tpu.wait_dma2 semaphore(%run_scoped3A : memref<!tpu.dma_semaphore, #tpu.memory_space<semaphore_mem>>) src(%dma_wait3A_1608 : memref<128xi32, #tpu.memory_space<hbm>>) dst(%arg6 : memref<128xi32, #tpu.memory_space<vmem>>)
        tpu.yield
      }) : () -> ()
      "tpu.region"() ({
        %run_scoped3A = tpu.sem_alloc : memref<!tpu.dma_semaphore, #tpu.memory_space<semaphore_mem>>
        %dma_start3A_1605 = tpu.memref_slice %arg4[%add3A_1454] : memref<800768xi32, #tpu.memory_space<hbm>> -> memref<128xi32, #tpu.memory_space<hbm>>
        %dma_start3A_1606 = tpu.memref_slice %arg4[%add3A_1454] : memref<800768xi32, #tpu.memory_space<hbm>> -> memref<128xi32, #tpu.memory_space<hbm>>
        tpu.enqueue_dma source(%dma_start3A_1606 : memref<128xi32, #tpu.memory_space<hbm>>) target(%arg7 : memref<128xi32, #tpu.memory_space<vmem>>) target_semaphore(%run_scoped3A : memref<!tpu.dma_semaphore, #tpu.memory_space<semaphore_mem>>)
        %dma_wait3A_1607 = tpu.memref_slice %arg4[%add3A_1454] : memref<800768xi32, #tpu.memory_space<hbm>> -> memref<128xi32, #tpu.memory_space<hbm>>
        %dma_wait3A_1608 = tpu.memref_slice %arg4[%add3A_1454] : memref<800768xi32, #tpu.memory_space<hbm>> -> memref<128xi32, #tpu.memory_space<hbm>>
        tpu.wait_dma2 semaphore(%run_scoped3A : memref<!tpu.dma_semaphore, #tpu.memory_space<semaphore_mem>>) src(%dma_wait3A_1608 : memref<128xi32, #tpu.memory_space<hbm>>) dst(%arg7 : memref<128xi32, #tpu.memory_space<vmem>>)
        tpu.yield
      }) : () -> ()
      %dma_start3A = arith.constant 0 : i32
      %dma_start3A_1455 = arith.constant 0 : i32
      %dma_start3A_1456 = tpu.memref_slice %arg2[%dma_start3A, %dma_start3A_1455] : memref<50176x128xf32, #tpu.memory_space<hbm>> -> memref<50176x128xf32, #tpu.memory_space<hbm>>
      tpu.enqueue_indirect_dma source(%dma_start3A_1456 : memref<50176x128xf32, #tpu.memory_space<hbm>>) target(%arg9 : memref<128x128xf32, #tpu.memory_space<vmem>>) offsets(%arg6 : memref<128xi32, #tpu.memory_space<vmem>>) semaphore(%arg12 : memref<!tpu.dma_semaphore, #tpu.memory_space<semaphore_mem>>)
      %get3A = arith.constant 0 : index
      %get3A_1457 = tpu.vector_load %arg7[%get3A] {strides = array<i32>} : memref<128xi32, #tpu.memory_space<vmem>>, vector<16xi32>,
      %get3A_1458 = vector.shape_cast %get3A_1457 : vector<16xi32> to vector<16xi32>
      %sub3A = vector.broadcast %mul3A_1236 : i32 to vector<16xi32>
      %sub3A_1459 = arith.subi %get3A_1458, %sub3A : vector<16xi32>
      %lt3A = arith.constant 0 : i32
      %lt3A_1460 = vector.broadcast %lt3A : i32 to vector<16xi32>
      %lt3A_1461 = arith.cmpi slt, %sub3A_1459, %lt3A_1460 : vector<16xi32>
      %ge3A = arith.constant 12544 : i32
      %ge3A_1462 = vector.broadcast %ge3A : i32 to vector<16xi32>
      %ge3A_1463 = arith.cmpi sge, %sub3A_1459, %ge3A_1462 : vector<16xi32>
      %or3A = arith.ori %lt3A_1461, %ge3A_1463 : vector<16xi1>
      %jit3A = arith.constant 12544 : i32
      %broadcast_in_dim3A_1464 = vector.broadcast %jit3A : i32 to vector<16xi32>
      %select_n3A = arith.select %or3A, %broadcast_in_dim3A_1464, %sub3A_1459 : vector<16xi1>, vector<16xi32>
      %swap3A_1465 = arith.constant 0 : index
      %swap3A_1466 = tpu.vector_load %arg8[%swap3A_1465] {strides = array<i32>} : memref<128xi32, #tpu.memory_space<vmem>>, vector<16xi32>,
      %swap3A_1467 = vector.shape_cast %swap3A_1466 : vector<16xi32> to vector<16xi32>
      %swap3A_1468 = vector.shape_cast %select_n3A : vector<16xi32> to vector<16xi32>
      tpu.vector_store %arg8[%swap3A_1465], %swap3A_1468 {strides = array<i32>} : memref<128xi32, #tpu.memory_space<vmem>>, vector<16xi32>,
      %get3A_1469 = arith.constant 16 : index
      %get3A_1470 = tpu.vector_load %arg7[%get3A_1469] {strides = array<i32>} : memref<128xi32, #tpu.memory_space<vmem>>, vector<16xi32>,
      %get3A_1471 = vector.shape_cast %get3A_1470 : vector<16xi32> to vector<16xi32>
      %sub3A_1472 = vector.broadcast %mul3A_1236 : i32 to vector<16xi32>
      %sub3A_1473 = arith.subi %get3A_1471, %sub3A_1472 : vector<16xi32>
      %lt3A_1474 = arith.constant 0 : i32
      %lt3A_1475 = vector.broadcast %lt3A_1474 : i32 to vector<16xi32>
      %lt3A_1476 = arith.cmpi slt, %sub3A_1473, %lt3A_1475 : vector<16xi32>
      %ge3A_1477 = arith.constant 12544 : i32
      %ge3A_1478 = vector.broadcast %ge3A_1477 : i32 to vector<16xi32>
      %ge3A_1479 = arith.cmpi sge, %sub3A_1473, %ge3A_1478 : vector<16xi32>
      %or3A_1480 = arith.ori %lt3A_1476, %ge3A_1479 : vector<16xi1>
      %jit3A_1481 = arith.constant 12544 : i32
      %broadcast_in_dim3A_1482 = vector.broadcast %jit3A_1481 : i32 to vector<16xi32>
      %select_n3A_1483 = arith.select %or3A_1480, %broadcast_in_dim3A_1482, %sub3A_1473 : vector<16xi1>, vector<16xi32>
      %swap3A_1484 = arith.constant 16 : index
      %swap3A_1485 = tpu.vector_load %arg8[%swap3A_1484] {strides = array<i32>} : memref<128xi32, #tpu.memory_space<vmem>>, vector<16xi32>,
      %swap3A_1486 = vector.shape_cast %swap3A_1485 : vector<16xi32> to vector<16xi32>
      %swap3A_1487 = vector.shape_cast %select_n3A_1483 : vector<16xi32> to vector<16xi32>
      tpu.vector_store %arg8[%swap3A_1484], %swap3A_1487 {strides = array<i32>} : memref<128xi32, #tpu.memory_space<vmem>>, vector<16xi32>,
      %get3A_1488 = arith.constant 32 : index
      %get3A_1489 = tpu.vector_load %arg7[%get3A_1488] {strides = array<i32>} : memref<128xi32, #tpu.memory_space<vmem>>, vector<16xi32>,
      %get3A_1490 = vector.shape_cast %get3A_1489 : vector<16xi32> to vector<16xi32>
      %sub3A_1491 = vector.broadcast %mul3A_1236 : i32 to vector<16xi32>
      %sub3A_1492 = arith.subi %get3A_1490, %sub3A_1491 : vector<16xi32>
      %lt3A_1493 = arith.constant 0 : i32
      %lt3A_1494 = vector.broadcast %lt3A_1493 : i32 to vector<16xi32>
      %lt3A_1495 = arith.cmpi slt, %sub3A_1492, %lt3A_1494 : vector<16xi32>
      %ge3A_1496 = arith.constant 12544 : i32
      %ge3A_1497 = vector.broadcast %ge3A_1496 : i32 to vector<16xi32>
      %ge3A_1498 = arith.cmpi sge, %sub3A_1492, %ge3A_1497 : vector<16xi32>
      %or3A_1499 = arith.ori %lt3A_1495, %ge3A_1498 : vector<16xi1>
      %jit3A_1500 = arith.constant 12544 : i32
      %broadcast_in_dim3A_1501 = vector.broadcast %jit3A_1500 : i32 to vector<16xi32>
      %select_n3A_1502 = arith.select %or3A_1499, %broadcast_in_dim3A_1501, %sub3A_1492 : vector<16xi1>, vector<16xi32>
      %swap3A_1503 = arith.constant 32 : index
      %swap3A_1504 = tpu.vector_load %arg8[%swap3A_1503] {strides = array<i32>} : memref<128xi32, #tpu.memory_space<vmem>>, vector<16xi32>,
      %swap3A_1505 = vector.shape_cast %swap3A_1504 : vector<16xi32> to vector<16xi32>
      %swap3A_1506 = vector.shape_cast %select_n3A_1502 : vector<16xi32> to vector<16xi32>
      tpu.vector_store %arg8[%swap3A_1503], %swap3A_1506 {strides = array<i32>} : memref<128xi32, #tpu.memory_space<vmem>>, vector<16xi32>,
      %get3A_1507 = arith.constant 48 : index
      %get3A_1508 = tpu.vector_load %arg7[%get3A_1507] {strides = array<i32>} : memref<128xi32, #tpu.memory_space<vmem>>, vector<16xi32>,
      %get3A_1509 = vector.shape_cast %get3A_1508 : vector<16xi32> to vector<16xi32>
      %sub3A_1510 = vector.broadcast %mul3A_1236 : i32 to vector<16xi32>
      %sub3A_1511 = arith.subi %get3A_1509, %sub3A_1510 : vector<16xi32>
      %lt3A_1512 = arith.constant 0 : i32
      %lt3A_1513 = vector.broadcast %lt3A_1512 : i32 to vector<16xi32>
      %lt3A_1514 = arith.cmpi slt, %sub3A_1511, %lt3A_1513 : vector<16xi32>
      %ge3A_1515 = arith.constant 12544 : i32
      %ge3A_1516 = vector.broadcast %ge3A_1515 : i32 to vector<16xi32>
      %ge3A_1517 = arith.cmpi sge, %sub3A_1511, %ge3A_1516 : vector<16xi32>
      %or3A_1518 = arith.ori %lt3A_1514, %ge3A_1517 : vector<16xi1>
      %jit3A_1519 = arith.constant 12544 : i32
      %broadcast_in_dim3A_1520 = vector.broadcast %jit3A_1519 : i32 to vector<16xi32>
      %select_n3A_1521 = arith.select %or3A_1518, %broadcast_in_dim3A_1520, %sub3A_1511 : vector<16xi1>, vector<16xi32>
      %swap3A_1522 = arith.constant 48 : index
      %swap3A_1523 = tpu.vector_load %arg8[%swap3A_1522] {strides = array<i32>} : memref<128xi32, #tpu.memory_space<vmem>>, vector<16xi32>,
      %swap3A_1524 = vector.shape_cast %swap3A_1523 : vector<16xi32> to vector<16xi32>
      %swap3A_1525 = vector.shape_cast %select_n3A_1521 : vector<16xi32> to vector<16xi32>
      tpu.vector_store %arg8[%swap3A_1522], %swap3A_1525 {strides = array<i32>} : memref<128xi32, #tpu.memory_space<vmem>>, vector<16xi32>,
      %get3A_1526 = arith.constant 64 : index
      %get3A_1527 = tpu.vector_load %arg7[%get3A_1526] {strides = array<i32>} : memref<128xi32, #tpu.memory_space<vmem>>, vector<16xi32>,
      %get3A_1528 = vector.shape_cast %get3A_1527 : vector<16xi32> to vector<16xi32>
      %sub3A_1529 = vector.broadcast %mul3A_1236 : i32 to vector<16xi32>
      %sub3A_1530 = arith.subi %get3A_1528, %sub3A_1529 : vector<16xi32>
      %lt3A_1531 = arith.constant 0 : i32
      %lt3A_1532 = vector.broadcast %lt3A_1531 : i32 to vector<16xi32>
      %lt3A_1533 = arith.cmpi slt, %sub3A_1530, %lt3A_1532 : vector<16xi32>
      %ge3A_1534 = arith.constant 12544 : i32
      %ge3A_1535 = vector.broadcast %ge3A_1534 : i32 to vector<16xi32>
      %ge3A_1536 = arith.cmpi sge, %sub3A_1530, %ge3A_1535 : vector<16xi32>
      %or3A_1537 = arith.ori %lt3A_1533, %ge3A_1536 : vector<16xi1>
      %jit3A_1538 = arith.constant 12544 : i32
      %broadcast_in_dim3A_1539 = vector.broadcast %jit3A_1538 : i32 to vector<16xi32>
      %select_n3A_1540 = arith.select %or3A_1537, %broadcast_in_dim3A_1539, %sub3A_1530 : vector<16xi1>, vector<16xi32>
      %swap3A_1541 = arith.constant 64 : index
      %swap3A_1542 = tpu.vector_load %arg8[%swap3A_1541] {strides = array<i32>} : memref<128xi32, #tpu.memory_space<vmem>>, vector<16xi32>,
      %swap3A_1543 = vector.shape_cast %swap3A_1542 : vector<16xi32> to vector<16xi32>
      %swap3A_1544 = vector.shape_cast %select_n3A_1540 : vector<16xi32> to vector<16xi32>
      tpu.vector_store %arg8[%swap3A_1541], %swap3A_1544 {strides = array<i32>} : memref<128xi32, #tpu.memory_space<vmem>>, vector<16xi32>,
      %get3A_1545 = arith.constant 80 : index
      %get3A_1546 = tpu.vector_load %arg7[%get3A_1545] {strides = array<i32>} : memref<128xi32, #tpu.memory_space<vmem>>, vector<16xi32>,
      %get3A_1547 = vector.shape_cast %get3A_1546 : vector<16xi32> to vector<16xi32>
      %sub3A_1548 = vector.broadcast %mul3A_1236 : i32 to vector<16xi32>
      %sub3A_1549 = arith.subi %get3A_1547, %sub3A_1548 : vector<16xi32>
      %lt3A_1550 = arith.constant 0 : i32
      %lt3A_1551 = vector.broadcast %lt3A_1550 : i32 to vector<16xi32>
      %lt3A_1552 = arith.cmpi slt, %sub3A_1549, %lt3A_1551 : vector<16xi32>
      %ge3A_1553 = arith.constant 12544 : i32
      %ge3A_1554 = vector.broadcast %ge3A_1553 : i32 to vector<16xi32>
      %ge3A_1555 = arith.cmpi sge, %sub3A_1549, %ge3A_1554 : vector<16xi32>
      %or3A_1556 = arith.ori %lt3A_1552, %ge3A_1555 : vector<16xi1>
      %jit3A_1557 = arith.constant 12544 : i32
      %broadcast_in_dim3A_1558 = vector.broadcast %jit3A_1557 : i32 to vector<16xi32>
      %select_n3A_1559 = arith.select %or3A_1556, %broadcast_in_dim3A_1558, %sub3A_1549 : vector<16xi1>, vector<16xi32>
      %swap3A_1560 = arith.constant 80 : index
      %swap3A_1561 = tpu.vector_load %arg8[%swap3A_1560] {strides = array<i32>} : memref<128xi32, #tpu.memory_space<vmem>>, vector<16xi32>,
      %swap3A_1562 = vector.shape_cast %swap3A_1561 : vector<16xi32> to vector<16xi32>
      %swap3A_1563 = vector.shape_cast %select_n3A_1559 : vector<16xi32> to vector<16xi32>
      tpu.vector_store %arg8[%swap3A_1560], %swap3A_1563 {strides = array<i32>} : memref<128xi32, #tpu.memory_space<vmem>>, vector<16xi32>,
      %get3A_1564 = arith.constant 96 : index
      %get3A_1565 = tpu.vector_load %arg7[%get3A_1564] {strides = array<i32>} : memref<128xi32, #tpu.memory_space<vmem>>, vector<16xi32>,
      %get3A_1566 = vector.shape_cast %get3A_1565 : vector<16xi32> to vector<16xi32>
      %sub3A_1567 = vector.broadcast %mul3A_1236 : i32 to vector<16xi32>
      %sub3A_1568 = arith.subi %get3A_1566, %sub3A_1567 : vector<16xi32>
      %lt3A_1569 = arith.constant 0 : i32
      %lt3A_1570 = vector.broadcast %lt3A_1569 : i32 to vector<16xi32>
      %lt3A_1571 = arith.cmpi slt, %sub3A_1568, %lt3A_1570 : vector<16xi32>
      %ge3A_1572 = arith.constant 12544 : i32
      %ge3A_1573 = vector.broadcast %ge3A_1572 : i32 to vector<16xi32>
      %ge3A_1574 = arith.cmpi sge, %sub3A_1568, %ge3A_1573 : vector<16xi32>
      %or3A_1575 = arith.ori %lt3A_1571, %ge3A_1574 : vector<16xi1>
      %jit3A_1576 = arith.constant 12544 : i32
      %broadcast_in_dim3A_1577 = vector.broadcast %jit3A_1576 : i32 to vector<16xi32>
      %select_n3A_1578 = arith.select %or3A_1575, %broadcast_in_dim3A_1577, %sub3A_1568 : vector<16xi1>, vector<16xi32>
      %swap3A_1579 = arith.constant 96 : index
      %swap3A_1580 = tpu.vector_load %arg8[%swap3A_1579] {strides = array<i32>} : memref<128xi32, #tpu.memory_space<vmem>>, vector<16xi32>,
      %swap3A_1581 = vector.shape_cast %swap3A_1580 : vector<16xi32> to vector<16xi32>
      %swap3A_1582 = vector.shape_cast %select_n3A_1578 : vector<16xi32> to vector<16xi32>
      tpu.vector_store %arg8[%swap3A_1579], %swap3A_1582 {strides = array<i32>} : memref<128xi32, #tpu.memory_space<vmem>>, vector<16xi32>,
      %get3A_1583 = arith.constant 112 : index
      %get3A_1584 = tpu.vector_load %arg7[%get3A_1583] {strides = array<i32>} : memref<128xi32, #tpu.memory_space<vmem>>, vector<16xi32>,
      %get3A_1585 = vector.shape_cast %get3A_1584 : vector<16xi32> to vector<16xi32>
      %sub3A_1586 = vector.broadcast %mul3A_1236 : i32 to vector<16xi32>
      %sub3A_1587 = arith.subi %get3A_1585, %sub3A_1586 : vector<16xi32>
      %lt3A_1588 = arith.constant 0 : i32
      %lt3A_1589 = vector.broadcast %lt3A_1588 : i32 to vector<16xi32>
      %lt3A_1590 = arith.cmpi slt, %sub3A_1587, %lt3A_1589 : vector<16xi32>
      %ge3A_1591 = arith.constant 12544 : i32
      %ge3A_1592 = vector.broadcast %ge3A_1591 : i32 to vector<16xi32>
      %ge3A_1593 = arith.cmpi sge, %sub3A_1587, %ge3A_1592 : vector<16xi32>
      %or3A_1594 = arith.ori %lt3A_1590, %ge3A_1593 : vector<16xi1>
      %jit3A_1595 = arith.constant 12544 : i32
      %broadcast_in_dim3A_1596 = vector.broadcast %jit3A_1595 : i32 to vector<16xi32>
      %select_n3A_1597 = arith.select %or3A_1594, %broadcast_in_dim3A_1596, %sub3A_1587 : vector<16xi1>, vector<16xi32>
      %swap3A_1598 = arith.constant 112 : index
      %swap3A_1599 = tpu.vector_load %arg8[%swap3A_1598] {strides = array<i32>} : memref<128xi32, #tpu.memory_space<vmem>>, vector<16xi32>,
      %swap3A_1600 = vector.shape_cast %swap3A_1599 : vector<16xi32> to vector<16xi32>
      %swap3A_1601 = vector.shape_cast %select_n3A_1597 : vector<16xi32> to vector<16xi32>
      tpu.vector_store %arg8[%swap3A_1598], %swap3A_1601 {strides = array<i32>} : memref<128xi32, #tpu.memory_space<vmem>>, vector<16xi32>,
      %dma_wait3A = arith.constant 0 : i32
      %dma_wait3A_1602 = arith.constant 0 : i32
      %dma_wait3A_1603 = tpu.memref_slice %arg2[%dma_wait3A, %dma_wait3A_1602] : memref<50176x128xf32, #tpu.memory_space<hbm>> -> memref<50176x128xf32, #tpu.memory_space<hbm>>
      tpu.wait_indirect_dma semaphore(%arg12 : memref<!tpu.dma_semaphore, #tpu.memory_space<semaphore_mem>>) src(%dma_wait3A_1603 : memref<50176x128xf32, #tpu.memory_space<hbm>>) dst(%arg9 : memref<128x128xf32, #tpu.memory_space<vmem>>)
      "tpu.region"() ({
        %run_scoped3A = tpu.sem_alloc : memref<!tpu.dma_semaphore, #tpu.memory_space<semaphore_mem>>
        %dma_start3A_1605 = arith.constant 0 : i32
        %dma_start3A_1606 = arith.constant 0 : i32
        %dma_start3A_1607 = tpu.memref_slice %arg11[%dma_start3A_1605, %dma_start3A_1606] : memref<12560x128xf32, #tpu.memory_space<vmem_shared>> -> memref<12560x128xf32, #tpu.memory_space<vmem_shared>>
        tpu.enqueue_indirect_dma source(%arg9 : memref<128x128xf32, #tpu.memory_space<vmem>>) target(%dma_start3A_1607 : memref<12560x128xf32, #tpu.memory_space<vmem_shared>>) offsets(%arg8 : memref<128xi32, #tpu.memory_space<vmem>>) semaphore(%run_scoped3A : memref<!tpu.dma_semaphore, #tpu.memory_space<semaphore_mem>>) {add = true}
        %dma_wait3A_1608 = arith.constant 0 : i32
        %dma_wait3A_1609 = arith.constant 0 : i32
        %dma_wait3A_1610 = tpu.memref_slice %arg11[%dma_wait3A_1608, %dma_wait3A_1609] : memref<12560x128xf32, #tpu.memory_space<vmem_shared>> -> memref<12560x128xf32, #tpu.memory_space<vmem_shared>>
        tpu.wait_indirect_dma semaphore(%run_scoped3A : memref<!tpu.dma_semaphore, #tpu.memory_space<semaphore_mem>>) src(%arg9 : memref<128x128xf32, #tpu.memory_space<vmem>>) dst(%dma_wait3A_1610 : memref<12560x128xf32, #tpu.memory_space<vmem_shared>>)
        tpu.yield
      }) : () -> ()
      %scan3A_1604 = arith.constant 0 : i32
      scf.yield %scan3A_1604 : i32
    }
    %scan3A_1440 = arith.constant 391 : i32
    %barrier3A_1441 = arith.constant 0 : index
    tpu.barrier barrier_id(%barrier3A_1441)
    %mul3A_1442 = arith.constant 784 : i32
    %mul3A_1443 = arith.muli %arg1, %mul3A_1442 : i32
    %mul3A_1444 = arith.constant 784 : i32
    %mul3A_1445 = arith.muli %arg1, %mul3A_1444 : i32
    %add3A_1446 = arith.addi %mul3A_1236, %mul3A_1445 : i32
    "tpu.region"() ({
      %run_scoped3A = tpu.sem_alloc : memref<!tpu.dma_semaphore, #tpu.memory_space<semaphore_mem>>
      %dma_start3A = arith.constant 0 : i32
      %dma_start3A_1448 = tpu.memref_slice %arg5[%add3A_1446, %dma_start3A] : memref<50176x128xf32, #tpu.memory_space<hbm>> -> memref<784x128xf32, #tpu.memory_space<hbm>>
      %dma_start3A_1449 = arith.constant 0 : i32
      %dma_start3A_1450 = tpu.memref_slice %arg11[%mul3A_1443, %dma_start3A_1449] : memref<12560x128xf32, #tpu.memory_space<vmem_shared>> -> memref<784x128xf32, #tpu.memory_space<vmem_shared>>
      tpu.enqueue_dma source(%dma_start3A_1450 : memref<784x128xf32, #tpu.memory_space<vmem_shared>>) target(%dma_start3A_1448 : memref<784x128xf32, #tpu.memory_space<hbm>>) target_semaphore(%run_scoped3A : memref<!tpu.dma_semaphore, #tpu.memory_space<semaphore_mem>>)
      %dma_wait3A = arith.constant 0 : i32
      %dma_wait3A_1451 = tpu.memref_slice %arg5[%add3A_1446, %dma_wait3A] : memref<50176x128xf32, #tpu.memory_space<hbm>> -> memref<784x128xf32, #tpu.memory_space<hbm>>
      %dma_wait3A_1452 = arith.constant 0 : i32
      %dma_wait3A_1453 = tpu.memref_slice %arg11[%mul3A_1443, %dma_wait3A_1452] : memref<12560x128xf32, #tpu.memory_space<vmem_shared>> -> memref<784x128xf32, #tpu.memory_space<vmem_shared>>
      tpu.wait_dma2 semaphore(%run_scoped3A : memref<!tpu.dma_semaphore, #tpu.memory_space<semaphore_mem>>) src(%dma_wait3A_1453 : memref<784x128xf32, #tpu.memory_space<vmem_shared>>) dst(%dma_wait3A_1451 : memref<784x128xf32, #tpu.memory_space<hbm>>)
      tpu.yield
    }) : () -> ()
    %barrier3A_1447 = arith.constant 0 : index
    tpu.barrier barrier_id(%barrier3A_1447)
    return
  }
}

</mosaic_0001>

<sc_bundles>
// kernel: _sc_edge_agg.3.cloned.1.call-start
scs
__scs_entry_jumppad:
0x0: {  	(pc) =	sbr.rel $0x88, $3  }
0x1: {  	(tag) =	ssettag $0x0;
	lr =	simm.s32 $0x1  }
0x2: {  	[smem:$0x3F9E] =	sst lr;
	_ =	strace $0xD0000000  }
0x3: {  	_ = 	snop  }
0x4: {  	_ = 	snop  }
0x5: {  	_ = 	snop  }
0x6: {  	_ = 	snop  }
0x7: {  	_ = 	snop  }
__scs_overlays_trampoline_lowered:
0x8: {  	[smem:$0x3FAD] =	sst s0  }
0x9: {  	[smem:$0x3FAE] =	sst s1  }
0xa: {  	[smem:$0x3FAF] =	sst s2  }
0xb: {  	[smem:$0x3FB0] =	sst s3  }
0xc: {  	[smem:$0x3FB1] =	sst s4  }
0xd: {  	[smem:$0x3FB2] =	sst s5  }
0xe: {  	[smem:$0x3FB3] =	sst s6  }
0xf: {  	[smem:$0x3FB4] =	sst s7  }
0x10: {  	[smem:$0x3FB5] =	sst s8  }
0x11: {  	[smem:$0x3FB6] =	sst s9;
	s0 =	simm.s32 @!p0 $0x0  }
0x12: {  	s1 =	sld [smem:$0x3F9C];
	s0 =	simm.s32 @p0 $0x1  }
0x13: {  	[smem:$0x3FB7] =	sst s0;
	s0 =	simm.s32 @!p1 $0x0  }
0x14: {  	s2 =	sld [smem:$0x3F9B];
	s0 =	simm.s32 @p1 $0x1  }
0x15: {  	[smem:$0x3FB8] =	sst s0;
	s0 =	simm.s32 @!p2 $0x0  }
0x16: {  	s3 =	sld [smem:$0x3FDB];
	s0 =	simm.s32 @p2 $0x1  }
0x17: {  	s4 =	simm.s32 $0x1BF5;
	[smem:$0x3FBA] =	sst s0  }
0x18: {  	s0 =	sld [smem:$0x3F9D];
	_ =	swait.ge [sflag:s4], $0x0  }
0x19: {  	s7 =	sld [smem:$0x3F9E]  }
0x1a: {  	s8 =	sadd.s32 $0xFFFFE003, lr  }
0x1b: {  	s9 =	sadd.s32 $0xFFFFFEF7, lr;
	s5 =	simm.s32 $0xFFFFFFFF;
	p2 =	slt.u32 s8, $0xFFFFF086  }
0x1c: {  	p1 =	slt.u32 s9, $0xF7A;
	s5 =	simm.s32 @!p2 $0x0  }
0x1d: {  	s5 =	simm.s32 @p1 $0x1;
	p0 =	seq.s32 s7, s2  }
0x1e: {  	s7 =	smul.u32 @!p0 $0xF7A, s2;
	p2 =	seq.s32 @!p0 s5, $0x0  }
0x1f: {  	s9 =	smul.u32 $0xF7A, s1;
	s8 =	simm.s32 @!p0 $0x1BF5;
	p2 =	por !p2, p0  }
0x20: {  	[sflag:s8] =	ssyncset.s32 @!p0 $0xFFFFF086;
	s6 =	sadd.s32 @!p0 s3, s7;
	s7 =	simm.s32 @!p0 $0x108  }
0x21: {  	s3 =	sadd.s32 s3, s9;
	s6 =	sadd.s32 @!p0 $0x88, s6;
	s7 =	simm.s32 @p2 $0x1082  }
0x22: {  	[simem:s7], [sflag:s8] =	dma.local @!p0 [hbm:s6], $0xF7A  }
0x23: {  	s9 =	sor.u32 $0xD0000000, s2;
	s6 =	simm.s32 $0x108;
	_ =	swait.ge @!p0 [sflag:s8], $0x0  }
0x24: {  	s3 =	sadd.s32 $0x88, s3;
	s6 =	simm.s32 @!p1 $0x1082;
	[sflag:s4] =	ssyncset.s32 $0xFFFFF086  }
0x25: {  	[simem:s6], [sflag:s4] =	dma.local [hbm:s3], $0xF7A  }
0x26: {  	[smem:$0x3F9E] =	sst s1;
	(tag) =	ssettag s2;
	_ =	strace s9  }
0x27: {  	s1 =	sld [smem:$0x3FAE]  }
0x28: {  	s2 =	sld [smem:$0x3FAF]  }
0x29: {  	s4 =	sld [smem:$0x3FB1]  }
0x2a: {  	p0 =	seq.s32 s5, $0x0;
	s5 =	sld [smem:$0x3FB2]  }
0x2b: {  	s6 =	sld [smem:$0x3FB3]  }
0x2c: {  	s7 =	sld [smem:$0x3FB4]  }
0x2d: {  	s3 =	simm.s32 $0x108;
	s8 =	sld [smem:$0x3FB5]  }
0x2e: {  	s3 =	simm.s32 @!p0 $0x1082;
	s9 =	sld [smem:$0x3FB6]  }
0x2f: {  	lr =	sadd.s32 s0, s3;
	s0 =	sld [smem:$0x3FAD]  }
0x30: {  	s3 =	sld [smem:$0x3FB0]  }
0x31: {  	[smem:$0x3FB9] =	sst s10  }
0x32: {  	s10 =	sld [smem:$0x3FB7];
	_ =	sdelay $0x3  }
0x33: {  	p0 =	seq.s32 s10, $0x1;
	s10 =	sld [smem:$0x3FB9];
	_ =	sdelay $0x3  }
0x34: {  	[smem:$0x3FB9] =	sst s10  }
0x35: {  	s10 =	sld [smem:$0x3FB8];
	_ =	sdelay $0x3  }
0x36: {  	p1 =	seq.s32 s10, $0x1;
	s10 =	sld [smem:$0x3FB9];
	_ =	sdelay $0x3  }
0x37: {  	[smem:$0x3FB9] =	sst s10  }
0x38: {  	s10 =	sld [smem:$0x3FBA]  }
0x39: {  	_ = 	snop;
	(pc) =	sbr.ind lr, $3  }
0x3a: {  	_ = 	snop  }
0x3b: {  	_ = 	snop  }
0x3c: {  	p2 =	seq.s32 s10, $0x1;
	s10 =	sld [smem:$0x3FB9]  }
0x3d: {  	_ =	shalt  }
0x3e: {  	_ =	shalt  }
0x3f: {  	_ =	shalt  }
0x40: {  	_ =	shalt  }
0x41: {  	_ =	shalt  }
0x42: {  	_ =	shalt  }
0x43: {  	_ =	shalt  }
0x44: {  	_ =	shalt  }
0x45: {  	_ =	shalt  }
0x46: {  	_ =	shalt  }
0x47: {  	_ =	shalt  }
0x48: {  	_ =	shalt  }
0x49: {  	_ =	shalt  }
0x4a: {  	_ =	shalt  }
0x4b: {  	_ =	shalt  }
0x4c: {  	_ =	shalt  }
0x4d: {  	_ =	shalt  }
0x4e: {  	_ =	shalt  }
0x4f: {  	_ =	shalt  }
0x50: {  	_ =	shalt  }
0x51: {  	_ =	shalt  }
0x52: {  	_ =	shalt  }
0x53: {  	_ =	shalt  }
0x54: {  	_ =	shalt  }
0x55: {  	_ =	shalt  }
0x56: {  	_ =	shalt  }
0x57: {  	_ =	shalt  }
0x58: {  	_ =	shalt  }
0x59: {  	_ =	shalt  }
0x5a: {  	_ =	shalt  }
0x5b: {  	_ =	shalt  }
0x5c: {  	_ =	shalt  }
0x5d: {  	_ =	shalt  }
0x5e: {  	_ =	shalt  }
0x5f: {  	_ =	shalt  }
0x60: {  	_ =	shalt  }
0x61: {  	_ =	shalt  }
0x62: {  	_ =	shalt  }
0x63: {  	_ =	shalt  }
0x64: {  	_ =	shalt  }
0x65: {  	_ =	shalt  }
0x66: {  	_ =	shalt  }
0x67: {  	_ =	shalt  }
0x68: {  	_ =	shalt  }
0x69: {  	_ =	shalt  }
0x6a: {  	_ =	shalt  }
0x6b: {  	_ =	shalt  }
0x6c: {  	_ =	shalt  }
0x6d: {  	_ =	shalt  }
0x6e: {  	_ =	shalt  }
0x6f: {  	_ =	shalt  }
0x70: {  	_ =	shalt  }
0x71: {  	_ =	shalt  }
0x72: {  	_ =	shalt  }
0x73: {  	_ =	shalt  }
0x74: {  	_ =	shalt  }
0x75: {  	_ =	shalt  }
0x76: {  	_ =	shalt  }
0x77: {  	_ =	shalt  }
0x78: {  	_ =	shalt  }
0x79: {  	_ =	shalt  }
0x7a: {  	_ =	shalt  }
0x7b: {  	_ =	shalt  }
0x7c: {  	_ =	shalt  }
0x7d: {  	_ =	shalt  }
0x7e: {  	_ =	shalt  }
0x7f: {  	_ =	shalt  }
0x80: {  	_ =	shalt  }
0x81: {  	_ =	shalt  }
0x82: {  	_ =	shalt  }
0x83: {  	_ =	shalt  }
0x84: {  	_ =	shalt  }
0x85: {  	_ =	shalt  }
0x86: {  	_ =	shalt  }
0x87: {  	_ =	shalt  }
.Lfunc_end0:
.L_simem_size_0:
called_computation_lowered:
.L_overlay_start_0:
0x88: {  	s2 =	sld [smem:$0x3FD9]  }
0x89: {  	s3 =	sld [smem:$0x3FFE];
	_ =	sdelay $0x1  }
0x8a: {  	s1 =	srdreg.scid  }
0x8b: {  	s0 =	sand.u32 $0x1, s1  }
0x8c: {  	s18 =	sshll.u32 s0, $0xA;
	s2 =	sadd.s32 s3, s2  }
0x8d: {  	s2 =	sadd.s32 s2, s18  }
0x8e: {  	[smem:$0x3FC5] =	sst s2  }
0x8f: {  	_ = 	snop  }
0x90: {  	s2 =	sld [smem:$0x3FC9]  }
0x91: {  	s19 =	sld [smem:$0x3FC8]  }
0x92: {  	s4 =	sld [smem:$0x3FC7]  }
0x93: {  	s5 =	sld [smem:$0x3FD0];
	(tm) =	ssettm $0x1  }
0x94: {  	s6 =	sld [smem:$0x3FFB];
	_ =	sdelay $0x3  }
0x95: {  	_ =	strace s6  }
0x96: {  	s6 =	sld [smem:$0x3FFC];
	_ =	sdelay $0x3  }
0x97: {  	_ =	strace s6  }
0x98: {  	s6 =	sld [smem:$0x3FFD];
	_ =	sdelay $0x3  }
0x99: {  	_ =	strace s6  }
0x9a: {  	_ =	strace $0x8FFFFFFF  }
0x9b: {  	s20 =	sld [smem:$0x3FDB];
	_ =	sdelay $0x1  }
0x9c: {  	s7 =	simm.s32 $_scs_section_size  }
0x9d: {  	s8 =	simm.s32 $_size__tile_overlayer_lowered;
	s9 =	simm.s32 $_tile_overlayer_lowered  }
0x9e: {  	s23 =	simm.s32 $0x1BFF;
	s22 =	sshll.u32 s9, $0x1;
	s6 =	sadd.s32 s7, s20  }
0x9f: {  	s10 =	simm.s32 $0x0;
	s21 =	sshll.u32 s8, $0x1;
	s8 =	sadd.s32 s22, s6  }
0xa0: {  	[timem:s10], [sflag:s23] =	dma.local [hbm:s8], s21  }
0xa1: {  	_ =	swait.ge [sflag:s23], s21  }
0xa2: {  	s7 =	ssub.s32 $0x0, s21;
	[sflag:s23] =	ssyncset.done $0x0  }
0xa3: {  	[sflag:s23] =	ssyncadd.s32 s7;
	_ =	sdelay $0x1  }
0xa4: {  	s24 =	simm.s32 $0x1B8B  }
0xa5: {  	_ =	swait.ge [sflag:s24], $0x1  }
0xa6: {  	[sflag:s24] =	ssyncset.done $0x0  }
0xa7: {  	s25 =	simm.s32 $0x1B8E;
	[sflag:s24] =	ssyncadd.s32 $0xFFFFFFFF  }
0xa8: {  	s26 =	simm.s32 $execute0_lowered;
	[smem:$0x3FD2] =	sst s25  }
0xa9: {  	s7 =	sshll.u32 s26, $0x1;
	_ =	strace $0x80000046;
	[dreg:$0x1] =	wrdreg $0xFFFFFFFF  }
0xaa: {  	s28 =	simm.s32 $_size_execute0_lowered;
	s6 =	sadd.s32 s6, s7;
	[dreg:$0x0] =	wrdreg $0x0  }
0xab: {  	s7 =	sshll.u32 s28, $0x1;
	[dreg:$0x2] =	wrdreg s6  }
0xac: {  	[dreg:$0x3] =	wrdreg s7  }
0xad: {  	[dreg:$0x4] =	wrdreg $0xC0  }
0xae: {  	_ =	task [dreg:s10], $0x5FFFF  }
0xaf: {  	[dreg:$0x1] =	wrdreg $0xFFFFFFFF  }
0xb0: {  	[dreg:$0x0] =	wrdreg $0x60  }
0xb1: {  	[dreg:$0x2] =	wrdreg s2  }
0xb2: {  	[dreg:$0x3] =	wrdreg s19  }
0xb3: {  	[dreg:$0x4] =	wrdreg s4  }
0xb4: {  	[dreg:$0x5] =	wrdreg s5  }
0xb5: {  	[dreg:$0x6] =	wrdreg $0x49800  }
0xb6: {  	[dreg:$0x7] =	wrdreg $0x9  }
0xb7: {  	_ =	task.clear_ibuf [dreg:s10], $0x8FFFF;
	_ =	strace $0x90000046  }
0xb8: {  	s29 =	simm.s32 $0x9;
	_ =	strace $0x80000048  }
0xb9: {  	_ =	swait.ge [sflag:s29], $0x1  }
0xba: {  	[sflag:s29] =	ssyncadd.s32 $0xFFFFFFFF  }
0xbb: {  	_ =	strace $0x90000048  }
0xbc: {  	_ =	sfence  }
0xbd: {  	s30 =	sld [smem:$0x0];
	_ =	sdelay $0x2  }
0xbe: {  	s31 =	sshll.u32 s1, $0xD;
	s1 =	sshrl.u32 s1, $0x2  }
0xbf: {  	s3 =	sand.u32 $0x4000, s31;
	s1 =	sadd.s32 s1, s30  }
0xc0: {  	s0 =	sor.u32 s3, s0;
	s1 =	sshll.u32 s1, $0x11  }
0xc1: {  	s0 =	sor.u32 s1, s0  }
0xc2: {  	s0 =	sadd.s32 $0x8F2B, s0  }
0xc3: {  	[sflag:s0] =	ssyncadd.remote.s32 $0x1  }
0xc4: {  	_ =	sfence.sel $0xFFFF  }
0xc5: {  	[dreg:$0x0] =	wrdreg $0xFFFFFFFF;
	(pc) =	sbr.abs _section_cstart, $3  }
0xc6: {  	[dreg:$0x1] =	wrdreg $0xFFFFFFFF  }
0xc7: {  	_ =	task.clear_ibuf [dreg:s10], $0x2FFFF;
	_ =	strace $0x9FFFFFFF  }
0xc8: {  	(tm) =	ssettm $0x7FFFFFFF  }
0xc9: {  	_ =	shalt  }
tec
execute0_lowered:
.L_overlay_start_1:
0x0: {  	(tag) =	ssettag $0x1  }
0x1: {  	s1 =	rddreg [dreg:$0x0]  }
0x2: {  	s0 =	rddreg [dreg:$0x1]  }
0x3: {  	s2 =	rddreg [dreg:$0x2];
	s12 =	stileid.u32  }
0x4: {  	s6 =	rddreg [dreg:$0x3];
	s7 =	smul.u32 $0x62000, s12  }
0x5: {  	s3 =	rddreg [dreg:$0x4];
	s5 =	srdreg.scid  }
0x6: {  	s4 =	simm.s32 $0x0;
	s5 =	sand.u32 $0x1, s5;
	s15 =	sshrl.u32 s7, $0x2  }
0x7: {  	s9 =	ssub.s32 $0x2, s5;
	s8 =	smul.u32 $0x3100, s5;
	s5 =	sadd.s32 s15, s3  }
0x8: {  	[smem:$0x7FF] =	sst s4;
	s18 =	sadd.s32 $0x1800, s5  }
0x9: {  	_ =	strace $0x80000047;
	s19 =	sadd.s32 $0x2000, s5;
	[dreg:$0x6] =	wrdreg s18  }
0xa: {  	s20 =	sadd.s32 $0x2800, s5;
	[dreg:$0x7] =	wrdreg s19  }
0xb: {  	s21 =	sadd.s32 $0x3000, s5;
	[dreg:$0x8] =	wrdreg s20  }
0xc: {  	s22 =	sadd.s32 $0x3800, s5;
	[dreg:$0x9] =	wrdreg s21  }
0xd: {  	s17 =	smul.u32 $0x310, s12;
	s23 =	sadd.s32 $0x4000, s5;
	[dreg:$0xa] =	wrdreg s22  }
0xe: {  	s10 =	sshrl.u32 s9, $0x1;
	s24 =	sadd.s32 $0x4800, s5;
	[dreg:$0xb] =	wrdreg s23  }
0xf: {  	s16 =	ssub.s32 s9, s10;
	s25 =	sadd.s32 $0x5000, s5;
	[dreg:$0xc] =	wrdreg s24  }
0x10: {  	s26 =	sadd.s32 s17, s8;
	s13 =	sadd.s32 $0x5800, s5;
	[dreg:$0xd] =	wrdreg s25  }
0x11: {  	s11 =	sadd.s32 $0x6200, s8;
	s16 =	smax.u32 s16, $0x1;
	[dreg:$0xe] =	wrdreg s13  }
0x12: {  	s9 =	sadd.s32 s17, s11;
	s17 =	sadd.s32 $0x7000, s5;
	[dreg:$0x13] =	wrdreg s16  }
0x13: {  	s10 =	sshll.u32 s26, $0x4;
	s26 =	sadd.s32 $0xA800, s5;
	[dreg:$0x14] =	wrdreg s17  }
0x14: {  	s7 =	sadd.s32 $0xC000, s5;
	[dreg:$0x1b] =	wrdreg s26  }
0x15: {  	s10 =	sadd.s32 s6, s10;
	[dreg:$0x1e] =	wrdreg s7  }
0x16: {  	s13 =	sadd.s32 $0x6800, s5;
	[dreg:$0xf] =	wrdreg s10  }
0x17: {  	s18 =	sadd.s32 $0x7800, s5;
	[dreg:$0x12] =	wrdreg s13  }
0x18: {  	s19 =	sadd.s32 $0x8000, s5;
	[dreg:$0x15] =	wrdreg s18  }
0x19: {  	s22 =	sadd.s32 $0x8800, s5;
	[dreg:$0x16] =	wrdreg s19  }
0x1a: {  	s23 =	sadd.s32 $0x9000, s5;
	[dreg:$0x17] =	wrdreg s22  }
0x1b: {  	s12 =	smul.u32 $0x1870, s12;
	s24 =	sadd.s32 $0x9800, s5;
	[dreg:$0x18] =	wrdreg s23  }
0x1c: {  	v0 =	vmov s8;
	s8 =	simm.s32 $0x1;
	s25 =	sadd.s32 $0xA000, s5;
	[dreg:$0x19] =	wrdreg s24  }
0x1d: {  	s20 =	sadd.s32 s12, s2;
	s2 =	sadd.s32 $0xB000, s5;
	[dreg:$0x1a] =	wrdreg s25  }
0x1e: {  	s21 =	sadd.s32 s12, s0;
	s12 =	sadd.s32 $0xD800, s5;
	[dreg:$0x1c] =	wrdreg s2  }
0x1f: {  	s14 =	sadd.s32 $0x800, s5;
	s16 =	sadd.s32 $0xE800, s5;
	[smem:$0x7F3] =	sst s12  }
0x20: {  	s15 =	sadd.s32 $0x1000, s5;
	s17 =	sadd.s32 $0xF000, s5;
	[smem:$0x7F5] =	sst s16  }
0x21: {  	s9 =	sshll.u32 s9, $0x4;
	s26 =	sadd.s32 $0x12800, s5;
	[smem:$0x7F6] =	sst s17  }
0x22: {  	s28 =	sadd.s32 $0x15000, s5;
	s6 =	sadd.s32 s6, s9;
	[smem:$0x7FD] =	sst s26  }
0x23: {  	s29 =	sadd.s32 $0x15800, s5;
	s10 =	sadd.s32 $0x6000, s5;
	[dreg:$0x10] =	wrdreg s6  }
0x24: {  	s30 =	sadd.s32 $0x16000, s5;
	s9 =	sadd.s32 $0xC800, s5;
	[dreg:$0x11] =	wrdreg s10  }
0x25: {  	s31 =	sadd.s32 $0x16800, s5;
	s13 =	sadd.s32 $0xE000, s5;
	[dreg:$0x1f] =	wrdreg s9  }
0x26: {  	s0 =	sadd.s32 $0x17000, s5;
	s18 =	sadd.s32 $0xF800, s5;
	[smem:$0x7F4] =	sst s13  }
0x27: {  	s7 =	simm.s32 $0x180;
	s19 =	sadd.s32 $0x10000, s5;
	[smem:$0x7F7] =	sst s18  }
0x28: {  	s22 =	sadd.s32 $0x10800, s5;
	s23 =	sadd.s32 $0x11000, s5;
	[smem:$0x7F8] =	sst s19  }
0x29: {  	s24 =	sadd.s32 $0x11800, s5;
	s25 =	sadd.s32 $0x12000, s5;
	[smem:$0x7F9] =	sst s22  }
0x2a: {  	s26 =	sadd.s32 $0x14800, s5;
	s2 =	sadd.s32 $0x17800, s5;
	[smem:$0x7FA] =	sst s23  }
0x2b: {  	s17 =	sadd.s32 $0x18000, s5;
	s6 =	sadd.s32 $0xB800, s5;
	[smem:$0x7FB] =	sst s24  }
0x2c: {  	s10 =	sadd.s32 $0xD000, s5;
	[smem:$0x7FC] =	sst s25;
	s22 =	sadd.s32 $0x13000, s5  }
0x2d: {  	s24 =	sadd.s32 $0x13800, s5;
	s25 =	sadd.s32 $0x14000, s5;
	s18 =	simm.s32 $0x4180  }
0x2e: {  	s23 =	simm.s32 $0x2;
	s9 =	simm.s32 $0x100;
	[dreg:$0x1d] =	wrdreg s6  }
0x2f: {  	v2 =	vimm.f32 $0.0e+00;
	v1 =	vmov s11;
	[smem:$0x7F2] =	sst s10;
	s6 =	simm.s32 $0x80;
	s10 =	simm.s32 $0x0  }
.LBB2_1:
0x30: {  	[tilespmem:$0x4180] =	vst v2  }
0x31: {  	[tilespmem:$0x4190] =	vst v2  }
0x32: {  	[tilespmem:$0x41A0] =	vst v2  }
0x33: {  	[tilespmem:$0x41B0] =	vst v2  }
0x34: {  	[tilespmem:$0x41C0] =	vst v2  }
0x35: {  	[tilespmem:$0x41D0] =	vst v2  }
0x36: {  	[tilespmem:$0x41E0] =	vst v2  }
0x37: {  	[tilespmem:$0x41F0] =	vst v2  }
0x38: {  	[tilespmem:$0x4200] =	vst v2  }
0x39: {  	[tilespmem:$0x4210] =	vst v2  }
0x3a: {  	[tilespmem:$0x4220] =	vst v2  }
0x3b: {  	[tilespmem:$0x4230] =	vst v2  }
0x3c: {  	[tilespmem:$0x4240] =	vst v2  }
0x3d: {  	[tilespmem:$0x4250] =	vst v2  }
0x3e: {  	[tilespmem:$0x4260] =	vst v2  }
0x3f: {  	[tilespmem:$0x4270] =	vst v2  }
0x40: {  	[tilespmem:$0x4280] =	vst v2  }
0x41: {  	[tilespmem:$0x4290] =	vst v2  }
0x42: {  	[tilespmem:$0x42A0] =	vst v2  }
0x43: {  	[tilespmem:$0x42B0] =	vst v2  }
0x44: {  	[tilespmem:$0x42C0] =	vst v2  }
0x45: {  	[tilespmem:$0x42D0] =	vst v2  }
0x46: {  	[tilespmem:$0x42E0] =	vst v2  }
0x47: {  	[tilespmem:$0x42F0] =	vst v2  }
0x48: {  	[tilespmem:$0x4300] =	vst v2  }
0x49: {  	[tilespmem:$0x4310] =	vst v2  }
0x4a: {  	[tilespmem:$0x4320] =	vst v2  }
0x4b: {  	[tilespmem:$0x4330] =	vst v2  }
0x4c: {  	[tilespmem:$0x4340] =	vst v2  }
0x4d: {  	[tilespmem:$0x4350] =	vst v2  }
0x4e: {  	[tilespmem:$0x4360] =	vst v2  }
0x4f: {  	[tilespmem:$0x4370] =	vst v2  }
0x50: {  	[tilespmem:$0x4380] =	vst v2  }
0x51: {  	[tilespmem:$0x4390] =	vst v2  }
0x52: {  	[tilespmem:$0x43A0] =	vst v2  }
0x53: {  	[tilespmem:$0x43B0] =	vst v2  }
0x54: {  	[tilespmem:$0x43C0] =	vst v2  }
0x55: {  	[tilespmem:$0x43D0] =	vst v2  }
0x56: {  	[tilespmem:$0x43E0] =	vst v2  }
0x57: {  	[tilespmem:$0x43F0] =	vst v2  }
0x58: {  	[tilespmem:$0x4400] =	vst v2  }
0x59: {  	[tilespmem:$0x4410] =	vst v2  }
0x5a: {  	[tilespmem:$0x4420] =	vst v2  }
0x5b: {  	[tilespmem:$0x4430] =	vst v2  }
0x5c: {  	[tilespmem:$0x4440] =	vst v2  }
0x5d: {  	[tilespmem:$0x4450] =	vst v2  }
0x5e: {  	[tilespmem:$0x4460] =	vst v2  }
0x5f: {  	[tilespmem:$0x4470] =	vst v2  }
0x60: {  	[tilespmem:$0x4480] =	vst v2  }
0x61: {  	[tilespmem:$0x4490] =	vst v2  }
0x62: {  	[tilespmem:$0x44A0] =	vst v2  }
0x63: {  	[tilespmem:$0x44B0] =	vst v2  }
0x64: {  	[tilespmem:$0x44C0] =	vst v2  }
0x65: {  	[tilespmem:$0x44D0] =	vst v2  }
0x66: {  	[tilespmem:$0x44E0] =	vst v2  }
0x67: {  	[tilespmem:$0x44F0] =	vst v2  }
0x68: {  	[tilespmem:$0x4500] =	vst v2  }
0x69: {  	[tilespmem:$0x4510] =	vst v2  }
0x6a: {  	[tilespmem:$0x4520] =	vst v2  }
0x6b: {  	[tilespmem:$0x4530] =	vst v2  }
0x6c: {  	[tilespmem:$0x4540] =	vst v2  }
0x6d: {  	[tilespmem:$0x4550] =	vst v2  }
0x6e: {  	[tilespmem:$0x4560] =	vst v2  }
0x6f: {  	[tilespmem:$0x4570] =	vst v2  }
0x70: {  	[tilespmem:$0x4580] =	vst v2  }
0x71: {  	[tilespmem:$0x4590] =	vst v2  }
0x72: {  	[tilespmem:$0x45A0] =	vst v2  }
0x73: {  	[tilespmem:$0x45B0] =	vst v2  }
0x74: {  	[tilespmem:$0x45C0] =	vst v2  }
0x75: {  	[tilespmem:$0x45D0] =	vst v2  }
0x76: {  	[tilespmem:$0x45E0] =	vst v2  }
0x77: {  	[tilespmem:$0x45F0] =	vst v2  }
0x78: {  	[tilespmem:$0x4600] =	vst v2  }
0x79: {  	[tilespmem:$0x4610] =	vst v2  }
0x7a: {  	[tilespmem:$0x4620] =	vst v2  }
0x7b: {  	[tilespmem:$0x4630] =	vst v2  }
0x7c: {  	[tilespmem:$0x4640] =	vst v2  }
0x7d: {  	[tilespmem:$0x4650] =	vst v2  }
0x7e: {  	[tilespmem:$0x4660] =	vst v2  }
0x7f: {  	[tilespmem:$0x4670] =	vst v2  }
0x80: {  	[tilespmem:$0x4680] =	vst v2  }
0x81: {  	[tilespmem:$0x4690] =	vst v2  }
0x82: {  	[tilespmem:$0x46A0] =	vst v2  }
0x83: {  	[tilespmem:$0x46B0] =	vst v2  }
0x84: {  	[tilespmem:$0x46C0] =	vst v2  }
0x85: {  	[tilespmem:$0x46D0] =	vst v2  }
0x86: {  	[tilespmem:$0x46E0] =	vst v2  }
0x87: {  	[tilespmem:$0x46F0] =	vst v2  }
0x88: {  	[tilespmem:$0x4700] =	vst v2  }
0x89: {  	[tilespmem:$0x4710] =	vst v2  }
0x8a: {  	[tilespmem:$0x4720] =	vst v2  }
0x8b: {  	[tilespmem:$0x4730] =	vst v2  }
0x8c: {  	[tilespmem:$0x4740] =	vst v2  }
0x8d: {  	[tilespmem:$0x4750] =	vst v2  }
0x8e: {  	[tilespmem:$0x4760] =	vst v2  }
0x8f: {  	[tilespmem:$0x4770] =	vst v2  }
0x90: {  	[tilespmem:$0x4780] =	vst v2  }
0x91: {  	[tilespmem:$0x4790] =	vst v2  }
0x92: {  	[tilespmem:$0x47A0] =	vst v2  }
0x93: {  	[tilespmem:$0x47B0] =	vst v2  }
0x94: {  	[tilespmem:$0x47C0] =	vst v2  }
0x95: {  	[tilespmem:$0x47D0] =	vst v2  }
0x96: {  	[tilespmem:$0x47E0] =	vst v2  }
0x97: {  	[tilespmem:$0x47F0] =	vst v2  }
0x98: {  	[tilespmem:$0x4800] =	vst v2  }
0x99: {  	[tilespmem:$0x4810] =	vst v2  }
0x9a: {  	[tilespmem:$0x4820] =	vst v2  }
0x9b: {  	[tilespmem:$0x4830] =	vst v2  }
0x9c: {  	[tilespmem:$0x4840] =	vst v2  }
0x9d: {  	[tilespmem:$0x4850] =	vst v2  }
0x9e: {  	[tilespmem:$0x4860] =	vst v2  }
0x9f: {  	[tilespmem:$0x4870] =	vst v2  }
0xa0: {  	[tilespmem:$0x4880] =	vst v2  }
0xa1: {  	[tilespmem:$0x4890] =	vst v2  }
0xa2: {  	[tilespmem:$0x48A0] =	vst v2  }
0xa3: {  	[tilespmem:$0x48B0] =	vst v2  }
0xa4: {  	[tilespmem:$0x48C0] =	vst v2  }
0xa5: {  	[tilespmem:$0x48D0] =	vst v2  }
0xa6: {  	[tilespmem:$0x48E0] =	vst v2  }
0xa7: {  	[tilespmem:$0x48F0] =	vst v2  }
0xa8: {  	[tilespmem:$0x4900] =	vst v2  }
0xa9: {  	[tilespmem:$0x4910] =	vst v2  }
0xaa: {  	[tilespmem:$0x4920] =	vst v2  }
0xab: {  	[tilespmem:$0x4930] =	vst v2  }
0xac: {  	[tilespmem:$0x4940] =	vst v2  }
0xad: {  	[tilespmem:$0x4950] =	vst v2  }
0xae: {  	[tilespmem:$0x4960] =	vst v2  }
0xaf: {  	[tilespmem:$0x4970] =	vst v2  }
0xb0: {  	[spmem:s5] =	stream.linear.scatter [tilespmem:s18], [sflag:$0x2], $0x800, $0x38;
	[tilespmem:$0x1D200] =	vst v63  }
0xb1: {  	_ =	swait.ge [sflag:s23], $0x800  }
0xb2: {  	[sflag:s23] =	ssyncset.done $0x0  }
0xb3: {  	[sflag:s23] =	ssyncadd.s32 $0xFFFFF800  }
0xb4: {  	[spmem:s14] =	stream.linear.scatter [tilespmem:s18], [sflag:$0x2], $0x800, $0x38;
	[tilespmem:$0x1D200] =	vst v63  }
0xb5: {  	_ =	swait.ge [sflag:s23], $0x800  }
0xb6: {  	[sflag:s23] =	ssyncset.done $0x0  }
0xb7: {  	[sflag:s23] =	ssyncadd.s32 $0xFFFFF800  }
0xb8: {  	[spmem:s15] =	stream.linear.scatter [tilespmem:s18], [sflag:$0x2], $0x800, $0x38;
	[tilespmem:$0x1D200] =	vst v63  }
0xb9: {  	_ =	swait.ge [sflag:s23], $0x800  }
0xba: {  	[sflag:s23] =	ssyncset.done $0x0  }
0xbb: {  	s11 =	rddreg [dreg:$0x6];
	[sflag:s23] =	ssyncadd.s32 $0xFFFFF800  }
0xbc: {  	[spmem:s11] =	stream.linear.scatter [tilespmem:s18], [sflag:$0x2], $0x800, $0x38;
	[tilespmem:$0x1D200] =	vst v63  }
0xbd: {  	_ =	swait.ge [sflag:s23], $0x800  }
0xbe: {  	[sflag:s23] =	ssyncset.done $0x0  }
0xbf: {  	s12 =	rddreg [dreg:$0x7];
	[sflag:s23] =	ssyncadd.s32 $0xFFFFF800  }
0xc0: {  	[spmem:s12] =	stream.linear.scatter [tilespmem:s18], [sflag:$0x2], $0x800, $0x38;
	[tilespmem:$0x1D200] =	vst v63  }
0xc1: {  	_ =	swait.ge [sflag:s23], $0x800  }
0xc2: {  	[sflag:s23] =	ssyncset.done $0x0  }
0xc3: {  	s13 =	rddreg [dreg:$0x8];
	[sflag:s23] =	ssyncadd.s32 $0xFFFFF800  }
0xc4: {  	[spmem:s13] =	stream.linear.scatter [tilespmem:s18], [sflag:$0x2], $0x800, $0x38;
	[tilespmem:$0x1D200] =	vst v63  }
0xc5: {  	_ =	swait.ge [sflag:s23], $0x800  }
0xc6: {  	[sflag:s23] =	ssyncset.done $0x0  }
0xc7: {  	s16 =	rddreg [dreg:$0x9];
	[sflag:s23] =	ssyncadd.s32 $0xFFFFF800  }
0xc8: {  	[spmem:s16] =	stream.linear.scatter [tilespmem:s18], [sflag:$0x2], $0x800, $0x38;
	[tilespmem:$0x1D200] =	vst v63  }
0xc9: {  	_ =	swait.ge [sflag:s23], $0x800  }
0xca: {  	[sflag:s23] =	ssyncset.done $0x0  }
0xcb: {  	s19 =	rddreg [dreg:$0xa];
	[sflag:s23] =	ssyncadd.s32 $0xFFFFF800  }
0xcc: {  	[spmem:s19] =	stream.linear.scatter [tilespmem:s18], [sflag:$0x2], $0x800, $0x38;
	[tilespmem:$0x1D200] =	vst v63  }
0xcd: {  	_ =	swait.ge [sflag:s23], $0x800  }
0xce: {  	[sflag:s23] =	ssyncset.done $0x0  }
0xcf: {  	s12 =	rddreg [dreg:$0xb];
	[sflag:s23] =	ssyncadd.s32 $0xFFFFF800  }
0xd0: {  	[spmem:s12] =	stream.linear.scatter [tilespmem:s18], [sflag:$0x2], $0x800, $0x38;
	[tilespmem:$0x1D200] =	vst v63  }
0xd1: {  	_ =	swait.ge [sflag:s23], $0x800  }
0xd2: {  	[sflag:s23] =	ssyncset.done $0x0  }
0xd3: {  	s13 =	rddreg [dreg:$0xc];
	[sflag:s23] =	ssyncadd.s32 $0xFFFFF800  }
0xd4: {  	[spmem:s13] =	stream.linear.scatter [tilespmem:s18], [sflag:$0x2], $0x800, $0x38;
	[tilespmem:$0x1D200] =	vst v63  }
0xd5: {  	_ =	swait.ge [sflag:s23], $0x800  }
0xd6: {  	[sflag:s23] =	ssyncset.done $0x0  }
0xd7: {  	s16 =	rddreg [dreg:$0xd];
	[sflag:s23] =	ssyncadd.s32 $0xFFFFF800  }
0xd8: {  	[spmem:s16] =	stream.linear.scatter [tilespmem:s18], [sflag:$0x2], $0x800, $0x38;
	[tilespmem:$0x1D200] =	vst v63  }
0xd9: {  	_ =	swait.ge [sflag:s23], $0x800  }
0xda: {  	[sflag:s23] =	ssyncset.done $0x0  }
0xdb: {  	s19 =	rddreg [dreg:$0xe];
	[sflag:s23] =	ssyncadd.s32 $0xFFFFF800  }
0xdc: {  	[spmem:s19] =	stream.linear.scatter [tilespmem:s18], [sflag:$0x2], $0x800, $0x38;
	[tilespmem:$0x1D200] =	vst v63  }
0xdd: {  	_ =	swait.ge [sflag:s23], $0x800  }
0xde: {  	[sflag:s23] =	ssyncset.done $0x0  }
0xdf: {  	s12 =	rddreg [dreg:$0x11];
	[sflag:s23] =	ssyncadd.s32 $0xFFFFF800  }
0xe0: {  	[spmem:s12] =	stream.linear.scatter [tilespmem:s18], [sflag:$0x2], $0x800, $0x38;
	[tilespmem:$0x1D200] =	vst v63  }
0xe1: {  	_ =	swait.ge [sflag:s23], $0x800  }
0xe2: {  	[sflag:s23] =	ssyncset.done $0x0  }
0xe3: {  	s13 =	rddreg [dreg:$0x12];
	[sflag:s23] =	ssyncadd.s32 $0xFFFFF800  }
0xe4: {  	[spmem:s13] =	stream.linear.scatter [tilespmem:s18], [sflag:$0x2], $0x800, $0x38;
	[tilespmem:$0x1D200] =	vst v63  }
0xe5: {  	_ =	swait.ge [sflag:s23], $0x800  }
0xe6: {  	[sflag:s23] =	ssyncset.done $0x0  }
0xe7: {  	s16 =	rddreg [dreg:$0x14];
	[sflag:s23] =	ssyncadd.s32 $0xFFFFF800  }
0xe8: {  	[spmem:s16] =	stream.linear.scatter [tilespmem:s18], [sflag:$0x2], $0x800, $0x38;
	[tilespmem:$0x1D200] =	vst v63  }
0xe9: {  	_ =	swait.ge [sflag:s23], $0x800  }
0xea: {  	[sflag:s23] =	ssyncset.done $0x0  }
0xeb: {  	s19 =	rddreg [dreg:$0x15];
	[sflag:s23] =	ssyncadd.s32 $0xFFFFF800  }
0xec: {  	[spmem:s19] =	stream.linear.scatter [tilespmem:s18], [sflag:$0x2], $0x800, $0x38;
	[tilespmem:$0x1D200] =	vst v63  }
0xed: {  	_ =	swait.ge [sflag:s23], $0x800  }
0xee: {  	[sflag:s23] =	ssyncset.done $0x0  }
0xef: {  	s12 =	rddreg [dreg:$0x16];
	[sflag:s23] =	ssyncadd.s32 $0xFFFFF800  }
0xf0: {  	[spmem:s12] =	stream.linear.scatter [tilespmem:s18], [sflag:$0x2], $0x800, $0x38;
	[tilespmem:$0x1D200] =	vst v63  }
0xf1: {  	_ =	swait.ge [sflag:s23], $0x800  }
0xf2: {  	[sflag:s23] =	ssyncset.done $0x0  }
0xf3: {  	s13 =	rddreg [dreg:$0x17];
	[sflag:s23] =	ssyncadd.s32 $0xFFFFF800  }
0xf4: {  	[spmem:s13] =	stream.linear.scatter [tilespmem:s18], [sflag:$0x2], $0x800, $0x38;
	[tilespmem:$0x1D200] =	vst v63  }
0xf5: {  	_ =	swait.ge [sflag:s23], $0x800  }
0xf6: {  	[sflag:s23] =	ssyncset.done $0x0  }
0xf7: {  	s16 =	rddreg [dreg:$0x18];
	[sflag:s23] =	ssyncadd.s32 $0xFFFFF800  }
0xf8: {  	[spmem:s16] =	stream.linear.scatter [tilespmem:s18], [sflag:$0x2], $0x800, $0x38;
	[tilespmem:$0x1D200] =	vst v63  }
0xf9: {  	_ =	swait.ge [sflag:s23], $0x800  }
0xfa: {  	[sflag:s23] =	ssyncset.done $0x0  }
0xfb: {  	s19 =	rddreg [dreg:$0x19];
	[sflag:s23] =	ssyncadd.s32 $0xFFFFF800  }
0xfc: {  	[spmem:s19] =	stream.linear.scatter [tilespmem:s18], [sflag:$0x2], $0x800, $0x38;
	[tilespmem:$0x1D200] =	vst v63  }
0xfd: {  	_ =	swait.ge [sflag:s23], $0x800  }
0xfe: {  	[sflag:s23] =	ssyncset.done $0x0  }
0xff: {  	s12 =	rddreg [dreg:$0x1a];
	[sflag:s23] =	ssyncadd.s32 $0xFFFFF800  }
0x100: {  	[spmem:s12] =	stream.linear.scatter [tilespmem:s18], [sflag:$0x2], $0x800, $0x38;
	[tilespmem:$0x1D200] =	vst v63  }
0x101: {  	_ =	swait.ge [sflag:s23], $0x800  }
0x102: {  	[sflag:s23] =	ssyncset.done $0x0  }
0x103: {  	s13 =	rddreg [dreg:$0x1b];
	[sflag:s23] =	ssyncadd.s32 $0xFFFFF800  }
0x104: {  	[spmem:s13] =	stream.linear.scatter [tilespmem:s18], [sflag:$0x2], $0x800, $0x38;
	[tilespmem:$0x1D200] =	vst v63  }
0x105: {  	_ =	swait.ge [sflag:s23], $0x800  }
0x106: {  	[sflag:s23] =	ssyncset.done $0x0  }
0x107: {  	s16 =	rddreg [dreg:$0x1c];
	[sflag:s23] =	ssyncadd.s32 $0xFFFFF800  }
0x108: {  	[spmem:s16] =	stream.linear.scatter [tilespmem:s18], [sflag:$0x2], $0x800, $0x38;
	[tilespmem:$0x1D200] =	vst v63  }
0x109: {  	_ =	swait.ge [sflag:s23], $0x800  }
0x10a: {  	[sflag:s23] =	ssyncset.done $0x0  }
0x10b: {  	s19 =	rddreg [dreg:$0x1d];
	[sflag:s23] =	ssyncadd.s32 $0xFFFFF800  }
0x10c: {  	[spmem:s19] =	stream.linear.scatter [tilespmem:s18], [sflag:$0x2], $0x800, $0x38;
	[tilespmem:$0x1D200] =	vst v63  }
0x10d: {  	_ =	swait.ge [sflag:s23], $0x800  }
0x10e: {  	[sflag:s23] =	ssyncset.done $0x0  }
0x10f: {  	s12 =	rddreg [dreg:$0x1e];
	[sflag:s23] =	ssyncadd.s32 $0xFFFFF800  }
0x110: {  	[spmem:s12] =	stream.linear.scatter [tilespmem:s18], [sflag:$0x2], $0x800, $0x38;
	[tilespmem:$0x1D200] =	vst v63  }
0x111: {  	_ =	swait.ge [sflag:s23], $0x800  }
0x112: {  	[sflag:s23] =	ssyncset.done $0x0  }
0x113: {  	s13 =	rddreg [dreg:$0x1f];
	[sflag:s23] =	ssyncadd.s32 $0xFFFFF800  }
0x114: {  	[spmem:s13] =	stream.linear.scatter [tilespmem:s18], [sflag:$0x2], $0x800, $0x38;
	[tilespmem:$0x1D200] =	vst v63  }
0x115: {  	_ =	swait.ge [sflag:s23], $0x800  }
0x116: {  	s16 =	sld [smem:$0x7F2]  }
0x117: {  	[sflag:s23] =	ssyncset.done $0x0  }
0x118: {  	[sflag:s23] =	ssyncadd.s32 $0xFFFFF800  }
0x119: {  	[spmem:s16] =	stream.linear.scatter [tilespmem:s18], [sflag:$0x2], $0x800, $0x38;
	[tilespmem:$0x1D200] =	vst v63  }
0x11a: {  	_ =	swait.ge [sflag:s23], $0x800  }
0x11b: {  	s19 =	sld [smem:$0x7F3]  }
0x11c: {  	[sflag:s23] =	ssyncset.done $0x0  }
0x11d: {  	[sflag:s23] =	ssyncadd.s32 $0xFFFFF800  }
0x11e: {  	[spmem:s19] =	stream.linear.scatter [tilespmem:s18], [sflag:$0x2], $0x800, $0x38;
	[tilespmem:$0x1D200] =	vst v63  }
0x11f: {  	_ =	swait.ge [sflag:s23], $0x800  }
0x120: {  	s12 =	sld [smem:$0x7F4]  }
0x121: {  	[sflag:s23] =	ssyncset.done $0x0  }
0x122: {  	[sflag:s23] =	ssyncadd.s32 $0xFFFFF800  }
0x123: {  	[spmem:s12] =	stream.linear.scatter [tilespmem:s18], [sflag:$0x2], $0x800, $0x38;
	[tilespmem:$0x1D200] =	vst v63  }
0x124: {  	_ =	swait.ge [sflag:s23], $0x800  }
0x125: {  	s13 =	sld [smem:$0x7F5]  }
0x126: {  	[sflag:s23] =	ssyncset.done $0x0  }
0x127: {  	[sflag:s23] =	ssyncadd.s32 $0xFFFFF800  }
0x128: {  	[spmem:s13] =	stream.linear.scatter [tilespmem:s18], [sflag:$0x2], $0x800, $0x38;
	[tilespmem:$0x1D200] =	vst v63  }
0x129: {  	_ =	swait.ge [sflag:s23], $0x800  }
0x12a: {  	s16 =	sld [smem:$0x7F6]  }
0x12b: {  	[sflag:s23] =	ssyncset.done $0x0  }
0x12c: {  	[sflag:s23] =	ssyncadd.s32 $0xFFFFF800  }
0x12d: {  	[spmem:s16] =	stream.linear.scatter [tilespmem:s18], [sflag:$0x2], $0x800, $0x38;
	[tilespmem:$0x1D200] =	vst v63  }
0x12e: {  	_ =	swait.ge [sflag:s23], $0x800  }
0x12f: {  	s19 =	sld [smem:$0x7F7]  }
0x130: {  	[sflag:s23] =	ssyncset.done $0x0  }
0x131: {  	[sflag:s23] =	ssyncadd.s32 $0xFFFFF800  }
0x132: {  	[spmem:s19] =	stream.linear.scatter [tilespmem:s18], [sflag:$0x2], $0x800, $0x38;
	[tilespmem:$0x1D200] =	vst v63  }
0x133: {  	_ =	swait.ge [sflag:s23], $0x800  }
0x134: {  	s12 =	sld [smem:$0x7F8]  }
0x135: {  	[sflag:s23] =	ssyncset.done $0x0  }
0x136: {  	[sflag:s23] =	ssyncadd.s32 $0xFFFFF800  }
0x137: {  	[spmem:s12] =	stream.linear.scatter [tilespmem:s18], [sflag:$0x2], $0x800, $0x38;
	[tilespmem:$0x1D200] =	vst v63  }
0x138: {  	_ =	swait.ge [sflag:s23], $0x800  }
0x139: {  	s13 =	sld [smem:$0x7F9]  }
0x13a: {  	[sflag:s23] =	ssyncset.done $0x0  }
0x13b: {  	[sflag:s23] =	ssyncadd.s32 $0xFFFFF800  }
0x13c: {  	[spmem:s13] =	stream.linear.scatter [tilespmem:s18], [sflag:$0x2], $0x800, $0x38;
	[tilespmem:$0x1D200] =	vst v63  }
0x13d: {  	_ =	swait.ge [sflag:s23], $0x800  }
0x13e: {  	s16 =	sld [smem:$0x7FA]  }
0x13f: {  	[sflag:s23] =	ssyncset.done $0x0  }
0x140: {  	[sflag:s23] =	ssyncadd.s32 $0xFFFFF800  }
0x141: {  	[spmem:s16] =	stream.linear.scatter [tilespmem:s18], [sflag:$0x2], $0x800, $0x38;
	[tilespmem:$0x1D200] =	vst v63  }
0x142: {  	_ =	swait.ge [sflag:s23], $0x800  }
0x143: {  	s19 =	sld [smem:$0x7FB]  }
0x144: {  	[sflag:s23] =	ssyncset.done $0x0  }
0x145: {  	[sflag:s23] =	ssyncadd.s32 $0xFFFFF800  }
0x146: {  	[spmem:s19] =	stream.linear.scatter [tilespmem:s18], [sflag:$0x2], $0x800, $0x38;
	[tilespmem:$0x1D200] =	vst v63  }
0x147: {  	_ =	swait.ge [sflag:s23], $0x800  }
0x148: {  	s12 =	sld [smem:$0x7FC]  }
0x149: {  	[sflag:s23] =	ssyncset.done $0x0  }
0x14a: {  	[sflag:s23] =	ssyncadd.s32 $0xFFFFF800  }
0x14b: {  	[spmem:s12] =	stream.linear.scatter [tilespmem:s18], [sflag:$0x2], $0x800, $0x38;
	[tilespmem:$0x1D200] =	vst v63  }
0x14c: {  	_ =	swait.ge [sflag:s23], $0x800  }
0x14d: {  	s13 =	sld [smem:$0x7FD]  }
0x14e: {  	[sflag:s23] =	ssyncset.done $0x0  }
0x14f: {  	[sflag:s23] =	ssyncadd.s32 $0xFFFFF800  }
0x150: {  	[spmem:s13] =	stream.linear.scatter [tilespmem:s18], [sflag:$0x2], $0x800, $0x38;
	[tilespmem:$0x1D200] =	vst v63  }
0x151: {  	_ =	swait.ge [sflag:s23], $0x800  }
0x152: {  	[sflag:s23] =	ssyncset.done $0x0  }
0x153: {  	[sflag:s23] =	ssyncadd.s32 $0xFFFFF800  }
0x154: {  	[spmem:s22] =	stream.linear.scatter [tilespmem:s18], [sflag:$0x2], $0x800, $0x38;
	[tilespmem:$0x1D200] =	vst v63  }
0x155: {  	_ =	swait.ge [sflag:s23], $0x800  }
0x156: {  	[sflag:s23] =	ssyncset.done $0x0  }
0x157: {  	[sflag:s23] =	ssyncadd.s32 $0xFFFFF800  }
0x158: {  	[spmem:s24] =	stream.linear.scatter [tilespmem:s18], [sflag:$0x2], $0x800, $0x38;
	[tilespmem:$0x1D200] =	vst v63  }
0x159: {  	_ =	swait.ge [sflag:s23], $0x800  }
0x15a: {  	[sflag:s23] =	ssyncset.done $0x0  }
0x15b: {  	[sflag:s23] =	ssyncadd.s32 $0xFFFFF800  }
0x15c: {  	[spmem:s25] =	stream.linear.scatter [tilespmem:s18], [sflag:$0x2], $0x800, $0x38;
	[tilespmem:$0x1D200] =	vst v63  }
0x15d: {  	_ =	swait.ge [sflag:s23], $0x800  }
0x15e: {  	[sflag:s23] =	ssyncset.done $0x0  }
0x15f: {  	[sflag:s23] =	ssyncadd.s32 $0xFFFFF800  }
0x160: {  	[spmem:s26] =	stream.linear.scatter [tilespmem:s18], [sflag:$0x2], $0x800, $0x38;
	[tilespmem:$0x1D200] =	vst v63  }
0x161: {  	_ =	swait.ge [sflag:s23], $0x800  }
0x162: {  	[sflag:s23] =	ssyncset.done $0x0  }
0x163: {  	[sflag:s23] =	ssyncadd.s32 $0xFFFFF800  }
0x164: {  	[spmem:s28] =	stream.linear.scatter [tilespmem:s18], [sflag:$0x2], $0x800, $0x38;
	[tilespmem:$0x1D200] =	vst v63  }
0x165: {  	_ =	swait.ge [sflag:s23], $0x800  }
0x166: {  	[sflag:s23] =	ssyncset.done $0x0  }
0x167: {  	[sflag:s23] =	ssyncadd.s32 $0xFFFFF800  }
0x168: {  	[spmem:s29] =	stream.linear.scatter [tilespmem:s18], [sflag:$0x2], $0x800, $0x38;
	[tilespmem:$0x1D200] =	vst v63  }
0x169: {  	_ =	swait.ge [sflag:s23], $0x800  }
0x16a: {  	[sflag:s23] =	ssyncset.done $0x0  }
0x16b: {  	[sflag:s23] =	ssyncadd.s32 $0xFFFFF800  }
0x16c: {  	[spmem:s30] =	stream.linear.scatter [tilespmem:s18], [sflag:$0x2], $0x800, $0x38;
	[tilespmem:$0x1D200] =	vst v63  }
0x16d: {  	_ =	swait.ge [sflag:s23], $0x800  }
0x16e: {  	[sflag:s23] =	ssyncset.done $0x0  }
0x16f: {  	[sflag:s23] =	ssyncadd.s32 $0xFFFFF800  }
0x170: {  	[spmem:s31] =	stream.linear.scatter [tilespmem:s18], [sflag:$0x2], $0x800, $0x38;
	[tilespmem:$0x1D200] =	vst v63  }
0x171: {  	_ =	swait.ge [sflag:s23], $0x800  }
0x172: {  	[sflag:s23] =	ssyncset.done $0x0  }
0x173: {  	[sflag:s23] =	ssyncadd.s32 $0xFFFFF800  }
0x174: {  	[spmem:s0] =	stream.linear.scatter [tilespmem:s18], [sflag:$0x2], $0x800, $0x38;
	[tilespmem:$0x1D200] =	vst v63  }
0x175: {  	_ =	swait.ge [sflag:s23], $0x800  }
0x176: {  	[sflag:s23] =	ssyncset.done $0x0  }
0x177: {  	[sflag:s23] =	ssyncadd.s32 $0xFFFFF800  }
0x178: {  	[spmem:s2] =	stream.linear.scatter [tilespmem:s18], [sflag:$0x2], $0x800, $0x38;
	[tilespmem:$0x1D200] =	vst v63  }
0x179: {  	_ =	swait.ge [sflag:s23], $0x800  }
0x17a: {  	[sflag:s23] =	ssyncset.done $0x0  }
0x17b: {  	[sflag:s23] =	ssyncadd.s32 $0xFFFFF800  }
0x17c: {  	[spmem:s17] =	stream.linear.scatter [tilespmem:s18], [sflag:$0x2], $0x800, $0x38;
	[tilespmem:$0x1D200] =	vst v63  }
0x17d: {  	_ =	swait.ge [sflag:s23], $0x800  }
0x17e: {  	[sflag:s23] =	ssyncset.done $0x0  }
0x17f: {  	[sflag:s23] =	ssyncadd.s32 $0xFFFFF800  }
0x180: {  	s16 =	sadd.s32 $0x0, s21;
	[bflag:$0x0] =	sbarrier.arrive $0xFFFF  }
0x181: {  	[tilespmem:s4], [sflag:$0x2] =	stream.linear.gather [hbm4b:s16+s4], $0x80, $0x38;
	[tilespmem:$0x1D200] =	vst v63  }
0x182: {  	_ =	swait.ge [sflag:s23], $0x80  }
0x183: {  	[sflag:s23] =	ssyncset.done $0x0  }
0x184: {  	s19 =	sadd.s32 $0x0, s20;
	[sflag:s23] =	ssyncadd.s32 $0xFFFFFF80  }
0x185: {  	[tilespmem:s6], [sflag:$0x2] =	stream.linear.gather [hbm4b:s19+s4], $0x80, $0x38;
	[tilespmem:$0x1D200] =	vst v63  }
0x186: {  	_ =	swait.ge [sflag:s23], $0x80  }
0x187: {  	[sflag:s23] =	ssyncset.done $0x0  }
0x188: {  	[sflag:s23] =	ssyncadd.s32 $0xFFFFFF80  }
0x189: {  	[tilespmem:s7], [sflag:$0x1] =	stream.indirect.gather [hbm4b:s1+s6], $0x80, s4, s6, $0xb8;
	[tilespmem:$0x1D200] =	vst v63  }
0x18a: {  	v3 =	vld [tilespmem:$0xF0]  }
0x18b: {  	v4 =	vld [tilespmem:$0xE0]  }
0x18c: {  	v5 =	vld [tilespmem:$0xB0]  }
0x18d: {  	v6 =	vld [tilespmem:$0xA0]  }
0x18e: {  	v7 =	vld [tilespmem:$0x90]  }
0x18f: {  	v8 =	vld [tilespmem:$0xC0];
	v3 =	vsub.s32 v3, v0  }
0x190: {  	v9 =	vld [tilespmem:$0x80];
	v4 =	vsub.s32 v4, v0;
	v3 =	vmin.u32 v3, $0x3100  }
0x191: {  	v10 =	vld [tilespmem:$0xD0];
	v5 =	vsub.s32 v5, v0;
	v4 =	vmin.u32 v4, $0x3100;
	[tilespmem:$0x170] =	vst v3  }
0x192: {  	v5 =	vmin.u32 v5, $0x3100;
	v3 =	vsub.s32 v6, v0;
	[tilespmem:$0x160] =	vst v4  }
0x193: {  	v4 =	vsub.s32 v7, v0;
	[tilespmem:$0x130] =	vst v5;
	v3 =	vmin.u32 v3, $0x3100  }
0x194: {  	v4 =	vmin.u32 v4, $0x3100;
	[tilespmem:$0x120] =	vst v3;
	v3 =	vsub.s32 v8, v0  }
0x195: {  	v5 =	vsub.s32 v9, v0;
	[tilespmem:$0x110] =	vst v4;
	v3 =	vmin.u32 v3, $0x3100  }
0x196: {  	v4 =	vmin.u32 v5, $0x3100;
	[tilespmem:$0x140] =	vst v3;
	v3 =	vsub.s32 v10, v0  }
0x197: {  	s11 =	simm.s32 $0x10;
	[tilespmem:$0x100] =	vst v4;
	v3 =	vmin.u32 v3, $0x3100  }
.LBB2_2:
0x198: {  	p0 =	sne.s32 s11, $0x1860;
	[tilespmem:$0x150] =	vst v3;
	s12 =	smov.u32 s11;
	s11 =	sadd.s32 $0x10, s11  }
0x199: {  	_ =	swait.ge [sflag:s8], $0x4000  }
0x19a: {  	[sflag:s8] =	ssyncset.done $0x0  }
0x19b: {  	[sflag:s8] =	ssyncadd.s32 $0xFFFFC000  }
0x19c: {  	[spmem:s3] =	stream.indirect.scatter.add.f32 [tilespmem:s7], [sflag:$0x2], $0x80, s9, s6, $0xb8;
	[tilespmem:$0x1D200] =	vst v63  }
0x19d: {  	_ =	swait.ge [sflag:s23], $0x4000  }
0x19e: {  	[sflag:s23] =	ssyncset.done $0x0  }
0x19f: {  	s13 =	sadd.s32 s12, s21;
	[sflag:s23] =	ssyncadd.s32 $0xFFFFC000  }
0x1a0: {  	[tilespmem:s4], [sflag:$0x2] =	stream.linear.gather [hbm4b:s13+s4], $0x80, $0x38;
	[tilespmem:$0x1D200] =	vst v63  }
0x1a1: {  	_ =	swait.ge [sflag:s23], $0x80  }
0x1a2: {  	[sflag:s23] =	ssyncset.done $0x0  }
0x1a3: {  	s12 =	sadd.s32 s12, s20;
	[sflag:s23] =	ssyncadd.s32 $0xFFFFFF80  }
0x1a4: {  	[tilespmem:s6], [sflag:$0x2] =	stream.linear.gather [hbm4b:s12+s4], $0x80, $0x38;
	[tilespmem:$0x1D200] =	vst v63  }
0x1a5: {  	_ =	swait.ge [sflag:s23], $0x80  }
0x1a6: {  	[sflag:s23] =	ssyncset.done $0x0  }
0x1a7: {  	[sflag:s23] =	ssyncadd.s32 $0xFFFFFF80  }
0x1a8: {  	[tilespmem:s7], [sflag:$0x1] =	stream.indirect.gather [hbm4b:s1+s6], $0x80, s4, s6, $0xb8;
	[tilespmem:$0x1D200] =	vst v63  }
0x1a9: {  	v3 =	vld [tilespmem:$0xF0]  }
0x1aa: {  	v4 =	vld [tilespmem:$0xE0]  }
0x1ab: {  	v5 =	vld [tilespmem:$0xB0]  }
0x1ac: {  	v6 =	vld [tilespmem:$0xA0]  }
0x1ad: {  	v7 =	vld [tilespmem:$0x90]  }
0x1ae: {  	v8 =	vld [tilespmem:$0xC0];
	v3 =	vsub.s32 v3, v0  }
0x1af: {  	v9 =	vld [tilespmem:$0x80];
	v4 =	vsub.s32 v4, v0;
	v3 =	vmin.u32 v3, $0x3100  }
0x1b0: {  	v5 =	vsub.s32 v5, v0;
	v10 =	vld [tilespmem:$0xD0];
	v4 =	vmin.u32 v4, $0x3100;
	[tilespmem:$0x170] =	vst v3  }
0x1b1: {  	v3 =	vsub.s32 v6, v0;
	v5 =	vmin.u32 v5, $0x3100;
	[tilespmem:$0x160] =	vst v4  }
.Ltmp0:
0x1b2: {  	v4 =	vsub.s32 v7, v0;
	v3 =	vmin.u32 v3, $0x3100;
	[tilespmem:$0x130] =	vst v5;
	(pc) =	sbr.rel @p0 .LBB2_2-.Ltmp0, $4  }
0x1b3: {  	v4 =	vmin.u32 v4, $0x3100;
	[tilespmem:$0x120] =	vst v3;
	v3 =	vsub.s32 v8, v0  }
0x1b4: {  	v5 =	vsub.s32 v9, v0;
	[tilespmem:$0x110] =	vst v4;
	v3 =	vmin.u32 v3, $0x3100  }
0x1b5: {  	v4 =	vmin.u32 v5, $0x3100;
	[tilespmem:$0x140] =	vst v3;
	v3 =	vsub.s32 v10, v0  }
0x1b6: {  	[tilespmem:$0x100] =	vst v4;
	v3 =	vmin.u32 v3, $0x3100  }
0x1b7: {  	[tilespmem:$0x150] =	vst v3  }
0x1b8: {  	_ =	swait.ge [sflag:s8], $0x4000  }
0x1b9: {  	[sflag:s8] =	ssyncset.done $0x0  }
0x1ba: {  	[sflag:s8] =	ssyncadd.s32 $0xFFFFC000  }
0x1bb: {  	[spmem:s3] =	stream.indirect.scatter.add.f32 [tilespmem:s7], [sflag:$0x2], $0x80, s9, s6, $0xb8;
	[tilespmem:$0x1D200] =	vst v63  }
0x1bc: {  	_ =	swait.ge [sflag:s23], $0x4000  }
0x1bd: {  	[sflag:s23] =	ssyncset.done $0x0  }
0x1be: {  	s11 =	stileid.u32;
	[sflag:s23] =	ssyncadd.s32 $0xFFFFC000  }
0x1bf: {  	s11 =	sshll.u32 s11, $0x6;
	[bflag:$0x0] =	sbarrier.arrive $0xFFFF  }
0x1c0: {  	s12 =	sshrl.u32 s5, $0x3;
	s11 =	sor.u32 $0x1C02, s11;
	s13 =	rddreg [dreg:$0xf]  }
0x1c1: {  	[hbm:s13], [sflag:s11] =	dma.local [spmem:s12], $0x3100  }
0x1c2: {  	_ =	swait.ge [sflag:s23], $0x3100  }
0x1c3: {  	[sflag:s23] =	ssyncset.done $0x0  }
0x1c4: {  	[sflag:s23] =	ssyncadd.s32 $0xFFFFCF00  }
0x1c5: {  	[bflag:$0x0] =	sbarrier.arrive $0xFFFF  }
0x1c6: {  	[spmem:s5] =	stream.linear.scatter [tilespmem:s18], [sflag:$0x2], $0x800, $0x38;
	[tilespmem:$0x1D200] =	vst v63  }
0x1c7: {  	_ =	swait.ge [sflag:s23], $0x800  }
0x1c8: {  	[sflag:s23] =	ssyncset.done $0x0  }
0x1c9: {  	[sflag:s23] =	ssyncadd.s32 $0xFFFFF800  }
0x1ca: {  	[spmem:s14] =	stream.linear.scatter [tilespmem:s18], [sflag:$0x2], $0x800, $0x38;
	[tilespmem:$0x1D200] =	vst v63  }
0x1cb: {  	_ =	swait.ge [sflag:s23], $0x800  }
0x1cc: {  	[sflag:s23] =	ssyncset.done $0x0  }
0x1cd: {  	[sflag:s23] =	ssyncadd.s32 $0xFFFFF800  }
0x1ce: {  	[spmem:s15] =	stream.linear.scatter [tilespmem:s18], [sflag:$0x2], $0x800, $0x38;
	[tilespmem:$0x1D200] =	vst v63  }
0x1cf: {  	_ =	swait.ge [sflag:s23], $0x800  }
0x1d0: {  	[sflag:s23] =	ssyncset.done $0x0  }
0x1d1: {  	s19 =	smov.u32 s15;
	s15 =	rddreg [dreg:$0x6];
	[sflag:s23] =	ssyncadd.s32 $0xFFFFF800  }
0x1d2: {  	[spmem:s15] =	stream.linear.scatter [tilespmem:s18], [sflag:$0x2], $0x800, $0x38;
	[tilespmem:$0x1D200] =	vst v63  }
0x1d3: {  	_ =	swait.ge [sflag:s23], $0x800  }
0x1d4: {  	[sflag:s23] =	ssyncset.done $0x0  }
0x1d5: {  	s16 =	smov.u32 s14;
	s14 =	rddreg [dreg:$0x7];
	[sflag:s23] =	ssyncadd.s32 $0xFFFFF800  }
0x1d6: {  	[spmem:s14] =	stream.linear.scatter [tilespmem:s18], [sflag:$0x2], $0x800, $0x38;
	[tilespmem:$0x1D200] =	vst v63  }
0x1d7: {  	_ =	swait.ge [sflag:s23], $0x800  }
0x1d8: {  	[sflag:s23] =	ssyncset.done $0x0  }
0x1d9: {  	s15 =	rddreg [dreg:$0x8];
	[sflag:s23] =	ssyncadd.s32 $0xFFFFF800  }
0x1da: {  	[spmem:s15] =	stream.linear.scatter [tilespmem:s18], [sflag:$0x2], $0x800, $0x38;
	[tilespmem:$0x1D200] =	vst v63  }
0x1db: {  	_ =	swait.ge [sflag:s23], $0x800  }
0x1dc: {  	[sflag:s23] =	ssyncset.done $0x0  }
0x1dd: {  	s14 =	rddreg [dreg:$0x9];
	[sflag:s23] =	ssyncadd.s32 $0xFFFFF800  }
0x1de: {  	[spmem:s14] =	stream.linear.scatter [tilespmem:s18], [sflag:$0x2], $0x800, $0x38;
	[tilespmem:$0x1D200] =	vst v63  }
0x1df: {  	_ =	swait.ge [sflag:s23], $0x800  }
0x1e0: {  	[sflag:s23] =	ssyncset.done $0x0  }
0x1e1: {  	s15 =	rddreg [dreg:$0xa];
	[sflag:s23] =	ssyncadd.s32 $0xFFFFF800  }
0x1e2: {  	[spmem:s15] =	stream.linear.scatter [tilespmem:s18], [sflag:$0x2], $0x800, $0x38;
	[tilespmem:$0x1D200] =	vst v63  }
0x1e3: {  	_ =	swait.ge [sflag:s23], $0x800  }
0x1e4: {  	[sflag:s23] =	ssyncset.done $0x0  }
0x1e5: {  	s14 =	rddreg [dreg:$0xb];
	[sflag:s23] =	ssyncadd.s32 $0xFFFFF800  }
0x1e6: {  	[spmem:s14] =	stream.linear.scatter [tilespmem:s18], [sflag:$0x2], $0x800, $0x38;
	[tilespmem:$0x1D200] =	vst v63  }
0x1e7: {  	_ =	swait.ge [sflag:s23], $0x800  }
0x1e8: {  	[sflag:s23] =	ssyncset.done $0x0  }
0x1e9: {  	s15 =	rddreg [dreg:$0xc];
	[sflag:s23] =	ssyncadd.s32 $0xFFFFF800  }
0x1ea: {  	[spmem:s15] =	stream.linear.scatter [tilespmem:s18], [sflag:$0x2], $0x800, $0x38;
	[tilespmem:$0x1D200] =	vst v63  }
0x1eb: {  	_ =	swait.ge [sflag:s23], $0x800  }
0x1ec: {  	[sflag:s23] =	ssyncset.done $0x0  }
0x1ed: {  	s14 =	rddreg [dreg:$0xd];
	[sflag:s23] =	ssyncadd.s32 $0xFFFFF800  }
0x1ee: {  	[spmem:s14] =	stream.linear.scatter [tilespmem:s18], [sflag:$0x2], $0x800, $0x38;
	[tilespmem:$0x1D200] =	vst v63  }
0x1ef: {  	_ =	swait.ge [sflag:s23], $0x800  }
0x1f0: {  	[sflag:s23] =	ssyncset.done $0x0  }
0x1f1: {  	s15 =	rddreg [dreg:$0xe];
	[sflag:s23] =	ssyncadd.s32 $0xFFFFF800  }
0x1f2: {  	[spmem:s15] =	stream.linear.scatter [tilespmem:s18], [sflag:$0x2], $0x800, $0x38;
	[tilespmem:$0x1D200] =	vst v63  }
0x1f3: {  	_ =	swait.ge [sflag:s23], $0x800  }
0x1f4: {  	[sflag:s23] =	ssyncset.done $0x0  }
0x1f5: {  	s14 =	rddreg [dreg:$0x11];
	[sflag:s23] =	ssyncadd.s32 $0xFFFFF800  }
0x1f6: {  	[spmem:s14] =	stream.linear.scatter [tilespmem:s18], [sflag:$0x2], $0x800, $0x38;
	[tilespmem:$0x1D200] =	vst v63  }
0x1f7: {  	_ =	swait.ge [sflag:s23], $0x800  }
0x1f8: {  	[sflag:s23] =	ssyncset.done $0x0  }
0x1f9: {  	s15 =	rddreg [dreg:$0x12];
	[sflag:s23] =	ssyncadd.s32 $0xFFFFF800  }
0x1fa: {  	[spmem:s15] =	stream.linear.scatter [tilespmem:s18], [sflag:$0x2], $0x800, $0x38;
	[tilespmem:$0x1D200] =	vst v63  }
0x1fb: {  	_ =	swait.ge [sflag:s23], $0x800  }
0x1fc: {  	[sflag:s23] =	ssyncset.done $0x0  }
0x1fd: {  	s14 =	rddreg [dreg:$0x14];
	[sflag:s23] =	ssyncadd.s32 $0xFFFFF800  }
0x1fe: {  	[spmem:s14] =	stream.linear.scatter [tilespmem:s18], [sflag:$0x2], $0x800, $0x38;
	[tilespmem:$0x1D200] =	vst v63  }
0x1ff: {  	_ =	swait.ge [sflag:s23], $0x800  }
0x200: {  	[sflag:s23] =	ssyncset.done $0x0  }
0x201: {  	s15 =	rddreg [dreg:$0x15];
	[sflag:s23] =	ssyncadd.s32 $0xFFFFF800  }
0x202: {  	[spmem:s15] =	stream.linear.scatter [tilespmem:s18], [sflag:$0x2], $0x800, $0x38;
	[tilespmem:$0x1D200] =	vst v63  }
0x203: {  	_ =	swait.ge [sflag:s23], $0x800  }
0x204: {  	[sflag:s23] =	ssyncset.done $0x0  }
0x205: {  	s14 =	rddreg [dreg:$0x16];
	[sflag:s23] =	ssyncadd.s32 $0xFFFFF800  }
0x206: {  	[spmem:s14] =	stream.linear.scatter [tilespmem:s18], [sflag:$0x2], $0x800, $0x38;
	[tilespmem:$0x1D200] =	vst v63  }
0x207: {  	_ =	swait.ge [sflag:s23], $0x800  }
0x208: {  	[sflag:s23] =	ssyncset.done $0x0  }
0x209: {  	s15 =	rddreg [dreg:$0x17];
	[sflag:s23] =	ssyncadd.s32 $0xFFFFF800  }
0x20a: {  	[spmem:s15] =	stream.linear.scatter [tilespmem:s18], [sflag:$0x2], $0x800, $0x38;
	[tilespmem:$0x1D200] =	vst v63  }
0x20b: {  	_ =	swait.ge [sflag:s23], $0x800  }
0x20c: {  	[sflag:s23] =	ssyncset.done $0x0  }
0x20d: {  	s14 =	rddreg [dreg:$0x18];
	[sflag:s23] =	ssyncadd.s32 $0xFFFFF800  }
0x20e: {  	[spmem:s14] =	stream.linear.scatter [tilespmem:s18], [sflag:$0x2], $0x800, $0x38;
	[tilespmem:$0x1D200] =	vst v63  }
0x20f: {  	_ =	swait.ge [sflag:s23], $0x800  }
0x210: {  	[sflag:s23] =	ssyncset.done $0x0  }
0x211: {  	s15 =	rddreg [dreg:$0x19];
	[sflag:s23] =	ssyncadd.s32 $0xFFFFF800  }
0x212: {  	[spmem:s15] =	stream.linear.scatter [tilespmem:s18], [sflag:$0x2], $0x800, $0x38;
	[tilespmem:$0x1D200] =	vst v63  }
0x213: {  	_ =	swait.ge [sflag:s23], $0x800  }
0x214: {  	[sflag:s23] =	ssyncset.done $0x0  }
0x215: {  	s14 =	rddreg [dreg:$0x1a];
	[sflag:s23] =	ssyncadd.s32 $0xFFFFF800  }
0x216: {  	[spmem:s14] =	stream.linear.scatter [tilespmem:s18], [sflag:$0x2], $0x800, $0x38;
	[tilespmem:$0x1D200] =	vst v63  }
0x217: {  	_ =	swait.ge [sflag:s23], $0x800  }
0x218: {  	[sflag:s23] =	ssyncset.done $0x0  }
0x219: {  	s15 =	rddreg [dreg:$0x1b];
	[sflag:s23] =	ssyncadd.s32 $0xFFFFF800  }
0x21a: {  	[spmem:s15] =	stream.linear.scatter [tilespmem:s18], [sflag:$0x2], $0x800, $0x38;
	[tilespmem:$0x1D200] =	vst v63  }
0x21b: {  	_ =	swait.ge [sflag:s23], $0x800  }
0x21c: {  	[sflag:s23] =	ssyncset.done $0x0  }
0x21d: {  	s14 =	rddreg [dreg:$0x1c];
	[sflag:s23] =	ssyncadd.s32 $0xFFFFF800  }
0x21e: {  	[spmem:s14] =	stream.linear.scatter [tilespmem:s18], [sflag:$0x2], $0x800, $0x38;
	[tilespmem:$0x1D200] =	vst v63  }
0x21f: {  	_ =	swait.ge [sflag:s23], $0x800  }
0x220: {  	[sflag:s23] =	ssyncset.done $0x0  }
0x221: {  	s15 =	rddreg [dreg:$0x1d];
	[sflag:s23] =	ssyncadd.s32 $0xFFFFF800  }
0x222: {  	[spmem:s15] =	stream.linear.scatter [tilespmem:s18], [sflag:$0x2], $0x800, $0x38;
	[tilespmem:$0x1D200] =	vst v63  }
0x223: {  	_ =	swait.ge [sflag:s23], $0x800  }
0x224: {  	[sflag:s23] =	ssyncset.done $0x0  }
0x225: {  	s14 =	rddreg [dreg:$0x1e];
	[sflag:s23] =	ssyncadd.s32 $0xFFFFF800  }
0x226: {  	[spmem:s14] =	stream.linear.scatter [tilespmem:s18], [sflag:$0x2], $0x800, $0x38;
	[tilespmem:$0x1D200] =	vst v63  }
0x227: {  	_ =	swait.ge [sflag:s23], $0x800  }
0x228: {  	[sflag:s23] =	ssyncset.done $0x0  }
0x229: {  	s15 =	rddreg [dreg:$0x1f];
	[sflag:s23] =	ssyncadd.s32 $0xFFFFF800  }
0x22a: {  	[spmem:s15] =	stream.linear.scatter [tilespmem:s18], [sflag:$0x2], $0x800, $0x38;
	[tilespmem:$0x1D200] =	vst v63  }
0x22b: {  	_ =	swait.ge [sflag:s23], $0x800  }
0x22c: {  	s14 =	sld [smem:$0x7F2]  }
0x22d: {  	[sflag:s23] =	ssyncset.done $0x0  }
0x22e: {  	[sflag:s23] =	ssyncadd.s32 $0xFFFFF800  }
0x22f: {  	[spmem:s14] =	stream.linear.scatter [tilespmem:s18], [sflag:$0x2], $0x800, $0x38;
	[tilespmem:$0x1D200] =	vst v63  }
0x230: {  	_ =	swait.ge [sflag:s23], $0x800  }
0x231: {  	s15 =	sld [smem:$0x7F3]  }
0x232: {  	[sflag:s23] =	ssyncset.done $0x0  }
0x233: {  	[sflag:s23] =	ssyncadd.s32 $0xFFFFF800  }
0x234: {  	[spmem:s15] =	stream.linear.scatter [tilespmem:s18], [sflag:$0x2], $0x800, $0x38;
	[tilespmem:$0x1D200] =	vst v63  }
0x235: {  	_ =	swait.ge [sflag:s23], $0x800  }
0x236: {  	s14 =	sld [smem:$0x7F4]  }
0x237: {  	[sflag:s23] =	ssyncset.done $0x0  }
0x238: {  	[sflag:s23] =	ssyncadd.s32 $0xFFFFF800  }
0x239: {  	[spmem:s14] =	stream.linear.scatter [tilespmem:s18], [sflag:$0x2], $0x800, $0x38;
	[tilespmem:$0x1D200] =	vst v63  }
0x23a: {  	_ =	swait.ge [sflag:s23], $0x800  }
0x23b: {  	s15 =	sld [smem:$0x7F5]  }
0x23c: {  	[sflag:s23] =	ssyncset.done $0x0  }
0x23d: {  	[sflag:s23] =	ssyncadd.s32 $0xFFFFF800  }
0x23e: {  	[spmem:s15] =	stream.linear.scatter [tilespmem:s18], [sflag:$0x2], $0x800, $0x38;
	[tilespmem:$0x1D200] =	vst v63  }
0x23f: {  	_ =	swait.ge [sflag:s23], $0x800  }
0x240: {  	s14 =	sld [smem:$0x7F6]  }
0x241: {  	[sflag:s23] =	ssyncset.done $0x0  }
0x242: {  	[sflag:s23] =	ssyncadd.s32 $0xFFFFF800  }
0x243: {  	[spmem:s14] =	stream.linear.scatter [tilespmem:s18], [sflag:$0x2], $0x800, $0x38;
	[tilespmem:$0x1D200] =	vst v63  }
0x244: {  	_ =	swait.ge [sflag:s23], $0x800  }
0x245: {  	s15 =	sld [smem:$0x7F7]  }
0x246: {  	[sflag:s23] =	ssyncset.done $0x0  }
0x247: {  	[sflag:s23] =	ssyncadd.s32 $0xFFFFF800  }
0x248: {  	[spmem:s15] =	stream.linear.scatter [tilespmem:s18], [sflag:$0x2], $0x800, $0x38;
	[tilespmem:$0x1D200] =	vst v63  }
0x249: {  	_ =	swait.ge [sflag:s23], $0x800  }
0x24a: {  	s14 =	sld [smem:$0x7F8]  }
0x24b: {  	[sflag:s23] =	ssyncset.done $0x0  }
0x24c: {  	[sflag:s23] =	ssyncadd.s32 $0xFFFFF800  }
0x24d: {  	[spmem:s14] =	stream.linear.scatter [tilespmem:s18], [sflag:$0x2], $0x800, $0x38;
	[tilespmem:$0x1D200] =	vst v63  }
0x24e: {  	_ =	swait.ge [sflag:s23], $0x800  }
0x24f: {  	s15 =	sld [smem:$0x7F9]  }
0x250: {  	[sflag:s23] =	ssyncset.done $0x0  }
0x251: {  	[sflag:s23] =	ssyncadd.s32 $0xFFFFF800  }
0x252: {  	[spmem:s15] =	stream.linear.scatter [tilespmem:s18], [sflag:$0x2], $0x800, $0x38;
	[tilespmem:$0x1D200] =	vst v63  }
0x253: {  	_ =	swait.ge [sflag:s23], $0x800  }
0x254: {  	s14 =	sld [smem:$0x7FA]  }
0x255: {  	[sflag:s23] =	ssyncset.done $0x0  }
0x256: {  	[sflag:s23] =	ssyncadd.s32 $0xFFFFF800  }
0x257: {  	[spmem:s14] =	stream.linear.scatter [tilespmem:s18], [sflag:$0x2], $0x800, $0x38;
	[tilespmem:$0x1D200] =	vst v63  }
0x258: {  	_ =	swait.ge [sflag:s23], $0x800  }
0x259: {  	s15 =	sld [smem:$0x7FB]  }
0x25a: {  	[sflag:s23] =	ssyncset.done $0x0  }
0x25b: {  	[sflag:s23] =	ssyncadd.s32 $0xFFFFF800  }
0x25c: {  	[spmem:s15] =	stream.linear.scatter [tilespmem:s18], [sflag:$0x2], $0x800, $0x38;
	[tilespmem:$0x1D200] =	vst v63  }
0x25d: {  	_ =	swait.ge [sflag:s23], $0x800  }
0x25e: {  	s14 =	sld [smem:$0x7FC]  }
0x25f: {  	[sflag:s23] =	ssyncset.done $0x0  }
0x260: {  	[sflag:s23] =	ssyncadd.s32 $0xFFFFF800  }
0x261: {  	[spmem:s14] =	stream.linear.scatter [tilespmem:s18], [sflag:$0x2], $0x800, $0x38;
	[tilespmem:$0x1D200] =	vst v63  }
0x262: {  	_ =	swait.ge [sflag:s23], $0x800  }
0x263: {  	s15 =	sld [smem:$0x7FD]  }
0x264: {  	[sflag:s23] =	ssyncset.done $0x0  }
0x265: {  	[sflag:s23] =	ssyncadd.s32 $0xFFFFF800  }
0x266: {  	[spmem:s15] =	stream.linear.scatter [tilespmem:s18], [sflag:$0x2], $0x800, $0x38;
	[tilespmem:$0x1D200] =	vst v63  }
0x267: {  	_ =	swait.ge [sflag:s23], $0x800  }
0x268: {  	[sflag:s23] =	ssyncset.done $0x0  }
0x269: {  	[sflag:s23] =	ssyncadd.s32 $0xFFFFF800  }
0x26a: {  	[spmem:s22] =	stream.linear.scatter [tilespmem:s18], [sflag:$0x2], $0x800, $0x38;
	[tilespmem:$0x1D200] =	vst v63  }
0x26b: {  	_ =	swait.ge [sflag:s23], $0x800  }
0x26c: {  	[sflag:s23] =	ssyncset.done $0x0  }
0x26d: {  	[sflag:s23] =	ssyncadd.s32 $0xFFFFF800  }
0x26e: {  	[spmem:s24] =	stream.linear.scatter [tilespmem:s18], [sflag:$0x2], $0x800, $0x38;
	[tilespmem:$0x1D200] =	vst v63  }
0x26f: {  	_ =	swait.ge [sflag:s23], $0x800  }
0x270: {  	[sflag:s23] =	ssyncset.done $0x0  }
0x271: {  	[sflag:s23] =	ssyncadd.s32 $0xFFFFF800  }
0x272: {  	[spmem:s25] =	stream.linear.scatter [tilespmem:s18], [sflag:$0x2], $0x800, $0x38;
	[tilespmem:$0x1D200] =	vst v63  }
0x273: {  	_ =	swait.ge [sflag:s23], $0x800  }
0x274: {  	[sflag:s23] =	ssyncset.done $0x0  }
0x275: {  	[sflag:s23] =	ssyncadd.s32 $0xFFFFF800  }
0x276: {  	[spmem:s26] =	stream.linear.scatter [tilespmem:s18], [sflag:$0x2], $0x800, $0x38;
	[tilespmem:$0x1D200] =	vst v63  }
0x277: {  	_ =	swait.ge [sflag:s23], $0x800  }
0x278: {  	[sflag:s23] =	ssyncset.done $0x0  }
0x279: {  	[sflag:s23] =	ssyncadd.s32 $0xFFFFF800  }
0x27a: {  	[spmem:s28] =	stream.linear.scatter [tilespmem:s18], [sflag:$0x2], $0x800, $0x38;
	[tilespmem:$0x1D200] =	vst v63  }
0x27b: {  	_ =	swait.ge [sflag:s23], $0x800  }
0x27c: {  	[sflag:s23] =	ssyncset.done $0x0  }
0x27d: {  	[sflag:s23] =	ssyncadd.s32 $0xFFFFF800  }
0x27e: {  	[spmem:s29] =	stream.linear.scatter [tilespmem:s18], [sflag:$0x2], $0x800, $0x38;
	[tilespmem:$0x1D200] =	vst v63  }
0x27f: {  	_ =	swait.ge [sflag:s23], $0x800  }
0x280: {  	[sflag:s23] =	ssyncset.done $0x0  }
0x281: {  	[sflag:s23] =	ssyncadd.s32 $0xFFFFF800  }
0x282: {  	[spmem:s30] =	stream.linear.scatter [tilespmem:s18], [sflag:$0x2], $0x800, $0x38;
	[tilespmem:$0x1D200] =	vst v63  }
0x283: {  	_ =	swait.ge [sflag:s23], $0x800  }
0x284: {  	[sflag:s23] =	ssyncset.done $0x0  }
0x285: {  	[sflag:s23] =	ssyncadd.s32 $0xFFFFF800  }
0x286: {  	[spmem:s31] =	stream.linear.scatter [tilespmem:s18], [sflag:$0x2], $0x800, $0x38;
	[tilespmem:$0x1D200] =	vst v63  }
0x287: {  	_ =	swait.ge [sflag:s23], $0x800  }
0x288: {  	[sflag:s23] =	ssyncset.done $0x0  }
0x289: {  	[sflag:s23] =	ssyncadd.s32 $0xFFFFF800  }
0x28a: {  	[spmem:s0] =	stream.linear.scatter [tilespmem:s18], [sflag:$0x2], $0x800, $0x38;
	[tilespmem:$0x1D200] =	vst v63  }
0x28b: {  	_ =	swait.ge [sflag:s23], $0x800  }
0x28c: {  	[sflag:s23] =	ssyncset.done $0x0  }
0x28d: {  	[sflag:s23] =	ssyncadd.s32 $0xFFFFF800  }
0x28e: {  	[spmem:s2] =	stream.linear.scatter [tilespmem:s18], [sflag:$0x2], $0x800, $0x38;
	[tilespmem:$0x1D200] =	vst v63  }
0x28f: {  	_ =	swait.ge [sflag:s23], $0x800  }
0x290: {  	[sflag:s23] =	ssyncset.done $0x0  }
0x291: {  	[sflag:s23] =	ssyncadd.s32 $0xFFFFF800  }
0x292: {  	[spmem:s17] =	stream.linear.scatter [tilespmem:s18], [sflag:$0x2], $0x800, $0x38;
	[tilespmem:$0x1D200] =	vst v63  }
0x293: {  	_ =	swait.ge [sflag:s23], $0x800  }
0x294: {  	[sflag:s23] =	ssyncset.done $0x0  }
0x295: {  	[sflag:s23] =	ssyncadd.s32 $0xFFFFF800  }
0x296: {  	s14 =	sadd.s32 $0x0, s21;
	[bflag:$0x0] =	sbarrier.arrive $0xFFFF  }
0x297: {  	[tilespmem:s4], [sflag:$0x2] =	stream.linear.gather [hbm4b:s14+s4], $0x80, $0x38;
	[tilespmem:$0x1D200] =	vst v63  }
0x298: {  	_ =	swait.ge [sflag:s23], $0x80  }
0x299: {  	[sflag:s23] =	ssyncset.done $0x0  }
0x29a: {  	s15 =	sadd.s32 $0x0, s20;
	[sflag:s23] =	ssyncadd.s32 $0xFFFFFF80  }
0x29b: {  	[tilespmem:s6], [sflag:$0x2] =	stream.linear.gather [hbm4b:s15+s4], $0x80, $0x38;
	[tilespmem:$0x1D200] =	vst v63  }
0x29c: {  	_ =	swait.ge [sflag:s23], $0x80  }
0x29d: {  	[sflag:s23] =	ssyncset.done $0x0  }
0x29e: {  	[sflag:s23] =	ssyncadd.s32 $0xFFFFFF80  }
0x29f: {  	[tilespmem:s7], [sflag:$0x1] =	stream.indirect.gather [hbm4b:s1+s6], $0x80, s4, s6, $0xb8;
	[tilespmem:$0x1D200] =	vst v63  }
0x2a0: {  	v3 =	vld [tilespmem:$0xF0]  }
0x2a1: {  	v4 =	vld [tilespmem:$0xE0]  }
0x2a2: {  	v5 =	vld [tilespmem:$0xB0]  }
0x2a3: {  	v6 =	vld [tilespmem:$0xA0]  }
0x2a4: {  	v7 =	vld [tilespmem:$0x90]  }
0x2a5: {  	v8 =	vld [tilespmem:$0xC0];
	v3 =	vsub.s32 v3, v1  }
0x2a6: {  	v9 =	vld [tilespmem:$0x80];
	v4 =	vsub.s32 v4, v1;
	v3 =	vmin.u32 v3, $0x3100  }
0x2a7: {  	v10 =	vld [tilespmem:$0xD0];
	v5 =	vsub.s32 v5, v1;
	v4 =	vmin.u32 v4, $0x3100;
	[tilespmem:$0x170] =	vst v3  }
0x2a8: {  	v5 =	vmin.u32 v5, $0x3100;
	v3 =	vsub.s32 v6, v1;
	[tilespmem:$0x160] =	vst v4  }
0x2a9: {  	v4 =	vsub.s32 v7, v1;
	[tilespmem:$0x130] =	vst v5;
	v3 =	vmin.u32 v3, $0x3100  }
0x2aa: {  	v4 =	vmin.u32 v4, $0x3100;
	[tilespmem:$0x120] =	vst v3;
	v3 =	vsub.s32 v8, v1  }
0x2ab: {  	v5 =	vsub.s32 v9, v1;
	[tilespmem:$0x110] =	vst v4;
	v3 =	vmin.u32 v3, $0x3100  }
0x2ac: {  	v4 =	vmin.u32 v5, $0x3100;
	[tilespmem:$0x140] =	vst v3;
	v3 =	vsub.s32 v10, v1  }
0x2ad: {  	s13 =	simm.s32 $0x10;
	[tilespmem:$0x100] =	vst v4;
	v3 =	vmin.u32 v3, $0x3100  }
.LBB2_4:
0x2ae: {  	p0 =	sne.s32 s13, $0x1860;
	[tilespmem:$0x150] =	vst v3;
	s14 =	smov.u32 s13;
	s13 =	sadd.s32 $0x10, s13  }
0x2af: {  	_ =	swait.ge [sflag:s8], $0x4000  }
0x2b0: {  	[sflag:s8] =	ssyncset.done $0x0  }
0x2b1: {  	[sflag:s8] =	ssyncadd.s32 $0xFFFFC000  }
0x2b2: {  	[spmem:s3] =	stream.indirect.scatter.add.f32 [tilespmem:s7], [sflag:$0x2], $0x80, s9, s6, $0xb8;
	[tilespmem:$0x1D200] =	vst v63  }
0x2b3: {  	_ =	swait.ge [sflag:s23], $0x4000  }
0x2b4: {  	[sflag:s23] =	ssyncset.done $0x0  }
0x2b5: {  	s15 =	sadd.s32 s14, s21;
	[sflag:s23] =	ssyncadd.s32 $0xFFFFC000  }
0x2b6: {  	[tilespmem:s4], [sflag:$0x2] =	stream.linear.gather [hbm4b:s15+s4], $0x80, $0x38;
	[tilespmem:$0x1D200] =	vst v63  }
0x2b7: {  	_ =	swait.ge [sflag:s23], $0x80  }
0x2b8: {  	[sflag:s23] =	ssyncset.done $0x0  }
0x2b9: {  	s14 =	sadd.s32 s14, s20;
	[sflag:s23] =	ssyncadd.s32 $0xFFFFFF80  }
0x2ba: {  	[tilespmem:s6], [sflag:$0x2] =	stream.linear.gather [hbm4b:s14+s4], $0x80, $0x38;
	[tilespmem:$0x1D200] =	vst v63  }
0x2bb: {  	_ =	swait.ge [sflag:s23], $0x80  }
0x2bc: {  	[sflag:s23] =	ssyncset.done $0x0  }
0x2bd: {  	[sflag:s23] =	ssyncadd.s32 $0xFFFFFF80  }
0x2be: {  	[tilespmem:s7], [sflag:$0x1] =	stream.indirect.gather [hbm4b:s1+s6], $0x80, s4, s6, $0xb8;
	[tilespmem:$0x1D200] =	vst v63  }
0x2bf: {  	v3 =	vld [tilespmem:$0xF0]  }
0x2c0: {  	v4 =	vld [tilespmem:$0xE0]  }
0x2c1: {  	v5 =	vld [tilespmem:$0xB0]  }
0x2c2: {  	v6 =	vld [tilespmem:$0xA0]  }
0x2c3: {  	v7 =	vld [tilespmem:$0x90]  }
0x2c4: {  	v8 =	vld [tilespmem:$0xC0];
	v3 =	vsub.s32 v3, v1  }
0x2c5: {  	v9 =	vld [tilespmem:$0x80];
	v4 =	vsub.s32 v4, v1;
	v3 =	vmin.u32 v3, $0x3100  }
0x2c6: {  	v5 =	vsub.s32 v5, v1;
	v10 =	vld [tilespmem:$0xD0];
	v4 =	vmin.u32 v4, $0x3100;
	[tilespmem:$0x170] =	vst v3  }
0x2c7: {  	v3 =	vsub.s32 v6, v1;
	v5 =	vmin.u32 v5, $0x3100;
	[tilespmem:$0x160] =	vst v4  }
.Ltmp1:
0x2c8: {  	v4 =	vsub.s32 v7, v1;
	v3 =	vmin.u32 v3, $0x3100;
	[tilespmem:$0x130] =	vst v5;
	(pc) =	sbr.rel @p0 .LBB2_4-.Ltmp1, $4  }
0x2c9: {  	v4 =	vmin.u32 v4, $0x3100;
	[tilespmem:$0x120] =	vst v3;
	v3 =	vsub.s32 v8, v1  }
0x2ca: {  	v5 =	vsub.s32 v9, v1;
	[tilespmem:$0x110] =	vst v4;
	v3 =	vmin.u32 v3, $0x3100  }
0x2cb: {  	v4 =	vmin.u32 v5, $0x3100;
	[tilespmem:$0x140] =	vst v3;
	v3 =	vsub.s32 v10, v1  }
0x2cc: {  	[tilespmem:$0x100] =	vst v4;
	v3 =	vmin.u32 v3, $0x3100  }
0x2cd: {  	[tilespmem:$0x150] =	vst v3  }
0x2ce: {  	_ =	swait.ge [sflag:s8], $0x4000  }
0x2cf: {  	[sflag:s8] =	ssyncset.done $0x0  }
0x2d0: {  	[sflag:s8] =	ssyncadd.s32 $0xFFFFC000  }
0x2d1: {  	[spmem:s3] =	stream.indirect.scatter.add.f32 [tilespmem:s7], [sflag:$0x2], $0x80, s9, s6, $0xb8;
	[tilespmem:$0x1D200] =	vst v63  }
0x2d2: {  	_ =	swait.ge [sflag:s23], $0x4000  }
0x2d3: {  	[sflag:s23] =	ssyncset.done $0x0  }
0x2d4: {  	[sflag:s23] =	ssyncadd.s32 $0xFFFFC000  }
0x2d5: {  	[bflag:$0x0] =	sbarrier.arrive $0xFFFF  }
0x2d6: {  	s13 =	rddreg [dreg:$0x10]  }
0x2d7: {  	[hbm:s13], [sflag:s11] =	dma.local [spmem:s12], $0x3100  }
0x2d8: {  	_ =	swait.ge [sflag:s23], $0x3100  }
0x2d9: {  	s10 =	sadd.s32 $0x1, s10;
	s15 =	rddreg [dreg:$0x13]  }
0x2da: {  	p0 =	sne.s32 s10, s15  }
.Ltmp2:
0x2db: {  	_ = 	snop;
	(pc) =	sbr.rel @p0 .LBB2_1-.Ltmp2, $4  }
0x2dc: {  	[sflag:s23] =	ssyncset.done $0x0  }
0x2dd: {  	[sflag:s23] =	ssyncadd.s32 $0xFFFFCF00  }
0x2de: {  	[bflag:$0x0] =	sbarrier.arrive $0xFFFF  }
0x2df: {  	s14 =	smov.u32 s16;
	s15 =	smov.u32 s19  }
0x2e0: {  	_ =	sfence.sel $0x180000  }
0x2e1: {  	[bflag:$0x0] =	sbarrier.arrive $0xFFFF  }
0x2e2: {  	_ =	strace $0x90000047  }
0x2e3: {  	s0 =	stileid.u32;
	[bflag:$0x2] =	sbarrier.arrive $0xFFFF  }
0x2e4: {  	p0 =	sne.s32 s0, $0x0;
	s0 =	rddreg [dreg:$0x5]  }
0x2e5: {  	s0 =	sadd.s32 @!p0 $0x100000, s0  }
0x2e6: {  	[sflag:s0] =	ssyncadd.tile.s32 @!p0 $0x1;
	_ =	shalt  }
.Lfunc_end2:
_tile_overlayer_lowered:
.L_overlay_start_2:
0x2e7: {  	(tag) =	ssettag $0x2  }
0x2e8: {  	s0 =	rddreg [dreg:$0x0];
	s2 =	stileid.u32  }
0x2e9: {  	s1 =	rddreg [dreg:$0x1];
	p0 =	sne.s32 s2, $0x0  }
0x2ea: {  	s3 =	rddreg [dreg:$0x2];
	[bflag:$0x3] =	sbarrier.arrive $0xFFFF;
	s2 =	simm.s32 @!p0 $0x1C02  }
0x2eb: {  	[timem:s3], [sflag:s2] =	dma.local @!p0 [hbm:s0], s1  }
0x2ec: {  	s0 =	simm.s32 @!p0 $0x2  }
0x2ed: {  	_ =	swait.ge @!p0 [sflag:s0], s1  }
0x2ee: {  	s1 =	ssub.s32 @!p0 $0x0, s1;
	[sflag:s0] =	ssyncset.done @!p0 $0x0  }
0x2ef: {  	[sflag:s0] =	ssyncadd.s32 @!p0 s1  }
0x2f0: {  	[bflag:$0x3] =	sbarrier.arrive $0xFFFF  }
0x2f1: {  	_ =	shalt  }

</sc_bundles>
